<compile_context>
chip_gen: v7x
topology: tpu7x:2x2x1
jax: 0.10.2.dev20260603
libtpu: 0.0.44.dev20260713+nightly
codegen_flags: <defaults>
</compile_context>

<pallas_src>
import functools

import jax
import jax.numpy as jnp
from jax import lax
from jax.experimental import pallas as pl
from jax.experimental.pallas import tpu as pltpu
from jax.experimental.pallas import tpu_sc as plsc

D_MODEL = 128
NUM_ACTIONS = 10
GRID_SIZE = 64
COMBINED_ROWS = NUM_ACTIONS * GRID_SIZE * GRID_SIZE

NUM_CORES = 2
NUM_SUBCORES = 16
LANES = 16
NW = NUM_CORES * NUM_SUBCORES

GATHER_ROWS = 80
GPC = 8
SCHUNK = GATHER_ROWS * GPC

DEPTH = 3
NBUF = GPC
OUT_DEPTH = NBUF - DEPTH


def _combine_tables(action_table, x_table, y_table):

    def body(a_ref, x_ref, y_ref, o_ref):
        xr = x_ref[...]
        yr = y_ref[...]
        ar = a_ref[pl.ds(pl.program_id(0), 1), :]
        o_ref[...] = xr[:, None, :] + yr[None, :, :] + ar[0][None, None, :]

    return pl.pallas_call(
        body,
        grid=(NUM_ACTIONS,),
        in_specs=[
            pl.BlockSpec((NUM_ACTIONS, D_MODEL), lambda a: (0, 0)),
            pl.BlockSpec((GRID_SIZE, D_MODEL), lambda a: (0, 0)),
            pl.BlockSpec((GRID_SIZE, D_MODEL), lambda a: (0, 0)),
        ],
        out_specs=pl.BlockSpec(
            (GRID_SIZE, GRID_SIZE, D_MODEL), lambda a: (a, 0, 0)
        ),
        out_shape=jax.ShapeDtypeStruct(
            (NUM_ACTIONS * GRID_SIZE, GRID_SIZE, D_MODEL), jnp.float32
        ),
    )(action_table, x_table, y_table)


def _sc_lookup(n_tokens: int):
    assert n_tokens % (NW * SCHUNK) == 0
    per_w = n_tokens // NW
    n_schunks = per_w // SCHUNK
    mesh = plsc.VectorSubcoreMesh(
        core_axis_name="c", subcore_axis_name="s",
        num_cores=NUM_CORES, num_subcores=NUM_SUBCORES,
    )

    @functools.partial(
        pl.kernel,
        out_type=jax.ShapeDtypeStruct((n_tokens, D_MODEL), jnp.float32),
        mesh=mesh,
        scratch_types=[
            pltpu.VMEM((2, SCHUNK), jnp.int32),
            pltpu.VMEM((2, SCHUNK), jnp.int32),
            pltpu.VMEM((2, SCHUNK), jnp.int32),
            pltpu.VMEM((2, GPC, GATHER_ROWS), jnp.int32),
            pltpu.VMEM((NBUF, GATHER_ROWS, D_MODEL), jnp.float32),
            pltpu.SemaphoreType.DMA((NBUF,)),
            pltpu.SemaphoreType.DMA((NBUF,)),
            pltpu.SemaphoreType.DMA,
        ],
    )
    def kern(a_hbm, x_hbm, y_hbm, axy_hbm, out_hbm,
             a_v, x_v, y_v, cidx_v, rows_v, sem_g, sem_o, sem_i):
        wid = lax.axis_index("s") * NUM_CORES + lax.axis_index("c")
        wbase = wid * per_w

        def start_idx(slot, base):
            sl = pl.ds(base, SCHUNK)
            pltpu.async_copy(a_hbm.at[sl], a_v.at[slot], sem_i)
            pltpu.async_copy(x_hbm.at[sl], x_v.at[slot], sem_i)
            pltpu.async_copy(y_hbm.at[sl], y_v.at[slot], sem_i)

        def drain_idx(slot):
            dummy = pl.ds(0, SCHUNK)
            pltpu.make_async_copy(a_hbm.at[dummy], a_v.at[slot], sem_i).wait()
            pltpu.make_async_copy(x_hbm.at[dummy], x_v.at[slot], sem_i).wait()
            pltpu.make_async_copy(y_hbm.at[dummy], y_v.at[slot], sem_i).wait()

        def compute_cidx(slot):
            gpr = GATHER_ROWS // LANES
            for k in range(SCHUNK // LANES):
                g = pl.ds(k * LANES, LANES)
                av = jnp.clip(a_v[slot, g], 0, NUM_ACTIONS - 1)
                xv = jnp.clip(x_v[slot, g], 0, GRID_SIZE - 1)
                yv = jnp.clip(y_v[slot, g], 0, GRID_SIZE - 1)
                cidx_v[slot, k // gpr, pl.ds((k % gpr) * LANES, LANES)] = (
                    av * (GRID_SIZE * GRID_SIZE) + xv * GRID_SIZE + yv
                )

        def start_gather(slot, row, buf):
            pltpu.async_copy(
                axy_hbm.at[cidx_v.at[slot, row]], rows_v.at[buf],
                sem_g.at[buf],
            )

        def drain_gather(buf):
            pltpu.make_async_copy(
                axy_hbm.at[pl.ds(0, GATHER_ROWS)], rows_v.at[buf],
                sem_g.at[buf],
            ).wait()

        def start_out(buf, base):
            pltpu.async_copy(
                rows_v.at[buf], out_hbm.at[pl.ds(base, GATHER_ROWS)],
                sem_o.at[buf],
            )

        def drain_out(buf):
            pltpu.make_async_copy(
                rows_v.at[buf], out_hbm.at[pl.ds(wbase, GATHER_ROWS)],
                sem_o.at[buf],
            ).wait()

        start_idx(0, wbase)
        drain_idx(0)
        compute_cidx(0)
        start_idx(1, wbase + SCHUNK)
        for j0 in range(DEPTH):
            start_gather(0, j0, j0)

        def schunk_body(s, carry):
            p = lax.rem(s, 2)
            q = lax.rem(s + 1, 2)
            base = wbase + s * SCHUNK

            @pl.when(s + 1 < n_schunks)
            def _():
                drain_idx(q)
                compute_cidx(q)

                @pl.when(s + 2 < n_schunks)
                def _():
                    start_idx(p, base + 2 * SCHUNK)

            for j in range(GPC):
                buf = j % NBUF
                if j >= OUT_DEPTH:
                    drain_out((j - OUT_DEPTH) % NBUF)
                else:
                    @pl.when(s > 0)
                    def _():
                        drain_out((j - OUT_DEPTH) % NBUF)
                drain_gather(buf)
                if j < GPC - DEPTH:
                    start_gather(p, j + DEPTH, (j + DEPTH) % NBUF)
                else:
                    @pl.when(s + 1 < n_schunks)
                    def _():
                        start_gather(q, (j + DEPTH) % GPC, (j + DEPTH) % NBUF)
                start_out(buf, base + j * GATHER_ROWS)
            return carry

        lax.fori_loop(0, n_schunks, schunk_body, 0)
        for j0 in range(OUT_DEPTH):
            drain_out((GPC - OUT_DEPTH + j0) % NBUF)

    return kern


def kernel(action_type, x, y, action_table, x_table, y_table):
    b, l = action_type.shape
    n = b * l
    a_flat = action_type.reshape(n).astype(jnp.int32)
    x_flat = x.reshape(n).astype(jnp.int32)
    y_flat = y.reshape(n).astype(jnp.int32)
    axy = _combine_tables(action_table, x_table, y_table).reshape(
        COMBINED_ROWS, D_MODEL
    )
    out = _sc_lookup(n)(a_flat, x_flat, y_flat, axy)
    return out.reshape(b, l, D_MODEL)

# --- scband reference (transcript-rebuilt; emitter-appended) ---
"""Pipeline reference for scband-action-embedding-73933567034202 (READ-ONLY COPY).

The authoritative reference and input builder live on the scoring server;
editing this copy changes nothing except your own understanding.
"""

import jax, jax.numpy as jnp
import numpy as np

D_MODEL = 128
NUM_ACTIONS = 10
GRID_SIZE = 64
B, L = 4096, 200


def setup_inputs(seed: int = 0) -> dict:
    key = jax.random.key(seed)
    k1, k2, k3, k4, k5, k6 = jax.random.split(key, 6)
    action_type = jax.random.randint(k1, (B, L), 0, NUM_ACTIONS, dtype=jnp.int64 if jax.config.jax_enable_x64 else jnp.int32)
    x = jax.random.randint(k2, (B, L), 0, GRID_SIZE, dtype=jnp.int32)
    y = jax.random.randint(k3, (B, L), 0, GRID_SIZE, dtype=jnp.int32)
    action_table = jax.random.normal(k4, (NUM_ACTIONS, D_MODEL), dtype=jnp.float32)
    x_table = jax.random.normal(k5, (GRID_SIZE, D_MODEL), dtype=jnp.float32)
    y_table = jax.random.normal(k6, (GRID_SIZE, D_MODEL), dtype=jnp.float32)
    return {"action_type": action_type, "x": x, "y": y,
            "action_table": action_table, "x_table": x_table, "y_table": y_table}


def reference(action_type, x, y, action_table, x_table, y_table):
    action_type = jnp.clip(action_type, 0, NUM_ACTIONS - 1)
    x = jnp.clip(x, 0, GRID_SIZE - 1)
    y = jnp.clip(y, 0, GRID_SIZE - 1)
    a_emb = jnp.take(action_table, action_type, axis=0)
    x_emb = jnp.take(x_table, x, axis=0)
    y_emb = jnp.take(y_table, y, axis=0)
    return a_emb + x_emb + y_emb

if __name__ == "__main__":
    import jax
    _d = setup_inputs()
    print(jax.jit(kernel)(*tuple(_d.values())))

</pallas_src>

<mosaic_0001>
#map = affine_map<(d0, d1) -> (0)>
#map1 = affine_map<(d0, d1) -> (0, 0)>
module attributes {stable_mosaic.version = 14 : i64} {
  func.func @kern(%arg0: i32, %arg1: i32, %arg2: memref<819200xi32, #tpu.memory_space<hbm>>, %arg3: memref<819200xi32, #tpu.memory_space<hbm>>, %arg4: memref<819200xi32, #tpu.memory_space<hbm>>, %arg5: memref<40960x128xf32, #tpu.memory_space<hbm>>, %arg6: memref<819200x128xf32, #tpu.memory_space<hbm>>, %arg7: memref<2x640xi32, #tpu.memory_space<vmem>>, %arg8: memref<2x640xi32, #tpu.memory_space<vmem>>, %arg9: memref<2x640xi32, #tpu.memory_space<vmem>>, %arg10: memref<2x8x80xi32, #tpu.memory_space<vmem>>, %arg11: memref<8x80x128xf32, #tpu.memory_space<vmem>>, %arg12: memref<8x!tpu.dma_semaphore, #tpu.memory_space<semaphore_mem>>, %arg13: memref<8x!tpu.dma_semaphore, #tpu.memory_space<semaphore_mem>>, %arg14: memref<!tpu.dma_semaphore, #tpu.memory_space<semaphore_mem>>) attributes {dimension_semantics = [#tpu.dimension_semantics<core_parallel>, #tpu.dimension_semantics<subcore_parallel>], iteration_bounds = array<i64: 2, 16>, scalar_prefetch = 0 : i64, scratch_operands = 8 : i64, tpu.core_type = #tpu.core_type<sc_vector_subcore>, window_params = [{transform_indices = #map}, {transform_indices = #map}, {transform_indices = #map}, {transform_indices = #map1}, {transform_indices = #map1}]} {
    %mul3A = arith.constant 2 : i32
    %mul3A_0 = arith.muli %arg1, %mul3A : i32
    %add3A = arith.addi %mul3A_0, %arg0 : i32
    %mul3A_1 = arith.constant 25600 : i32
    %mul3A_2 = arith.muli %add3A, %mul3A_1 : i32
    %dma_start3A = arith.constant 0 : i32
    %dma_start3A_3 = arith.constant 0 : i32
    %dma_start3A_4 = tpu.memref_slice %arg7[%dma_start3A, %dma_start3A_3] : memref<2x640xi32, #tpu.memory_space<vmem>> -> memref<1x640xi32, #tpu.memory_space<vmem>>
    %dma_start3A_5 = tpu.memref_squeeze %dma_start3A_4 : memref<1x640xi32, #tpu.memory_space<vmem>> -> memref<640xi32, #tpu.memory_space<vmem>>
    %dma_start3A_6 = tpu.memref_slice %arg2[%mul3A_2] : memref<819200xi32, #tpu.memory_space<hbm>> -> memref<640xi32, #tpu.memory_space<hbm>>
    %dma_start3A_7 = arith.constant 0 : i32
    %dma_start3A_8 = tpu.memref_slice %arg7[%dma_start3A, %dma_start3A_7] : memref<2x640xi32, #tpu.memory_space<vmem>> -> memref<1x640xi32, #tpu.memory_space<vmem>>
    %dma_start3A_9 = tpu.memref_squeeze %dma_start3A_8 : memref<1x640xi32, #tpu.memory_space<vmem>> -> memref<640xi32, #tpu.memory_space<vmem>>
    %dma_start3A_10 = tpu.memref_slice %arg2[%mul3A_2] : memref<819200xi32, #tpu.memory_space<hbm>> -> memref<640xi32, #tpu.memory_space<hbm>>
    tpu.enqueue_dma source(%dma_start3A_10 : memref<640xi32, #tpu.memory_space<hbm>>) target(%dma_start3A_9 : memref<640xi32, #tpu.memory_space<vmem>>) target_semaphore(%arg14 : memref<!tpu.dma_semaphore, #tpu.memory_space<semaphore_mem>>)
    %dma_start3A_11 = arith.constant 0 : i32
    %dma_start3A_12 = arith.constant 0 : i32
    %dma_start3A_13 = tpu.memref_slice %arg8[%dma_start3A_11, %dma_start3A_12] : memref<2x640xi32, #tpu.memory_space<vmem>> -> memref<1x640xi32, #tpu.memory_space<vmem>>
    %dma_start3A_14 = tpu.memref_squeeze %dma_start3A_13 : memref<1x640xi32, #tpu.memory_space<vmem>> -> memref<640xi32, #tpu.memory_space<vmem>>
    %dma_start3A_15 = tpu.memref_slice %arg3[%mul3A_2] : memref<819200xi32, #tpu.memory_space<hbm>> -> memref<640xi32, #tpu.memory_space<hbm>>
    %dma_start3A_16 = arith.constant 0 : i32
    %dma_start3A_17 = tpu.memref_slice %arg8[%dma_start3A_11, %dma_start3A_16] : memref<2x640xi32, #tpu.memory_space<vmem>> -> memref<1x640xi32, #tpu.memory_space<vmem>>
    %dma_start3A_18 = tpu.memref_squeeze %dma_start3A_17 : memref<1x640xi32, #tpu.memory_space<vmem>> -> memref<640xi32, #tpu.memory_space<vmem>>
    %dma_start3A_19 = tpu.memref_slice %arg3[%mul3A_2] : memref<819200xi32, #tpu.memory_space<hbm>> -> memref<640xi32, #tpu.memory_space<hbm>>
    tpu.enqueue_dma source(%dma_start3A_19 : memref<640xi32, #tpu.memory_space<hbm>>) target(%dma_start3A_18 : memref<640xi32, #tpu.memory_space<vmem>>) target_semaphore(%arg14 : memref<!tpu.dma_semaphore, #tpu.memory_space<semaphore_mem>>)
    %dma_start3A_20 = arith.constant 0 : i32
    %dma_start3A_21 = arith.constant 0 : i32
    %dma_start3A_22 = tpu.memref_slice %arg9[%dma_start3A_20, %dma_start3A_21] : memref<2x640xi32, #tpu.memory_space<vmem>> -> memref<1x640xi32, #tpu.memory_space<vmem>>
    %dma_start3A_23 = tpu.memref_squeeze %dma_start3A_22 : memref<1x640xi32, #tpu.memory_space<vmem>> -> memref<640xi32, #tpu.memory_space<vmem>>
    %dma_start3A_24 = tpu.memref_slice %arg4[%mul3A_2] : memref<819200xi32, #tpu.memory_space<hbm>> -> memref<640xi32, #tpu.memory_space<hbm>>
    %dma_start3A_25 = arith.constant 0 : i32
    %dma_start3A_26 = tpu.memref_slice %arg9[%dma_start3A_20, %dma_start3A_25] : memref<2x640xi32, #tpu.memory_space<vmem>> -> memref<1x640xi32, #tpu.memory_space<vmem>>
    %dma_start3A_27 = tpu.memref_squeeze %dma_start3A_26 : memref<1x640xi32, #tpu.memory_space<vmem>> -> memref<640xi32, #tpu.memory_space<vmem>>
    %dma_start3A_28 = tpu.memref_slice %arg4[%mul3A_2] : memref<819200xi32, #tpu.memory_space<hbm>> -> memref<640xi32, #tpu.memory_space<hbm>>
    tpu.enqueue_dma source(%dma_start3A_28 : memref<640xi32, #tpu.memory_space<hbm>>) target(%dma_start3A_27 : memref<640xi32, #tpu.memory_space<vmem>>) target_semaphore(%arg14 : memref<!tpu.dma_semaphore, #tpu.memory_space<semaphore_mem>>)
    %dma_wait3A = arith.constant 0 : i32
    %dma_wait3A_29 = arith.constant 0 : i32
    %dma_wait3A_30 = tpu.memref_slice %arg7[%dma_wait3A, %dma_wait3A_29] : memref<2x640xi32, #tpu.memory_space<vmem>> -> memref<1x640xi32, #tpu.memory_space<vmem>>
    %dma_wait3A_31 = tpu.memref_squeeze %dma_wait3A_30 : memref<1x640xi32, #tpu.memory_space<vmem>> -> memref<640xi32, #tpu.memory_space<vmem>>
    %dma_wait3A_32 = arith.constant 0 : i32
    %dma_wait3A_33 = tpu.memref_slice %arg2[%dma_wait3A_32] : memref<819200xi32, #tpu.memory_space<hbm>> -> memref<640xi32, #tpu.memory_space<hbm>>
    %dma_wait3A_34 = arith.constant 0 : i32
    %dma_wait3A_35 = tpu.memref_slice %arg7[%dma_wait3A, %dma_wait3A_34] : memref<2x640xi32, #tpu.memory_space<vmem>> -> memref<1x640xi32, #tpu.memory_space<vmem>>
    %dma_wait3A_36 = tpu.memref_squeeze %dma_wait3A_35 : memref<1x640xi32, #tpu.memory_space<vmem>> -> memref<640xi32, #tpu.memory_space<vmem>>
    %dma_wait3A_37 = arith.constant 0 : i32
    %dma_wait3A_38 = tpu.memref_slice %arg2[%dma_wait3A_37] : memref<819200xi32, #tpu.memory_space<hbm>> -> memref<640xi32, #tpu.memory_space<hbm>>
    tpu.wait_dma2 semaphore(%arg14 : memref<!tpu.dma_semaphore, #tpu.memory_space<semaphore_mem>>) src(%dma_wait3A_38 : memref<640xi32, #tpu.memory_space<hbm>>) dst(%dma_wait3A_36 : memref<640xi32, #tpu.memory_space<vmem>>)
    %dma_wait3A_39 = arith.constant 0 : i32
    %dma_wait3A_40 = arith.constant 0 : i32
    %dma_wait3A_41 = tpu.memref_slice %arg8[%dma_wait3A_39, %dma_wait3A_40] : memref<2x640xi32, #tpu.memory_space<vmem>> -> memref<1x640xi32, #tpu.memory_space<vmem>>
    %dma_wait3A_42 = tpu.memref_squeeze %dma_wait3A_41 : memref<1x640xi32, #tpu.memory_space<vmem>> -> memref<640xi32, #tpu.memory_space<vmem>>
    %dma_wait3A_43 = arith.constant 0 : i32
    %dma_wait3A_44 = tpu.memref_slice %arg3[%dma_wait3A_43] : memref<819200xi32, #tpu.memory_space<hbm>> -> memref<640xi32, #tpu.memory_space<hbm>>
    %dma_wait3A_45 = arith.constant 0 : i32
    %dma_wait3A_46 = tpu.memref_slice %arg8[%dma_wait3A_39, %dma_wait3A_45] : memref<2x640xi32, #tpu.memory_space<vmem>> -> memref<1x640xi32, #tpu.memory_space<vmem>>
    %dma_wait3A_47 = tpu.memref_squeeze %dma_wait3A_46 : memref<1x640xi32, #tpu.memory_space<vmem>> -> memref<640xi32, #tpu.memory_space<vmem>>
    %dma_wait3A_48 = arith.constant 0 : i32
    %dma_wait3A_49 = tpu.memref_slice %arg3[%dma_wait3A_48] : memref<819200xi32, #tpu.memory_space<hbm>> -> memref<640xi32, #tpu.memory_space<hbm>>
    tpu.wait_dma2 semaphore(%arg14 : memref<!tpu.dma_semaphore, #tpu.memory_space<semaphore_mem>>) src(%dma_wait3A_49 : memref<640xi32, #tpu.memory_space<hbm>>) dst(%dma_wait3A_47 : memref<640xi32, #tpu.memory_space<vmem>>)
    %dma_wait3A_50 = arith.constant 0 : i32
    %dma_wait3A_51 = arith.constant 0 : i32
    %dma_wait3A_52 = tpu.memref_slice %arg9[%dma_wait3A_50, %dma_wait3A_51] : memref<2x640xi32, #tpu.memory_space<vmem>> -> memref<1x640xi32, #tpu.memory_space<vmem>>
    %dma_wait3A_53 = tpu.memref_squeeze %dma_wait3A_52 : memref<1x640xi32, #tpu.memory_space<vmem>> -> memref<640xi32, #tpu.memory_space<vmem>>
    %dma_wait3A_54 = arith.constant 0 : i32
    %dma_wait3A_55 = tpu.memref_slice %arg4[%dma_wait3A_54] : memref<819200xi32, #tpu.memory_space<hbm>> -> memref<640xi32, #tpu.memory_space<hbm>>
    %dma_wait3A_56 = arith.constant 0 : i32
    %dma_wait3A_57 = tpu.memref_slice %arg9[%dma_wait3A_50, %dma_wait3A_56] : memref<2x640xi32, #tpu.memory_space<vmem>> -> memref<1x640xi32, #tpu.memory_space<vmem>>
    %dma_wait3A_58 = tpu.memref_squeeze %dma_wait3A_57 : memref<1x640xi32, #tpu.memory_space<vmem>> -> memref<640xi32, #tpu.memory_space<vmem>>
    %dma_wait3A_59 = arith.constant 0 : i32
    %dma_wait3A_60 = tpu.memref_slice %arg4[%dma_wait3A_59] : memref<819200xi32, #tpu.memory_space<hbm>> -> memref<640xi32, #tpu.memory_space<hbm>>
    tpu.wait_dma2 semaphore(%arg14 : memref<!tpu.dma_semaphore, #tpu.memory_space<semaphore_mem>>) src(%dma_wait3A_60 : memref<640xi32, #tpu.memory_space<hbm>>) dst(%dma_wait3A_58 : memref<640xi32, #tpu.memory_space<vmem>>)
    %get3A = arith.constant 0 : i32
    %get3A_61 = arith.index_cast %get3A : i32 to index
    %get3A_62 = arith.constant 0 : index
    %get3A_63 = tpu.vector_load %arg7[%get3A_61, %get3A_62] {strides = array<i32>} : memref<2x640xi32, #tpu.memory_space<vmem>>, vector<1x16xi32>,
    %get3A_64 = vector.shape_cast %get3A_63 : vector<1x16xi32> to vector<16xi32>
    %jit3A = arith.constant 0 : i32
    %jit3A_65 = arith.constant 9 : i32
    %max3A = vector.broadcast %jit3A : i32 to vector<16xi32>
    %max3A_66 = arith.maxsi %max3A, %get3A_64 : vector<16xi32>
    %min3A = vector.broadcast %jit3A_65 : i32 to vector<16xi32>
    %min3A_67 = arith.minsi %min3A, %max3A_66 : vector<16xi32>
    %get3A_68 = arith.constant 0 : i32
    %get3A_69 = arith.index_cast %get3A_68 : i32 to index
    %get3A_70 = arith.constant 0 : index
    %get3A_71 = tpu.vector_load %arg8[%get3A_69, %get3A_70] {strides = array<i32>} : memref<2x640xi32, #tpu.memory_space<vmem>>, vector<1x16xi32>,
    %get3A_72 = vector.shape_cast %get3A_71 : vector<1x16xi32> to vector<16xi32>
    %jit3A_73 = arith.constant 0 : i32
    %jit3A_74 = arith.constant 63 : i32
    %max3A_75 = vector.broadcast %jit3A_73 : i32 to vector<16xi32>
    %max3A_76 = arith.maxsi %max3A_75, %get3A_72 : vector<16xi32>
    %min3A_77 = vector.broadcast %jit3A_74 : i32 to vector<16xi32>
    %min3A_78 = arith.minsi %min3A_77, %max3A_76 : vector<16xi32>
    %get3A_79 = arith.constant 0 : i32
    %get3A_80 = arith.index_cast %get3A_79 : i32 to index
    %get3A_81 = arith.constant 0 : index
    %get3A_82 = tpu.vector_load %arg9[%get3A_80, %get3A_81] {strides = array<i32>} : memref<2x640xi32, #tpu.memory_space<vmem>>, vector<1x16xi32>,
    %get3A_83 = vector.shape_cast %get3A_82 : vector<1x16xi32> to vector<16xi32>
    %jit3A_84 = arith.constant 0 : i32
    %jit3A_85 = arith.constant 63 : i32
    %max3A_86 = vector.broadcast %jit3A_84 : i32 to vector<16xi32>
    %max3A_87 = arith.maxsi %max3A_86, %get3A_83 : vector<16xi32>
    %min3A_88 = vector.broadcast %jit3A_85 : i32 to vector<16xi32>
    %min3A_89 = arith.minsi %min3A_88, %max3A_87 : vector<16xi32>
    %mul3A_90 = arith.constant 4096 : i32
    %mul3A_91 = vector.broadcast %mul3A_90 : i32 to vector<16xi32>
    %mul3A_92 = arith.muli %min3A_67, %mul3A_91 : vector<16xi32>
    %mul3A_93 = arith.constant 64 : i32
    %mul3A_94 = vector.broadcast %mul3A_93 : i32 to vector<16xi32>
    %mul3A_95 = arith.muli %min3A_78, %mul3A_94 : vector<16xi32>
    %add3A_96 = arith.addi %mul3A_92, %mul3A_95 : vector<16xi32>
    %add3A_97 = arith.addi %add3A_96, %min3A_89 : vector<16xi32>
    %swap3A = arith.constant 0 : i32
    %swap3A_98 = arith.constant 0 : i32
    %swap3A_99 = arith.index_cast %swap3A : i32 to index
    %swap3A_100 = arith.index_cast %swap3A_98 : i32 to index
    %swap3A_101 = arith.constant 0 : index
    %swap3A_102 = tpu.vector_load %arg10[%swap3A_99, %swap3A_100, %swap3A_101] {strides = array<i32>} : memref<2x8x80xi32, #tpu.memory_space<vmem>>, vector<1x1x16xi32>,
    %swap3A_103 = vector.shape_cast %swap3A_102 : vector<1x1x16xi32> to vector<16xi32>
    %swap3A_104 = vector.shape_cast %add3A_97 : vector<16xi32> to vector<1x1x16xi32>
    tpu.vector_store %arg10[%swap3A_99, %swap3A_100, %swap3A_101], %swap3A_104 {strides = array<i32>} : memref<2x8x80xi32, #tpu.memory_space<vmem>>, vector<1x1x16xi32>,
    %get3A_105 = arith.constant 0 : i32
    %get3A_106 = arith.index_cast %get3A_105 : i32 to index
    %get3A_107 = arith.constant 16 : index
    %get3A_108 = tpu.vector_load %arg7[%get3A_106, %get3A_107] {strides = array<i32>} : memref<2x640xi32, #tpu.memory_space<vmem>>, vector<1x16xi32>,
    %get3A_109 = vector.shape_cast %get3A_108 : vector<1x16xi32> to vector<16xi32>
    %jit3A_110 = arith.constant 0 : i32
    %jit3A_111 = arith.constant 9 : i32
    %max3A_112 = vector.broadcast %jit3A_110 : i32 to vector<16xi32>
    %max3A_113 = arith.maxsi %max3A_112, %get3A_109 : vector<16xi32>
    %min3A_114 = vector.broadcast %jit3A_111 : i32 to vector<16xi32>
    %min3A_115 = arith.minsi %min3A_114, %max3A_113 : vector<16xi32>
    %get3A_116 = arith.constant 0 : i32
    %get3A_117 = arith.index_cast %get3A_116 : i32 to index
    %get3A_118 = arith.constant 16 : index
    %get3A_119 = tpu.vector_load %arg8[%get3A_117, %get3A_118] {strides = array<i32>} : memref<2x640xi32, #tpu.memory_space<vmem>>, vector<1x16xi32>,
    %get3A_120 = vector.shape_cast %get3A_119 : vector<1x16xi32> to vector<16xi32>
    %jit3A_121 = arith.constant 0 : i32
    %jit3A_122 = arith.constant 63 : i32
    %max3A_123 = vector.broadcast %jit3A_121 : i32 to vector<16xi32>
    %max3A_124 = arith.maxsi %max3A_123, %get3A_120 : vector<16xi32>
    %min3A_125 = vector.broadcast %jit3A_122 : i32 to vector<16xi32>
    %min3A_126 = arith.minsi %min3A_125, %max3A_124 : vector<16xi32>
    %get3A_127 = arith.constant 0 : i32
    %get3A_128 = arith.index_cast %get3A_127 : i32 to index
    %get3A_129 = arith.constant 16 : index
    %get3A_130 = tpu.vector_load %arg9[%get3A_128, %get3A_129] {strides = array<i32>} : memref<2x640xi32, #tpu.memory_space<vmem>>, vector<1x16xi32>,
    %get3A_131 = vector.shape_cast %get3A_130 : vector<1x16xi32> to vector<16xi32>
    %jit3A_132 = arith.constant 0 : i32
    %jit3A_133 = arith.constant 63 : i32
    %max3A_134 = vector.broadcast %jit3A_132 : i32 to vector<16xi32>
    %max3A_135 = arith.maxsi %max3A_134, %get3A_131 : vector<16xi32>
    %min3A_136 = vector.broadcast %jit3A_133 : i32 to vector<16xi32>
    %min3A_137 = arith.minsi %min3A_136, %max3A_135 : vector<16xi32>
    %mul3A_138 = arith.constant 4096 : i32
    %mul3A_139 = vector.broadcast %mul3A_138 : i32 to vector<16xi32>
    %mul3A_140 = arith.muli %min3A_115, %mul3A_139 : vector<16xi32>
    %mul3A_141 = arith.constant 64 : i32
    %mul3A_142 = vector.broadcast %mul3A_141 : i32 to vector<16xi32>
    %mul3A_143 = arith.muli %min3A_126, %mul3A_142 : vector<16xi32>
    %add3A_144 = arith.addi %mul3A_140, %mul3A_143 : vector<16xi32>
    %add3A_145 = arith.addi %add3A_144, %min3A_137 : vector<16xi32>
    %swap3A_146 = arith.constant 0 : i32
    %swap3A_147 = arith.constant 0 : i32
    %swap3A_148 = arith.index_cast %swap3A_146 : i32 to index
    %swap3A_149 = arith.index_cast %swap3A_147 : i32 to index
    %swap3A_150 = arith.constant 16 : index
    %swap3A_151 = tpu.vector_load %arg10[%swap3A_148, %swap3A_149, %swap3A_150] {strides = array<i32>} : memref<2x8x80xi32, #tpu.memory_space<vmem>>, vector<1x1x16xi32>,
    %swap3A_152 = vector.shape_cast %swap3A_151 : vector<1x1x16xi32> to vector<16xi32>
    %swap3A_153 = vector.shape_cast %add3A_145 : vector<16xi32> to vector<1x1x16xi32>
    tpu.vector_store %arg10[%swap3A_148, %swap3A_149, %swap3A_150], %swap3A_153 {strides = array<i32>} : memref<2x8x80xi32, #tpu.memory_space<vmem>>, vector<1x1x16xi32>,
    %get3A_154 = arith.constant 0 : i32
    %get3A_155 = arith.index_cast %get3A_154 : i32 to index
    %get3A_156 = arith.constant 32 : index
    %get3A_157 = tpu.vector_load %arg7[%get3A_155, %get3A_156] {strides = array<i32>} : memref<2x640xi32, #tpu.memory_space<vmem>>, vector<1x16xi32>,
    %get3A_158 = vector.shape_cast %get3A_157 : vector<1x16xi32> to vector<16xi32>
    %jit3A_159 = arith.constant 0 : i32
    %jit3A_160 = arith.constant 9 : i32
    %max3A_161 = vector.broadcast %jit3A_159 : i32 to vector<16xi32>
    %max3A_162 = arith.maxsi %max3A_161, %get3A_158 : vector<16xi32>
    %min3A_163 = vector.broadcast %jit3A_160 : i32 to vector<16xi32>
    %min3A_164 = arith.minsi %min3A_163, %max3A_162 : vector<16xi32>
    %get3A_165 = arith.constant 0 : i32
    %get3A_166 = arith.index_cast %get3A_165 : i32 to index
    %get3A_167 = arith.constant 32 : index
    %get3A_168 = tpu.vector_load %arg8[%get3A_166, %get3A_167] {strides = array<i32>} : memref<2x640xi32, #tpu.memory_space<vmem>>, vector<1x16xi32>,
    %get3A_169 = vector.shape_cast %get3A_168 : vector<1x16xi32> to vector<16xi32>
    %jit3A_170 = arith.constant 0 : i32
    %jit3A_171 = arith.constant 63 : i32
    %max3A_172 = vector.broadcast %jit3A_170 : i32 to vector<16xi32>
    %max3A_173 = arith.maxsi %max3A_172, %get3A_169 : vector<16xi32>
    %min3A_174 = vector.broadcast %jit3A_171 : i32 to vector<16xi32>
    %min3A_175 = arith.minsi %min3A_174, %max3A_173 : vector<16xi32>
    %get3A_176 = arith.constant 0 : i32
    %get3A_177 = arith.index_cast %get3A_176 : i32 to index
    %get3A_178 = arith.constant 32 : index
    %get3A_179 = tpu.vector_load %arg9[%get3A_177, %get3A_178] {strides = array<i32>} : memref<2x640xi32, #tpu.memory_space<vmem>>, vector<1x16xi32>,
    %get3A_180 = vector.shape_cast %get3A_179 : vector<1x16xi32> to vector<16xi32>
    %jit3A_181 = arith.constant 0 : i32
    %jit3A_182 = arith.constant 63 : i32
    %max3A_183 = vector.broadcast %jit3A_181 : i32 to vector<16xi32>
    %max3A_184 = arith.maxsi %max3A_183, %get3A_180 : vector<16xi32>
    %min3A_185 = vector.broadcast %jit3A_182 : i32 to vector<16xi32>
    %min3A_186 = arith.minsi %min3A_185, %max3A_184 : vector<16xi32>
    %mul3A_187 = arith.constant 4096 : i32
    %mul3A_188 = vector.broadcast %mul3A_187 : i32 to vector<16xi32>
    %mul3A_189 = arith.muli %min3A_164, %mul3A_188 : vector<16xi32>
    %mul3A_190 = arith.constant 64 : i32
    %mul3A_191 = vector.broadcast %mul3A_190 : i32 to vector<16xi32>
    %mul3A_192 = arith.muli %min3A_175, %mul3A_191 : vector<16xi32>
    %add3A_193 = arith.addi %mul3A_189, %mul3A_192 : vector<16xi32>
    %add3A_194 = arith.addi %add3A_193, %min3A_186 : vector<16xi32>
    %swap3A_195 = arith.constant 0 : i32
    %swap3A_196 = arith.constant 0 : i32
    %swap3A_197 = arith.index_cast %swap3A_195 : i32 to index
    %swap3A_198 = arith.index_cast %swap3A_196 : i32 to index
    %swap3A_199 = arith.constant 32 : index
    %swap3A_200 = tpu.vector_load %arg10[%swap3A_197, %swap3A_198, %swap3A_199] {strides = array<i32>} : memref<2x8x80xi32, #tpu.memory_space<vmem>>, vector<1x1x16xi32>,
    %swap3A_201 = vector.shape_cast %swap3A_200 : vector<1x1x16xi32> to vector<16xi32>
    %swap3A_202 = vector.shape_cast %add3A_194 : vector<16xi32> to vector<1x1x16xi32>
    tpu.vector_store %arg10[%swap3A_197, %swap3A_198, %swap3A_199], %swap3A_202 {strides = array<i32>} : memref<2x8x80xi32, #tpu.memory_space<vmem>>, vector<1x1x16xi32>,
    %get3A_203 = arith.constant 0 : i32
    %get3A_204 = arith.index_cast %get3A_203 : i32 to index
    %get3A_205 = arith.constant 48 : index
    %get3A_206 = tpu.vector_load %arg7[%get3A_204, %get3A_205] {strides = array<i32>} : memref<2x640xi32, #tpu.memory_space<vmem>>, vector<1x16xi32>,
    %get3A_207 = vector.shape_cast %get3A_206 : vector<1x16xi32> to vector<16xi32>
    %jit3A_208 = arith.constant 0 : i32
    %jit3A_209 = arith.constant 9 : i32
    %max3A_210 = vector.broadcast %jit3A_208 : i32 to vector<16xi32>
    %max3A_211 = arith.maxsi %max3A_210, %get3A_207 : vector<16xi32>
    %min3A_212 = vector.broadcast %jit3A_209 : i32 to vector<16xi32>
    %min3A_213 = arith.minsi %min3A_212, %max3A_211 : vector<16xi32>
    %get3A_214 = arith.constant 0 : i32
    %get3A_215 = arith.index_cast %get3A_214 : i32 to index
    %get3A_216 = arith.constant 48 : index
    %get3A_217 = tpu.vector_load %arg8[%get3A_215, %get3A_216] {strides = array<i32>} : memref<2x640xi32, #tpu.memory_space<vmem>>, vector<1x16xi32>,
    %get3A_218 = vector.shape_cast %get3A_217 : vector<1x16xi32> to vector<16xi32>
    %jit3A_219 = arith.constant 0 : i32
    %jit3A_220 = arith.constant 63 : i32
    %max3A_221 = vector.broadcast %jit3A_219 : i32 to vector<16xi32>
    %max3A_222 = arith.maxsi %max3A_221, %get3A_218 : vector<16xi32>
    %min3A_223 = vector.broadcast %jit3A_220 : i32 to vector<16xi32>
    %min3A_224 = arith.minsi %min3A_223, %max3A_222 : vector<16xi32>
    %get3A_225 = arith.constant 0 : i32
    %get3A_226 = arith.index_cast %get3A_225 : i32 to index
    %get3A_227 = arith.constant 48 : index
    %get3A_228 = tpu.vector_load %arg9[%get3A_226, %get3A_227] {strides = array<i32>} : memref<2x640xi32, #tpu.memory_space<vmem>>, vector<1x16xi32>,
    %get3A_229 = vector.shape_cast %get3A_228 : vector<1x16xi32> to vector<16xi32>
    %jit3A_230 = arith.constant 0 : i32
    %jit3A_231 = arith.constant 63 : i32
    %max3A_232 = vector.broadcast %jit3A_230 : i32 to vector<16xi32>
    %max3A_233 = arith.maxsi %max3A_232, %get3A_229 : vector<16xi32>
    %min3A_234 = vector.broadcast %jit3A_231 : i32 to vector<16xi32>
    %min3A_235 = arith.minsi %min3A_234, %max3A_233 : vector<16xi32>
    %mul3A_236 = arith.constant 4096 : i32
    %mul3A_237 = vector.broadcast %mul3A_236 : i32 to vector<16xi32>
    %mul3A_238 = arith.muli %min3A_213, %mul3A_237 : vector<16xi32>
    %mul3A_239 = arith.constant 64 : i32
    %mul3A_240 = vector.broadcast %mul3A_239 : i32 to vector<16xi32>
    %mul3A_241 = arith.muli %min3A_224, %mul3A_240 : vector<16xi32>
    %add3A_242 = arith.addi %mul3A_238, %mul3A_241 : vector<16xi32>
    %add3A_243 = arith.addi %add3A_242, %min3A_235 : vector<16xi32>
    %swap3A_244 = arith.constant 0 : i32
    %swap3A_245 = arith.constant 0 : i32
    %swap3A_246 = arith.index_cast %swap3A_244 : i32 to index
    %swap3A_247 = arith.index_cast %swap3A_245 : i32 to index
    %swap3A_248 = arith.constant 48 : index
    %swap3A_249 = tpu.vector_load %arg10[%swap3A_246, %swap3A_247, %swap3A_248] {strides = array<i32>} : memref<2x8x80xi32, #tpu.memory_space<vmem>>, vector<1x1x16xi32>,
    %swap3A_250 = vector.shape_cast %swap3A_249 : vector<1x1x16xi32> to vector<16xi32>
    %swap3A_251 = vector.shape_cast %add3A_243 : vector<16xi32> to vector<1x1x16xi32>
    tpu.vector_store %arg10[%swap3A_246, %swap3A_247, %swap3A_248], %swap3A_251 {strides = array<i32>} : memref<2x8x80xi32, #tpu.memory_space<vmem>>, vector<1x1x16xi32>,
    %get3A_252 = arith.constant 0 : i32
    %get3A_253 = arith.index_cast %get3A_252 : i32 to index
    %get3A_254 = arith.constant 64 : index
    %get3A_255 = tpu.vector_load %arg7[%get3A_253, %get3A_254] {strides = array<i32>} : memref<2x640xi32, #tpu.memory_space<vmem>>, vector<1x16xi32>,
    %get3A_256 = vector.shape_cast %get3A_255 : vector<1x16xi32> to vector<16xi32>
    %jit3A_257 = arith.constant 0 : i32
    %jit3A_258 = arith.constant 9 : i32
    %max3A_259 = vector.broadcast %jit3A_257 : i32 to vector<16xi32>
    %max3A_260 = arith.maxsi %max3A_259, %get3A_256 : vector<16xi32>
    %min3A_261 = vector.broadcast %jit3A_258 : i32 to vector<16xi32>
    %min3A_262 = arith.minsi %min3A_261, %max3A_260 : vector<16xi32>
    %get3A_263 = arith.constant 0 : i32
    %get3A_264 = arith.index_cast %get3A_263 : i32 to index
    %get3A_265 = arith.constant 64 : index
    %get3A_266 = tpu.vector_load %arg8[%get3A_264, %get3A_265] {strides = array<i32>} : memref<2x640xi32, #tpu.memory_space<vmem>>, vector<1x16xi32>,
    %get3A_267 = vector.shape_cast %get3A_266 : vector<1x16xi32> to vector<16xi32>
    %jit3A_268 = arith.constant 0 : i32
    %jit3A_269 = arith.constant 63 : i32
    %max3A_270 = vector.broadcast %jit3A_268 : i32 to vector<16xi32>
    %max3A_271 = arith.maxsi %max3A_270, %get3A_267 : vector<16xi32>
    %min3A_272 = vector.broadcast %jit3A_269 : i32 to vector<16xi32>
    %min3A_273 = arith.minsi %min3A_272, %max3A_271 : vector<16xi32>
    %get3A_274 = arith.constant 0 : i32
    %get3A_275 = arith.index_cast %get3A_274 : i32 to index
    %get3A_276 = arith.constant 64 : index
    %get3A_277 = tpu.vector_load %arg9[%get3A_275, %get3A_276] {strides = array<i32>} : memref<2x640xi32, #tpu.memory_space<vmem>>, vector<1x16xi32>,
    %get3A_278 = vector.shape_cast %get3A_277 : vector<1x16xi32> to vector<16xi32>
    %jit3A_279 = arith.constant 0 : i32
    %jit3A_280 = arith.constant 63 : i32
    %max3A_281 = vector.broadcast %jit3A_279 : i32 to vector<16xi32>
    %max3A_282 = arith.maxsi %max3A_281, %get3A_278 : vector<16xi32>
    %min3A_283 = vector.broadcast %jit3A_280 : i32 to vector<16xi32>
    %min3A_284 = arith.minsi %min3A_283, %max3A_282 : vector<16xi32>
    %mul3A_285 = arith.constant 4096 : i32
    %mul3A_286 = vector.broadcast %mul3A_285 : i32 to vector<16xi32>
    %mul3A_287 = arith.muli %min3A_262, %mul3A_286 : vector<16xi32>
    %mul3A_288 = arith.constant 64 : i32
    %mul3A_289 = vector.broadcast %mul3A_288 : i32 to vector<16xi32>
    %mul3A_290 = arith.muli %min3A_273, %mul3A_289 : vector<16xi32>
    %add3A_291 = arith.addi %mul3A_287, %mul3A_290 : vector<16xi32>
    %add3A_292 = arith.addi %add3A_291, %min3A_284 : vector<16xi32>
    %swap3A_293 = arith.constant 0 : i32
    %swap3A_294 = arith.constant 0 : i32
    %swap3A_295 = arith.index_cast %swap3A_293 : i32 to index
    %swap3A_296 = arith.index_cast %swap3A_294 : i32 to index
    %swap3A_297 = arith.constant 64 : index
    %swap3A_298 = tpu.vector_load %arg10[%swap3A_295, %swap3A_296, %swap3A_297] {strides = array<i32>} : memref<2x8x80xi32, #tpu.memory_space<vmem>>, vector<1x1x16xi32>,
    %swap3A_299 = vector.shape_cast %swap3A_298 : vector<1x1x16xi32> to vector<16xi32>
    %swap3A_300 = vector.shape_cast %add3A_292 : vector<16xi32> to vector<1x1x16xi32>
    tpu.vector_store %arg10[%swap3A_295, %swap3A_296, %swap3A_297], %swap3A_300 {strides = array<i32>} : memref<2x8x80xi32, #tpu.memory_space<vmem>>, vector<1x1x16xi32>,
    %get3A_301 = arith.constant 0 : i32
    %get3A_302 = arith.index_cast %get3A_301 : i32 to index
    %get3A_303 = arith.constant 80 : index
    %get3A_304 = tpu.vector_load %arg7[%get3A_302, %get3A_303] {strides = array<i32>} : memref<2x640xi32, #tpu.memory_space<vmem>>, vector<1x16xi32>,
    %get3A_305 = vector.shape_cast %get3A_304 : vector<1x16xi32> to vector<16xi32>
    %jit3A_306 = arith.constant 0 : i32
    %jit3A_307 = arith.constant 9 : i32
    %max3A_308 = vector.broadcast %jit3A_306 : i32 to vector<16xi32>
    %max3A_309 = arith.maxsi %max3A_308, %get3A_305 : vector<16xi32>
    %min3A_310 = vector.broadcast %jit3A_307 : i32 to vector<16xi32>
    %min3A_311 = arith.minsi %min3A_310, %max3A_309 : vector<16xi32>
    %get3A_312 = arith.constant 0 : i32
    %get3A_313 = arith.index_cast %get3A_312 : i32 to index
    %get3A_314 = arith.constant 80 : index
    %get3A_315 = tpu.vector_load %arg8[%get3A_313, %get3A_314] {strides = array<i32>} : memref<2x640xi32, #tpu.memory_space<vmem>>, vector<1x16xi32>,
    %get3A_316 = vector.shape_cast %get3A_315 : vector<1x16xi32> to vector<16xi32>
    %jit3A_317 = arith.constant 0 : i32
    %jit3A_318 = arith.constant 63 : i32
    %max3A_319 = vector.broadcast %jit3A_317 : i32 to vector<16xi32>
    %max3A_320 = arith.maxsi %max3A_319, %get3A_316 : vector<16xi32>
    %min3A_321 = vector.broadcast %jit3A_318 : i32 to vector<16xi32>
    %min3A_322 = arith.minsi %min3A_321, %max3A_320 : vector<16xi32>
    %get3A_323 = arith.constant 0 : i32
    %get3A_324 = arith.index_cast %get3A_323 : i32 to index
    %get3A_325 = arith.constant 80 : index
    %get3A_326 = tpu.vector_load %arg9[%get3A_324, %get3A_325] {strides = array<i32>} : memref<2x640xi32, #tpu.memory_space<vmem>>, vector<1x16xi32>,
    %get3A_327 = vector.shape_cast %get3A_326 : vector<1x16xi32> to vector<16xi32>
    %jit3A_328 = arith.constant 0 : i32
    %jit3A_329 = arith.constant 63 : i32
    %max3A_330 = vector.broadcast %jit3A_328 : i32 to vector<16xi32>
    %max3A_331 = arith.maxsi %max3A_330, %get3A_327 : vector<16xi32>
    %min3A_332 = vector.broadcast %jit3A_329 : i32 to vector<16xi32>
    %min3A_333 = arith.minsi %min3A_332, %max3A_331 : vector<16xi32>
    %mul3A_334 = arith.constant 4096 : i32
    %mul3A_335 = vector.broadcast %mul3A_334 : i32 to vector<16xi32>
    %mul3A_336 = arith.muli %min3A_311, %mul3A_335 : vector<16xi32>
    %mul3A_337 = arith.constant 64 : i32
    %mul3A_338 = vector.broadcast %mul3A_337 : i32 to vector<16xi32>
    %mul3A_339 = arith.muli %min3A_322, %mul3A_338 : vector<16xi32>
    %add3A_340 = arith.addi %mul3A_336, %mul3A_339 : vector<16xi32>
    %add3A_341 = arith.addi %add3A_340, %min3A_333 : vector<16xi32>
    %swap3A_342 = arith.constant 0 : i32
    %swap3A_343 = arith.constant 1 : i32
    %swap3A_344 = arith.index_cast %swap3A_342 : i32 to index
    %swap3A_345 = arith.index_cast %swap3A_343 : i32 to index
    %swap3A_346 = arith.constant 0 : index
    %swap3A_347 = tpu.vector_load %arg10[%swap3A_344, %swap3A_345, %swap3A_346] {strides = array<i32>} : memref<2x8x80xi32, #tpu.memory_space<vmem>>, vector<1x1x16xi32>,
    %swap3A_348 = vector.shape_cast %swap3A_347 : vector<1x1x16xi32> to vector<16xi32>
    %swap3A_349 = vector.shape_cast %add3A_341 : vector<16xi32> to vector<1x1x16xi32>
    tpu.vector_store %arg10[%swap3A_344, %swap3A_345, %swap3A_346], %swap3A_349 {strides = array<i32>} : memref<2x8x80xi32, #tpu.memory_space<vmem>>, vector<1x1x16xi32>,
    %get3A_350 = arith.constant 0 : i32
    %get3A_351 = arith.index_cast %get3A_350 : i32 to index
    %get3A_352 = arith.constant 96 : index
    %get3A_353 = tpu.vector_load %arg7[%get3A_351, %get3A_352] {strides = array<i32>} : memref<2x640xi32, #tpu.memory_space<vmem>>, vector<1x16xi32>,
    %get3A_354 = vector.shape_cast %get3A_353 : vector<1x16xi32> to vector<16xi32>
    %jit3A_355 = arith.constant 0 : i32
    %jit3A_356 = arith.constant 9 : i32
    %max3A_357 = vector.broadcast %jit3A_355 : i32 to vector<16xi32>
    %max3A_358 = arith.maxsi %max3A_357, %get3A_354 : vector<16xi32>
    %min3A_359 = vector.broadcast %jit3A_356 : i32 to vector<16xi32>
    %min3A_360 = arith.minsi %min3A_359, %max3A_358 : vector<16xi32>
    %get3A_361 = arith.constant 0 : i32
    %get3A_362 = arith.index_cast %get3A_361 : i32 to index
    %get3A_363 = arith.constant 96 : index
    %get3A_364 = tpu.vector_load %arg8[%get3A_362, %get3A_363] {strides = array<i32>} : memref<2x640xi32, #tpu.memory_space<vmem>>, vector<1x16xi32>,
    %get3A_365 = vector.shape_cast %get3A_364 : vector<1x16xi32> to vector<16xi32>
    %jit3A_366 = arith.constant 0 : i32
    %jit3A_367 = arith.constant 63 : i32
    %max3A_368 = vector.broadcast %jit3A_366 : i32 to vector<16xi32>
    %max3A_369 = arith.maxsi %max3A_368, %get3A_365 : vector<16xi32>
    %min3A_370 = vector.broadcast %jit3A_367 : i32 to vector<16xi32>
    %min3A_371 = arith.minsi %min3A_370, %max3A_369 : vector<16xi32>
    %get3A_372 = arith.constant 0 : i32
    %get3A_373 = arith.index_cast %get3A_372 : i32 to index
    %get3A_374 = arith.constant 96 : index
    %get3A_375 = tpu.vector_load %arg9[%get3A_373, %get3A_374] {strides = array<i32>} : memref<2x640xi32, #tpu.memory_space<vmem>>, vector<1x16xi32>,
    %get3A_376 = vector.shape_cast %get3A_375 : vector<1x16xi32> to vector<16xi32>
    %jit3A_377 = arith.constant 0 : i32
    %jit3A_378 = arith.constant 63 : i32
    %max3A_379 = vector.broadcast %jit3A_377 : i32 to vector<16xi32>
    %max3A_380 = arith.maxsi %max3A_379, %get3A_376 : vector<16xi32>
    %min3A_381 = vector.broadcast %jit3A_378 : i32 to vector<16xi32>
    %min3A_382 = arith.minsi %min3A_381, %max3A_380 : vector<16xi32>
    %mul3A_383 = arith.constant 4096 : i32
    %mul3A_384 = vector.broadcast %mul3A_383 : i32 to vector<16xi32>
    %mul3A_385 = arith.muli %min3A_360, %mul3A_384 : vector<16xi32>
    %mul3A_386 = arith.constant 64 : i32
    %mul3A_387 = vector.broadcast %mul3A_386 : i32 to vector<16xi32>
    %mul3A_388 = arith.muli %min3A_371, %mul3A_387 : vector<16xi32>
    %add3A_389 = arith.addi %mul3A_385, %mul3A_388 : vector<16xi32>
    %add3A_390 = arith.addi %add3A_389, %min3A_382 : vector<16xi32>
    %swap3A_391 = arith.constant 0 : i32
    %swap3A_392 = arith.constant 1 : i32
    %swap3A_393 = arith.index_cast %swap3A_391 : i32 to index
    %swap3A_394 = arith.index_cast %swap3A_392 : i32 to index
    %swap3A_395 = arith.constant 16 : index
    %swap3A_396 = tpu.vector_load %arg10[%swap3A_393, %swap3A_394, %swap3A_395] {strides = array<i32>} : memref<2x8x80xi32, #tpu.memory_space<vmem>>, vector<1x1x16xi32>,
    %swap3A_397 = vector.shape_cast %swap3A_396 : vector<1x1x16xi32> to vector<16xi32>
    %swap3A_398 = vector.shape_cast %add3A_390 : vector<16xi32> to vector<1x1x16xi32>
    tpu.vector_store %arg10[%swap3A_393, %swap3A_394, %swap3A_395], %swap3A_398 {strides = array<i32>} : memref<2x8x80xi32, #tpu.memory_space<vmem>>, vector<1x1x16xi32>,
    %get3A_399 = arith.constant 0 : i32
    %get3A_400 = arith.index_cast %get3A_399 : i32 to index
    %get3A_401 = arith.constant 112 : index
    %get3A_402 = tpu.vector_load %arg7[%get3A_400, %get3A_401] {strides = array<i32>} : memref<2x640xi32, #tpu.memory_space<vmem>>, vector<1x16xi32>,
    %get3A_403 = vector.shape_cast %get3A_402 : vector<1x16xi32> to vector<16xi32>
    %jit3A_404 = arith.constant 0 : i32
    %jit3A_405 = arith.constant 9 : i32
    %max3A_406 = vector.broadcast %jit3A_404 : i32 to vector<16xi32>
    %max3A_407 = arith.maxsi %max3A_406, %get3A_403 : vector<16xi32>
    %min3A_408 = vector.broadcast %jit3A_405 : i32 to vector<16xi32>
    %min3A_409 = arith.minsi %min3A_408, %max3A_407 : vector<16xi32>
    %get3A_410 = arith.constant 0 : i32
    %get3A_411 = arith.index_cast %get3A_410 : i32 to index
    %get3A_412 = arith.constant 112 : index
    %get3A_413 = tpu.vector_load %arg8[%get3A_411, %get3A_412] {strides = array<i32>} : memref<2x640xi32, #tpu.memory_space<vmem>>, vector<1x16xi32>,
    %get3A_414 = vector.shape_cast %get3A_413 : vector<1x16xi32> to vector<16xi32>
    %jit3A_415 = arith.constant 0 : i32
    %jit3A_416 = arith.constant 63 : i32
    %max3A_417 = vector.broadcast %jit3A_415 : i32 to vector<16xi32>
    %max3A_418 = arith.maxsi %max3A_417, %get3A_414 : vector<16xi32>
    %min3A_419 = vector.broadcast %jit3A_416 : i32 to vector<16xi32>
    %min3A_420 = arith.minsi %min3A_419, %max3A_418 : vector<16xi32>
    %get3A_421 = arith.constant 0 : i32
    %get3A_422 = arith.index_cast %get3A_421 : i32 to index
    %get3A_423 = arith.constant 112 : index
    %get3A_424 = tpu.vector_load %arg9[%get3A_422, %get3A_423] {strides = array<i32>} : memref<2x640xi32, #tpu.memory_space<vmem>>, vector<1x16xi32>,
    %get3A_425 = vector.shape_cast %get3A_424 : vector<1x16xi32> to vector<16xi32>
    %jit3A_426 = arith.constant 0 : i32
    %jit3A_427 = arith.constant 63 : i32
    %max3A_428 = vector.broadcast %jit3A_426 : i32 to vector<16xi32>
    %max3A_429 = arith.maxsi %max3A_428, %get3A_425 : vector<16xi32>
    %min3A_430 = vector.broadcast %jit3A_427 : i32 to vector<16xi32>
    %min3A_431 = arith.minsi %min3A_430, %max3A_429 : vector<16xi32>
    %mul3A_432 = arith.constant 4096 : i32
    %mul3A_433 = vector.broadcast %mul3A_432 : i32 to vector<16xi32>
    %mul3A_434 = arith.muli %min3A_409, %mul3A_433 : vector<16xi32>
    %mul3A_435 = arith.constant 64 : i32
    %mul3A_436 = vector.broadcast %mul3A_435 : i32 to vector<16xi32>
    %mul3A_437 = arith.muli %min3A_420, %mul3A_436 : vector<16xi32>
    %add3A_438 = arith.addi %mul3A_434, %mul3A_437 : vector<16xi32>
    %add3A_439 = arith.addi %add3A_438, %min3A_431 : vector<16xi32>
    %swap3A_440 = arith.constant 0 : i32
    %swap3A_441 = arith.constant 1 : i32
    %swap3A_442 = arith.index_cast %swap3A_440 : i32 to index
    %swap3A_443 = arith.index_cast %swap3A_441 : i32 to index
    %swap3A_444 = arith.constant 32 : index
    %swap3A_445 = tpu.vector_load %arg10[%swap3A_442, %swap3A_443, %swap3A_444] {strides = array<i32>} : memref<2x8x80xi32, #tpu.memory_space<vmem>>, vector<1x1x16xi32>,
    %swap3A_446 = vector.shape_cast %swap3A_445 : vector<1x1x16xi32> to vector<16xi32>
    %swap3A_447 = vector.shape_cast %add3A_439 : vector<16xi32> to vector<1x1x16xi32>
    tpu.vector_store %arg10[%swap3A_442, %swap3A_443, %swap3A_444], %swap3A_447 {strides = array<i32>} : memref<2x8x80xi32, #tpu.memory_space<vmem>>, vector<1x1x16xi32>,
    %get3A_448 = arith.constant 0 : i32
    %get3A_449 = arith.index_cast %get3A_448 : i32 to index
    %get3A_450 = arith.constant 128 : index
    %get3A_451 = tpu.vector_load %arg7[%get3A_449, %get3A_450] {strides = array<i32>} : memref<2x640xi32, #tpu.memory_space<vmem>>, vector<1x16xi32>,
    %get3A_452 = vector.shape_cast %get3A_451 : vector<1x16xi32> to vector<16xi32>
    %jit3A_453 = arith.constant 0 : i32
    %jit3A_454 = arith.constant 9 : i32
    %max3A_455 = vector.broadcast %jit3A_453 : i32 to vector<16xi32>
    %max3A_456 = arith.maxsi %max3A_455, %get3A_452 : vector<16xi32>
    %min3A_457 = vector.broadcast %jit3A_454 : i32 to vector<16xi32>
    %min3A_458 = arith.minsi %min3A_457, %max3A_456 : vector<16xi32>
    %get3A_459 = arith.constant 0 : i32
    %get3A_460 = arith.index_cast %get3A_459 : i32 to index
    %get3A_461 = arith.constant 128 : index
    %get3A_462 = tpu.vector_load %arg8[%get3A_460, %get3A_461] {strides = array<i32>} : memref<2x640xi32, #tpu.memory_space<vmem>>, vector<1x16xi32>,
    %get3A_463 = vector.shape_cast %get3A_462 : vector<1x16xi32> to vector<16xi32>
    %jit3A_464 = arith.constant 0 : i32
    %jit3A_465 = arith.constant 63 : i32
    %max3A_466 = vector.broadcast %jit3A_464 : i32 to vector<16xi32>
    %max3A_467 = arith.maxsi %max3A_466, %get3A_463 : vector<16xi32>
    %min3A_468 = vector.broadcast %jit3A_465 : i32 to vector<16xi32>
    %min3A_469 = arith.minsi %min3A_468, %max3A_467 : vector<16xi32>
    %get3A_470 = arith.constant 0 : i32
    %get3A_471 = arith.index_cast %get3A_470 : i32 to index
    %get3A_472 = arith.constant 128 : index
    %get3A_473 = tpu.vector_load %arg9[%get3A_471, %get3A_472] {strides = array<i32>} : memref<2x640xi32, #tpu.memory_space<vmem>>, vector<1x16xi32>,
    %get3A_474 = vector.shape_cast %get3A_473 : vector<1x16xi32> to vector<16xi32>
    %jit3A_475 = arith.constant 0 : i32
    %jit3A_476 = arith.constant 63 : i32
    %max3A_477 = vector.broadcast %jit3A_475 : i32 to vector<16xi32>
    %max3A_478 = arith.maxsi %max3A_477, %get3A_474 : vector<16xi32>
    %min3A_479 = vector.broadcast %jit3A_476 : i32 to vector<16xi32>
    %min3A_480 = arith.minsi %min3A_479, %max3A_478 : vector<16xi32>
    %mul3A_481 = arith.constant 4096 : i32
    %mul3A_482 = vector.broadcast %mul3A_481 : i32 to vector<16xi32>
    %mul3A_483 = arith.muli %min3A_458, %mul3A_482 : vector<16xi32>
    %mul3A_484 = arith.constant 64 : i32
    %mul3A_485 = vector.broadcast %mul3A_484 : i32 to vector<16xi32>
    %mul3A_486 = arith.muli %min3A_469, %mul3A_485 : vector<16xi32>
    %add3A_487 = arith.addi %mul3A_483, %mul3A_486 : vector<16xi32>
    %add3A_488 = arith.addi %add3A_487, %min3A_480 : vector<16xi32>
    %swap3A_489 = arith.constant 0 : i32
    %swap3A_490 = arith.constant 1 : i32
    %swap3A_491 = arith.index_cast %swap3A_489 : i32 to index
    %swap3A_492 = arith.index_cast %swap3A_490 : i32 to index
    %swap3A_493 = arith.constant 48 : index
    %swap3A_494 = tpu.vector_load %arg10[%swap3A_491, %swap3A_492, %swap3A_493] {strides = array<i32>} : memref<2x8x80xi32, #tpu.memory_space<vmem>>, vector<1x1x16xi32>,
    %swap3A_495 = vector.shape_cast %swap3A_494 : vector<1x1x16xi32> to vector<16xi32>
    %swap3A_496 = vector.shape_cast %add3A_488 : vector<16xi32> to vector<1x1x16xi32>
    tpu.vector_store %arg10[%swap3A_491, %swap3A_492, %swap3A_493], %swap3A_496 {strides = array<i32>} : memref<2x8x80xi32, #tpu.memory_space<vmem>>, vector<1x1x16xi32>,
    %get3A_497 = arith.constant 0 : i32
    %get3A_498 = arith.index_cast %get3A_497 : i32 to index
    %get3A_499 = arith.constant 144 : index
    %get3A_500 = tpu.vector_load %arg7[%get3A_498, %get3A_499] {strides = array<i32>} : memref<2x640xi32, #tpu.memory_space<vmem>>, vector<1x16xi32>,
    %get3A_501 = vector.shape_cast %get3A_500 : vector<1x16xi32> to vector<16xi32>
    %jit3A_502 = arith.constant 0 : i32
    %jit3A_503 = arith.constant 9 : i32
    %max3A_504 = vector.broadcast %jit3A_502 : i32 to vector<16xi32>
    %max3A_505 = arith.maxsi %max3A_504, %get3A_501 : vector<16xi32>
    %min3A_506 = vector.broadcast %jit3A_503 : i32 to vector<16xi32>
    %min3A_507 = arith.minsi %min3A_506, %max3A_505 : vector<16xi32>
    %get3A_508 = arith.constant 0 : i32
    %get3A_509 = arith.index_cast %get3A_508 : i32 to index
    %get3A_510 = arith.constant 144 : index
    %get3A_511 = tpu.vector_load %arg8[%get3A_509, %get3A_510] {strides = array<i32>} : memref<2x640xi32, #tpu.memory_space<vmem>>, vector<1x16xi32>,
    %get3A_512 = vector.shape_cast %get3A_511 : vector<1x16xi32> to vector<16xi32>
    %jit3A_513 = arith.constant 0 : i32
    %jit3A_514 = arith.constant 63 : i32
    %max3A_515 = vector.broadcast %jit3A_513 : i32 to vector<16xi32>
    %max3A_516 = arith.maxsi %max3A_515, %get3A_512 : vector<16xi32>
    %min3A_517 = vector.broadcast %jit3A_514 : i32 to vector<16xi32>
    %min3A_518 = arith.minsi %min3A_517, %max3A_516 : vector<16xi32>
    %get3A_519 = arith.constant 0 : i32
    %get3A_520 = arith.index_cast %get3A_519 : i32 to index
    %get3A_521 = arith.constant 144 : index
    %get3A_522 = tpu.vector_load %arg9[%get3A_520, %get3A_521] {strides = array<i32>} : memref<2x640xi32, #tpu.memory_space<vmem>>, vector<1x16xi32>,
    %get3A_523 = vector.shape_cast %get3A_522 : vector<1x16xi32> to vector<16xi32>
    %jit3A_524 = arith.constant 0 : i32
    %jit3A_525 = arith.constant 63 : i32
    %max3A_526 = vector.broadcast %jit3A_524 : i32 to vector<16xi32>
    %max3A_527 = arith.maxsi %max3A_526, %get3A_523 : vector<16xi32>
    %min3A_528 = vector.broadcast %jit3A_525 : i32 to vector<16xi32>
    %min3A_529 = arith.minsi %min3A_528, %max3A_527 : vector<16xi32>
    %mul3A_530 = arith.constant 4096 : i32
    %mul3A_531 = vector.broadcast %mul3A_530 : i32 to vector<16xi32>
    %mul3A_532 = arith.muli %min3A_507, %mul3A_531 : vector<16xi32>
    %mul3A_533 = arith.constant 64 : i32
    %mul3A_534 = vector.broadcast %mul3A_533 : i32 to vector<16xi32>
    %mul3A_535 = arith.muli %min3A_518, %mul3A_534 : vector<16xi32>
    %add3A_536 = arith.addi %mul3A_532, %mul3A_535 : vector<16xi32>
    %add3A_537 = arith.addi %add3A_536, %min3A_529 : vector<16xi32>
    %swap3A_538 = arith.constant 0 : i32
    %swap3A_539 = arith.constant 1 : i32
    %swap3A_540 = arith.index_cast %swap3A_538 : i32 to index
    %swap3A_541 = arith.index_cast %swap3A_539 : i32 to index
    %swap3A_542 = arith.constant 64 : index
    %swap3A_543 = tpu.vector_load %arg10[%swap3A_540, %swap3A_541, %swap3A_542] {strides = array<i32>} : memref<2x8x80xi32, #tpu.memory_space<vmem>>, vector<1x1x16xi32>,
    %swap3A_544 = vector.shape_cast %swap3A_543 : vector<1x1x16xi32> to vector<16xi32>
    %swap3A_545 = vector.shape_cast %add3A_537 : vector<16xi32> to vector<1x1x16xi32>
    tpu.vector_store %arg10[%swap3A_540, %swap3A_541, %swap3A_542], %swap3A_545 {strides = array<i32>} : memref<2x8x80xi32, #tpu.memory_space<vmem>>, vector<1x1x16xi32>,
    %get3A_546 = arith.constant 0 : i32
    %get3A_547 = arith.index_cast %get3A_546 : i32 to index
    %get3A_548 = arith.constant 160 : index
    %get3A_549 = tpu.vector_load %arg7[%get3A_547, %get3A_548] {strides = array<i32>} : memref<2x640xi32, #tpu.memory_space<vmem>>, vector<1x16xi32>,
    %get3A_550 = vector.shape_cast %get3A_549 : vector<1x16xi32> to vector<16xi32>
    %jit3A_551 = arith.constant 0 : i32
    %jit3A_552 = arith.constant 9 : i32
    %max3A_553 = vector.broadcast %jit3A_551 : i32 to vector<16xi32>
    %max3A_554 = arith.maxsi %max3A_553, %get3A_550 : vector<16xi32>
    %min3A_555 = vector.broadcast %jit3A_552 : i32 to vector<16xi32>
    %min3A_556 = arith.minsi %min3A_555, %max3A_554 : vector<16xi32>
    %get3A_557 = arith.constant 0 : i32
    %get3A_558 = arith.index_cast %get3A_557 : i32 to index
    %get3A_559 = arith.constant 160 : index
    %get3A_560 = tpu.vector_load %arg8[%get3A_558, %get3A_559] {strides = array<i32>} : memref<2x640xi32, #tpu.memory_space<vmem>>, vector<1x16xi32>,
    %get3A_561 = vector.shape_cast %get3A_560 : vector<1x16xi32> to vector<16xi32>
    %jit3A_562 = arith.constant 0 : i32
    %jit3A_563 = arith.constant 63 : i32
    %max3A_564 = vector.broadcast %jit3A_562 : i32 to vector<16xi32>
    %max3A_565 = arith.maxsi %max3A_564, %get3A_561 : vector<16xi32>
    %min3A_566 = vector.broadcast %jit3A_563 : i32 to vector<16xi32>
    %min3A_567 = arith.minsi %min3A_566, %max3A_565 : vector<16xi32>
    %get3A_568 = arith.constant 0 : i32
    %get3A_569 = arith.index_cast %get3A_568 : i32 to index
    %get3A_570 = arith.constant 160 : index
    %get3A_571 = tpu.vector_load %arg9[%get3A_569, %get3A_570] {strides = array<i32>} : memref<2x640xi32, #tpu.memory_space<vmem>>, vector<1x16xi32>,
    %get3A_572 = vector.shape_cast %get3A_571 : vector<1x16xi32> to vector<16xi32>
    %jit3A_573 = arith.constant 0 : i32
    %jit3A_574 = arith.constant 63 : i32
    %max3A_575 = vector.broadcast %jit3A_573 : i32 to vector<16xi32>
    %max3A_576 = arith.maxsi %max3A_575, %get3A_572 : vector<16xi32>
    %min3A_577 = vector.broadcast %jit3A_574 : i32 to vector<16xi32>
    %min3A_578 = arith.minsi %min3A_577, %max3A_576 : vector<16xi32>
    %mul3A_579 = arith.constant 4096 : i32
    %mul3A_580 = vector.broadcast %mul3A_579 : i32 to vector<16xi32>
    %mul3A_581 = arith.muli %min3A_556, %mul3A_580 : vector<16xi32>
    %mul3A_582 = arith.constant 64 : i32
    %mul3A_583 = vector.broadcast %mul3A_582 : i32 to vector<16xi32>
    %mul3A_584 = arith.muli %min3A_567, %mul3A_583 : vector<16xi32>
    %add3A_585 = arith.addi %mul3A_581, %mul3A_584 : vector<16xi32>
    %add3A_586 = arith.addi %add3A_585, %min3A_578 : vector<16xi32>
    %swap3A_587 = arith.constant 0 : i32
    %swap3A_588 = arith.constant 2 : i32
    %swap3A_589 = arith.index_cast %swap3A_587 : i32 to index
    %swap3A_590 = arith.index_cast %swap3A_588 : i32 to index
    %swap3A_591 = arith.constant 0 : index
    %swap3A_592 = tpu.vector_load %arg10[%swap3A_589, %swap3A_590, %swap3A_591] {strides = array<i32>} : memref<2x8x80xi32, #tpu.memory_space<vmem>>, vector<1x1x16xi32>,
    %swap3A_593 = vector.shape_cast %swap3A_592 : vector<1x1x16xi32> to vector<16xi32>
    %swap3A_594 = vector.shape_cast %add3A_586 : vector<16xi32> to vector<1x1x16xi32>
    tpu.vector_store %arg10[%swap3A_589, %swap3A_590, %swap3A_591], %swap3A_594 {strides = array<i32>} : memref<2x8x80xi32, #tpu.memory_space<vmem>>, vector<1x1x16xi32>,
    %get3A_595 = arith.constant 0 : i32
    %get3A_596 = arith.index_cast %get3A_595 : i32 to index
    %get3A_597 = arith.constant 176 : index
    %get3A_598 = tpu.vector_load %arg7[%get3A_596, %get3A_597] {strides = array<i32>} : memref<2x640xi32, #tpu.memory_space<vmem>>, vector<1x16xi32>,
    %get3A_599 = vector.shape_cast %get3A_598 : vector<1x16xi32> to vector<16xi32>
    %jit3A_600 = arith.constant 0 : i32
    %jit3A_601 = arith.constant 9 : i32
    %max3A_602 = vector.broadcast %jit3A_600 : i32 to vector<16xi32>
    %max3A_603 = arith.maxsi %max3A_602, %get3A_599 : vector<16xi32>
    %min3A_604 = vector.broadcast %jit3A_601 : i32 to vector<16xi32>
    %min3A_605 = arith.minsi %min3A_604, %max3A_603 : vector<16xi32>
    %get3A_606 = arith.constant 0 : i32
    %get3A_607 = arith.index_cast %get3A_606 : i32 to index
    %get3A_608 = arith.constant 176 : index
    %get3A_609 = tpu.vector_load %arg8[%get3A_607, %get3A_608] {strides = array<i32>} : memref<2x640xi32, #tpu.memory_space<vmem>>, vector<1x16xi32>,
    %get3A_610 = vector.shape_cast %get3A_609 : vector<1x16xi32> to vector<16xi32>
    %jit3A_611 = arith.constant 0 : i32
    %jit3A_612 = arith.constant 63 : i32
    %max3A_613 = vector.broadcast %jit3A_611 : i32 to vector<16xi32>
    %max3A_614 = arith.maxsi %max3A_613, %get3A_610 : vector<16xi32>
    %min3A_615 = vector.broadcast %jit3A_612 : i32 to vector<16xi32>
    %min3A_616 = arith.minsi %min3A_615, %max3A_614 : vector<16xi32>
    %get3A_617 = arith.constant 0 : i32
    %get3A_618 = arith.index_cast %get3A_617 : i32 to index
    %get3A_619 = arith.constant 176 : index
    %get3A_620 = tpu.vector_load %arg9[%get3A_618, %get3A_619] {strides = array<i32>} : memref<2x640xi32, #tpu.memory_space<vmem>>, vector<1x16xi32>,
    %get3A_621 = vector.shape_cast %get3A_620 : vector<1x16xi32> to vector<16xi32>
    %jit3A_622 = arith.constant 0 : i32
    %jit3A_623 = arith.constant 63 : i32
    %max3A_624 = vector.broadcast %jit3A_622 : i32 to vector<16xi32>
    %max3A_625 = arith.maxsi %max3A_624, %get3A_621 : vector<16xi32>
    %min3A_626 = vector.broadcast %jit3A_623 : i32 to vector<16xi32>
    %min3A_627 = arith.minsi %min3A_626, %max3A_625 : vector<16xi32>
    %mul3A_628 = arith.constant 4096 : i32
    %mul3A_629 = vector.broadcast %mul3A_628 : i32 to vector<16xi32>
    %mul3A_630 = arith.muli %min3A_605, %mul3A_629 : vector<16xi32>
    %mul3A_631 = arith.constant 64 : i32
    %mul3A_632 = vector.broadcast %mul3A_631 : i32 to vector<16xi32>
    %mul3A_633 = arith.muli %min3A_616, %mul3A_632 : vector<16xi32>
    %add3A_634 = arith.addi %mul3A_630, %mul3A_633 : vector<16xi32>
    %add3A_635 = arith.addi %add3A_634, %min3A_627 : vector<16xi32>
    %swap3A_636 = arith.constant 0 : i32
    %swap3A_637 = arith.constant 2 : i32
    %swap3A_638 = arith.index_cast %swap3A_636 : i32 to index
    %swap3A_639 = arith.index_cast %swap3A_637 : i32 to index
    %swap3A_640 = arith.constant 16 : index
    %swap3A_641 = tpu.vector_load %arg10[%swap3A_638, %swap3A_639, %swap3A_640] {strides = array<i32>} : memref<2x8x80xi32, #tpu.memory_space<vmem>>, vector<1x1x16xi32>,
    %swap3A_642 = vector.shape_cast %swap3A_641 : vector<1x1x16xi32> to vector<16xi32>
    %swap3A_643 = vector.shape_cast %add3A_635 : vector<16xi32> to vector<1x1x16xi32>
    tpu.vector_store %arg10[%swap3A_638, %swap3A_639, %swap3A_640], %swap3A_643 {strides = array<i32>} : memref<2x8x80xi32, #tpu.memory_space<vmem>>, vector<1x1x16xi32>,
    %get3A_644 = arith.constant 0 : i32
    %get3A_645 = arith.index_cast %get3A_644 : i32 to index
    %get3A_646 = arith.constant 192 : index
    %get3A_647 = tpu.vector_load %arg7[%get3A_645, %get3A_646] {strides = array<i32>} : memref<2x640xi32, #tpu.memory_space<vmem>>, vector<1x16xi32>,
    %get3A_648 = vector.shape_cast %get3A_647 : vector<1x16xi32> to vector<16xi32>
    %jit3A_649 = arith.constant 0 : i32
    %jit3A_650 = arith.constant 9 : i32
    %max3A_651 = vector.broadcast %jit3A_649 : i32 to vector<16xi32>
    %max3A_652 = arith.maxsi %max3A_651, %get3A_648 : vector<16xi32>
    %min3A_653 = vector.broadcast %jit3A_650 : i32 to vector<16xi32>
    %min3A_654 = arith.minsi %min3A_653, %max3A_652 : vector<16xi32>
    %get3A_655 = arith.constant 0 : i32
    %get3A_656 = arith.index_cast %get3A_655 : i32 to index
    %get3A_657 = arith.constant 192 : index
    %get3A_658 = tpu.vector_load %arg8[%get3A_656, %get3A_657] {strides = array<i32>} : memref<2x640xi32, #tpu.memory_space<vmem>>, vector<1x16xi32>,
    %get3A_659 = vector.shape_cast %get3A_658 : vector<1x16xi32> to vector<16xi32>
    %jit3A_660 = arith.constant 0 : i32
    %jit3A_661 = arith.constant 63 : i32
    %max3A_662 = vector.broadcast %jit3A_660 : i32 to vector<16xi32>
    %max3A_663 = arith.maxsi %max3A_662, %get3A_659 : vector<16xi32>
    %min3A_664 = vector.broadcast %jit3A_661 : i32 to vector<16xi32>
    %min3A_665 = arith.minsi %min3A_664, %max3A_663 : vector<16xi32>
    %get3A_666 = arith.constant 0 : i32
    %get3A_667 = arith.index_cast %get3A_666 : i32 to index
    %get3A_668 = arith.constant 192 : index
    %get3A_669 = tpu.vector_load %arg9[%get3A_667, %get3A_668] {strides = array<i32>} : memref<2x640xi32, #tpu.memory_space<vmem>>, vector<1x16xi32>,
    %get3A_670 = vector.shape_cast %get3A_669 : vector<1x16xi32> to vector<16xi32>
    %jit3A_671 = arith.constant 0 : i32
    %jit3A_672 = arith.constant 63 : i32
    %max3A_673 = vector.broadcast %jit3A_671 : i32 to vector<16xi32>
    %max3A_674 = arith.maxsi %max3A_673, %get3A_670 : vector<16xi32>
    %min3A_675 = vector.broadcast %jit3A_672 : i32 to vector<16xi32>
    %min3A_676 = arith.minsi %min3A_675, %max3A_674 : vector<16xi32>
    %mul3A_677 = arith.constant 4096 : i32
    %mul3A_678 = vector.broadcast %mul3A_677 : i32 to vector<16xi32>
    %mul3A_679 = arith.muli %min3A_654, %mul3A_678 : vector<16xi32>
    %mul3A_680 = arith.constant 64 : i32
    %mul3A_681 = vector.broadcast %mul3A_680 : i32 to vector<16xi32>
    %mul3A_682 = arith.muli %min3A_665, %mul3A_681 : vector<16xi32>
    %add3A_683 = arith.addi %mul3A_679, %mul3A_682 : vector<16xi32>
    %add3A_684 = arith.addi %add3A_683, %min3A_676 : vector<16xi32>
    %swap3A_685 = arith.constant 0 : i32
    %swap3A_686 = arith.constant 2 : i32
    %swap3A_687 = arith.index_cast %swap3A_685 : i32 to index
    %swap3A_688 = arith.index_cast %swap3A_686 : i32 to index
    %swap3A_689 = arith.constant 32 : index
    %swap3A_690 = tpu.vector_load %arg10[%swap3A_687, %swap3A_688, %swap3A_689] {strides = array<i32>} : memref<2x8x80xi32, #tpu.memory_space<vmem>>, vector<1x1x16xi32>,
    %swap3A_691 = vector.shape_cast %swap3A_690 : vector<1x1x16xi32> to vector<16xi32>
    %swap3A_692 = vector.shape_cast %add3A_684 : vector<16xi32> to vector<1x1x16xi32>
    tpu.vector_store %arg10[%swap3A_687, %swap3A_688, %swap3A_689], %swap3A_692 {strides = array<i32>} : memref<2x8x80xi32, #tpu.memory_space<vmem>>, vector<1x1x16xi32>,
    %get3A_693 = arith.constant 0 : i32
    %get3A_694 = arith.index_cast %get3A_693 : i32 to index
    %get3A_695 = arith.constant 208 : index
    %get3A_696 = tpu.vector_load %arg7[%get3A_694, %get3A_695] {strides = array<i32>} : memref<2x640xi32, #tpu.memory_space<vmem>>, vector<1x16xi32>,
    %get3A_697 = vector.shape_cast %get3A_696 : vector<1x16xi32> to vector<16xi32>
    %jit3A_698 = arith.constant 0 : i32
    %jit3A_699 = arith.constant 9 : i32
    %max3A_700 = vector.broadcast %jit3A_698 : i32 to vector<16xi32>
    %max3A_701 = arith.maxsi %max3A_700, %get3A_697 : vector<16xi32>
    %min3A_702 = vector.broadcast %jit3A_699 : i32 to vector<16xi32>
    %min3A_703 = arith.minsi %min3A_702, %max3A_701 : vector<16xi32>
    %get3A_704 = arith.constant 0 : i32
    %get3A_705 = arith.index_cast %get3A_704 : i32 to index
    %get3A_706 = arith.constant 208 : index
    %get3A_707 = tpu.vector_load %arg8[%get3A_705, %get3A_706] {strides = array<i32>} : memref<2x640xi32, #tpu.memory_space<vmem>>, vector<1x16xi32>,
    %get3A_708 = vector.shape_cast %get3A_707 : vector<1x16xi32> to vector<16xi32>
    %jit3A_709 = arith.constant 0 : i32
    %jit3A_710 = arith.constant 63 : i32
    %max3A_711 = vector.broadcast %jit3A_709 : i32 to vector<16xi32>
    %max3A_712 = arith.maxsi %max3A_711, %get3A_708 : vector<16xi32>
    %min3A_713 = vector.broadcast %jit3A_710 : i32 to vector<16xi32>
    %min3A_714 = arith.minsi %min3A_713, %max3A_712 : vector<16xi32>
    %get3A_715 = arith.constant 0 : i32
    %get3A_716 = arith.index_cast %get3A_715 : i32 to index
    %get3A_717 = arith.constant 208 : index
    %get3A_718 = tpu.vector_load %arg9[%get3A_716, %get3A_717] {strides = array<i32>} : memref<2x640xi32, #tpu.memory_space<vmem>>, vector<1x16xi32>,
    %get3A_719 = vector.shape_cast %get3A_718 : vector<1x16xi32> to vector<16xi32>
    %jit3A_720 = arith.constant 0 : i32
    %jit3A_721 = arith.constant 63 : i32
    %max3A_722 = vector.broadcast %jit3A_720 : i32 to vector<16xi32>
    %max3A_723 = arith.maxsi %max3A_722, %get3A_719 : vector<16xi32>
    %min3A_724 = vector.broadcast %jit3A_721 : i32 to vector<16xi32>
    %min3A_725 = arith.minsi %min3A_724, %max3A_723 : vector<16xi32>
    %mul3A_726 = arith.constant 4096 : i32
    %mul3A_727 = vector.broadcast %mul3A_726 : i32 to vector<16xi32>
    %mul3A_728 = arith.muli %min3A_703, %mul3A_727 : vector<16xi32>
    %mul3A_729 = arith.constant 64 : i32
    %mul3A_730 = vector.broadcast %mul3A_729 : i32 to vector<16xi32>
    %mul3A_731 = arith.muli %min3A_714, %mul3A_730 : vector<16xi32>
    %add3A_732 = arith.addi %mul3A_728, %mul3A_731 : vector<16xi32>
    %add3A_733 = arith.addi %add3A_732, %min3A_725 : vector<16xi32>
    %swap3A_734 = arith.constant 0 : i32
    %swap3A_735 = arith.constant 2 : i32
    %swap3A_736 = arith.index_cast %swap3A_734 : i32 to index
    %swap3A_737 = arith.index_cast %swap3A_735 : i32 to index
    %swap3A_738 = arith.constant 48 : index
    %swap3A_739 = tpu.vector_load %arg10[%swap3A_736, %swap3A_737, %swap3A_738] {strides = array<i32>} : memref<2x8x80xi32, #tpu.memory_space<vmem>>, vector<1x1x16xi32>,
    %swap3A_740 = vector.shape_cast %swap3A_739 : vector<1x1x16xi32> to vector<16xi32>
    %swap3A_741 = vector.shape_cast %add3A_733 : vector<16xi32> to vector<1x1x16xi32>
    tpu.vector_store %arg10[%swap3A_736, %swap3A_737, %swap3A_738], %swap3A_741 {strides = array<i32>} : memref<2x8x80xi32, #tpu.memory_space<vmem>>, vector<1x1x16xi32>,
    %get3A_742 = arith.constant 0 : i32
    %get3A_743 = arith.index_cast %get3A_742 : i32 to index
    %get3A_744 = arith.constant 224 : index
    %get3A_745 = tpu.vector_load %arg7[%get3A_743, %get3A_744] {strides = array<i32>} : memref<2x640xi32, #tpu.memory_space<vmem>>, vector<1x16xi32>,
    %get3A_746 = vector.shape_cast %get3A_745 : vector<1x16xi32> to vector<16xi32>
    %jit3A_747 = arith.constant 0 : i32
    %jit3A_748 = arith.constant 9 : i32
    %max3A_749 = vector.broadcast %jit3A_747 : i32 to vector<16xi32>
    %max3A_750 = arith.maxsi %max3A_749, %get3A_746 : vector<16xi32>
    %min3A_751 = vector.broadcast %jit3A_748 : i32 to vector<16xi32>
    %min3A_752 = arith.minsi %min3A_751, %max3A_750 : vector<16xi32>
    %get3A_753 = arith.constant 0 : i32
    %get3A_754 = arith.index_cast %get3A_753 : i32 to index
    %get3A_755 = arith.constant 224 : index
    %get3A_756 = tpu.vector_load %arg8[%get3A_754, %get3A_755] {strides = array<i32>} : memref<2x640xi32, #tpu.memory_space<vmem>>, vector<1x16xi32>,
    %get3A_757 = vector.shape_cast %get3A_756 : vector<1x16xi32> to vector<16xi32>
    %jit3A_758 = arith.constant 0 : i32
    %jit3A_759 = arith.constant 63 : i32
    %max3A_760 = vector.broadcast %jit3A_758 : i32 to vector<16xi32>
    %max3A_761 = arith.maxsi %max3A_760, %get3A_757 : vector<16xi32>
    %min3A_762 = vector.broadcast %jit3A_759 : i32 to vector<16xi32>
    %min3A_763 = arith.minsi %min3A_762, %max3A_761 : vector<16xi32>
    %get3A_764 = arith.constant 0 : i32
    %get3A_765 = arith.index_cast %get3A_764 : i32 to index
    %get3A_766 = arith.constant 224 : index
    %get3A_767 = tpu.vector_load %arg9[%get3A_765, %get3A_766] {strides = array<i32>} : memref<2x640xi32, #tpu.memory_space<vmem>>, vector<1x16xi32>,
    %get3A_768 = vector.shape_cast %get3A_767 : vector<1x16xi32> to vector<16xi32>
    %jit3A_769 = arith.constant 0 : i32
    %jit3A_770 = arith.constant 63 : i32
    %max3A_771 = vector.broadcast %jit3A_769 : i32 to vector<16xi32>
    %max3A_772 = arith.maxsi %max3A_771, %get3A_768 : vector<16xi32>
    %min3A_773 = vector.broadcast %jit3A_770 : i32 to vector<16xi32>
    %min3A_774 = arith.minsi %min3A_773, %max3A_772 : vector<16xi32>
    %mul3A_775 = arith.constant 4096 : i32
    %mul3A_776 = vector.broadcast %mul3A_775 : i32 to vector<16xi32>
    %mul3A_777 = arith.muli %min3A_752, %mul3A_776 : vector<16xi32>
    %mul3A_778 = arith.constant 64 : i32
    %mul3A_779 = vector.broadcast %mul3A_778 : i32 to vector<16xi32>
    %mul3A_780 = arith.muli %min3A_763, %mul3A_779 : vector<16xi32>
    %add3A_781 = arith.addi %mul3A_777, %mul3A_780 : vector<16xi32>
    %add3A_782 = arith.addi %add3A_781, %min3A_774 : vector<16xi32>
    %swap3A_783 = arith.constant 0 : i32
    %swap3A_784 = arith.constant 2 : i32
    %swap3A_785 = arith.index_cast %swap3A_783 : i32 to index
    %swap3A_786 = arith.index_cast %swap3A_784 : i32 to index
    %swap3A_787 = arith.constant 64 : index
    %swap3A_788 = tpu.vector_load %arg10[%swap3A_785, %swap3A_786, %swap3A_787] {strides = array<i32>} : memref<2x8x80xi32, #tpu.memory_space<vmem>>, vector<1x1x16xi32>,
    %swap3A_789 = vector.shape_cast %swap3A_788 : vector<1x1x16xi32> to vector<16xi32>
    %swap3A_790 = vector.shape_cast %add3A_782 : vector<16xi32> to vector<1x1x16xi32>
    tpu.vector_store %arg10[%swap3A_785, %swap3A_786, %swap3A_787], %swap3A_790 {strides = array<i32>} : memref<2x8x80xi32, #tpu.memory_space<vmem>>, vector<1x1x16xi32>,
    %get3A_791 = arith.constant 0 : i32
    %get3A_792 = arith.index_cast %get3A_791 : i32 to index
    %get3A_793 = arith.constant 240 : index
    %get3A_794 = tpu.vector_load %arg7[%get3A_792, %get3A_793] {strides = array<i32>} : memref<2x640xi32, #tpu.memory_space<vmem>>, vector<1x16xi32>,
    %get3A_795 = vector.shape_cast %get3A_794 : vector<1x16xi32> to vector<16xi32>
    %jit3A_796 = arith.constant 0 : i32
    %jit3A_797 = arith.constant 9 : i32
    %max3A_798 = vector.broadcast %jit3A_796 : i32 to vector<16xi32>
    %max3A_799 = arith.maxsi %max3A_798, %get3A_795 : vector<16xi32>
    %min3A_800 = vector.broadcast %jit3A_797 : i32 to vector<16xi32>
    %min3A_801 = arith.minsi %min3A_800, %max3A_799 : vector<16xi32>
    %get3A_802 = arith.constant 0 : i32
    %get3A_803 = arith.index_cast %get3A_802 : i32 to index
    %get3A_804 = arith.constant 240 : index
    %get3A_805 = tpu.vector_load %arg8[%get3A_803, %get3A_804] {strides = array<i32>} : memref<2x640xi32, #tpu.memory_space<vmem>>, vector<1x16xi32>,
    %get3A_806 = vector.shape_cast %get3A_805 : vector<1x16xi32> to vector<16xi32>
    %jit3A_807 = arith.constant 0 : i32
    %jit3A_808 = arith.constant 63 : i32
    %max3A_809 = vector.broadcast %jit3A_807 : i32 to vector<16xi32>
    %max3A_810 = arith.maxsi %max3A_809, %get3A_806 : vector<16xi32>
    %min3A_811 = vector.broadcast %jit3A_808 : i32 to vector<16xi32>
    %min3A_812 = arith.minsi %min3A_811, %max3A_810 : vector<16xi32>
    %get3A_813 = arith.constant 0 : i32
    %get3A_814 = arith.index_cast %get3A_813 : i32 to index
    %get3A_815 = arith.constant 240 : index
    %get3A_816 = tpu.vector_load %arg9[%get3A_814, %get3A_815] {strides = array<i32>} : memref<2x640xi32, #tpu.memory_space<vmem>>, vector<1x16xi32>,
    %get3A_817 = vector.shape_cast %get3A_816 : vector<1x16xi32> to vector<16xi32>
    %jit3A_818 = arith.constant 0 : i32
    %jit3A_819 = arith.constant 63 : i32
    %max3A_820 = vector.broadcast %jit3A_818 : i32 to vector<16xi32>
    %max3A_821 = arith.maxsi %max3A_820, %get3A_817 : vector<16xi32>
    %min3A_822 = vector.broadcast %jit3A_819 : i32 to vector<16xi32>
    %min3A_823 = arith.minsi %min3A_822, %max3A_821 : vector<16xi32>
    %mul3A_824 = arith.constant 4096 : i32
    %mul3A_825 = vector.broadcast %mul3A_824 : i32 to vector<16xi32>
    %mul3A_826 = arith.muli %min3A_801, %mul3A_825 : vector<16xi32>
    %mul3A_827 = arith.constant 64 : i32
    %mul3A_828 = vector.broadcast %mul3A_827 : i32 to vector<16xi32>
    %mul3A_829 = arith.muli %min3A_812, %mul3A_828 : vector<16xi32>
    %add3A_830 = arith.addi %mul3A_826, %mul3A_829 : vector<16xi32>
    %add3A_831 = arith.addi %add3A_830, %min3A_823 : vector<16xi32>
    %swap3A_832 = arith.constant 0 : i32
    %swap3A_833 = arith.constant 3 : i32
    %swap3A_834 = arith.index_cast %swap3A_832 : i32 to index
    %swap3A_835 = arith.index_cast %swap3A_833 : i32 to index
    %swap3A_836 = arith.constant 0 : index
    %swap3A_837 = tpu.vector_load %arg10[%swap3A_834, %swap3A_835, %swap3A_836] {strides = array<i32>} : memref<2x8x80xi32, #tpu.memory_space<vmem>>, vector<1x1x16xi32>,
    %swap3A_838 = vector.shape_cast %swap3A_837 : vector<1x1x16xi32> to vector<16xi32>
    %swap3A_839 = vector.shape_cast %add3A_831 : vector<16xi32> to vector<1x1x16xi32>
    tpu.vector_store %arg10[%swap3A_834, %swap3A_835, %swap3A_836], %swap3A_839 {strides = array<i32>} : memref<2x8x80xi32, #tpu.memory_space<vmem>>, vector<1x1x16xi32>,
    %get3A_840 = arith.constant 0 : i32
    %get3A_841 = arith.index_cast %get3A_840 : i32 to index
    %get3A_842 = arith.constant 256 : index
    %get3A_843 = tpu.vector_load %arg7[%get3A_841, %get3A_842] {strides = array<i32>} : memref<2x640xi32, #tpu.memory_space<vmem>>, vector<1x16xi32>,
    %get3A_844 = vector.shape_cast %get3A_843 : vector<1x16xi32> to vector<16xi32>
    %jit3A_845 = arith.constant 0 : i32
    %jit3A_846 = arith.constant 9 : i32
    %max3A_847 = vector.broadcast %jit3A_845 : i32 to vector<16xi32>
    %max3A_848 = arith.maxsi %max3A_847, %get3A_844 : vector<16xi32>
    %min3A_849 = vector.broadcast %jit3A_846 : i32 to vector<16xi32>
    %min3A_850 = arith.minsi %min3A_849, %max3A_848 : vector<16xi32>
    %get3A_851 = arith.constant 0 : i32
    %get3A_852 = arith.index_cast %get3A_851 : i32 to index
    %get3A_853 = arith.constant 256 : index
    %get3A_854 = tpu.vector_load %arg8[%get3A_852, %get3A_853] {strides = array<i32>} : memref<2x640xi32, #tpu.memory_space<vmem>>, vector<1x16xi32>,
    %get3A_855 = vector.shape_cast %get3A_854 : vector<1x16xi32> to vector<16xi32>
    %jit3A_856 = arith.constant 0 : i32
    %jit3A_857 = arith.constant 63 : i32
    %max3A_858 = vector.broadcast %jit3A_856 : i32 to vector<16xi32>
    %max3A_859 = arith.maxsi %max3A_858, %get3A_855 : vector<16xi32>
    %min3A_860 = vector.broadcast %jit3A_857 : i32 to vector<16xi32>
    %min3A_861 = arith.minsi %min3A_860, %max3A_859 : vector<16xi32>
    %get3A_862 = arith.constant 0 : i32
    %get3A_863 = arith.index_cast %get3A_862 : i32 to index
    %get3A_864 = arith.constant 256 : index
    %get3A_865 = tpu.vector_load %arg9[%get3A_863, %get3A_864] {strides = array<i32>} : memref<2x640xi32, #tpu.memory_space<vmem>>, vector<1x16xi32>,
    %get3A_866 = vector.shape_cast %get3A_865 : vector<1x16xi32> to vector<16xi32>
    %jit3A_867 = arith.constant 0 : i32
    %jit3A_868 = arith.constant 63 : i32
    %max3A_869 = vector.broadcast %jit3A_867 : i32 to vector<16xi32>
    %max3A_870 = arith.maxsi %max3A_869, %get3A_866 : vector<16xi32>
    %min3A_871 = vector.broadcast %jit3A_868 : i32 to vector<16xi32>
    %min3A_872 = arith.minsi %min3A_871, %max3A_870 : vector<16xi32>
    %mul3A_873 = arith.constant 4096 : i32
    %mul3A_874 = vector.broadcast %mul3A_873 : i32 to vector<16xi32>
    %mul3A_875 = arith.muli %min3A_850, %mul3A_874 : vector<16xi32>
    %mul3A_876 = arith.constant 64 : i32
    %mul3A_877 = vector.broadcast %mul3A_876 : i32 to vector<16xi32>
    %mul3A_878 = arith.muli %min3A_861, %mul3A_877 : vector<16xi32>
    %add3A_879 = arith.addi %mul3A_875, %mul3A_878 : vector<16xi32>
    %add3A_880 = arith.addi %add3A_879, %min3A_872 : vector<16xi32>
    %swap3A_881 = arith.constant 0 : i32
    %swap3A_882 = arith.constant 3 : i32
    %swap3A_883 = arith.index_cast %swap3A_881 : i32 to index
    %swap3A_884 = arith.index_cast %swap3A_882 : i32 to index
    %swap3A_885 = arith.constant 16 : index
    %swap3A_886 = tpu.vector_load %arg10[%swap3A_883, %swap3A_884, %swap3A_885] {strides = array<i32>} : memref<2x8x80xi32, #tpu.memory_space<vmem>>, vector<1x1x16xi32>,
    %swap3A_887 = vector.shape_cast %swap3A_886 : vector<1x1x16xi32> to vector<16xi32>
    %swap3A_888 = vector.shape_cast %add3A_880 : vector<16xi32> to vector<1x1x16xi32>
    tpu.vector_store %arg10[%swap3A_883, %swap3A_884, %swap3A_885], %swap3A_888 {strides = array<i32>} : memref<2x8x80xi32, #tpu.memory_space<vmem>>, vector<1x1x16xi32>,
    %get3A_889 = arith.constant 0 : i32
    %get3A_890 = arith.index_cast %get3A_889 : i32 to index
    %get3A_891 = arith.constant 272 : index
    %get3A_892 = tpu.vector_load %arg7[%get3A_890, %get3A_891] {strides = array<i32>} : memref<2x640xi32, #tpu.memory_space<vmem>>, vector<1x16xi32>,
    %get3A_893 = vector.shape_cast %get3A_892 : vector<1x16xi32> to vector<16xi32>
    %jit3A_894 = arith.constant 0 : i32
    %jit3A_895 = arith.constant 9 : i32
    %max3A_896 = vector.broadcast %jit3A_894 : i32 to vector<16xi32>
    %max3A_897 = arith.maxsi %max3A_896, %get3A_893 : vector<16xi32>
    %min3A_898 = vector.broadcast %jit3A_895 : i32 to vector<16xi32>
    %min3A_899 = arith.minsi %min3A_898, %max3A_897 : vector<16xi32>
    %get3A_900 = arith.constant 0 : i32
    %get3A_901 = arith.index_cast %get3A_900 : i32 to index
    %get3A_902 = arith.constant 272 : index
    %get3A_903 = tpu.vector_load %arg8[%get3A_901, %get3A_902] {strides = array<i32>} : memref<2x640xi32, #tpu.memory_space<vmem>>, vector<1x16xi32>,
    %get3A_904 = vector.shape_cast %get3A_903 : vector<1x16xi32> to vector<16xi32>
    %jit3A_905 = arith.constant 0 : i32
    %jit3A_906 = arith.constant 63 : i32
    %max3A_907 = vector.broadcast %jit3A_905 : i32 to vector<16xi32>
    %max3A_908 = arith.maxsi %max3A_907, %get3A_904 : vector<16xi32>
    %min3A_909 = vector.broadcast %jit3A_906 : i32 to vector<16xi32>
    %min3A_910 = arith.minsi %min3A_909, %max3A_908 : vector<16xi32>
    %get3A_911 = arith.constant 0 : i32
    %get3A_912 = arith.index_cast %get3A_911 : i32 to index
    %get3A_913 = arith.constant 272 : index
    %get3A_914 = tpu.vector_load %arg9[%get3A_912, %get3A_913] {strides = array<i32>} : memref<2x640xi32, #tpu.memory_space<vmem>>, vector<1x16xi32>,
    %get3A_915 = vector.shape_cast %get3A_914 : vector<1x16xi32> to vector<16xi32>
    %jit3A_916 = arith.constant 0 : i32
    %jit3A_917 = arith.constant 63 : i32
    %max3A_918 = vector.broadcast %jit3A_916 : i32 to vector<16xi32>
    %max3A_919 = arith.maxsi %max3A_918, %get3A_915 : vector<16xi32>
    %min3A_920 = vector.broadcast %jit3A_917 : i32 to vector<16xi32>
    %min3A_921 = arith.minsi %min3A_920, %max3A_919 : vector<16xi32>
    %mul3A_922 = arith.constant 4096 : i32
    %mul3A_923 = vector.broadcast %mul3A_922 : i32 to vector<16xi32>
    %mul3A_924 = arith.muli %min3A_899, %mul3A_923 : vector<16xi32>
    %mul3A_925 = arith.constant 64 : i32
    %mul3A_926 = vector.broadcast %mul3A_925 : i32 to vector<16xi32>
    %mul3A_927 = arith.muli %min3A_910, %mul3A_926 : vector<16xi32>
    %add3A_928 = arith.addi %mul3A_924, %mul3A_927 : vector<16xi32>
    %add3A_929 = arith.addi %add3A_928, %min3A_921 : vector<16xi32>
    %swap3A_930 = arith.constant 0 : i32
    %swap3A_931 = arith.constant 3 : i32
    %swap3A_932 = arith.index_cast %swap3A_930 : i32 to index
    %swap3A_933 = arith.index_cast %swap3A_931 : i32 to index
    %swap3A_934 = arith.constant 32 : index
    %swap3A_935 = tpu.vector_load %arg10[%swap3A_932, %swap3A_933, %swap3A_934] {strides = array<i32>} : memref<2x8x80xi32, #tpu.memory_space<vmem>>, vector<1x1x16xi32>,
    %swap3A_936 = vector.shape_cast %swap3A_935 : vector<1x1x16xi32> to vector<16xi32>
    %swap3A_937 = vector.shape_cast %add3A_929 : vector<16xi32> to vector<1x1x16xi32>
    tpu.vector_store %arg10[%swap3A_932, %swap3A_933, %swap3A_934], %swap3A_937 {strides = array<i32>} : memref<2x8x80xi32, #tpu.memory_space<vmem>>, vector<1x1x16xi32>,
    %get3A_938 = arith.constant 0 : i32
    %get3A_939 = arith.index_cast %get3A_938 : i32 to index
    %get3A_940 = arith.constant 288 : index
    %get3A_941 = tpu.vector_load %arg7[%get3A_939, %get3A_940] {strides = array<i32>} : memref<2x640xi32, #tpu.memory_space<vmem>>, vector<1x16xi32>,
    %get3A_942 = vector.shape_cast %get3A_941 : vector<1x16xi32> to vector<16xi32>
    %jit3A_943 = arith.constant 0 : i32
    %jit3A_944 = arith.constant 9 : i32
    %max3A_945 = vector.broadcast %jit3A_943 : i32 to vector<16xi32>
    %max3A_946 = arith.maxsi %max3A_945, %get3A_942 : vector<16xi32>
    %min3A_947 = vector.broadcast %jit3A_944 : i32 to vector<16xi32>
    %min3A_948 = arith.minsi %min3A_947, %max3A_946 : vector<16xi32>
    %get3A_949 = arith.constant 0 : i32
    %get3A_950 = arith.index_cast %get3A_949 : i32 to index
    %get3A_951 = arith.constant 288 : index
    %get3A_952 = tpu.vector_load %arg8[%get3A_950, %get3A_951] {strides = array<i32>} : memref<2x640xi32, #tpu.memory_space<vmem>>, vector<1x16xi32>,
    %get3A_953 = vector.shape_cast %get3A_952 : vector<1x16xi32> to vector<16xi32>
    %jit3A_954 = arith.constant 0 : i32
    %jit3A_955 = arith.constant 63 : i32
    %max3A_956 = vector.broadcast %jit3A_954 : i32 to vector<16xi32>
    %max3A_957 = arith.maxsi %max3A_956, %get3A_953 : vector<16xi32>
    %min3A_958 = vector.broadcast %jit3A_955 : i32 to vector<16xi32>
    %min3A_959 = arith.minsi %min3A_958, %max3A_957 : vector<16xi32>
    %get3A_960 = arith.constant 0 : i32
    %get3A_961 = arith.index_cast %get3A_960 : i32 to index
    %get3A_962 = arith.constant 288 : index
    %get3A_963 = tpu.vector_load %arg9[%get3A_961, %get3A_962] {strides = array<i32>} : memref<2x640xi32, #tpu.memory_space<vmem>>, vector<1x16xi32>,
    %get3A_964 = vector.shape_cast %get3A_963 : vector<1x16xi32> to vector<16xi32>
    %jit3A_965 = arith.constant 0 : i32
    %jit3A_966 = arith.constant 63 : i32
    %max3A_967 = vector.broadcast %jit3A_965 : i32 to vector<16xi32>
    %max3A_968 = arith.maxsi %max3A_967, %get3A_964 : vector<16xi32>
    %min3A_969 = vector.broadcast %jit3A_966 : i32 to vector<16xi32>
    %min3A_970 = arith.minsi %min3A_969, %max3A_968 : vector<16xi32>
    %mul3A_971 = arith.constant 4096 : i32
    %mul3A_972 = vector.broadcast %mul3A_971 : i32 to vector<16xi32>
    %mul3A_973 = arith.muli %min3A_948, %mul3A_972 : vector<16xi32>
    %mul3A_974 = arith.constant 64 : i32
    %mul3A_975 = vector.broadcast %mul3A_974 : i32 to vector<16xi32>
    %mul3A_976 = arith.muli %min3A_959, %mul3A_975 : vector<16xi32>
    %add3A_977 = arith.addi %mul3A_973, %mul3A_976 : vector<16xi32>
    %add3A_978 = arith.addi %add3A_977, %min3A_970 : vector<16xi32>
    %swap3A_979 = arith.constant 0 : i32
    %swap3A_980 = arith.constant 3 : i32
    %swap3A_981 = arith.index_cast %swap3A_979 : i32 to index
    %swap3A_982 = arith.index_cast %swap3A_980 : i32 to index
    %swap3A_983 = arith.constant 48 : index
    %swap3A_984 = tpu.vector_load %arg10[%swap3A_981, %swap3A_982, %swap3A_983] {strides = array<i32>} : memref<2x8x80xi32, #tpu.memory_space<vmem>>, vector<1x1x16xi32>,
    %swap3A_985 = vector.shape_cast %swap3A_984 : vector<1x1x16xi32> to vector<16xi32>
    %swap3A_986 = vector.shape_cast %add3A_978 : vector<16xi32> to vector<1x1x16xi32>
    tpu.vector_store %arg10[%swap3A_981, %swap3A_982, %swap3A_983], %swap3A_986 {strides = array<i32>} : memref<2x8x80xi32, #tpu.memory_space<vmem>>, vector<1x1x16xi32>,
    %get3A_987 = arith.constant 0 : i32
    %get3A_988 = arith.index_cast %get3A_987 : i32 to index
    %get3A_989 = arith.constant 304 : index
    %get3A_990 = tpu.vector_load %arg7[%get3A_988, %get3A_989] {strides = array<i32>} : memref<2x640xi32, #tpu.memory_space<vmem>>, vector<1x16xi32>,
    %get3A_991 = vector.shape_cast %get3A_990 : vector<1x16xi32> to vector<16xi32>
    %jit3A_992 = arith.constant 0 : i32
    %jit3A_993 = arith.constant 9 : i32
    %max3A_994 = vector.broadcast %jit3A_992 : i32 to vector<16xi32>
    %max3A_995 = arith.maxsi %max3A_994, %get3A_991 : vector<16xi32>
    %min3A_996 = vector.broadcast %jit3A_993 : i32 to vector<16xi32>
    %min3A_997 = arith.minsi %min3A_996, %max3A_995 : vector<16xi32>
    %get3A_998 = arith.constant 0 : i32
    %get3A_999 = arith.index_cast %get3A_998 : i32 to index
    %get3A_1000 = arith.constant 304 : index
    %get3A_1001 = tpu.vector_load %arg8[%get3A_999, %get3A_1000] {strides = array<i32>} : memref<2x640xi32, #tpu.memory_space<vmem>>, vector<1x16xi32>,
    %get3A_1002 = vector.shape_cast %get3A_1001 : vector<1x16xi32> to vector<16xi32>
    %jit3A_1003 = arith.constant 0 : i32
    %jit3A_1004 = arith.constant 63 : i32
    %max3A_1005 = vector.broadcast %jit3A_1003 : i32 to vector<16xi32>
    %max3A_1006 = arith.maxsi %max3A_1005, %get3A_1002 : vector<16xi32>
    %min3A_1007 = vector.broadcast %jit3A_1004 : i32 to vector<16xi32>
    %min3A_1008 = arith.minsi %min3A_1007, %max3A_1006 : vector<16xi32>
    %get3A_1009 = arith.constant 0 : i32
    %get3A_1010 = arith.index_cast %get3A_1009 : i32 to index
    %get3A_1011 = arith.constant 304 : index
    %get3A_1012 = tpu.vector_load %arg9[%get3A_1010, %get3A_1011] {strides = array<i32>} : memref<2x640xi32, #tpu.memory_space<vmem>>, vector<1x16xi32>,
    %get3A_1013 = vector.shape_cast %get3A_1012 : vector<1x16xi32> to vector<16xi32>
    %jit3A_1014 = arith.constant 0 : i32
    %jit3A_1015 = arith.constant 63 : i32
    %max3A_1016 = vector.broadcast %jit3A_1014 : i32 to vector<16xi32>
    %max3A_1017 = arith.maxsi %max3A_1016, %get3A_1013 : vector<16xi32>
    %min3A_1018 = vector.broadcast %jit3A_1015 : i32 to vector<16xi32>
    %min3A_1019 = arith.minsi %min3A_1018, %max3A_1017 : vector<16xi32>
    %mul3A_1020 = arith.constant 4096 : i32
    %mul3A_1021 = vector.broadcast %mul3A_1020 : i32 to vector<16xi32>
    %mul3A_1022 = arith.muli %min3A_997, %mul3A_1021 : vector<16xi32>
    %mul3A_1023 = arith.constant 64 : i32
    %mul3A_1024 = vector.broadcast %mul3A_1023 : i32 to vector<16xi32>
    %mul3A_1025 = arith.muli %min3A_1008, %mul3A_1024 : vector<16xi32>
    %add3A_1026 = arith.addi %mul3A_1022, %mul3A_1025 : vector<16xi32>
    %add3A_1027 = arith.addi %add3A_1026, %min3A_1019 : vector<16xi32>
    %swap3A_1028 = arith.constant 0 : i32
    %swap3A_1029 = arith.constant 3 : i32
    %swap3A_1030 = arith.index_cast %swap3A_1028 : i32 to index
    %swap3A_1031 = arith.index_cast %swap3A_1029 : i32 to index
    %swap3A_1032 = arith.constant 64 : index
    %swap3A_1033 = tpu.vector_load %arg10[%swap3A_1030, %swap3A_1031, %swap3A_1032] {strides = array<i32>} : memref<2x8x80xi32, #tpu.memory_space<vmem>>, vector<1x1x16xi32>,
    %swap3A_1034 = vector.shape_cast %swap3A_1033 : vector<1x1x16xi32> to vector<16xi32>
    %swap3A_1035 = vector.shape_cast %add3A_1027 : vector<16xi32> to vector<1x1x16xi32>
    tpu.vector_store %arg10[%swap3A_1030, %swap3A_1031, %swap3A_1032], %swap3A_1035 {strides = array<i32>} : memref<2x8x80xi32, #tpu.memory_space<vmem>>, vector<1x1x16xi32>,
    %get3A_1036 = arith.constant 0 : i32
    %get3A_1037 = arith.index_cast %get3A_1036 : i32 to index
    %get3A_1038 = arith.constant 320 : index
    %get3A_1039 = tpu.vector_load %arg7[%get3A_1037, %get3A_1038] {strides = array<i32>} : memref<2x640xi32, #tpu.memory_space<vmem>>, vector<1x16xi32>,
    %get3A_1040 = vector.shape_cast %get3A_1039 : vector<1x16xi32> to vector<16xi32>
    %jit3A_1041 = arith.constant 0 : i32
    %jit3A_1042 = arith.constant 9 : i32
    %max3A_1043 = vector.broadcast %jit3A_1041 : i32 to vector<16xi32>
    %max3A_1044 = arith.maxsi %max3A_1043, %get3A_1040 : vector<16xi32>
    %min3A_1045 = vector.broadcast %jit3A_1042 : i32 to vector<16xi32>
    %min3A_1046 = arith.minsi %min3A_1045, %max3A_1044 : vector<16xi32>
    %get3A_1047 = arith.constant 0 : i32
    %get3A_1048 = arith.index_cast %get3A_1047 : i32 to index
    %get3A_1049 = arith.constant 320 : index
    %get3A_1050 = tpu.vector_load %arg8[%get3A_1048, %get3A_1049] {strides = array<i32>} : memref<2x640xi32, #tpu.memory_space<vmem>>, vector<1x16xi32>,
    %get3A_1051 = vector.shape_cast %get3A_1050 : vector<1x16xi32> to vector<16xi32>
    %jit3A_1052 = arith.constant 0 : i32
    %jit3A_1053 = arith.constant 63 : i32
    %max3A_1054 = vector.broadcast %jit3A_1052 : i32 to vector<16xi32>
    %max3A_1055 = arith.maxsi %max3A_1054, %get3A_1051 : vector<16xi32>
    %min3A_1056 = vector.broadcast %jit3A_1053 : i32 to vector<16xi32>
    %min3A_1057 = arith.minsi %min3A_1056, %max3A_1055 : vector<16xi32>
    %get3A_1058 = arith.constant 0 : i32
    %get3A_1059 = arith.index_cast %get3A_1058 : i32 to index
    %get3A_1060 = arith.constant 320 : index
    %get3A_1061 = tpu.vector_load %arg9[%get3A_1059, %get3A_1060] {strides = array<i32>} : memref<2x640xi32, #tpu.memory_space<vmem>>, vector<1x16xi32>,
    %get3A_1062 = vector.shape_cast %get3A_1061 : vector<1x16xi32> to vector<16xi32>
    %jit3A_1063 = arith.constant 0 : i32
    %jit3A_1064 = arith.constant 63 : i32
    %max3A_1065 = vector.broadcast %jit3A_1063 : i32 to vector<16xi32>
    %max3A_1066 = arith.maxsi %max3A_1065, %get3A_1062 : vector<16xi32>
    %min3A_1067 = vector.broadcast %jit3A_1064 : i32 to vector<16xi32>
    %min3A_1068 = arith.minsi %min3A_1067, %max3A_1066 : vector<16xi32>
    %mul3A_1069 = arith.constant 4096 : i32
    %mul3A_1070 = vector.broadcast %mul3A_1069 : i32 to vector<16xi32>
    %mul3A_1071 = arith.muli %min3A_1046, %mul3A_1070 : vector<16xi32>
    %mul3A_1072 = arith.constant 64 : i32
    %mul3A_1073 = vector.broadcast %mul3A_1072 : i32 to vector<16xi32>
    %mul3A_1074 = arith.muli %min3A_1057, %mul3A_1073 : vector<16xi32>
    %add3A_1075 = arith.addi %mul3A_1071, %mul3A_1074 : vector<16xi32>
    %add3A_1076 = arith.addi %add3A_1075, %min3A_1068 : vector<16xi32>
    %swap3A_1077 = arith.constant 0 : i32
    %swap3A_1078 = arith.constant 4 : i32
    %swap3A_1079 = arith.index_cast %swap3A_1077 : i32 to index
    %swap3A_1080 = arith.index_cast %swap3A_1078 : i32 to index
    %swap3A_1081 = arith.constant 0 : index
    %swap3A_1082 = tpu.vector_load %arg10[%swap3A_1079, %swap3A_1080, %swap3A_1081] {strides = array<i32>} : memref<2x8x80xi32, #tpu.memory_space<vmem>>, vector<1x1x16xi32>,
    %swap3A_1083 = vector.shape_cast %swap3A_1082 : vector<1x1x16xi32> to vector<16xi32>
    %swap3A_1084 = vector.shape_cast %add3A_1076 : vector<16xi32> to vector<1x1x16xi32>
    tpu.vector_store %arg10[%swap3A_1079, %swap3A_1080, %swap3A_1081], %swap3A_1084 {strides = array<i32>} : memref<2x8x80xi32, #tpu.memory_space<vmem>>, vector<1x1x16xi32>,
    %get3A_1085 = arith.constant 0 : i32
    %get3A_1086 = arith.index_cast %get3A_1085 : i32 to index
    %get3A_1087 = arith.constant 336 : index
    %get3A_1088 = tpu.vector_load %arg7[%get3A_1086, %get3A_1087] {strides = array<i32>} : memref<2x640xi32, #tpu.memory_space<vmem>>, vector<1x16xi32>,
    %get3A_1089 = vector.shape_cast %get3A_1088 : vector<1x16xi32> to vector<16xi32>
    %jit3A_1090 = arith.constant 0 : i32
    %jit3A_1091 = arith.constant 9 : i32
    %max3A_1092 = vector.broadcast %jit3A_1090 : i32 to vector<16xi32>
    %max3A_1093 = arith.maxsi %max3A_1092, %get3A_1089 : vector<16xi32>
    %min3A_1094 = vector.broadcast %jit3A_1091 : i32 to vector<16xi32>
    %min3A_1095 = arith.minsi %min3A_1094, %max3A_1093 : vector<16xi32>
    %get3A_1096 = arith.constant 0 : i32
    %get3A_1097 = arith.index_cast %get3A_1096 : i32 to index
    %get3A_1098 = arith.constant 336 : index
    %get3A_1099 = tpu.vector_load %arg8[%get3A_1097, %get3A_1098] {strides = array<i32>} : memref<2x640xi32, #tpu.memory_space<vmem>>, vector<1x16xi32>,
    %get3A_1100 = vector.shape_cast %get3A_1099 : vector<1x16xi32> to vector<16xi32>
    %jit3A_1101 = arith.constant 0 : i32
    %jit3A_1102 = arith.constant 63 : i32
    %max3A_1103 = vector.broadcast %jit3A_1101 : i32 to vector<16xi32>
    %max3A_1104 = arith.maxsi %max3A_1103, %get3A_1100 : vector<16xi32>
    %min3A_1105 = vector.broadcast %jit3A_1102 : i32 to vector<16xi32>
    %min3A_1106 = arith.minsi %min3A_1105, %max3A_1104 : vector<16xi32>
    %get3A_1107 = arith.constant 0 : i32
    %get3A_1108 = arith.index_cast %get3A_1107 : i32 to index
    %get3A_1109 = arith.constant 336 : index
    %get3A_1110 = tpu.vector_load %arg9[%get3A_1108, %get3A_1109] {strides = array<i32>} : memref<2x640xi32, #tpu.memory_space<vmem>>, vector<1x16xi32>,
    %get3A_1111 = vector.shape_cast %get3A_1110 : vector<1x16xi32> to vector<16xi32>
    %jit3A_1112 = arith.constant 0 : i32
    %jit3A_1113 = arith.constant 63 : i32
    %max3A_1114 = vector.broadcast %jit3A_1112 : i32 to vector<16xi32>
    %max3A_1115 = arith.maxsi %max3A_1114, %get3A_1111 : vector<16xi32>
    %min3A_1116 = vector.broadcast %jit3A_1113 : i32 to vector<16xi32>
    %min3A_1117 = arith.minsi %min3A_1116, %max3A_1115 : vector<16xi32>
    %mul3A_1118 = arith.constant 4096 : i32
    %mul3A_1119 = vector.broadcast %mul3A_1118 : i32 to vector<16xi32>
    %mul3A_1120 = arith.muli %min3A_1095, %mul3A_1119 : vector<16xi32>
    %mul3A_1121 = arith.constant 64 : i32
    %mul3A_1122 = vector.broadcast %mul3A_1121 : i32 to vector<16xi32>
    %mul3A_1123 = arith.muli %min3A_1106, %mul3A_1122 : vector<16xi32>
    %add3A_1124 = arith.addi %mul3A_1120, %mul3A_1123 : vector<16xi32>
    %add3A_1125 = arith.addi %add3A_1124, %min3A_1117 : vector<16xi32>
    %swap3A_1126 = arith.constant 0 : i32
    %swap3A_1127 = arith.constant 4 : i32
    %swap3A_1128 = arith.index_cast %swap3A_1126 : i32 to index
    %swap3A_1129 = arith.index_cast %swap3A_1127 : i32 to index
    %swap3A_1130 = arith.constant 16 : index
    %swap3A_1131 = tpu.vector_load %arg10[%swap3A_1128, %swap3A_1129, %swap3A_1130] {strides = array<i32>} : memref<2x8x80xi32, #tpu.memory_space<vmem>>, vector<1x1x16xi32>,
    %swap3A_1132 = vector.shape_cast %swap3A_1131 : vector<1x1x16xi32> to vector<16xi32>
    %swap3A_1133 = vector.shape_cast %add3A_1125 : vector<16xi32> to vector<1x1x16xi32>
    tpu.vector_store %arg10[%swap3A_1128, %swap3A_1129, %swap3A_1130], %swap3A_1133 {strides = array<i32>} : memref<2x8x80xi32, #tpu.memory_space<vmem>>, vector<1x1x16xi32>,
    %get3A_1134 = arith.constant 0 : i32
    %get3A_1135 = arith.index_cast %get3A_1134 : i32 to index
    %get3A_1136 = arith.constant 352 : index
    %get3A_1137 = tpu.vector_load %arg7[%get3A_1135, %get3A_1136] {strides = array<i32>} : memref<2x640xi32, #tpu.memory_space<vmem>>, vector<1x16xi32>,
    %get3A_1138 = vector.shape_cast %get3A_1137 : vector<1x16xi32> to vector<16xi32>
    %jit3A_1139 = arith.constant 0 : i32
    %jit3A_1140 = arith.constant 9 : i32
    %max3A_1141 = vector.broadcast %jit3A_1139 : i32 to vector<16xi32>
    %max3A_1142 = arith.maxsi %max3A_1141, %get3A_1138 : vector<16xi32>
    %min3A_1143 = vector.broadcast %jit3A_1140 : i32 to vector<16xi32>
    %min3A_1144 = arith.minsi %min3A_1143, %max3A_1142 : vector<16xi32>
    %get3A_1145 = arith.constant 0 : i32
    %get3A_1146 = arith.index_cast %get3A_1145 : i32 to index
    %get3A_1147 = arith.constant 352 : index
    %get3A_1148 = tpu.vector_load %arg8[%get3A_1146, %get3A_1147] {strides = array<i32>} : memref<2x640xi32, #tpu.memory_space<vmem>>, vector<1x16xi32>,
    %get3A_1149 = vector.shape_cast %get3A_1148 : vector<1x16xi32> to vector<16xi32>
    %jit3A_1150 = arith.constant 0 : i32
    %jit3A_1151 = arith.constant 63 : i32
    %max3A_1152 = vector.broadcast %jit3A_1150 : i32 to vector<16xi32>
    %max3A_1153 = arith.maxsi %max3A_1152, %get3A_1149 : vector<16xi32>
    %min3A_1154 = vector.broadcast %jit3A_1151 : i32 to vector<16xi32>
    %min3A_1155 = arith.minsi %min3A_1154, %max3A_1153 : vector<16xi32>
    %get3A_1156 = arith.constant 0 : i32
    %get3A_1157 = arith.index_cast %get3A_1156 : i32 to index
    %get3A_1158 = arith.constant 352 : index
    %get3A_1159 = tpu.vector_load %arg9[%get3A_1157, %get3A_1158] {strides = array<i32>} : memref<2x640xi32, #tpu.memory_space<vmem>>, vector<1x16xi32>,
    %get3A_1160 = vector.shape_cast %get3A_1159 : vector<1x16xi32> to vector<16xi32>
    %jit3A_1161 = arith.constant 0 : i32
    %jit3A_1162 = arith.constant 63 : i32
    %max3A_1163 = vector.broadcast %jit3A_1161 : i32 to vector<16xi32>
    %max3A_1164 = arith.maxsi %max3A_1163, %get3A_1160 : vector<16xi32>
    %min3A_1165 = vector.broadcast %jit3A_1162 : i32 to vector<16xi32>
    %min3A_1166 = arith.minsi %min3A_1165, %max3A_1164 : vector<16xi32>
    %mul3A_1167 = arith.constant 4096 : i32
    %mul3A_1168 = vector.broadcast %mul3A_1167 : i32 to vector<16xi32>
    %mul3A_1169 = arith.muli %min3A_1144, %mul3A_1168 : vector<16xi32>
    %mul3A_1170 = arith.constant 64 : i32
    %mul3A_1171 = vector.broadcast %mul3A_1170 : i32 to vector<16xi32>
    %mul3A_1172 = arith.muli %min3A_1155, %mul3A_1171 : vector<16xi32>
    %add3A_1173 = arith.addi %mul3A_1169, %mul3A_1172 : vector<16xi32>
    %add3A_1174 = arith.addi %add3A_1173, %min3A_1166 : vector<16xi32>
    %swap3A_1175 = arith.constant 0 : i32
    %swap3A_1176 = arith.constant 4 : i32
    %swap3A_1177 = arith.index_cast %swap3A_1175 : i32 to index
    %swap3A_1178 = arith.index_cast %swap3A_1176 : i32 to index
    %swap3A_1179 = arith.constant 32 : index
    %swap3A_1180 = tpu.vector_load %arg10[%swap3A_1177, %swap3A_1178, %swap3A_1179] {strides = array<i32>} : memref<2x8x80xi32, #tpu.memory_space<vmem>>, vector<1x1x16xi32>,
    %swap3A_1181 = vector.shape_cast %swap3A_1180 : vector<1x1x16xi32> to vector<16xi32>
    %swap3A_1182 = vector.shape_cast %add3A_1174 : vector<16xi32> to vector<1x1x16xi32>
    tpu.vector_store %arg10[%swap3A_1177, %swap3A_1178, %swap3A_1179], %swap3A_1182 {strides = array<i32>} : memref<2x8x80xi32, #tpu.memory_space<vmem>>, vector<1x1x16xi32>,
    %get3A_1183 = arith.constant 0 : i32
    %get3A_1184 = arith.index_cast %get3A_1183 : i32 to index
    %get3A_1185 = arith.constant 368 : index
    %get3A_1186 = tpu.vector_load %arg7[%get3A_1184, %get3A_1185] {strides = array<i32>} : memref<2x640xi32, #tpu.memory_space<vmem>>, vector<1x16xi32>,
    %get3A_1187 = vector.shape_cast %get3A_1186 : vector<1x16xi32> to vector<16xi32>
    %jit3A_1188 = arith.constant 0 : i32
    %jit3A_1189 = arith.constant 9 : i32
    %max3A_1190 = vector.broadcast %jit3A_1188 : i32 to vector<16xi32>
    %max3A_1191 = arith.maxsi %max3A_1190, %get3A_1187 : vector<16xi32>
    %min3A_1192 = vector.broadcast %jit3A_1189 : i32 to vector<16xi32>
    %min3A_1193 = arith.minsi %min3A_1192, %max3A_1191 : vector<16xi32>
    %get3A_1194 = arith.constant 0 : i32
    %get3A_1195 = arith.index_cast %get3A_1194 : i32 to index
    %get3A_1196 = arith.constant 368 : index
    %get3A_1197 = tpu.vector_load %arg8[%get3A_1195, %get3A_1196] {strides = array<i32>} : memref<2x640xi32, #tpu.memory_space<vmem>>, vector<1x16xi32>,
    %get3A_1198 = vector.shape_cast %get3A_1197 : vector<1x16xi32> to vector<16xi32>
    %jit3A_1199 = arith.constant 0 : i32
    %jit3A_1200 = arith.constant 63 : i32
    %max3A_1201 = vector.broadcast %jit3A_1199 : i32 to vector<16xi32>
    %max3A_1202 = arith.maxsi %max3A_1201, %get3A_1198 : vector<16xi32>
    %min3A_1203 = vector.broadcast %jit3A_1200 : i32 to vector<16xi32>
    %min3A_1204 = arith.minsi %min3A_1203, %max3A_1202 : vector<16xi32>
    %get3A_1205 = arith.constant 0 : i32
    %get3A_1206 = arith.index_cast %get3A_1205 : i32 to index
    %get3A_1207 = arith.constant 368 : index
    %get3A_1208 = tpu.vector_load %arg9[%get3A_1206, %get3A_1207] {strides = array<i32>} : memref<2x640xi32, #tpu.memory_space<vmem>>, vector<1x16xi32>,
    %get3A_1209 = vector.shape_cast %get3A_1208 : vector<1x16xi32> to vector<16xi32>
    %jit3A_1210 = arith.constant 0 : i32
    %jit3A_1211 = arith.constant 63 : i32
    %max3A_1212 = vector.broadcast %jit3A_1210 : i32 to vector<16xi32>
    %max3A_1213 = arith.maxsi %max3A_1212, %get3A_1209 : vector<16xi32>
    %min3A_1214 = vector.broadcast %jit3A_1211 : i32 to vector<16xi32>
    %min3A_1215 = arith.minsi %min3A_1214, %max3A_1213 : vector<16xi32>
    %mul3A_1216 = arith.constant 4096 : i32
    %mul3A_1217 = vector.broadcast %mul3A_1216 : i32 to vector<16xi32>
    %mul3A_1218 = arith.muli %min3A_1193, %mul3A_1217 : vector<16xi32>
    %mul3A_1219 = arith.constant 64 : i32
    %mul3A_1220 = vector.broadcast %mul3A_1219 : i32 to vector<16xi32>
    %mul3A_1221 = arith.muli %min3A_1204, %mul3A_1220 : vector<16xi32>
    %add3A_1222 = arith.addi %mul3A_1218, %mul3A_1221 : vector<16xi32>
    %add3A_1223 = arith.addi %add3A_1222, %min3A_1215 : vector<16xi32>
    %swap3A_1224 = arith.constant 0 : i32
    %swap3A_1225 = arith.constant 4 : i32
    %swap3A_1226 = arith.index_cast %swap3A_1224 : i32 to index
    %swap3A_1227 = arith.index_cast %swap3A_1225 : i32 to index
    %swap3A_1228 = arith.constant 48 : index
    %swap3A_1229 = tpu.vector_load %arg10[%swap3A_1226, %swap3A_1227, %swap3A_1228] {strides = array<i32>} : memref<2x8x80xi32, #tpu.memory_space<vmem>>, vector<1x1x16xi32>,
    %swap3A_1230 = vector.shape_cast %swap3A_1229 : vector<1x1x16xi32> to vector<16xi32>
    %swap3A_1231 = vector.shape_cast %add3A_1223 : vector<16xi32> to vector<1x1x16xi32>
    tpu.vector_store %arg10[%swap3A_1226, %swap3A_1227, %swap3A_1228], %swap3A_1231 {strides = array<i32>} : memref<2x8x80xi32, #tpu.memory_space<vmem>>, vector<1x1x16xi32>,
    %get3A_1232 = arith.constant 0 : i32
    %get3A_1233 = arith.index_cast %get3A_1232 : i32 to index
    %get3A_1234 = arith.constant 384 : index
    %get3A_1235 = tpu.vector_load %arg7[%get3A_1233, %get3A_1234] {strides = array<i32>} : memref<2x640xi32, #tpu.memory_space<vmem>>, vector<1x16xi32>,
    %get3A_1236 = vector.shape_cast %get3A_1235 : vector<1x16xi32> to vector<16xi32>
    %jit3A_1237 = arith.constant 0 : i32
    %jit3A_1238 = arith.constant 9 : i32
    %max3A_1239 = vector.broadcast %jit3A_1237 : i32 to vector<16xi32>
    %max3A_1240 = arith.maxsi %max3A_1239, %get3A_1236 : vector<16xi32>
    %min3A_1241 = vector.broadcast %jit3A_1238 : i32 to vector<16xi32>
    %min3A_1242 = arith.minsi %min3A_1241, %max3A_1240 : vector<16xi32>
    %get3A_1243 = arith.constant 0 : i32
    %get3A_1244 = arith.index_cast %get3A_1243 : i32 to index
    %get3A_1245 = arith.constant 384 : index
    %get3A_1246 = tpu.vector_load %arg8[%get3A_1244, %get3A_1245] {strides = array<i32>} : memref<2x640xi32, #tpu.memory_space<vmem>>, vector<1x16xi32>,
    %get3A_1247 = vector.shape_cast %get3A_1246 : vector<1x16xi32> to vector<16xi32>
    %jit3A_1248 = arith.constant 0 : i32
    %jit3A_1249 = arith.constant 63 : i32
    %max3A_1250 = vector.broadcast %jit3A_1248 : i32 to vector<16xi32>
    %max3A_1251 = arith.maxsi %max3A_1250, %get3A_1247 : vector<16xi32>
    %min3A_1252 = vector.broadcast %jit3A_1249 : i32 to vector<16xi32>
    %min3A_1253 = arith.minsi %min3A_1252, %max3A_1251 : vector<16xi32>
    %get3A_1254 = arith.constant 0 : i32
    %get3A_1255 = arith.index_cast %get3A_1254 : i32 to index
    %get3A_1256 = arith.constant 384 : index
    %get3A_1257 = tpu.vector_load %arg9[%get3A_1255, %get3A_1256] {strides = array<i32>} : memref<2x640xi32, #tpu.memory_space<vmem>>, vector<1x16xi32>,
    %get3A_1258 = vector.shape_cast %get3A_1257 : vector<1x16xi32> to vector<16xi32>
    %jit3A_1259 = arith.constant 0 : i32
    %jit3A_1260 = arith.constant 63 : i32
    %max3A_1261 = vector.broadcast %jit3A_1259 : i32 to vector<16xi32>
    %max3A_1262 = arith.maxsi %max3A_1261, %get3A_1258 : vector<16xi32>
    %min3A_1263 = vector.broadcast %jit3A_1260 : i32 to vector<16xi32>
    %min3A_1264 = arith.minsi %min3A_1263, %max3A_1262 : vector<16xi32>
    %mul3A_1265 = arith.constant 4096 : i32
    %mul3A_1266 = vector.broadcast %mul3A_1265 : i32 to vector<16xi32>
    %mul3A_1267 = arith.muli %min3A_1242, %mul3A_1266 : vector<16xi32>
    %mul3A_1268 = arith.constant 64 : i32
    %mul3A_1269 = vector.broadcast %mul3A_1268 : i32 to vector<16xi32>
    %mul3A_1270 = arith.muli %min3A_1253, %mul3A_1269 : vector<16xi32>
    %add3A_1271 = arith.addi %mul3A_1267, %mul3A_1270 : vector<16xi32>
    %add3A_1272 = arith.addi %add3A_1271, %min3A_1264 : vector<16xi32>
    %swap3A_1273 = arith.constant 0 : i32
    %swap3A_1274 = arith.constant 4 : i32
    %swap3A_1275 = arith.index_cast %swap3A_1273 : i32 to index
    %swap3A_1276 = arith.index_cast %swap3A_1274 : i32 to index
    %swap3A_1277 = arith.constant 64 : index
    %swap3A_1278 = tpu.vector_load %arg10[%swap3A_1275, %swap3A_1276, %swap3A_1277] {strides = array<i32>} : memref<2x8x80xi32, #tpu.memory_space<vmem>>, vector<1x1x16xi32>,
    %swap3A_1279 = vector.shape_cast %swap3A_1278 : vector<1x1x16xi32> to vector<16xi32>
    %swap3A_1280 = vector.shape_cast %add3A_1272 : vector<16xi32> to vector<1x1x16xi32>
    tpu.vector_store %arg10[%swap3A_1275, %swap3A_1276, %swap3A_1277], %swap3A_1280 {strides = array<i32>} : memref<2x8x80xi32, #tpu.memory_space<vmem>>, vector<1x1x16xi32>,
    %get3A_1281 = arith.constant 0 : i32
    %get3A_1282 = arith.index_cast %get3A_1281 : i32 to index
    %get3A_1283 = arith.constant 400 : index
    %get3A_1284 = tpu.vector_load %arg7[%get3A_1282, %get3A_1283] {strides = array<i32>} : memref<2x640xi32, #tpu.memory_space<vmem>>, vector<1x16xi32>,
    %get3A_1285 = vector.shape_cast %get3A_1284 : vector<1x16xi32> to vector<16xi32>
    %jit3A_1286 = arith.constant 0 : i32
    %jit3A_1287 = arith.constant 9 : i32
    %max3A_1288 = vector.broadcast %jit3A_1286 : i32 to vector<16xi32>
    %max3A_1289 = arith.maxsi %max3A_1288, %get3A_1285 : vector<16xi32>
    %min3A_1290 = vector.broadcast %jit3A_1287 : i32 to vector<16xi32>
    %min3A_1291 = arith.minsi %min3A_1290, %max3A_1289 : vector<16xi32>
    %get3A_1292 = arith.constant 0 : i32
    %get3A_1293 = arith.index_cast %get3A_1292 : i32 to index
    %get3A_1294 = arith.constant 400 : index
    %get3A_1295 = tpu.vector_load %arg8[%get3A_1293, %get3A_1294] {strides = array<i32>} : memref<2x640xi32, #tpu.memory_space<vmem>>, vector<1x16xi32>,
    %get3A_1296 = vector.shape_cast %get3A_1295 : vector<1x16xi32> to vector<16xi32>
    %jit3A_1297 = arith.constant 0 : i32
    %jit3A_1298 = arith.constant 63 : i32
    %max3A_1299 = vector.broadcast %jit3A_1297 : i32 to vector<16xi32>
    %max3A_1300 = arith.maxsi %max3A_1299, %get3A_1296 : vector<16xi32>
    %min3A_1301 = vector.broadcast %jit3A_1298 : i32 to vector<16xi32>
    %min3A_1302 = arith.minsi %min3A_1301, %max3A_1300 : vector<16xi32>
    %get3A_1303 = arith.constant 0 : i32
    %get3A_1304 = arith.index_cast %get3A_1303 : i32 to index
    %get3A_1305 = arith.constant 400 : index
    %get3A_1306 = tpu.vector_load %arg9[%get3A_1304, %get3A_1305] {strides = array<i32>} : memref<2x640xi32, #tpu.memory_space<vmem>>, vector<1x16xi32>,
    %get3A_1307 = vector.shape_cast %get3A_1306 : vector<1x16xi32> to vector<16xi32>
    %jit3A_1308 = arith.constant 0 : i32
    %jit3A_1309 = arith.constant 63 : i32
    %max3A_1310 = vector.broadcast %jit3A_1308 : i32 to vector<16xi32>
    %max3A_1311 = arith.maxsi %max3A_1310, %get3A_1307 : vector<16xi32>
    %min3A_1312 = vector.broadcast %jit3A_1309 : i32 to vector<16xi32>
    %min3A_1313 = arith.minsi %min3A_1312, %max3A_1311 : vector<16xi32>
    %mul3A_1314 = arith.constant 4096 : i32
    %mul3A_1315 = vector.broadcast %mul3A_1314 : i32 to vector<16xi32>
    %mul3A_1316 = arith.muli %min3A_1291, %mul3A_1315 : vector<16xi32>
    %mul3A_1317 = arith.constant 64 : i32
    %mul3A_1318 = vector.broadcast %mul3A_1317 : i32 to vector<16xi32>
    %mul3A_1319 = arith.muli %min3A_1302, %mul3A_1318 : vector<16xi32>
    %add3A_1320 = arith.addi %mul3A_1316, %mul3A_1319 : vector<16xi32>
    %add3A_1321 = arith.addi %add3A_1320, %min3A_1313 : vector<16xi32>
    %swap3A_1322 = arith.constant 0 : i32
    %swap3A_1323 = arith.constant 5 : i32
    %swap3A_1324 = arith.index_cast %swap3A_1322 : i32 to index
    %swap3A_1325 = arith.index_cast %swap3A_1323 : i32 to index
    %swap3A_1326 = arith.constant 0 : index
    %swap3A_1327 = tpu.vector_load %arg10[%swap3A_1324, %swap3A_1325, %swap3A_1326] {strides = array<i32>} : memref<2x8x80xi32, #tpu.memory_space<vmem>>, vector<1x1x16xi32>,
    %swap3A_1328 = vector.shape_cast %swap3A_1327 : vector<1x1x16xi32> to vector<16xi32>
    %swap3A_1329 = vector.shape_cast %add3A_1321 : vector<16xi32> to vector<1x1x16xi32>
    tpu.vector_store %arg10[%swap3A_1324, %swap3A_1325, %swap3A_1326], %swap3A_1329 {strides = array<i32>} : memref<2x8x80xi32, #tpu.memory_space<vmem>>, vector<1x1x16xi32>,
    %get3A_1330 = arith.constant 0 : i32
    %get3A_1331 = arith.index_cast %get3A_1330 : i32 to index
    %get3A_1332 = arith.constant 416 : index
    %get3A_1333 = tpu.vector_load %arg7[%get3A_1331, %get3A_1332] {strides = array<i32>} : memref<2x640xi32, #tpu.memory_space<vmem>>, vector<1x16xi32>,
    %get3A_1334 = vector.shape_cast %get3A_1333 : vector<1x16xi32> to vector<16xi32>
    %jit3A_1335 = arith.constant 0 : i32
    %jit3A_1336 = arith.constant 9 : i32
    %max3A_1337 = vector.broadcast %jit3A_1335 : i32 to vector<16xi32>
    %max3A_1338 = arith.maxsi %max3A_1337, %get3A_1334 : vector<16xi32>
    %min3A_1339 = vector.broadcast %jit3A_1336 : i32 to vector<16xi32>
    %min3A_1340 = arith.minsi %min3A_1339, %max3A_1338 : vector<16xi32>
    %get3A_1341 = arith.constant 0 : i32
    %get3A_1342 = arith.index_cast %get3A_1341 : i32 to index
    %get3A_1343 = arith.constant 416 : index
    %get3A_1344 = tpu.vector_load %arg8[%get3A_1342, %get3A_1343] {strides = array<i32>} : memref<2x640xi32, #tpu.memory_space<vmem>>, vector<1x16xi32>,
    %get3A_1345 = vector.shape_cast %get3A_1344 : vector<1x16xi32> to vector<16xi32>
    %jit3A_1346 = arith.constant 0 : i32
    %jit3A_1347 = arith.constant 63 : i32
    %max3A_1348 = vector.broadcast %jit3A_1346 : i32 to vector<16xi32>
    %max3A_1349 = arith.maxsi %max3A_1348, %get3A_1345 : vector<16xi32>
    %min3A_1350 = vector.broadcast %jit3A_1347 : i32 to vector<16xi32>
    %min3A_1351 = arith.minsi %min3A_1350, %max3A_1349 : vector<16xi32>
    %get3A_1352 = arith.constant 0 : i32
    %get3A_1353 = arith.index_cast %get3A_1352 : i32 to index
    %get3A_1354 = arith.constant 416 : index
    %get3A_1355 = tpu.vector_load %arg9[%get3A_1353, %get3A_1354] {strides = array<i32>} : memref<2x640xi32, #tpu.memory_space<vmem>>, vector<1x16xi32>,
    %get3A_1356 = vector.shape_cast %get3A_1355 : vector<1x16xi32> to vector<16xi32>
    %jit3A_1357 = arith.constant 0 : i32
    %jit3A_1358 = arith.constant 63 : i32
    %max3A_1359 = vector.broadcast %jit3A_1357 : i32 to vector<16xi32>
    %max3A_1360 = arith.maxsi %max3A_1359, %get3A_1356 : vector<16xi32>
    %min3A_1361 = vector.broadcast %jit3A_1358 : i32 to vector<16xi32>
    %min3A_1362 = arith.minsi %min3A_1361, %max3A_1360 : vector<16xi32>
    %mul3A_1363 = arith.constant 4096 : i32
    %mul3A_1364 = vector.broadcast %mul3A_1363 : i32 to vector<16xi32>
    %mul3A_1365 = arith.muli %min3A_1340, %mul3A_1364 : vector<16xi32>
    %mul3A_1366 = arith.constant 64 : i32
    %mul3A_1367 = vector.broadcast %mul3A_1366 : i32 to vector<16xi32>
    %mul3A_1368 = arith.muli %min3A_1351, %mul3A_1367 : vector<16xi32>
    %add3A_1369 = arith.addi %mul3A_1365, %mul3A_1368 : vector<16xi32>
    %add3A_1370 = arith.addi %add3A_1369, %min3A_1362 : vector<16xi32>
    %swap3A_1371 = arith.constant 0 : i32
    %swap3A_1372 = arith.constant 5 : i32
    %swap3A_1373 = arith.index_cast %swap3A_1371 : i32 to index
    %swap3A_1374 = arith.index_cast %swap3A_1372 : i32 to index
    %swap3A_1375 = arith.constant 16 : index
    %swap3A_1376 = tpu.vector_load %arg10[%swap3A_1373, %swap3A_1374, %swap3A_1375] {strides = array<i32>} : memref<2x8x80xi32, #tpu.memory_space<vmem>>, vector<1x1x16xi32>,
    %swap3A_1377 = vector.shape_cast %swap3A_1376 : vector<1x1x16xi32> to vector<16xi32>
    %swap3A_1378 = vector.shape_cast %add3A_1370 : vector<16xi32> to vector<1x1x16xi32>
    tpu.vector_store %arg10[%swap3A_1373, %swap3A_1374, %swap3A_1375], %swap3A_1378 {strides = array<i32>} : memref<2x8x80xi32, #tpu.memory_space<vmem>>, vector<1x1x16xi32>,
    %get3A_1379 = arith.constant 0 : i32
    %get3A_1380 = arith.index_cast %get3A_1379 : i32 to index
    %get3A_1381 = arith.constant 432 : index
    %get3A_1382 = tpu.vector_load %arg7[%get3A_1380, %get3A_1381] {strides = array<i32>} : memref<2x640xi32, #tpu.memory_space<vmem>>, vector<1x16xi32>,
    %get3A_1383 = vector.shape_cast %get3A_1382 : vector<1x16xi32> to vector<16xi32>
    %jit3A_1384 = arith.constant 0 : i32
    %jit3A_1385 = arith.constant 9 : i32
    %max3A_1386 = vector.broadcast %jit3A_1384 : i32 to vector<16xi32>
    %max3A_1387 = arith.maxsi %max3A_1386, %get3A_1383 : vector<16xi32>
    %min3A_1388 = vector.broadcast %jit3A_1385 : i32 to vector<16xi32>
    %min3A_1389 = arith.minsi %min3A_1388, %max3A_1387 : vector<16xi32>
    %get3A_1390 = arith.constant 0 : i32
    %get3A_1391 = arith.index_cast %get3A_1390 : i32 to index
    %get3A_1392 = arith.constant 432 : index
    %get3A_1393 = tpu.vector_load %arg8[%get3A_1391, %get3A_1392] {strides = array<i32>} : memref<2x640xi32, #tpu.memory_space<vmem>>, vector<1x16xi32>,
    %get3A_1394 = vector.shape_cast %get3A_1393 : vector<1x16xi32> to vector<16xi32>
    %jit3A_1395 = arith.constant 0 : i32
    %jit3A_1396 = arith.constant 63 : i32
    %max3A_1397 = vector.broadcast %jit3A_1395 : i32 to vector<16xi32>
    %max3A_1398 = arith.maxsi %max3A_1397, %get3A_1394 : vector<16xi32>
    %min3A_1399 = vector.broadcast %jit3A_1396 : i32 to vector<16xi32>
    %min3A_1400 = arith.minsi %min3A_1399, %max3A_1398 : vector<16xi32>
    %get3A_1401 = arith.constant 0 : i32
    %get3A_1402 = arith.index_cast %get3A_1401 : i32 to index
    %get3A_1403 = arith.constant 432 : index
    %get3A_1404 = tpu.vector_load %arg9[%get3A_1402, %get3A_1403] {strides = array<i32>} : memref<2x640xi32, #tpu.memory_space<vmem>>, vector<1x16xi32>,
    %get3A_1405 = vector.shape_cast %get3A_1404 : vector<1x16xi32> to vector<16xi32>
    %jit3A_1406 = arith.constant 0 : i32
    %jit3A_1407 = arith.constant 63 : i32
    %max3A_1408 = vector.broadcast %jit3A_1406 : i32 to vector<16xi32>
    %max3A_1409 = arith.maxsi %max3A_1408, %get3A_1405 : vector<16xi32>
    %min3A_1410 = vector.broadcast %jit3A_1407 : i32 to vector<16xi32>
    %min3A_1411 = arith.minsi %min3A_1410, %max3A_1409 : vector<16xi32>
    %mul3A_1412 = arith.constant 4096 : i32
    %mul3A_1413 = vector.broadcast %mul3A_1412 : i32 to vector<16xi32>
    %mul3A_1414 = arith.muli %min3A_1389, %mul3A_1413 : vector<16xi32>
    %mul3A_1415 = arith.constant 64 : i32
    %mul3A_1416 = vector.broadcast %mul3A_1415 : i32 to vector<16xi32>
    %mul3A_1417 = arith.muli %min3A_1400, %mul3A_1416 : vector<16xi32>
    %add3A_1418 = arith.addi %mul3A_1414, %mul3A_1417 : vector<16xi32>
    %add3A_1419 = arith.addi %add3A_1418, %min3A_1411 : vector<16xi32>
    %swap3A_1420 = arith.constant 0 : i32
    %swap3A_1421 = arith.constant 5 : i32
    %swap3A_1422 = arith.index_cast %swap3A_1420 : i32 to index
    %swap3A_1423 = arith.index_cast %swap3A_1421 : i32 to index
    %swap3A_1424 = arith.constant 32 : index
    %swap3A_1425 = tpu.vector_load %arg10[%swap3A_1422, %swap3A_1423, %swap3A_1424] {strides = array<i32>} : memref<2x8x80xi32, #tpu.memory_space<vmem>>, vector<1x1x16xi32>,
    %swap3A_1426 = vector.shape_cast %swap3A_1425 : vector<1x1x16xi32> to vector<16xi32>
    %swap3A_1427 = vector.shape_cast %add3A_1419 : vector<16xi32> to vector<1x1x16xi32>
    tpu.vector_store %arg10[%swap3A_1422, %swap3A_1423, %swap3A_1424], %swap3A_1427 {strides = array<i32>} : memref<2x8x80xi32, #tpu.memory_space<vmem>>, vector<1x1x16xi32>,
    %get3A_1428 = arith.constant 0 : i32
    %get3A_1429 = arith.index_cast %get3A_1428 : i32 to index
    %get3A_1430 = arith.constant 448 : index
    %get3A_1431 = tpu.vector_load %arg7[%get3A_1429, %get3A_1430] {strides = array<i32>} : memref<2x640xi32, #tpu.memory_space<vmem>>, vector<1x16xi32>,
    %get3A_1432 = vector.shape_cast %get3A_1431 : vector<1x16xi32> to vector<16xi32>
    %jit3A_1433 = arith.constant 0 : i32
    %jit3A_1434 = arith.constant 9 : i32
    %max3A_1435 = vector.broadcast %jit3A_1433 : i32 to vector<16xi32>
    %max3A_1436 = arith.maxsi %max3A_1435, %get3A_1432 : vector<16xi32>
    %min3A_1437 = vector.broadcast %jit3A_1434 : i32 to vector<16xi32>
    %min3A_1438 = arith.minsi %min3A_1437, %max3A_1436 : vector<16xi32>
    %get3A_1439 = arith.constant 0 : i32
    %get3A_1440 = arith.index_cast %get3A_1439 : i32 to index
    %get3A_1441 = arith.constant 448 : index
    %get3A_1442 = tpu.vector_load %arg8[%get3A_1440, %get3A_1441] {strides = array<i32>} : memref<2x640xi32, #tpu.memory_space<vmem>>, vector<1x16xi32>,
    %get3A_1443 = vector.shape_cast %get3A_1442 : vector<1x16xi32> to vector<16xi32>
    %jit3A_1444 = arith.constant 0 : i32
    %jit3A_1445 = arith.constant 63 : i32
    %max3A_1446 = vector.broadcast %jit3A_1444 : i32 to vector<16xi32>
    %max3A_1447 = arith.maxsi %max3A_1446, %get3A_1443 : vector<16xi32>
    %min3A_1448 = vector.broadcast %jit3A_1445 : i32 to vector<16xi32>
    %min3A_1449 = arith.minsi %min3A_1448, %max3A_1447 : vector<16xi32>
    %get3A_1450 = arith.constant 0 : i32
    %get3A_1451 = arith.index_cast %get3A_1450 : i32 to index
    %get3A_1452 = arith.constant 448 : index
    %get3A_1453 = tpu.vector_load %arg9[%get3A_1451, %get3A_1452] {strides = array<i32>} : memref<2x640xi32, #tpu.memory_space<vmem>>, vector<1x16xi32>,
    %get3A_1454 = vector.shape_cast %get3A_1453 : vector<1x16xi32> to vector<16xi32>
    %jit3A_1455 = arith.constant 0 : i32
    %jit3A_1456 = arith.constant 63 : i32
    %max3A_1457 = vector.broadcast %jit3A_1455 : i32 to vector<16xi32>
    %max3A_1458 = arith.maxsi %max3A_1457, %get3A_1454 : vector<16xi32>
    %min3A_1459 = vector.broadcast %jit3A_1456 : i32 to vector<16xi32>
    %min3A_1460 = arith.minsi %min3A_1459, %max3A_1458 : vector<16xi32>
    %mul3A_1461 = arith.constant 4096 : i32
    %mul3A_1462 = vector.broadcast %mul3A_1461 : i32 to vector<16xi32>
    %mul3A_1463 = arith.muli %min3A_1438, %mul3A_1462 : vector<16xi32>
    %mul3A_1464 = arith.constant 64 : i32
    %mul3A_1465 = vector.broadcast %mul3A_1464 : i32 to vector<16xi32>
    %mul3A_1466 = arith.muli %min3A_1449, %mul3A_1465 : vector<16xi32>
    %add3A_1467 = arith.addi %mul3A_1463, %mul3A_1466 : vector<16xi32>
    %add3A_1468 = arith.addi %add3A_1467, %min3A_1460 : vector<16xi32>
    %swap3A_1469 = arith.constant 0 : i32
    %swap3A_1470 = arith.constant 5 : i32
    %swap3A_1471 = arith.index_cast %swap3A_1469 : i32 to index
    %swap3A_1472 = arith.index_cast %swap3A_1470 : i32 to index
    %swap3A_1473 = arith.constant 48 : index
    %swap3A_1474 = tpu.vector_load %arg10[%swap3A_1471, %swap3A_1472, %swap3A_1473] {strides = array<i32>} : memref<2x8x80xi32, #tpu.memory_space<vmem>>, vector<1x1x16xi32>,
    %swap3A_1475 = vector.shape_cast %swap3A_1474 : vector<1x1x16xi32> to vector<16xi32>
    %swap3A_1476 = vector.shape_cast %add3A_1468 : vector<16xi32> to vector<1x1x16xi32>
    tpu.vector_store %arg10[%swap3A_1471, %swap3A_1472, %swap3A_1473], %swap3A_1476 {strides = array<i32>} : memref<2x8x80xi32, #tpu.memory_space<vmem>>, vector<1x1x16xi32>,
    %get3A_1477 = arith.constant 0 : i32
    %get3A_1478 = arith.index_cast %get3A_1477 : i32 to index
    %get3A_1479 = arith.constant 464 : index
    %get3A_1480 = tpu.vector_load %arg7[%get3A_1478, %get3A_1479] {strides = array<i32>} : memref<2x640xi32, #tpu.memory_space<vmem>>, vector<1x16xi32>,
    %get3A_1481 = vector.shape_cast %get3A_1480 : vector<1x16xi32> to vector<16xi32>
    %jit3A_1482 = arith.constant 0 : i32
    %jit3A_1483 = arith.constant 9 : i32
    %max3A_1484 = vector.broadcast %jit3A_1482 : i32 to vector<16xi32>
    %max3A_1485 = arith.maxsi %max3A_1484, %get3A_1481 : vector<16xi32>
    %min3A_1486 = vector.broadcast %jit3A_1483 : i32 to vector<16xi32>
    %min3A_1487 = arith.minsi %min3A_1486, %max3A_1485 : vector<16xi32>
    %get3A_1488 = arith.constant 0 : i32
    %get3A_1489 = arith.index_cast %get3A_1488 : i32 to index
    %get3A_1490 = arith.constant 464 : index
    %get3A_1491 = tpu.vector_load %arg8[%get3A_1489, %get3A_1490] {strides = array<i32>} : memref<2x640xi32, #tpu.memory_space<vmem>>, vector<1x16xi32>,
    %get3A_1492 = vector.shape_cast %get3A_1491 : vector<1x16xi32> to vector<16xi32>
    %jit3A_1493 = arith.constant 0 : i32
    %jit3A_1494 = arith.constant 63 : i32
    %max3A_1495 = vector.broadcast %jit3A_1493 : i32 to vector<16xi32>
    %max3A_1496 = arith.maxsi %max3A_1495, %get3A_1492 : vector<16xi32>
    %min3A_1497 = vector.broadcast %jit3A_1494 : i32 to vector<16xi32>
    %min3A_1498 = arith.minsi %min3A_1497, %max3A_1496 : vector<16xi32>
    %get3A_1499 = arith.constant 0 : i32
    %get3A_1500 = arith.index_cast %get3A_1499 : i32 to index
    %get3A_1501 = arith.constant 464 : index
    %get3A_1502 = tpu.vector_load %arg9[%get3A_1500, %get3A_1501] {strides = array<i32>} : memref<2x640xi32, #tpu.memory_space<vmem>>, vector<1x16xi32>,
    %get3A_1503 = vector.shape_cast %get3A_1502 : vector<1x16xi32> to vector<16xi32>
    %jit3A_1504 = arith.constant 0 : i32
    %jit3A_1505 = arith.constant 63 : i32
    %max3A_1506 = vector.broadcast %jit3A_1504 : i32 to vector<16xi32>
    %max3A_1507 = arith.maxsi %max3A_1506, %get3A_1503 : vector<16xi32>
    %min3A_1508 = vector.broadcast %jit3A_1505 : i32 to vector<16xi32>
    %min3A_1509 = arith.minsi %min3A_1508, %max3A_1507 : vector<16xi32>
    %mul3A_1510 = arith.constant 4096 : i32
    %mul3A_1511 = vector.broadcast %mul3A_1510 : i32 to vector<16xi32>
    %mul3A_1512 = arith.muli %min3A_1487, %mul3A_1511 : vector<16xi32>
    %mul3A_1513 = arith.constant 64 : i32
    %mul3A_1514 = vector.broadcast %mul3A_1513 : i32 to vector<16xi32>
    %mul3A_1515 = arith.muli %min3A_1498, %mul3A_1514 : vector<16xi32>
    %add3A_1516 = arith.addi %mul3A_1512, %mul3A_1515 : vector<16xi32>
    %add3A_1517 = arith.addi %add3A_1516, %min3A_1509 : vector<16xi32>
    %swap3A_1518 = arith.constant 0 : i32
    %swap3A_1519 = arith.constant 5 : i32
    %swap3A_1520 = arith.index_cast %swap3A_1518 : i32 to index
    %swap3A_1521 = arith.index_cast %swap3A_1519 : i32 to index
    %swap3A_1522 = arith.constant 64 : index
    %swap3A_1523 = tpu.vector_load %arg10[%swap3A_1520, %swap3A_1521, %swap3A_1522] {strides = array<i32>} : memref<2x8x80xi32, #tpu.memory_space<vmem>>, vector<1x1x16xi32>,
    %swap3A_1524 = vector.shape_cast %swap3A_1523 : vector<1x1x16xi32> to vector<16xi32>
    %swap3A_1525 = vector.shape_cast %add3A_1517 : vector<16xi32> to vector<1x1x16xi32>
    tpu.vector_store %arg10[%swap3A_1520, %swap3A_1521, %swap3A_1522], %swap3A_1525 {strides = array<i32>} : memref<2x8x80xi32, #tpu.memory_space<vmem>>, vector<1x1x16xi32>,
    %get3A_1526 = arith.constant 0 : i32
    %get3A_1527 = arith.index_cast %get3A_1526 : i32 to index
    %get3A_1528 = arith.constant 480 : index
    %get3A_1529 = tpu.vector_load %arg7[%get3A_1527, %get3A_1528] {strides = array<i32>} : memref<2x640xi32, #tpu.memory_space<vmem>>, vector<1x16xi32>,
    %get3A_1530 = vector.shape_cast %get3A_1529 : vector<1x16xi32> to vector<16xi32>
    %jit3A_1531 = arith.constant 0 : i32
    %jit3A_1532 = arith.constant 9 : i32
    %max3A_1533 = vector.broadcast %jit3A_1531 : i32 to vector<16xi32>
    %max3A_1534 = arith.maxsi %max3A_1533, %get3A_1530 : vector<16xi32>
    %min3A_1535 = vector.broadcast %jit3A_1532 : i32 to vector<16xi32>
    %min3A_1536 = arith.minsi %min3A_1535, %max3A_1534 : vector<16xi32>
    %get3A_1537 = arith.constant 0 : i32
    %get3A_1538 = arith.index_cast %get3A_1537 : i32 to index
    %get3A_1539 = arith.constant 480 : index
    %get3A_1540 = tpu.vector_load %arg8[%get3A_1538, %get3A_1539] {strides = array<i32>} : memref<2x640xi32, #tpu.memory_space<vmem>>, vector<1x16xi32>,
    %get3A_1541 = vector.shape_cast %get3A_1540 : vector<1x16xi32> to vector<16xi32>
    %jit3A_1542 = arith.constant 0 : i32
    %jit3A_1543 = arith.constant 63 : i32
    %max3A_1544 = vector.broadcast %jit3A_1542 : i32 to vector<16xi32>
    %max3A_1545 = arith.maxsi %max3A_1544, %get3A_1541 : vector<16xi32>
    %min3A_1546 = vector.broadcast %jit3A_1543 : i32 to vector<16xi32>
    %min3A_1547 = arith.minsi %min3A_1546, %max3A_1545 : vector<16xi32>
    %get3A_1548 = arith.constant 0 : i32
    %get3A_1549 = arith.index_cast %get3A_1548 : i32 to index
    %get3A_1550 = arith.constant 480 : index
    %get3A_1551 = tpu.vector_load %arg9[%get3A_1549, %get3A_1550] {strides = array<i32>} : memref<2x640xi32, #tpu.memory_space<vmem>>, vector<1x16xi32>,
    %get3A_1552 = vector.shape_cast %get3A_1551 : vector<1x16xi32> to vector<16xi32>
    %jit3A_1553 = arith.constant 0 : i32
    %jit3A_1554 = arith.constant 63 : i32
    %max3A_1555 = vector.broadcast %jit3A_1553 : i32 to vector<16xi32>
    %max3A_1556 = arith.maxsi %max3A_1555, %get3A_1552 : vector<16xi32>
    %min3A_1557 = vector.broadcast %jit3A_1554 : i32 to vector<16xi32>
    %min3A_1558 = arith.minsi %min3A_1557, %max3A_1556 : vector<16xi32>
    %mul3A_1559 = arith.constant 4096 : i32
    %mul3A_1560 = vector.broadcast %mul3A_1559 : i32 to vector<16xi32>
    %mul3A_1561 = arith.muli %min3A_1536, %mul3A_1560 : vector<16xi32>
    %mul3A_1562 = arith.constant 64 : i32
    %mul3A_1563 = vector.broadcast %mul3A_1562 : i32 to vector<16xi32>
    %mul3A_1564 = arith.muli %min3A_1547, %mul3A_1563 : vector<16xi32>
    %add3A_1565 = arith.addi %mul3A_1561, %mul3A_1564 : vector<16xi32>
    %add3A_1566 = arith.addi %add3A_1565, %min3A_1558 : vector<16xi32>
    %swap3A_1567 = arith.constant 0 : i32
    %swap3A_1568 = arith.constant 6 : i32
    %swap3A_1569 = arith.index_cast %swap3A_1567 : i32 to index
    %swap3A_1570 = arith.index_cast %swap3A_1568 : i32 to index
    %swap3A_1571 = arith.constant 0 : index
    %swap3A_1572 = tpu.vector_load %arg10[%swap3A_1569, %swap3A_1570, %swap3A_1571] {strides = array<i32>} : memref<2x8x80xi32, #tpu.memory_space<vmem>>, vector<1x1x16xi32>,
    %swap3A_1573 = vector.shape_cast %swap3A_1572 : vector<1x1x16xi32> to vector<16xi32>
    %swap3A_1574 = vector.shape_cast %add3A_1566 : vector<16xi32> to vector<1x1x16xi32>
    tpu.vector_store %arg10[%swap3A_1569, %swap3A_1570, %swap3A_1571], %swap3A_1574 {strides = array<i32>} : memref<2x8x80xi32, #tpu.memory_space<vmem>>, vector<1x1x16xi32>,
    %get3A_1575 = arith.constant 0 : i32
    %get3A_1576 = arith.index_cast %get3A_1575 : i32 to index
    %get3A_1577 = arith.constant 496 : index
    %get3A_1578 = tpu.vector_load %arg7[%get3A_1576, %get3A_1577] {strides = array<i32>} : memref<2x640xi32, #tpu.memory_space<vmem>>, vector<1x16xi32>,
    %get3A_1579 = vector.shape_cast %get3A_1578 : vector<1x16xi32> to vector<16xi32>
    %jit3A_1580 = arith.constant 0 : i32
    %jit3A_1581 = arith.constant 9 : i32
    %max3A_1582 = vector.broadcast %jit3A_1580 : i32 to vector<16xi32>
    %max3A_1583 = arith.maxsi %max3A_1582, %get3A_1579 : vector<16xi32>
    %min3A_1584 = vector.broadcast %jit3A_1581 : i32 to vector<16xi32>
    %min3A_1585 = arith.minsi %min3A_1584, %max3A_1583 : vector<16xi32>
    %get3A_1586 = arith.constant 0 : i32
    %get3A_1587 = arith.index_cast %get3A_1586 : i32 to index
    %get3A_1588 = arith.constant 496 : index
    %get3A_1589 = tpu.vector_load %arg8[%get3A_1587, %get3A_1588] {strides = array<i32>} : memref<2x640xi32, #tpu.memory_space<vmem>>, vector<1x16xi32>,
    %get3A_1590 = vector.shape_cast %get3A_1589 : vector<1x16xi32> to vector<16xi32>
    %jit3A_1591 = arith.constant 0 : i32
    %jit3A_1592 = arith.constant 63 : i32
    %max3A_1593 = vector.broadcast %jit3A_1591 : i32 to vector<16xi32>
    %max3A_1594 = arith.maxsi %max3A_1593, %get3A_1590 : vector<16xi32>
    %min3A_1595 = vector.broadcast %jit3A_1592 : i32 to vector<16xi32>
    %min3A_1596 = arith.minsi %min3A_1595, %max3A_1594 : vector<16xi32>
    %get3A_1597 = arith.constant 0 : i32
    %get3A_1598 = arith.index_cast %get3A_1597 : i32 to index
    %get3A_1599 = arith.constant 496 : index
    %get3A_1600 = tpu.vector_load %arg9[%get3A_1598, %get3A_1599] {strides = array<i32>} : memref<2x640xi32, #tpu.memory_space<vmem>>, vector<1x16xi32>,
    %get3A_1601 = vector.shape_cast %get3A_1600 : vector<1x16xi32> to vector<16xi32>
    %jit3A_1602 = arith.constant 0 : i32
    %jit3A_1603 = arith.constant 63 : i32
    %max3A_1604 = vector.broadcast %jit3A_1602 : i32 to vector<16xi32>
    %max3A_1605 = arith.maxsi %max3A_1604, %get3A_1601 : vector<16xi32>
    %min3A_1606 = vector.broadcast %jit3A_1603 : i32 to vector<16xi32>
    %min3A_1607 = arith.minsi %min3A_1606, %max3A_1605 : vector<16xi32>
    %mul3A_1608 = arith.constant 4096 : i32
    %mul3A_1609 = vector.broadcast %mul3A_1608 : i32 to vector<16xi32>
    %mul3A_1610 = arith.muli %min3A_1585, %mul3A_1609 : vector<16xi32>
    %mul3A_1611 = arith.constant 64 : i32
    %mul3A_1612 = vector.broadcast %mul3A_1611 : i32 to vector<16xi32>
    %mul3A_1613 = arith.muli %min3A_1596, %mul3A_1612 : vector<16xi32>
    %add3A_1614 = arith.addi %mul3A_1610, %mul3A_1613 : vector<16xi32>
    %add3A_1615 = arith.addi %add3A_1614, %min3A_1607 : vector<16xi32>
    %swap3A_1616 = arith.constant 0 : i32
    %swap3A_1617 = arith.constant 6 : i32
    %swap3A_1618 = arith.index_cast %swap3A_1616 : i32 to index
    %swap3A_1619 = arith.index_cast %swap3A_1617 : i32 to index
    %swap3A_1620 = arith.constant 16 : index
    %swap3A_1621 = tpu.vector_load %arg10[%swap3A_1618, %swap3A_1619, %swap3A_1620] {strides = array<i32>} : memref<2x8x80xi32, #tpu.memory_space<vmem>>, vector<1x1x16xi32>,
    %swap3A_1622 = vector.shape_cast %swap3A_1621 : vector<1x1x16xi32> to vector<16xi32>
    %swap3A_1623 = vector.shape_cast %add3A_1615 : vector<16xi32> to vector<1x1x16xi32>
    tpu.vector_store %arg10[%swap3A_1618, %swap3A_1619, %swap3A_1620], %swap3A_1623 {strides = array<i32>} : memref<2x8x80xi32, #tpu.memory_space<vmem>>, vector<1x1x16xi32>,
    %get3A_1624 = arith.constant 0 : i32
    %get3A_1625 = arith.index_cast %get3A_1624 : i32 to index
    %get3A_1626 = arith.constant 512 : index
    %get3A_1627 = tpu.vector_load %arg7[%get3A_1625, %get3A_1626] {strides = array<i32>} : memref<2x640xi32, #tpu.memory_space<vmem>>, vector<1x16xi32>,
    %get3A_1628 = vector.shape_cast %get3A_1627 : vector<1x16xi32> to vector<16xi32>
    %jit3A_1629 = arith.constant 0 : i32
    %jit3A_1630 = arith.constant 9 : i32
    %max3A_1631 = vector.broadcast %jit3A_1629 : i32 to vector<16xi32>
    %max3A_1632 = arith.maxsi %max3A_1631, %get3A_1628 : vector<16xi32>
    %min3A_1633 = vector.broadcast %jit3A_1630 : i32 to vector<16xi32>
    %min3A_1634 = arith.minsi %min3A_1633, %max3A_1632 : vector<16xi32>
    %get3A_1635 = arith.constant 0 : i32
    %get3A_1636 = arith.index_cast %get3A_1635 : i32 to index
    %get3A_1637 = arith.constant 512 : index
    %get3A_1638 = tpu.vector_load %arg8[%get3A_1636, %get3A_1637] {strides = array<i32>} : memref<2x640xi32, #tpu.memory_space<vmem>>, vector<1x16xi32>,
    %get3A_1639 = vector.shape_cast %get3A_1638 : vector<1x16xi32> to vector<16xi32>
    %jit3A_1640 = arith.constant 0 : i32
    %jit3A_1641 = arith.constant 63 : i32
    %max3A_1642 = vector.broadcast %jit3A_1640 : i32 to vector<16xi32>
    %max3A_1643 = arith.maxsi %max3A_1642, %get3A_1639 : vector<16xi32>
    %min3A_1644 = vector.broadcast %jit3A_1641 : i32 to vector<16xi32>
    %min3A_1645 = arith.minsi %min3A_1644, %max3A_1643 : vector<16xi32>
    %get3A_1646 = arith.constant 0 : i32
    %get3A_1647 = arith.index_cast %get3A_1646 : i32 to index
    %get3A_1648 = arith.constant 512 : index
    %get3A_1649 = tpu.vector_load %arg9[%get3A_1647, %get3A_1648] {strides = array<i32>} : memref<2x640xi32, #tpu.memory_space<vmem>>, vector<1x16xi32>,
    %get3A_1650 = vector.shape_cast %get3A_1649 : vector<1x16xi32> to vector<16xi32>
    %jit3A_1651 = arith.constant 0 : i32
    %jit3A_1652 = arith.constant 63 : i32
    %max3A_1653 = vector.broadcast %jit3A_1651 : i32 to vector<16xi32>
    %max3A_1654 = arith.maxsi %max3A_1653, %get3A_1650 : vector<16xi32>
    %min3A_1655 = vector.broadcast %jit3A_1652 : i32 to vector<16xi32>
    %min3A_1656 = arith.minsi %min3A_1655, %max3A_1654 : vector<16xi32>
    %mul3A_1657 = arith.constant 4096 : i32
    %mul3A_1658 = vector.broadcast %mul3A_1657 : i32 to vector<16xi32>
    %mul3A_1659 = arith.muli %min3A_1634, %mul3A_1658 : vector<16xi32>
    %mul3A_1660 = arith.constant 64 : i32
    %mul3A_1661 = vector.broadcast %mul3A_1660 : i32 to vector<16xi32>
    %mul3A_1662 = arith.muli %min3A_1645, %mul3A_1661 : vector<16xi32>
    %add3A_1663 = arith.addi %mul3A_1659, %mul3A_1662 : vector<16xi32>
    %add3A_1664 = arith.addi %add3A_1663, %min3A_1656 : vector<16xi32>
    %swap3A_1665 = arith.constant 0 : i32
    %swap3A_1666 = arith.constant 6 : i32
    %swap3A_1667 = arith.index_cast %swap3A_1665 : i32 to index
    %swap3A_1668 = arith.index_cast %swap3A_1666 : i32 to index
    %swap3A_1669 = arith.constant 32 : index
    %swap3A_1670 = tpu.vector_load %arg10[%swap3A_1667, %swap3A_1668, %swap3A_1669] {strides = array<i32>} : memref<2x8x80xi32, #tpu.memory_space<vmem>>, vector<1x1x16xi32>,
    %swap3A_1671 = vector.shape_cast %swap3A_1670 : vector<1x1x16xi32> to vector<16xi32>
    %swap3A_1672 = vector.shape_cast %add3A_1664 : vector<16xi32> to vector<1x1x16xi32>
    tpu.vector_store %arg10[%swap3A_1667, %swap3A_1668, %swap3A_1669], %swap3A_1672 {strides = array<i32>} : memref<2x8x80xi32, #tpu.memory_space<vmem>>, vector<1x1x16xi32>,
    %get3A_1673 = arith.constant 0 : i32
    %get3A_1674 = arith.index_cast %get3A_1673 : i32 to index
    %get3A_1675 = arith.constant 528 : index
    %get3A_1676 = tpu.vector_load %arg7[%get3A_1674, %get3A_1675] {strides = array<i32>} : memref<2x640xi32, #tpu.memory_space<vmem>>, vector<1x16xi32>,
    %get3A_1677 = vector.shape_cast %get3A_1676 : vector<1x16xi32> to vector<16xi32>
    %jit3A_1678 = arith.constant 0 : i32
    %jit3A_1679 = arith.constant 9 : i32
    %max3A_1680 = vector.broadcast %jit3A_1678 : i32 to vector<16xi32>
    %max3A_1681 = arith.maxsi %max3A_1680, %get3A_1677 : vector<16xi32>
    %min3A_1682 = vector.broadcast %jit3A_1679 : i32 to vector<16xi32>
    %min3A_1683 = arith.minsi %min3A_1682, %max3A_1681 : vector<16xi32>
    %get3A_1684 = arith.constant 0 : i32
    %get3A_1685 = arith.index_cast %get3A_1684 : i32 to index
    %get3A_1686 = arith.constant 528 : index
    %get3A_1687 = tpu.vector_load %arg8[%get3A_1685, %get3A_1686] {strides = array<i32>} : memref<2x640xi32, #tpu.memory_space<vmem>>, vector<1x16xi32>,
    %get3A_1688 = vector.shape_cast %get3A_1687 : vector<1x16xi32> to vector<16xi32>
    %jit3A_1689 = arith.constant 0 : i32
    %jit3A_1690 = arith.constant 63 : i32
    %max3A_1691 = vector.broadcast %jit3A_1689 : i32 to vector<16xi32>
    %max3A_1692 = arith.maxsi %max3A_1691, %get3A_1688 : vector<16xi32>
    %min3A_1693 = vector.broadcast %jit3A_1690 : i32 to vector<16xi32>
    %min3A_1694 = arith.minsi %min3A_1693, %max3A_1692 : vector<16xi32>
    %get3A_1695 = arith.constant 0 : i32
    %get3A_1696 = arith.index_cast %get3A_1695 : i32 to index
    %get3A_1697 = arith.constant 528 : index
    %get3A_1698 = tpu.vector_load %arg9[%get3A_1696, %get3A_1697] {strides = array<i32>} : memref<2x640xi32, #tpu.memory_space<vmem>>, vector<1x16xi32>,
    %get3A_1699 = vector.shape_cast %get3A_1698 : vector<1x16xi32> to vector<16xi32>
    %jit3A_1700 = arith.constant 0 : i32
    %jit3A_1701 = arith.constant 63 : i32
    %max3A_1702 = vector.broadcast %jit3A_1700 : i32 to vector<16xi32>
    %max3A_1703 = arith.maxsi %max3A_1702, %get3A_1699 : vector<16xi32>
    %min3A_1704 = vector.broadcast %jit3A_1701 : i32 to vector<16xi32>
    %min3A_1705 = arith.minsi %min3A_1704, %max3A_1703 : vector<16xi32>
    %mul3A_1706 = arith.constant 4096 : i32
    %mul3A_1707 = vector.broadcast %mul3A_1706 : i32 to vector<16xi32>
    %mul3A_1708 = arith.muli %min3A_1683, %mul3A_1707 : vector<16xi32>
    %mul3A_1709 = arith.constant 64 : i32
    %mul3A_1710 = vector.broadcast %mul3A_1709 : i32 to vector<16xi32>
    %mul3A_1711 = arith.muli %min3A_1694, %mul3A_1710 : vector<16xi32>
    %add3A_1712 = arith.addi %mul3A_1708, %mul3A_1711 : vector<16xi32>
    %add3A_1713 = arith.addi %add3A_1712, %min3A_1705 : vector<16xi32>
    %swap3A_1714 = arith.constant 0 : i32
    %swap3A_1715 = arith.constant 6 : i32
    %swap3A_1716 = arith.index_cast %swap3A_1714 : i32 to index
    %swap3A_1717 = arith.index_cast %swap3A_1715 : i32 to index
    %swap3A_1718 = arith.constant 48 : index
    %swap3A_1719 = tpu.vector_load %arg10[%swap3A_1716, %swap3A_1717, %swap3A_1718] {strides = array<i32>} : memref<2x8x80xi32, #tpu.memory_space<vmem>>, vector<1x1x16xi32>,
    %swap3A_1720 = vector.shape_cast %swap3A_1719 : vector<1x1x16xi32> to vector<16xi32>
    %swap3A_1721 = vector.shape_cast %add3A_1713 : vector<16xi32> to vector<1x1x16xi32>
    tpu.vector_store %arg10[%swap3A_1716, %swap3A_1717, %swap3A_1718], %swap3A_1721 {strides = array<i32>} : memref<2x8x80xi32, #tpu.memory_space<vmem>>, vector<1x1x16xi32>,
    %get3A_1722 = arith.constant 0 : i32
    %get3A_1723 = arith.index_cast %get3A_1722 : i32 to index
    %get3A_1724 = arith.constant 544 : index
    %get3A_1725 = tpu.vector_load %arg7[%get3A_1723, %get3A_1724] {strides = array<i32>} : memref<2x640xi32, #tpu.memory_space<vmem>>, vector<1x16xi32>,
    %get3A_1726 = vector.shape_cast %get3A_1725 : vector<1x16xi32> to vector<16xi32>
    %jit3A_1727 = arith.constant 0 : i32
    %jit3A_1728 = arith.constant 9 : i32
    %max3A_1729 = vector.broadcast %jit3A_1727 : i32 to vector<16xi32>
    %max3A_1730 = arith.maxsi %max3A_1729, %get3A_1726 : vector<16xi32>
    %min3A_1731 = vector.broadcast %jit3A_1728 : i32 to vector<16xi32>
    %min3A_1732 = arith.minsi %min3A_1731, %max3A_1730 : vector<16xi32>
    %get3A_1733 = arith.constant 0 : i32
    %get3A_1734 = arith.index_cast %get3A_1733 : i32 to index
    %get3A_1735 = arith.constant 544 : index
    %get3A_1736 = tpu.vector_load %arg8[%get3A_1734, %get3A_1735] {strides = array<i32>} : memref<2x640xi32, #tpu.memory_space<vmem>>, vector<1x16xi32>,
    %get3A_1737 = vector.shape_cast %get3A_1736 : vector<1x16xi32> to vector<16xi32>
    %jit3A_1738 = arith.constant 0 : i32
    %jit3A_1739 = arith.constant 63 : i32
    %max3A_1740 = vector.broadcast %jit3A_1738 : i32 to vector<16xi32>
    %max3A_1741 = arith.maxsi %max3A_1740, %get3A_1737 : vector<16xi32>
    %min3A_1742 = vector.broadcast %jit3A_1739 : i32 to vector<16xi32>
    %min3A_1743 = arith.minsi %min3A_1742, %max3A_1741 : vector<16xi32>
    %get3A_1744 = arith.constant 0 : i32
    %get3A_1745 = arith.index_cast %get3A_1744 : i32 to index
    %get3A_1746 = arith.constant 544 : index
    %get3A_1747 = tpu.vector_load %arg9[%get3A_1745, %get3A_1746] {strides = array<i32>} : memref<2x640xi32, #tpu.memory_space<vmem>>, vector<1x16xi32>,
    %get3A_1748 = vector.shape_cast %get3A_1747 : vector<1x16xi32> to vector<16xi32>
    %jit3A_1749 = arith.constant 0 : i32
    %jit3A_1750 = arith.constant 63 : i32
    %max3A_1751 = vector.broadcast %jit3A_1749 : i32 to vector<16xi32>
    %max3A_1752 = arith.maxsi %max3A_1751, %get3A_1748 : vector<16xi32>
    %min3A_1753 = vector.broadcast %jit3A_1750 : i32 to vector<16xi32>
    %min3A_1754 = arith.minsi %min3A_1753, %max3A_1752 : vector<16xi32>
    %mul3A_1755 = arith.constant 4096 : i32
    %mul3A_1756 = vector.broadcast %mul3A_1755 : i32 to vector<16xi32>
    %mul3A_1757 = arith.muli %min3A_1732, %mul3A_1756 : vector<16xi32>
    %mul3A_1758 = arith.constant 64 : i32
    %mul3A_1759 = vector.broadcast %mul3A_1758 : i32 to vector<16xi32>
    %mul3A_1760 = arith.muli %min3A_1743, %mul3A_1759 : vector<16xi32>
    %add3A_1761 = arith.addi %mul3A_1757, %mul3A_1760 : vector<16xi32>
    %add3A_1762 = arith.addi %add3A_1761, %min3A_1754 : vector<16xi32>
    %swap3A_1763 = arith.constant 0 : i32
    %swap3A_1764 = arith.constant 6 : i32
    %swap3A_1765 = arith.index_cast %swap3A_1763 : i32 to index
    %swap3A_1766 = arith.index_cast %swap3A_1764 : i32 to index
    %swap3A_1767 = arith.constant 64 : index
    %swap3A_1768 = tpu.vector_load %arg10[%swap3A_1765, %swap3A_1766, %swap3A_1767] {strides = array<i32>} : memref<2x8x80xi32, #tpu.memory_space<vmem>>, vector<1x1x16xi32>,
    %swap3A_1769 = vector.shape_cast %swap3A_1768 : vector<1x1x16xi32> to vector<16xi32>
    %swap3A_1770 = vector.shape_cast %add3A_1762 : vector<16xi32> to vector<1x1x16xi32>
    tpu.vector_store %arg10[%swap3A_1765, %swap3A_1766, %swap3A_1767], %swap3A_1770 {strides = array<i32>} : memref<2x8x80xi32, #tpu.memory_space<vmem>>, vector<1x1x16xi32>,
    %get3A_1771 = arith.constant 0 : i32
    %get3A_1772 = arith.index_cast %get3A_1771 : i32 to index
    %get3A_1773 = arith.constant 560 : index
    %get3A_1774 = tpu.vector_load %arg7[%get3A_1772, %get3A_1773] {strides = array<i32>} : memref<2x640xi32, #tpu.memory_space<vmem>>, vector<1x16xi32>,
    %get3A_1775 = vector.shape_cast %get3A_1774 : vector<1x16xi32> to vector<16xi32>
    %jit3A_1776 = arith.constant 0 : i32
    %jit3A_1777 = arith.constant 9 : i32
    %max3A_1778 = vector.broadcast %jit3A_1776 : i32 to vector<16xi32>
    %max3A_1779 = arith.maxsi %max3A_1778, %get3A_1775 : vector<16xi32>
    %min3A_1780 = vector.broadcast %jit3A_1777 : i32 to vector<16xi32>
    %min3A_1781 = arith.minsi %min3A_1780, %max3A_1779 : vector<16xi32>
    %get3A_1782 = arith.constant 0 : i32
    %get3A_1783 = arith.index_cast %get3A_1782 : i32 to index
    %get3A_1784 = arith.constant 560 : index
    %get3A_1785 = tpu.vector_load %arg8[%get3A_1783, %get3A_1784] {strides = array<i32>} : memref<2x640xi32, #tpu.memory_space<vmem>>, vector<1x16xi32>,
    %get3A_1786 = vector.shape_cast %get3A_1785 : vector<1x16xi32> to vector<16xi32>
    %jit3A_1787 = arith.constant 0 : i32
    %jit3A_1788 = arith.constant 63 : i32
    %max3A_1789 = vector.broadcast %jit3A_1787 : i32 to vector<16xi32>
    %max3A_1790 = arith.maxsi %max3A_1789, %get3A_1786 : vector<16xi32>
    %min3A_1791 = vector.broadcast %jit3A_1788 : i32 to vector<16xi32>
    %min3A_1792 = arith.minsi %min3A_1791, %max3A_1790 : vector<16xi32>
    %get3A_1793 = arith.constant 0 : i32
    %get3A_1794 = arith.index_cast %get3A_1793 : i32 to index
    %get3A_1795 = arith.constant 560 : index
    %get3A_1796 = tpu.vector_load %arg9[%get3A_1794, %get3A_1795] {strides = array<i32>} : memref<2x640xi32, #tpu.memory_space<vmem>>, vector<1x16xi32>,
    %get3A_1797 = vector.shape_cast %get3A_1796 : vector<1x16xi32> to vector<16xi32>
    %jit3A_1798 = arith.constant 0 : i32
    %jit3A_1799 = arith.constant 63 : i32
    %max3A_1800 = vector.broadcast %jit3A_1798 : i32 to vector<16xi32>
    %max3A_1801 = arith.maxsi %max3A_1800, %get3A_1797 : vector<16xi32>
    %min3A_1802 = vector.broadcast %jit3A_1799 : i32 to vector<16xi32>
    %min3A_1803 = arith.minsi %min3A_1802, %max3A_1801 : vector<16xi32>
    %mul3A_1804 = arith.constant 4096 : i32
    %mul3A_1805 = vector.broadcast %mul3A_1804 : i32 to vector<16xi32>
    %mul3A_1806 = arith.muli %min3A_1781, %mul3A_1805 : vector<16xi32>
    %mul3A_1807 = arith.constant 64 : i32
    %mul3A_1808 = vector.broadcast %mul3A_1807 : i32 to vector<16xi32>
    %mul3A_1809 = arith.muli %min3A_1792, %mul3A_1808 : vector<16xi32>
    %add3A_1810 = arith.addi %mul3A_1806, %mul3A_1809 : vector<16xi32>
    %add3A_1811 = arith.addi %add3A_1810, %min3A_1803 : vector<16xi32>
    %swap3A_1812 = arith.constant 0 : i32
    %swap3A_1813 = arith.constant 7 : i32
    %swap3A_1814 = arith.index_cast %swap3A_1812 : i32 to index
    %swap3A_1815 = arith.index_cast %swap3A_1813 : i32 to index
    %swap3A_1816 = arith.constant 0 : index
    %swap3A_1817 = tpu.vector_load %arg10[%swap3A_1814, %swap3A_1815, %swap3A_1816] {strides = array<i32>} : memref<2x8x80xi32, #tpu.memory_space<vmem>>, vector<1x1x16xi32>,
    %swap3A_1818 = vector.shape_cast %swap3A_1817 : vector<1x1x16xi32> to vector<16xi32>
    %swap3A_1819 = vector.shape_cast %add3A_1811 : vector<16xi32> to vector<1x1x16xi32>
    tpu.vector_store %arg10[%swap3A_1814, %swap3A_1815, %swap3A_1816], %swap3A_1819 {strides = array<i32>} : memref<2x8x80xi32, #tpu.memory_space<vmem>>, vector<1x1x16xi32>,
    %get3A_1820 = arith.constant 0 : i32
    %get3A_1821 = arith.index_cast %get3A_1820 : i32 to index
    %get3A_1822 = arith.constant 576 : index
    %get3A_1823 = tpu.vector_load %arg7[%get3A_1821, %get3A_1822] {strides = array<i32>} : memref<2x640xi32, #tpu.memory_space<vmem>>, vector<1x16xi32>,
    %get3A_1824 = vector.shape_cast %get3A_1823 : vector<1x16xi32> to vector<16xi32>
    %jit3A_1825 = arith.constant 0 : i32
    %jit3A_1826 = arith.constant 9 : i32
    %max3A_1827 = vector.broadcast %jit3A_1825 : i32 to vector<16xi32>
    %max3A_1828 = arith.maxsi %max3A_1827, %get3A_1824 : vector<16xi32>
    %min3A_1829 = vector.broadcast %jit3A_1826 : i32 to vector<16xi32>
    %min3A_1830 = arith.minsi %min3A_1829, %max3A_1828 : vector<16xi32>
    %get3A_1831 = arith.constant 0 : i32
    %get3A_1832 = arith.index_cast %get3A_1831 : i32 to index
    %get3A_1833 = arith.constant 576 : index
    %get3A_1834 = tpu.vector_load %arg8[%get3A_1832, %get3A_1833] {strides = array<i32>} : memref<2x640xi32, #tpu.memory_space<vmem>>, vector<1x16xi32>,
    %get3A_1835 = vector.shape_cast %get3A_1834 : vector<1x16xi32> to vector<16xi32>
    %jit3A_1836 = arith.constant 0 : i32
    %jit3A_1837 = arith.constant 63 : i32
    %max3A_1838 = vector.broadcast %jit3A_1836 : i32 to vector<16xi32>
    %max3A_1839 = arith.maxsi %max3A_1838, %get3A_1835 : vector<16xi32>
    %min3A_1840 = vector.broadcast %jit3A_1837 : i32 to vector<16xi32>
    %min3A_1841 = arith.minsi %min3A_1840, %max3A_1839 : vector<16xi32>
    %get3A_1842 = arith.constant 0 : i32
    %get3A_1843 = arith.index_cast %get3A_1842 : i32 to index
    %get3A_1844 = arith.constant 576 : index
    %get3A_1845 = tpu.vector_load %arg9[%get3A_1843, %get3A_1844] {strides = array<i32>} : memref<2x640xi32, #tpu.memory_space<vmem>>, vector<1x16xi32>,
    %get3A_1846 = vector.shape_cast %get3A_1845 : vector<1x16xi32> to vector<16xi32>
    %jit3A_1847 = arith.constant 0 : i32
    %jit3A_1848 = arith.constant 63 : i32
    %max3A_1849 = vector.broadcast %jit3A_1847 : i32 to vector<16xi32>
    %max3A_1850 = arith.maxsi %max3A_1849, %get3A_1846 : vector<16xi32>
    %min3A_1851 = vector.broadcast %jit3A_1848 : i32 to vector<16xi32>
    %min3A_1852 = arith.minsi %min3A_1851, %max3A_1850 : vector<16xi32>
    %mul3A_1853 = arith.constant 4096 : i32
    %mul3A_1854 = vector.broadcast %mul3A_1853 : i32 to vector<16xi32>
    %mul3A_1855 = arith.muli %min3A_1830, %mul3A_1854 : vector<16xi32>
    %mul3A_1856 = arith.constant 64 : i32
    %mul3A_1857 = vector.broadcast %mul3A_1856 : i32 to vector<16xi32>
    %mul3A_1858 = arith.muli %min3A_1841, %mul3A_1857 : vector<16xi32>
    %add3A_1859 = arith.addi %mul3A_1855, %mul3A_1858 : vector<16xi32>
    %add3A_1860 = arith.addi %add3A_1859, %min3A_1852 : vector<16xi32>
    %swap3A_1861 = arith.constant 0 : i32
    %swap3A_1862 = arith.constant 7 : i32
    %swap3A_1863 = arith.index_cast %swap3A_1861 : i32 to index
    %swap3A_1864 = arith.index_cast %swap3A_1862 : i32 to index
    %swap3A_1865 = arith.constant 16 : index
    %swap3A_1866 = tpu.vector_load %arg10[%swap3A_1863, %swap3A_1864, %swap3A_1865] {strides = array<i32>} : memref<2x8x80xi32, #tpu.memory_space<vmem>>, vector<1x1x16xi32>,
    %swap3A_1867 = vector.shape_cast %swap3A_1866 : vector<1x1x16xi32> to vector<16xi32>
    %swap3A_1868 = vector.shape_cast %add3A_1860 : vector<16xi32> to vector<1x1x16xi32>
    tpu.vector_store %arg10[%swap3A_1863, %swap3A_1864, %swap3A_1865], %swap3A_1868 {strides = array<i32>} : memref<2x8x80xi32, #tpu.memory_space<vmem>>, vector<1x1x16xi32>,
    %get3A_1869 = arith.constant 0 : i32
    %get3A_1870 = arith.index_cast %get3A_1869 : i32 to index
    %get3A_1871 = arith.constant 592 : index
    %get3A_1872 = tpu.vector_load %arg7[%get3A_1870, %get3A_1871] {strides = array<i32>} : memref<2x640xi32, #tpu.memory_space<vmem>>, vector<1x16xi32>,
    %get3A_1873 = vector.shape_cast %get3A_1872 : vector<1x16xi32> to vector<16xi32>
    %jit3A_1874 = arith.constant 0 : i32
    %jit3A_1875 = arith.constant 9 : i32
    %max3A_1876 = vector.broadcast %jit3A_1874 : i32 to vector<16xi32>
    %max3A_1877 = arith.maxsi %max3A_1876, %get3A_1873 : vector<16xi32>
    %min3A_1878 = vector.broadcast %jit3A_1875 : i32 to vector<16xi32>
    %min3A_1879 = arith.minsi %min3A_1878, %max3A_1877 : vector<16xi32>
    %get3A_1880 = arith.constant 0 : i32
    %get3A_1881 = arith.index_cast %get3A_1880 : i32 to index
    %get3A_1882 = arith.constant 592 : index
    %get3A_1883 = tpu.vector_load %arg8[%get3A_1881, %get3A_1882] {strides = array<i32>} : memref<2x640xi32, #tpu.memory_space<vmem>>, vector<1x16xi32>,
    %get3A_1884 = vector.shape_cast %get3A_1883 : vector<1x16xi32> to vector<16xi32>
    %jit3A_1885 = arith.constant 0 : i32
    %jit3A_1886 = arith.constant 63 : i32
    %max3A_1887 = vector.broadcast %jit3A_1885 : i32 to vector<16xi32>
    %max3A_1888 = arith.maxsi %max3A_1887, %get3A_1884 : vector<16xi32>
    %min3A_1889 = vector.broadcast %jit3A_1886 : i32 to vector<16xi32>
    %min3A_1890 = arith.minsi %min3A_1889, %max3A_1888 : vector<16xi32>
    %get3A_1891 = arith.constant 0 : i32
    %get3A_1892 = arith.index_cast %get3A_1891 : i32 to index
    %get3A_1893 = arith.constant 592 : index
    %get3A_1894 = tpu.vector_load %arg9[%get3A_1892, %get3A_1893] {strides = array<i32>} : memref<2x640xi32, #tpu.memory_space<vmem>>, vector<1x16xi32>,
    %get3A_1895 = vector.shape_cast %get3A_1894 : vector<1x16xi32> to vector<16xi32>
    %jit3A_1896 = arith.constant 0 : i32
    %jit3A_1897 = arith.constant 63 : i32
    %max3A_1898 = vector.broadcast %jit3A_1896 : i32 to vector<16xi32>
    %max3A_1899 = arith.maxsi %max3A_1898, %get3A_1895 : vector<16xi32>
    %min3A_1900 = vector.broadcast %jit3A_1897 : i32 to vector<16xi32>
    %min3A_1901 = arith.minsi %min3A_1900, %max3A_1899 : vector<16xi32>
    %mul3A_1902 = arith.constant 4096 : i32
    %mul3A_1903 = vector.broadcast %mul3A_1902 : i32 to vector<16xi32>
    %mul3A_1904 = arith.muli %min3A_1879, %mul3A_1903 : vector<16xi32>
    %mul3A_1905 = arith.constant 64 : i32
    %mul3A_1906 = vector.broadcast %mul3A_1905 : i32 to vector<16xi32>
    %mul3A_1907 = arith.muli %min3A_1890, %mul3A_1906 : vector<16xi32>
    %add3A_1908 = arith.addi %mul3A_1904, %mul3A_1907 : vector<16xi32>
    %add3A_1909 = arith.addi %add3A_1908, %min3A_1901 : vector<16xi32>
    %swap3A_1910 = arith.constant 0 : i32
    %swap3A_1911 = arith.constant 7 : i32
    %swap3A_1912 = arith.index_cast %swap3A_1910 : i32 to index
    %swap3A_1913 = arith.index_cast %swap3A_1911 : i32 to index
    %swap3A_1914 = arith.constant 32 : index
    %swap3A_1915 = tpu.vector_load %arg10[%swap3A_1912, %swap3A_1913, %swap3A_1914] {strides = array<i32>} : memref<2x8x80xi32, #tpu.memory_space<vmem>>, vector<1x1x16xi32>,
    %swap3A_1916 = vector.shape_cast %swap3A_1915 : vector<1x1x16xi32> to vector<16xi32>
    %swap3A_1917 = vector.shape_cast %add3A_1909 : vector<16xi32> to vector<1x1x16xi32>
    tpu.vector_store %arg10[%swap3A_1912, %swap3A_1913, %swap3A_1914], %swap3A_1917 {strides = array<i32>} : memref<2x8x80xi32, #tpu.memory_space<vmem>>, vector<1x1x16xi32>,
    %get3A_1918 = arith.constant 0 : i32
    %get3A_1919 = arith.index_cast %get3A_1918 : i32 to index
    %get3A_1920 = arith.constant 608 : index
    %get3A_1921 = tpu.vector_load %arg7[%get3A_1919, %get3A_1920] {strides = array<i32>} : memref<2x640xi32, #tpu.memory_space<vmem>>, vector<1x16xi32>,
    %get3A_1922 = vector.shape_cast %get3A_1921 : vector<1x16xi32> to vector<16xi32>
    %jit3A_1923 = arith.constant 0 : i32
    %jit3A_1924 = arith.constant 9 : i32
    %max3A_1925 = vector.broadcast %jit3A_1923 : i32 to vector<16xi32>
    %max3A_1926 = arith.maxsi %max3A_1925, %get3A_1922 : vector<16xi32>
    %min3A_1927 = vector.broadcast %jit3A_1924 : i32 to vector<16xi32>
    %min3A_1928 = arith.minsi %min3A_1927, %max3A_1926 : vector<16xi32>
    %get3A_1929 = arith.constant 0 : i32
    %get3A_1930 = arith.index_cast %get3A_1929 : i32 to index
    %get3A_1931 = arith.constant 608 : index
    %get3A_1932 = tpu.vector_load %arg8[%get3A_1930, %get3A_1931] {strides = array<i32>} : memref<2x640xi32, #tpu.memory_space<vmem>>, vector<1x16xi32>,
    %get3A_1933 = vector.shape_cast %get3A_1932 : vector<1x16xi32> to vector<16xi32>
    %jit3A_1934 = arith.constant 0 : i32
    %jit3A_1935 = arith.constant 63 : i32
    %max3A_1936 = vector.broadcast %jit3A_1934 : i32 to vector<16xi32>
    %max3A_1937 = arith.maxsi %max3A_1936, %get3A_1933 : vector<16xi32>
    %min3A_1938 = vector.broadcast %jit3A_1935 : i32 to vector<16xi32>
    %min3A_1939 = arith.minsi %min3A_1938, %max3A_1937 : vector<16xi32>
    %get3A_1940 = arith.constant 0 : i32
    %get3A_1941 = arith.index_cast %get3A_1940 : i32 to index
    %get3A_1942 = arith.constant 608 : index
    %get3A_1943 = tpu.vector_load %arg9[%get3A_1941, %get3A_1942] {strides = array<i32>} : memref<2x640xi32, #tpu.memory_space<vmem>>, vector<1x16xi32>,
    %get3A_1944 = vector.shape_cast %get3A_1943 : vector<1x16xi32> to vector<16xi32>
    %jit3A_1945 = arith.constant 0 : i32
    %jit3A_1946 = arith.constant 63 : i32
    %max3A_1947 = vector.broadcast %jit3A_1945 : i32 to vector<16xi32>
    %max3A_1948 = arith.maxsi %max3A_1947, %get3A_1944 : vector<16xi32>
    %min3A_1949 = vector.broadcast %jit3A_1946 : i32 to vector<16xi32>
    %min3A_1950 = arith.minsi %min3A_1949, %max3A_1948 : vector<16xi32>
    %mul3A_1951 = arith.constant 4096 : i32
    %mul3A_1952 = vector.broadcast %mul3A_1951 : i32 to vector<16xi32>
    %mul3A_1953 = arith.muli %min3A_1928, %mul3A_1952 : vector<16xi32>
    %mul3A_1954 = arith.constant 64 : i32
    %mul3A_1955 = vector.broadcast %mul3A_1954 : i32 to vector<16xi32>
    %mul3A_1956 = arith.muli %min3A_1939, %mul3A_1955 : vector<16xi32>
    %add3A_1957 = arith.addi %mul3A_1953, %mul3A_1956 : vector<16xi32>
    %add3A_1958 = arith.addi %add3A_1957, %min3A_1950 : vector<16xi32>
    %swap3A_1959 = arith.constant 0 : i32
    %swap3A_1960 = arith.constant 7 : i32
    %swap3A_1961 = arith.index_cast %swap3A_1959 : i32 to index
    %swap3A_1962 = arith.index_cast %swap3A_1960 : i32 to index
    %swap3A_1963 = arith.constant 48 : index
    %swap3A_1964 = tpu.vector_load %arg10[%swap3A_1961, %swap3A_1962, %swap3A_1963] {strides = array<i32>} : memref<2x8x80xi32, #tpu.memory_space<vmem>>, vector<1x1x16xi32>,
    %swap3A_1965 = vector.shape_cast %swap3A_1964 : vector<1x1x16xi32> to vector<16xi32>
    %swap3A_1966 = vector.shape_cast %add3A_1958 : vector<16xi32> to vector<1x1x16xi32>
    tpu.vector_store %arg10[%swap3A_1961, %swap3A_1962, %swap3A_1963], %swap3A_1966 {strides = array<i32>} : memref<2x8x80xi32, #tpu.memory_space<vmem>>, vector<1x1x16xi32>,
    %get3A_1967 = arith.constant 0 : i32
    %get3A_1968 = arith.index_cast %get3A_1967 : i32 to index
    %get3A_1969 = arith.constant 624 : index
    %get3A_1970 = tpu.vector_load %arg7[%get3A_1968, %get3A_1969] {strides = array<i32>} : memref<2x640xi32, #tpu.memory_space<vmem>>, vector<1x16xi32>,
    %get3A_1971 = vector.shape_cast %get3A_1970 : vector<1x16xi32> to vector<16xi32>
    %jit3A_1972 = arith.constant 0 : i32
    %jit3A_1973 = arith.constant 9 : i32
    %max3A_1974 = vector.broadcast %jit3A_1972 : i32 to vector<16xi32>
    %max3A_1975 = arith.maxsi %max3A_1974, %get3A_1971 : vector<16xi32>
    %min3A_1976 = vector.broadcast %jit3A_1973 : i32 to vector<16xi32>
    %min3A_1977 = arith.minsi %min3A_1976, %max3A_1975 : vector<16xi32>
    %get3A_1978 = arith.constant 0 : i32
    %get3A_1979 = arith.index_cast %get3A_1978 : i32 to index
    %get3A_1980 = arith.constant 624 : index
    %get3A_1981 = tpu.vector_load %arg8[%get3A_1979, %get3A_1980] {strides = array<i32>} : memref<2x640xi32, #tpu.memory_space<vmem>>, vector<1x16xi32>,
    %get3A_1982 = vector.shape_cast %get3A_1981 : vector<1x16xi32> to vector<16xi32>
    %jit3A_1983 = arith.constant 0 : i32
    %jit3A_1984 = arith.constant 63 : i32
    %max3A_1985 = vector.broadcast %jit3A_1983 : i32 to vector<16xi32>
    %max3A_1986 = arith.maxsi %max3A_1985, %get3A_1982 : vector<16xi32>
    %min3A_1987 = vector.broadcast %jit3A_1984 : i32 to vector<16xi32>
    %min3A_1988 = arith.minsi %min3A_1987, %max3A_1986 : vector<16xi32>
    %get3A_1989 = arith.constant 0 : i32
    %get3A_1990 = arith.index_cast %get3A_1989 : i32 to index
    %get3A_1991 = arith.constant 624 : index
    %get3A_1992 = tpu.vector_load %arg9[%get3A_1990, %get3A_1991] {strides = array<i32>} : memref<2x640xi32, #tpu.memory_space<vmem>>, vector<1x16xi32>,
    %get3A_1993 = vector.shape_cast %get3A_1992 : vector<1x16xi32> to vector<16xi32>
    %jit3A_1994 = arith.constant 0 : i32
    %jit3A_1995 = arith.constant 63 : i32
    %max3A_1996 = vector.broadcast %jit3A_1994 : i32 to vector<16xi32>
    %max3A_1997 = arith.maxsi %max3A_1996, %get3A_1993 : vector<16xi32>
    %min3A_1998 = vector.broadcast %jit3A_1995 : i32 to vector<16xi32>
    %min3A_1999 = arith.minsi %min3A_1998, %max3A_1997 : vector<16xi32>
    %mul3A_2000 = arith.constant 4096 : i32
    %mul3A_2001 = vector.broadcast %mul3A_2000 : i32 to vector<16xi32>
    %mul3A_2002 = arith.muli %min3A_1977, %mul3A_2001 : vector<16xi32>
    %mul3A_2003 = arith.constant 64 : i32
    %mul3A_2004 = vector.broadcast %mul3A_2003 : i32 to vector<16xi32>
    %mul3A_2005 = arith.muli %min3A_1988, %mul3A_2004 : vector<16xi32>
    %add3A_2006 = arith.addi %mul3A_2002, %mul3A_2005 : vector<16xi32>
    %add3A_2007 = arith.addi %add3A_2006, %min3A_1999 : vector<16xi32>
    %swap3A_2008 = arith.constant 0 : i32
    %swap3A_2009 = arith.constant 7 : i32
    %swap3A_2010 = arith.index_cast %swap3A_2008 : i32 to index
    %swap3A_2011 = arith.index_cast %swap3A_2009 : i32 to index
    %swap3A_2012 = arith.constant 64 : index
    %swap3A_2013 = tpu.vector_load %arg10[%swap3A_2010, %swap3A_2011, %swap3A_2012] {strides = array<i32>} : memref<2x8x80xi32, #tpu.memory_space<vmem>>, vector<1x1x16xi32>,
    %swap3A_2014 = vector.shape_cast %swap3A_2013 : vector<1x1x16xi32> to vector<16xi32>
    %swap3A_2015 = vector.shape_cast %add3A_2007 : vector<16xi32> to vector<1x1x16xi32>
    tpu.vector_store %arg10[%swap3A_2010, %swap3A_2011, %swap3A_2012], %swap3A_2015 {strides = array<i32>} : memref<2x8x80xi32, #tpu.memory_space<vmem>>, vector<1x1x16xi32>,
    %add3A_2016 = arith.constant 640 : i32
    %add3A_2017 = arith.addi %mul3A_2, %add3A_2016 : i32
    %dma_start3A_2018 = arith.constant 1 : i32
    %dma_start3A_2019 = arith.constant 0 : i32
    %dma_start3A_2020 = tpu.memref_slice %arg7[%dma_start3A_2018, %dma_start3A_2019] : memref<2x640xi32, #tpu.memory_space<vmem>> -> memref<1x640xi32, #tpu.memory_space<vmem>>
    %dma_start3A_2021 = tpu.memref_squeeze %dma_start3A_2020 : memref<1x640xi32, #tpu.memory_space<vmem>> -> memref<640xi32, #tpu.memory_space<vmem>>
    %dma_start3A_2022 = tpu.memref_slice %arg2[%add3A_2017] : memref<819200xi32, #tpu.memory_space<hbm>> -> memref<640xi32, #tpu.memory_space<hbm>>
    %dma_start3A_2023 = arith.constant 0 : i32
    %dma_start3A_2024 = tpu.memref_slice %arg7[%dma_start3A_2018, %dma_start3A_2023] : memref<2x640xi32, #tpu.memory_space<vmem>> -> memref<1x640xi32, #tpu.memory_space<vmem>>
    %dma_start3A_2025 = tpu.memref_squeeze %dma_start3A_2024 : memref<1x640xi32, #tpu.memory_space<vmem>> -> memref<640xi32, #tpu.memory_space<vmem>>
    %dma_start3A_2026 = tpu.memref_slice %arg2[%add3A_2017] : memref<819200xi32, #tpu.memory_space<hbm>> -> memref<640xi32, #tpu.memory_space<hbm>>
    tpu.enqueue_dma source(%dma_start3A_2026 : memref<640xi32, #tpu.memory_space<hbm>>) target(%dma_start3A_2025 : memref<640xi32, #tpu.memory_space<vmem>>) target_semaphore(%arg14 : memref<!tpu.dma_semaphore, #tpu.memory_space<semaphore_mem>>)
    %dma_start3A_2027 = arith.constant 1 : i32
    %dma_start3A_2028 = arith.constant 0 : i32
    %dma_start3A_2029 = tpu.memref_slice %arg8[%dma_start3A_2027, %dma_start3A_2028] : memref<2x640xi32, #tpu.memory_space<vmem>> -> memref<1x640xi32, #tpu.memory_space<vmem>>
    %dma_start3A_2030 = tpu.memref_squeeze %dma_start3A_2029 : memref<1x640xi32, #tpu.memory_space<vmem>> -> memref<640xi32, #tpu.memory_space<vmem>>
    %dma_start3A_2031 = tpu.memref_slice %arg3[%add3A_2017] : memref<819200xi32, #tpu.memory_space<hbm>> -> memref<640xi32, #tpu.memory_space<hbm>>
    %dma_start3A_2032 = arith.constant 0 : i32
    %dma_start3A_2033 = tpu.memref_slice %arg8[%dma_start3A_2027, %dma_start3A_2032] : memref<2x640xi32, #tpu.memory_space<vmem>> -> memref<1x640xi32, #tpu.memory_space<vmem>>
    %dma_start3A_2034 = tpu.memref_squeeze %dma_start3A_2033 : memref<1x640xi32, #tpu.memory_space<vmem>> -> memref<640xi32, #tpu.memory_space<vmem>>
    %dma_start3A_2035 = tpu.memref_slice %arg3[%add3A_2017] : memref<819200xi32, #tpu.memory_space<hbm>> -> memref<640xi32, #tpu.memory_space<hbm>>
    tpu.enqueue_dma source(%dma_start3A_2035 : memref<640xi32, #tpu.memory_space<hbm>>) target(%dma_start3A_2034 : memref<640xi32, #tpu.memory_space<vmem>>) target_semaphore(%arg14 : memref<!tpu.dma_semaphore, #tpu.memory_space<semaphore_mem>>)
    %dma_start3A_2036 = arith.constant 1 : i32
    %dma_start3A_2037 = arith.constant 0 : i32
    %dma_start3A_2038 = tpu.memref_slice %arg9[%dma_start3A_2036, %dma_start3A_2037] : memref<2x640xi32, #tpu.memory_space<vmem>> -> memref<1x640xi32, #tpu.memory_space<vmem>>
    %dma_start3A_2039 = tpu.memref_squeeze %dma_start3A_2038 : memref<1x640xi32, #tpu.memory_space<vmem>> -> memref<640xi32, #tpu.memory_space<vmem>>
    %dma_start3A_2040 = tpu.memref_slice %arg4[%add3A_2017] : memref<819200xi32, #tpu.memory_space<hbm>> -> memref<640xi32, #tpu.memory_space<hbm>>
    %dma_start3A_2041 = arith.constant 0 : i32
    %dma_start3A_2042 = tpu.memref_slice %arg9[%dma_start3A_2036, %dma_start3A_2041] : memref<2x640xi32, #tpu.memory_space<vmem>> -> memref<1x640xi32, #tpu.memory_space<vmem>>
    %dma_start3A_2043 = tpu.memref_squeeze %dma_start3A_2042 : memref<1x640xi32, #tpu.memory_space<vmem>> -> memref<640xi32, #tpu.memory_space<vmem>>
    %dma_start3A_2044 = tpu.memref_slice %arg4[%add3A_2017] : memref<819200xi32, #tpu.memory_space<hbm>> -> memref<640xi32, #tpu.memory_space<hbm>>
    tpu.enqueue_dma source(%dma_start3A_2044 : memref<640xi32, #tpu.memory_space<hbm>>) target(%dma_start3A_2043 : memref<640xi32, #tpu.memory_space<vmem>>) target_semaphore(%arg14 : memref<!tpu.dma_semaphore, #tpu.memory_space<semaphore_mem>>)
    %dma_start3A_2045 = arith.constant 0 : i32
    %dma_start3A_2046 = arith.constant 0 : i32
    %dma_start3A_2047 = arith.constant 0 : i32
    %dma_start3A_2048 = arith.constant 0 : i32
    %dma_start3A_2049 = arith.constant 0 : i32
    %dma_start3A_2050 = arith.constant 0 : i32
    %dma_start3A_2051 = tpu.memref_slice %arg11[%dma_start3A_2047, %dma_start3A_2049, %dma_start3A_2050] : memref<8x80x128xf32, #tpu.memory_space<vmem>> -> memref<1x80x128xf32, #tpu.memory_space<vmem>>
    %dma_start3A_2052 = tpu.memref_squeeze %dma_start3A_2051 : memref<1x80x128xf32, #tpu.memory_space<vmem>> -> memref<80x128xf32, #tpu.memory_space<vmem>>
    %dma_start3A_2053 = arith.constant 0 : i32
    %dma_start3A_2054 = tpu.memref_slice %arg10[%dma_start3A_2045, %dma_start3A_2046, %dma_start3A_2053] : memref<2x8x80xi32, #tpu.memory_space<vmem>> -> memref<1x1x80xi32, #tpu.memory_space<vmem>>
    %dma_start3A_2055 = tpu.memref_squeeze %dma_start3A_2054 : memref<1x1x80xi32, #tpu.memory_space<vmem>> -> memref<80xi32, #tpu.memory_space<vmem>>
    %dma_start3A_2056 = arith.constant 0 : i32
    %dma_start3A_2057 = arith.constant 0 : i32
    %dma_start3A_2058 = tpu.memref_slice %arg5[%dma_start3A_2056, %dma_start3A_2057] : memref<40960x128xf32, #tpu.memory_space<hbm>> -> memref<40960x128xf32, #tpu.memory_space<hbm>>
    %dma_start3A_2059 = tpu.memref_slice %arg12[%dma_start3A_2048] : memref<8x!tpu.dma_semaphore, #tpu.memory_space<semaphore_mem>> -> memref<1x!tpu.dma_semaphore, #tpu.memory_space<semaphore_mem>>
    %dma_start3A_2060 = tpu.memref_squeeze %dma_start3A_2059 : memref<1x!tpu.dma_semaphore, #tpu.memory_space<semaphore_mem>> -> memref<!tpu.dma_semaphore, #tpu.memory_space<semaphore_mem>>
    tpu.enqueue_indirect_dma source(%dma_start3A_2058 : memref<40960x128xf32, #tpu.memory_space<hbm>>) target(%dma_start3A_2052 : memref<80x128xf32, #tpu.memory_space<vmem>>) offsets(%dma_start3A_2055 : memref<80xi32, #tpu.memory_space<vmem>>) semaphore(%dma_start3A_2060 : memref<!tpu.dma_semaphore, #tpu.memory_space<semaphore_mem>>)
    %dma_start3A_2061 = arith.constant 0 : i32
    %dma_start3A_2062 = arith.constant 1 : i32
    %dma_start3A_2063 = arith.constant 1 : i32
    %dma_start3A_2064 = arith.constant 1 : i32
    %dma_start3A_2065 = arith.constant 0 : i32
    %dma_start3A_2066 = arith.constant 0 : i32
    %dma_start3A_2067 = tpu.memref_slice %arg11[%dma_start3A_2063, %dma_start3A_2065, %dma_start3A_2066] : memref<8x80x128xf32, #tpu.memory_space<vmem>> -> memref<1x80x128xf32, #tpu.memory_space<vmem>>
    %dma_start3A_2068 = tpu.memref_squeeze %dma_start3A_2067 : memref<1x80x128xf32, #tpu.memory_space<vmem>> -> memref<80x128xf32, #tpu.memory_space<vmem>>
    %dma_start3A_2069 = arith.constant 0 : i32
    %dma_start3A_2070 = tpu.memref_slice %arg10[%dma_start3A_2061, %dma_start3A_2062, %dma_start3A_2069] : memref<2x8x80xi32, #tpu.memory_space<vmem>> -> memref<1x1x80xi32, #tpu.memory_space<vmem>>
    %dma_start3A_2071 = tpu.memref_squeeze %dma_start3A_2070 : memref<1x1x80xi32, #tpu.memory_space<vmem>> -> memref<80xi32, #tpu.memory_space<vmem>>
    %dma_start3A_2072 = arith.constant 0 : i32
    %dma_start3A_2073 = arith.constant 0 : i32
    %dma_start3A_2074 = tpu.memref_slice %arg5[%dma_start3A_2072, %dma_start3A_2073] : memref<40960x128xf32, #tpu.memory_space<hbm>> -> memref<40960x128xf32, #tpu.memory_space<hbm>>
    %dma_start3A_2075 = tpu.memref_slice %arg12[%dma_start3A_2064] : memref<8x!tpu.dma_semaphore, #tpu.memory_space<semaphore_mem>> -> memref<1x!tpu.dma_semaphore, #tpu.memory_space<semaphore_mem>>
    %dma_start3A_2076 = tpu.memref_squeeze %dma_start3A_2075 : memref<1x!tpu.dma_semaphore, #tpu.memory_space<semaphore_mem>> -> memref<!tpu.dma_semaphore, #tpu.memory_space<semaphore_mem>>
    tpu.enqueue_indirect_dma source(%dma_start3A_2074 : memref<40960x128xf32, #tpu.memory_space<hbm>>) target(%dma_start3A_2068 : memref<80x128xf32, #tpu.memory_space<vmem>>) offsets(%dma_start3A_2071 : memref<80xi32, #tpu.memory_space<vmem>>) semaphore(%dma_start3A_2076 : memref<!tpu.dma_semaphore, #tpu.memory_space<semaphore_mem>>)
    %dma_start3A_2077 = arith.constant 0 : i32
    %dma_start3A_2078 = arith.constant 2 : i32
    %dma_start3A_2079 = arith.constant 2 : i32
    %dma_start3A_2080 = arith.constant 2 : i32
    %dma_start3A_2081 = arith.constant 0 : i32
    %dma_start3A_2082 = arith.constant 0 : i32
    %dma_start3A_2083 = tpu.memref_slice %arg11[%dma_start3A_2079, %dma_start3A_2081, %dma_start3A_2082] : memref<8x80x128xf32, #tpu.memory_space<vmem>> -> memref<1x80x128xf32, #tpu.memory_space<vmem>>
    %dma_start3A_2084 = tpu.memref_squeeze %dma_start3A_2083 : memref<1x80x128xf32, #tpu.memory_space<vmem>> -> memref<80x128xf32, #tpu.memory_space<vmem>>
    %dma_start3A_2085 = arith.constant 0 : i32
    %dma_start3A_2086 = tpu.memref_slice %arg10[%dma_start3A_2077, %dma_start3A_2078, %dma_start3A_2085] : memref<2x8x80xi32, #tpu.memory_space<vmem>> -> memref<1x1x80xi32, #tpu.memory_space<vmem>>
    %dma_start3A_2087 = tpu.memref_squeeze %dma_start3A_2086 : memref<1x1x80xi32, #tpu.memory_space<vmem>> -> memref<80xi32, #tpu.memory_space<vmem>>
    %dma_start3A_2088 = arith.constant 0 : i32
    %dma_start3A_2089 = arith.constant 0 : i32
    %dma_start3A_2090 = tpu.memref_slice %arg5[%dma_start3A_2088, %dma_start3A_2089] : memref<40960x128xf32, #tpu.memory_space<hbm>> -> memref<40960x128xf32, #tpu.memory_space<hbm>>
    %dma_start3A_2091 = tpu.memref_slice %arg12[%dma_start3A_2080] : memref<8x!tpu.dma_semaphore, #tpu.memory_space<semaphore_mem>> -> memref<1x!tpu.dma_semaphore, #tpu.memory_space<semaphore_mem>>
    %dma_start3A_2092 = tpu.memref_squeeze %dma_start3A_2091 : memref<1x!tpu.dma_semaphore, #tpu.memory_space<semaphore_mem>> -> memref<!tpu.dma_semaphore, #tpu.memory_space<semaphore_mem>>
    tpu.enqueue_indirect_dma source(%dma_start3A_2090 : memref<40960x128xf32, #tpu.memory_space<hbm>>) target(%dma_start3A_2084 : memref<80x128xf32, #tpu.memory_space<vmem>>) offsets(%dma_start3A_2087 : memref<80xi32, #tpu.memory_space<vmem>>) semaphore(%dma_start3A_2092 : memref<!tpu.dma_semaphore, #tpu.memory_space<semaphore_mem>>)
    %scan3A = arith.constant 0 : i32
    %scan3A_2093 = arith.constant 0 : i32
    %scan3A_2094 = arith.constant 40 : i32
    %scan3A_2095 = arith.addi %scan3A_2093, %scan3A_2094 : i32
    %scan3A_2096 = arith.constant 1 : i32
    scf.for %scan3A_2178 = %scan3A_2093 to %scan3A_2095 step %scan3A_2096  : i32 {
      %rem3A = arith.constant 2 : i32
      %rem3A_2179 = arith.remsi %scan3A_2178, %rem3A : i32
      %add3A_2180 = arith.constant 1 : i32
      %add3A_2181 = arith.addi %scan3A_2178, %add3A_2180 : i32
      %rem3A_2182 = arith.constant 2 : i32
      %rem3A_2183 = arith.remsi %add3A_2181, %rem3A_2182 : i32
      %mul3A_2184 = arith.constant 640 : i32
      %mul3A_2185 = arith.muli %scan3A_2178, %mul3A_2184 : i32
      %add3A_2186 = arith.addi %mul3A_2, %mul3A_2185 : i32
      %add3A_2187 = arith.constant 1 : i32
      %add3A_2188 = arith.addi %scan3A_2178, %add3A_2187 : i32
      %lt3A = arith.constant 40 : i32
      %lt3A_2189 = arith.cmpi slt, %add3A_2188, %lt3A : i32
      %convert_element_type3A = arith.extui %lt3A_2189 : i1 to i32
      %cond3A = arith.constant 0 : i32
      %cond3A_2190 = arith.cmpi ne, %convert_element_type3A, %cond3A : i32
      scf.if %cond3A_2190 {
        %dma_wait3A_2647 = arith.constant 0 : i32
        %dma_wait3A_2648 = tpu.memref_slice %arg7[%rem3A_2183, %dma_wait3A_2647] : memref<2x640xi32, #tpu.memory_space<vmem>> -> memref<1x640xi32, #tpu.memory_space<vmem>>
        %dma_wait3A_2649 = tpu.memref_squeeze %dma_wait3A_2648 : memref<1x640xi32, #tpu.memory_space<vmem>> -> memref<640xi32, #tpu.memory_space<vmem>>
        %dma_wait3A_2650 = arith.constant 0 : i32
        %dma_wait3A_2651 = tpu.memref_slice %arg2[%dma_wait3A_2650] : memref<819200xi32, #tpu.memory_space<hbm>> -> memref<640xi32, #tpu.memory_space<hbm>>
        %dma_wait3A_2652 = arith.constant 0 : i32
        %dma_wait3A_2653 = tpu.memref_slice %arg7[%rem3A_2183, %dma_wait3A_2652] : memref<2x640xi32, #tpu.memory_space<vmem>> -> memref<1x640xi32, #tpu.memory_space<vmem>>
        %dma_wait3A_2654 = tpu.memref_squeeze %dma_wait3A_2653 : memref<1x640xi32, #tpu.memory_space<vmem>> -> memref<640xi32, #tpu.memory_space<vmem>>
        %dma_wait3A_2655 = arith.constant 0 : i32
        %dma_wait3A_2656 = tpu.memref_slice %arg2[%dma_wait3A_2655] : memref<819200xi32, #tpu.memory_space<hbm>> -> memref<640xi32, #tpu.memory_space<hbm>>
        tpu.wait_dma2 semaphore(%arg14 : memref<!tpu.dma_semaphore, #tpu.memory_space<semaphore_mem>>) src(%dma_wait3A_2656 : memref<640xi32, #tpu.memory_space<hbm>>) dst(%dma_wait3A_2654 : memref<640xi32, #tpu.memory_space<vmem>>)
        %dma_wait3A_2657 = arith.constant 0 : i32
        %dma_wait3A_2658 = tpu.memref_slice %arg8[%rem3A_2183, %dma_wait3A_2657] : memref<2x640xi32, #tpu.memory_space<vmem>> -> memref<1x640xi32, #tpu.memory_space<vmem>>
        %dma_wait3A_2659 = tpu.memref_squeeze %dma_wait3A_2658 : memref<1x640xi32, #tpu.memory_space<vmem>> -> memref<640xi32, #tpu.memory_space<vmem>>
        %dma_wait3A_2660 = arith.constant 0 : i32
        %dma_wait3A_2661 = tpu.memref_slice %arg3[%dma_wait3A_2660] : memref<819200xi32, #tpu.memory_space<hbm>> -> memref<640xi32, #tpu.memory_space<hbm>>
        %dma_wait3A_2662 = arith.constant 0 : i32
        %dma_wait3A_2663 = tpu.memref_slice %arg8[%rem3A_2183, %dma_wait3A_2662] : memref<2x640xi32, #tpu.memory_space<vmem>> -> memref<1x640xi32, #tpu.memory_space<vmem>>
        %dma_wait3A_2664 = tpu.memref_squeeze %dma_wait3A_2663 : memref<1x640xi32, #tpu.memory_space<vmem>> -> memref<640xi32, #tpu.memory_space<vmem>>
        %dma_wait3A_2665 = arith.constant 0 : i32
        %dma_wait3A_2666 = tpu.memref_slice %arg3[%dma_wait3A_2665] : memref<819200xi32, #tpu.memory_space<hbm>> -> memref<640xi32, #tpu.memory_space<hbm>>
        tpu.wait_dma2 semaphore(%arg14 : memref<!tpu.dma_semaphore, #tpu.memory_space<semaphore_mem>>) src(%dma_wait3A_2666 : memref<640xi32, #tpu.memory_space<hbm>>) dst(%dma_wait3A_2664 : memref<640xi32, #tpu.memory_space<vmem>>)
        %dma_wait3A_2667 = arith.constant 0 : i32
        %dma_wait3A_2668 = tpu.memref_slice %arg9[%rem3A_2183, %dma_wait3A_2667] : memref<2x640xi32, #tpu.memory_space<vmem>> -> memref<1x640xi32, #tpu.memory_space<vmem>>
        %dma_wait3A_2669 = tpu.memref_squeeze %dma_wait3A_2668 : memref<1x640xi32, #tpu.memory_space<vmem>> -> memref<640xi32, #tpu.memory_space<vmem>>
        %dma_wait3A_2670 = arith.constant 0 : i32
        %dma_wait3A_2671 = tpu.memref_slice %arg4[%dma_wait3A_2670] : memref<819200xi32, #tpu.memory_space<hbm>> -> memref<640xi32, #tpu.memory_space<hbm>>
        %dma_wait3A_2672 = arith.constant 0 : i32
        %dma_wait3A_2673 = tpu.memref_slice %arg9[%rem3A_2183, %dma_wait3A_2672] : memref<2x640xi32, #tpu.memory_space<vmem>> -> memref<1x640xi32, #tpu.memory_space<vmem>>
        %dma_wait3A_2674 = tpu.memref_squeeze %dma_wait3A_2673 : memref<1x640xi32, #tpu.memory_space<vmem>> -> memref<640xi32, #tpu.memory_space<vmem>>
        %dma_wait3A_2675 = arith.constant 0 : i32
        %dma_wait3A_2676 = tpu.memref_slice %arg4[%dma_wait3A_2675] : memref<819200xi32, #tpu.memory_space<hbm>> -> memref<640xi32, #tpu.memory_space<hbm>>
        tpu.wait_dma2 semaphore(%arg14 : memref<!tpu.dma_semaphore, #tpu.memory_space<semaphore_mem>>) src(%dma_wait3A_2676 : memref<640xi32, #tpu.memory_space<hbm>>) dst(%dma_wait3A_2674 : memref<640xi32, #tpu.memory_space<vmem>>)
        %get3A_2677 = arith.index_cast %rem3A_2183 : i32 to index
        %get3A_2678 = arith.constant 0 : index
        %get3A_2679 = tpu.vector_load %arg7[%get3A_2677, %get3A_2678] {strides = array<i32>} : memref<2x640xi32, #tpu.memory_space<vmem>>, vector<1x16xi32>,
        %get3A_2680 = vector.shape_cast %get3A_2679 : vector<1x16xi32> to vector<16xi32>
        %jit3A_2681 = arith.constant 0 : i32
        %jit3A_2682 = arith.constant 9 : i32
        %max3A_2683 = vector.broadcast %jit3A_2681 : i32 to vector<16xi32>
        %max3A_2684 = arith.maxsi %max3A_2683, %get3A_2680 : vector<16xi32>
        %min3A_2685 = vector.broadcast %jit3A_2682 : i32 to vector<16xi32>
        %min3A_2686 = arith.minsi %min3A_2685, %max3A_2684 : vector<16xi32>
        %get3A_2687 = arith.index_cast %rem3A_2183 : i32 to index
        %get3A_2688 = arith.constant 0 : index
        %get3A_2689 = tpu.vector_load %arg8[%get3A_2687, %get3A_2688] {strides = array<i32>} : memref<2x640xi32, #tpu.memory_space<vmem>>, vector<1x16xi32>,
        %get3A_2690 = vector.shape_cast %get3A_2689 : vector<1x16xi32> to vector<16xi32>
        %jit3A_2691 = arith.constant 0 : i32
        %jit3A_2692 = arith.constant 63 : i32
        %max3A_2693 = vector.broadcast %jit3A_2691 : i32 to vector<16xi32>
        %max3A_2694 = arith.maxsi %max3A_2693, %get3A_2690 : vector<16xi32>
        %min3A_2695 = vector.broadcast %jit3A_2692 : i32 to vector<16xi32>
        %min3A_2696 = arith.minsi %min3A_2695, %max3A_2694 : vector<16xi32>
        %get3A_2697 = arith.index_cast %rem3A_2183 : i32 to index
        %get3A_2698 = arith.constant 0 : index
        %get3A_2699 = tpu.vector_load %arg9[%get3A_2697, %get3A_2698] {strides = array<i32>} : memref<2x640xi32, #tpu.memory_space<vmem>>, vector<1x16xi32>,
        %get3A_2700 = vector.shape_cast %get3A_2699 : vector<1x16xi32> to vector<16xi32>
        %jit3A_2701 = arith.constant 0 : i32
        %jit3A_2702 = arith.constant 63 : i32
        %max3A_2703 = vector.broadcast %jit3A_2701 : i32 to vector<16xi32>
        %max3A_2704 = arith.maxsi %max3A_2703, %get3A_2700 : vector<16xi32>
        %min3A_2705 = vector.broadcast %jit3A_2702 : i32 to vector<16xi32>
        %min3A_2706 = arith.minsi %min3A_2705, %max3A_2704 : vector<16xi32>
        %mul3A_2707 = arith.constant 4096 : i32
        %mul3A_2708 = vector.broadcast %mul3A_2707 : i32 to vector<16xi32>
        %mul3A_2709 = arith.muli %min3A_2686, %mul3A_2708 : vector<16xi32>
        %mul3A_2710 = arith.constant 64 : i32
        %mul3A_2711 = vector.broadcast %mul3A_2710 : i32 to vector<16xi32>
        %mul3A_2712 = arith.muli %min3A_2696, %mul3A_2711 : vector<16xi32>
        %add3A_2713 = arith.addi %mul3A_2709, %mul3A_2712 : vector<16xi32>
        %add3A_2714 = arith.addi %add3A_2713, %min3A_2706 : vector<16xi32>
        %swap3A_2715 = arith.constant 0 : i32
        %swap3A_2716 = arith.index_cast %rem3A_2183 : i32 to index
        %swap3A_2717 = arith.index_cast %swap3A_2715 : i32 to index
        %swap3A_2718 = arith.constant 0 : index
        %swap3A_2719 = tpu.vector_load %arg10[%swap3A_2716, %swap3A_2717, %swap3A_2718] {strides = array<i32>} : memref<2x8x80xi32, #tpu.memory_space<vmem>>, vector<1x1x16xi32>,
        %swap3A_2720 = vector.shape_cast %swap3A_2719 : vector<1x1x16xi32> to vector<16xi32>
        %swap3A_2721 = vector.shape_cast %add3A_2714 : vector<16xi32> to vector<1x1x16xi32>
        tpu.vector_store %arg10[%swap3A_2716, %swap3A_2717, %swap3A_2718], %swap3A_2721 {strides = array<i32>} : memref<2x8x80xi32, #tpu.memory_space<vmem>>, vector<1x1x16xi32>,
        %get3A_2722 = arith.index_cast %rem3A_2183 : i32 to index
        %get3A_2723 = arith.constant 16 : index
        %get3A_2724 = tpu.vector_load %arg7[%get3A_2722, %get3A_2723] {strides = array<i32>} : memref<2x640xi32, #tpu.memory_space<vmem>>, vector<1x16xi32>,
        %get3A_2725 = vector.shape_cast %get3A_2724 : vector<1x16xi32> to vector<16xi32>
        %jit3A_2726 = arith.constant 0 : i32
        %jit3A_2727 = arith.constant 9 : i32
        %max3A_2728 = vector.broadcast %jit3A_2726 : i32 to vector<16xi32>
        %max3A_2729 = arith.maxsi %max3A_2728, %get3A_2725 : vector<16xi32>
        %min3A_2730 = vector.broadcast %jit3A_2727 : i32 to vector<16xi32>
        %min3A_2731 = arith.minsi %min3A_2730, %max3A_2729 : vector<16xi32>
        %get3A_2732 = arith.index_cast %rem3A_2183 : i32 to index
        %get3A_2733 = arith.constant 16 : index
        %get3A_2734 = tpu.vector_load %arg8[%get3A_2732, %get3A_2733] {strides = array<i32>} : memref<2x640xi32, #tpu.memory_space<vmem>>, vector<1x16xi32>,
        %get3A_2735 = vector.shape_cast %get3A_2734 : vector<1x16xi32> to vector<16xi32>
        %jit3A_2736 = arith.constant 0 : i32
        %jit3A_2737 = arith.constant 63 : i32
        %max3A_2738 = vector.broadcast %jit3A_2736 : i32 to vector<16xi32>
        %max3A_2739 = arith.maxsi %max3A_2738, %get3A_2735 : vector<16xi32>
        %min3A_2740 = vector.broadcast %jit3A_2737 : i32 to vector<16xi32>
        %min3A_2741 = arith.minsi %min3A_2740, %max3A_2739 : vector<16xi32>
        %get3A_2742 = arith.index_cast %rem3A_2183 : i32 to index
        %get3A_2743 = arith.constant 16 : index
        %get3A_2744 = tpu.vector_load %arg9[%get3A_2742, %get3A_2743] {strides = array<i32>} : memref<2x640xi32, #tpu.memory_space<vmem>>, vector<1x16xi32>,
        %get3A_2745 = vector.shape_cast %get3A_2744 : vector<1x16xi32> to vector<16xi32>
        %jit3A_2746 = arith.constant 0 : i32
        %jit3A_2747 = arith.constant 63 : i32
        %max3A_2748 = vector.broadcast %jit3A_2746 : i32 to vector<16xi32>
        %max3A_2749 = arith.maxsi %max3A_2748, %get3A_2745 : vector<16xi32>
        %min3A_2750 = vector.broadcast %jit3A_2747 : i32 to vector<16xi32>
        %min3A_2751 = arith.minsi %min3A_2750, %max3A_2749 : vector<16xi32>
        %mul3A_2752 = arith.constant 4096 : i32
        %mul3A_2753 = vector.broadcast %mul3A_2752 : i32 to vector<16xi32>
        %mul3A_2754 = arith.muli %min3A_2731, %mul3A_2753 : vector<16xi32>
        %mul3A_2755 = arith.constant 64 : i32
        %mul3A_2756 = vector.broadcast %mul3A_2755 : i32 to vector<16xi32>
        %mul3A_2757 = arith.muli %min3A_2741, %mul3A_2756 : vector<16xi32>
        %add3A_2758 = arith.addi %mul3A_2754, %mul3A_2757 : vector<16xi32>
        %add3A_2759 = arith.addi %add3A_2758, %min3A_2751 : vector<16xi32>
        %swap3A_2760 = arith.constant 0 : i32
        %swap3A_2761 = arith.index_cast %rem3A_2183 : i32 to index
        %swap3A_2762 = arith.index_cast %swap3A_2760 : i32 to index
        %swap3A_2763 = arith.constant 16 : index
        %swap3A_2764 = tpu.vector_load %arg10[%swap3A_2761, %swap3A_2762, %swap3A_2763] {strides = array<i32>} : memref<2x8x80xi32, #tpu.memory_space<vmem>>, vector<1x1x16xi32>,
        %swap3A_2765 = vector.shape_cast %swap3A_2764 : vector<1x1x16xi32> to vector<16xi32>
        %swap3A_2766 = vector.shape_cast %add3A_2759 : vector<16xi32> to vector<1x1x16xi32>
        tpu.vector_store %arg10[%swap3A_2761, %swap3A_2762, %swap3A_2763], %swap3A_2766 {strides = array<i32>} : memref<2x8x80xi32, #tpu.memory_space<vmem>>, vector<1x1x16xi32>,
        %get3A_2767 = arith.index_cast %rem3A_2183 : i32 to index
        %get3A_2768 = arith.constant 32 : index
        %get3A_2769 = tpu.vector_load %arg7[%get3A_2767, %get3A_2768] {strides = array<i32>} : memref<2x640xi32, #tpu.memory_space<vmem>>, vector<1x16xi32>,
        %get3A_2770 = vector.shape_cast %get3A_2769 : vector<1x16xi32> to vector<16xi32>
        %jit3A_2771 = arith.constant 0 : i32
        %jit3A_2772 = arith.constant 9 : i32
        %max3A_2773 = vector.broadcast %jit3A_2771 : i32 to vector<16xi32>
        %max3A_2774 = arith.maxsi %max3A_2773, %get3A_2770 : vector<16xi32>
        %min3A_2775 = vector.broadcast %jit3A_2772 : i32 to vector<16xi32>
        %min3A_2776 = arith.minsi %min3A_2775, %max3A_2774 : vector<16xi32>
        %get3A_2777 = arith.index_cast %rem3A_2183 : i32 to index
        %get3A_2778 = arith.constant 32 : index
        %get3A_2779 = tpu.vector_load %arg8[%get3A_2777, %get3A_2778] {strides = array<i32>} : memref<2x640xi32, #tpu.memory_space<vmem>>, vector<1x16xi32>,
        %get3A_2780 = vector.shape_cast %get3A_2779 : vector<1x16xi32> to vector<16xi32>
        %jit3A_2781 = arith.constant 0 : i32
        %jit3A_2782 = arith.constant 63 : i32
        %max3A_2783 = vector.broadcast %jit3A_2781 : i32 to vector<16xi32>
        %max3A_2784 = arith.maxsi %max3A_2783, %get3A_2780 : vector<16xi32>
        %min3A_2785 = vector.broadcast %jit3A_2782 : i32 to vector<16xi32>
        %min3A_2786 = arith.minsi %min3A_2785, %max3A_2784 : vector<16xi32>
        %get3A_2787 = arith.index_cast %rem3A_2183 : i32 to index
        %get3A_2788 = arith.constant 32 : index
        %get3A_2789 = tpu.vector_load %arg9[%get3A_2787, %get3A_2788] {strides = array<i32>} : memref<2x640xi32, #tpu.memory_space<vmem>>, vector<1x16xi32>,
        %get3A_2790 = vector.shape_cast %get3A_2789 : vector<1x16xi32> to vector<16xi32>
        %jit3A_2791 = arith.constant 0 : i32
        %jit3A_2792 = arith.constant 63 : i32
        %max3A_2793 = vector.broadcast %jit3A_2791 : i32 to vector<16xi32>
        %max3A_2794 = arith.maxsi %max3A_2793, %get3A_2790 : vector<16xi32>
        %min3A_2795 = vector.broadcast %jit3A_2792 : i32 to vector<16xi32>
        %min3A_2796 = arith.minsi %min3A_2795, %max3A_2794 : vector<16xi32>
        %mul3A_2797 = arith.constant 4096 : i32
        %mul3A_2798 = vector.broadcast %mul3A_2797 : i32 to vector<16xi32>
        %mul3A_2799 = arith.muli %min3A_2776, %mul3A_2798 : vector<16xi32>
        %mul3A_2800 = arith.constant 64 : i32
        %mul3A_2801 = vector.broadcast %mul3A_2800 : i32 to vector<16xi32>
        %mul3A_2802 = arith.muli %min3A_2786, %mul3A_2801 : vector<16xi32>
        %add3A_2803 = arith.addi %mul3A_2799, %mul3A_2802 : vector<16xi32>
        %add3A_2804 = arith.addi %add3A_2803, %min3A_2796 : vector<16xi32>
        %swap3A_2805 = arith.constant 0 : i32
        %swap3A_2806 = arith.index_cast %rem3A_2183 : i32 to index
        %swap3A_2807 = arith.index_cast %swap3A_2805 : i32 to index
        %swap3A_2808 = arith.constant 32 : index
        %swap3A_2809 = tpu.vector_load %arg10[%swap3A_2806, %swap3A_2807, %swap3A_2808] {strides = array<i32>} : memref<2x8x80xi32, #tpu.memory_space<vmem>>, vector<1x1x16xi32>,
        %swap3A_2810 = vector.shape_cast %swap3A_2809 : vector<1x1x16xi32> to vector<16xi32>
        %swap3A_2811 = vector.shape_cast %add3A_2804 : vector<16xi32> to vector<1x1x16xi32>
        tpu.vector_store %arg10[%swap3A_2806, %swap3A_2807, %swap3A_2808], %swap3A_2811 {strides = array<i32>} : memref<2x8x80xi32, #tpu.memory_space<vmem>>, vector<1x1x16xi32>,
        %get3A_2812 = arith.index_cast %rem3A_2183 : i32 to index
        %get3A_2813 = arith.constant 48 : index
        %get3A_2814 = tpu.vector_load %arg7[%get3A_2812, %get3A_2813] {strides = array<i32>} : memref<2x640xi32, #tpu.memory_space<vmem>>, vector<1x16xi32>,
        %get3A_2815 = vector.shape_cast %get3A_2814 : vector<1x16xi32> to vector<16xi32>
        %jit3A_2816 = arith.constant 0 : i32
        %jit3A_2817 = arith.constant 9 : i32
        %max3A_2818 = vector.broadcast %jit3A_2816 : i32 to vector<16xi32>
        %max3A_2819 = arith.maxsi %max3A_2818, %get3A_2815 : vector<16xi32>
        %min3A_2820 = vector.broadcast %jit3A_2817 : i32 to vector<16xi32>
        %min3A_2821 = arith.minsi %min3A_2820, %max3A_2819 : vector<16xi32>
        %get3A_2822 = arith.index_cast %rem3A_2183 : i32 to index
        %get3A_2823 = arith.constant 48 : index
        %get3A_2824 = tpu.vector_load %arg8[%get3A_2822, %get3A_2823] {strides = array<i32>} : memref<2x640xi32, #tpu.memory_space<vmem>>, vector<1x16xi32>,
        %get3A_2825 = vector.shape_cast %get3A_2824 : vector<1x16xi32> to vector<16xi32>
        %jit3A_2826 = arith.constant 0 : i32
        %jit3A_2827 = arith.constant 63 : i32
        %max3A_2828 = vector.broadcast %jit3A_2826 : i32 to vector<16xi32>
        %max3A_2829 = arith.maxsi %max3A_2828, %get3A_2825 : vector<16xi32>
        %min3A_2830 = vector.broadcast %jit3A_2827 : i32 to vector<16xi32>
        %min3A_2831 = arith.minsi %min3A_2830, %max3A_2829 : vector<16xi32>
        %get3A_2832 = arith.index_cast %rem3A_2183 : i32 to index
        %get3A_2833 = arith.constant 48 : index
        %get3A_2834 = tpu.vector_load %arg9[%get3A_2832, %get3A_2833] {strides = array<i32>} : memref<2x640xi32, #tpu.memory_space<vmem>>, vector<1x16xi32>,
        %get3A_2835 = vector.shape_cast %get3A_2834 : vector<1x16xi32> to vector<16xi32>
        %jit3A_2836 = arith.constant 0 : i32
        %jit3A_2837 = arith.constant 63 : i32
        %max3A_2838 = vector.broadcast %jit3A_2836 : i32 to vector<16xi32>
        %max3A_2839 = arith.maxsi %max3A_2838, %get3A_2835 : vector<16xi32>
        %min3A_2840 = vector.broadcast %jit3A_2837 : i32 to vector<16xi32>
        %min3A_2841 = arith.minsi %min3A_2840, %max3A_2839 : vector<16xi32>
        %mul3A_2842 = arith.constant 4096 : i32
        %mul3A_2843 = vector.broadcast %mul3A_2842 : i32 to vector<16xi32>
        %mul3A_2844 = arith.muli %min3A_2821, %mul3A_2843 : vector<16xi32>
        %mul3A_2845 = arith.constant 64 : i32
        %mul3A_2846 = vector.broadcast %mul3A_2845 : i32 to vector<16xi32>
        %mul3A_2847 = arith.muli %min3A_2831, %mul3A_2846 : vector<16xi32>
        %add3A_2848 = arith.addi %mul3A_2844, %mul3A_2847 : vector<16xi32>
        %add3A_2849 = arith.addi %add3A_2848, %min3A_2841 : vector<16xi32>
        %swap3A_2850 = arith.constant 0 : i32
        %swap3A_2851 = arith.index_cast %rem3A_2183 : i32 to index
        %swap3A_2852 = arith.index_cast %swap3A_2850 : i32 to index
        %swap3A_2853 = arith.constant 48 : index
        %swap3A_2854 = tpu.vector_load %arg10[%swap3A_2851, %swap3A_2852, %swap3A_2853] {strides = array<i32>} : memref<2x8x80xi32, #tpu.memory_space<vmem>>, vector<1x1x16xi32>,
        %swap3A_2855 = vector.shape_cast %swap3A_2854 : vector<1x1x16xi32> to vector<16xi32>
        %swap3A_2856 = vector.shape_cast %add3A_2849 : vector<16xi32> to vector<1x1x16xi32>
        tpu.vector_store %arg10[%swap3A_2851, %swap3A_2852, %swap3A_2853], %swap3A_2856 {strides = array<i32>} : memref<2x8x80xi32, #tpu.memory_space<vmem>>, vector<1x1x16xi32>,
        %get3A_2857 = arith.index_cast %rem3A_2183 : i32 to index
        %get3A_2858 = arith.constant 64 : index
        %get3A_2859 = tpu.vector_load %arg7[%get3A_2857, %get3A_2858] {strides = array<i32>} : memref<2x640xi32, #tpu.memory_space<vmem>>, vector<1x16xi32>,
        %get3A_2860 = vector.shape_cast %get3A_2859 : vector<1x16xi32> to vector<16xi32>
        %jit3A_2861 = arith.constant 0 : i32
        %jit3A_2862 = arith.constant 9 : i32
        %max3A_2863 = vector.broadcast %jit3A_2861 : i32 to vector<16xi32>
        %max3A_2864 = arith.maxsi %max3A_2863, %get3A_2860 : vector<16xi32>
        %min3A_2865 = vector.broadcast %jit3A_2862 : i32 to vector<16xi32>
        %min3A_2866 = arith.minsi %min3A_2865, %max3A_2864 : vector<16xi32>
        %get3A_2867 = arith.index_cast %rem3A_2183 : i32 to index
        %get3A_2868 = arith.constant 64 : index
        %get3A_2869 = tpu.vector_load %arg8[%get3A_2867, %get3A_2868] {strides = array<i32>} : memref<2x640xi32, #tpu.memory_space<vmem>>, vector<1x16xi32>,
        %get3A_2870 = vector.shape_cast %get3A_2869 : vector<1x16xi32> to vector<16xi32>
        %jit3A_2871 = arith.constant 0 : i32
        %jit3A_2872 = arith.constant 63 : i32
        %max3A_2873 = vector.broadcast %jit3A_2871 : i32 to vector<16xi32>
        %max3A_2874 = arith.maxsi %max3A_2873, %get3A_2870 : vector<16xi32>
        %min3A_2875 = vector.broadcast %jit3A_2872 : i32 to vector<16xi32>
        %min3A_2876 = arith.minsi %min3A_2875, %max3A_2874 : vector<16xi32>
        %get3A_2877 = arith.index_cast %rem3A_2183 : i32 to index
        %get3A_2878 = arith.constant 64 : index
        %get3A_2879 = tpu.vector_load %arg9[%get3A_2877, %get3A_2878] {strides = array<i32>} : memref<2x640xi32, #tpu.memory_space<vmem>>, vector<1x16xi32>,
        %get3A_2880 = vector.shape_cast %get3A_2879 : vector<1x16xi32> to vector<16xi32>
        %jit3A_2881 = arith.constant 0 : i32
        %jit3A_2882 = arith.constant 63 : i32
        %max3A_2883 = vector.broadcast %jit3A_2881 : i32 to vector<16xi32>
        %max3A_2884 = arith.maxsi %max3A_2883, %get3A_2880 : vector<16xi32>
        %min3A_2885 = vector.broadcast %jit3A_2882 : i32 to vector<16xi32>
        %min3A_2886 = arith.minsi %min3A_2885, %max3A_2884 : vector<16xi32>
        %mul3A_2887 = arith.constant 4096 : i32
        %mul3A_2888 = vector.broadcast %mul3A_2887 : i32 to vector<16xi32>
        %mul3A_2889 = arith.muli %min3A_2866, %mul3A_2888 : vector<16xi32>
        %mul3A_2890 = arith.constant 64 : i32
        %mul3A_2891 = vector.broadcast %mul3A_2890 : i32 to vector<16xi32>
        %mul3A_2892 = arith.muli %min3A_2876, %mul3A_2891 : vector<16xi32>
        %add3A_2893 = arith.addi %mul3A_2889, %mul3A_2892 : vector<16xi32>
        %add3A_2894 = arith.addi %add3A_2893, %min3A_2886 : vector<16xi32>
        %swap3A_2895 = arith.constant 0 : i32
        %swap3A_2896 = arith.index_cast %rem3A_2183 : i32 to index
        %swap3A_2897 = arith.index_cast %swap3A_2895 : i32 to index
        %swap3A_2898 = arith.constant 64 : index
        %swap3A_2899 = tpu.vector_load %arg10[%swap3A_2896, %swap3A_2897, %swap3A_2898] {strides = array<i32>} : memref<2x8x80xi32, #tpu.memory_space<vmem>>, vector<1x1x16xi32>,
        %swap3A_2900 = vector.shape_cast %swap3A_2899 : vector<1x1x16xi32> to vector<16xi32>
        %swap3A_2901 = vector.shape_cast %add3A_2894 : vector<16xi32> to vector<1x1x16xi32>
        tpu.vector_store %arg10[%swap3A_2896, %swap3A_2897, %swap3A_2898], %swap3A_2901 {strides = array<i32>} : memref<2x8x80xi32, #tpu.memory_space<vmem>>, vector<1x1x16xi32>,
        %get3A_2902 = arith.index_cast %rem3A_2183 : i32 to index
        %get3A_2903 = arith.constant 80 : index
        %get3A_2904 = tpu.vector_load %arg7[%get3A_2902, %get3A_2903] {strides = array<i32>} : memref<2x640xi32, #tpu.memory_space<vmem>>, vector<1x16xi32>,
        %get3A_2905 = vector.shape_cast %get3A_2904 : vector<1x16xi32> to vector<16xi32>
        %jit3A_2906 = arith.constant 0 : i32
        %jit3A_2907 = arith.constant 9 : i32
        %max3A_2908 = vector.broadcast %jit3A_2906 : i32 to vector<16xi32>
        %max3A_2909 = arith.maxsi %max3A_2908, %get3A_2905 : vector<16xi32>
        %min3A_2910 = vector.broadcast %jit3A_2907 : i32 to vector<16xi32>
        %min3A_2911 = arith.minsi %min3A_2910, %max3A_2909 : vector<16xi32>
        %get3A_2912 = arith.index_cast %rem3A_2183 : i32 to index
        %get3A_2913 = arith.constant 80 : index
        %get3A_2914 = tpu.vector_load %arg8[%get3A_2912, %get3A_2913] {strides = array<i32>} : memref<2x640xi32, #tpu.memory_space<vmem>>, vector<1x16xi32>,
        %get3A_2915 = vector.shape_cast %get3A_2914 : vector<1x16xi32> to vector<16xi32>
        %jit3A_2916 = arith.constant 0 : i32
        %jit3A_2917 = arith.constant 63 : i32
        %max3A_2918 = vector.broadcast %jit3A_2916 : i32 to vector<16xi32>
        %max3A_2919 = arith.maxsi %max3A_2918, %get3A_2915 : vector<16xi32>
        %min3A_2920 = vector.broadcast %jit3A_2917 : i32 to vector<16xi32>
        %min3A_2921 = arith.minsi %min3A_2920, %max3A_2919 : vector<16xi32>
        %get3A_2922 = arith.index_cast %rem3A_2183 : i32 to index
        %get3A_2923 = arith.constant 80 : index
        %get3A_2924 = tpu.vector_load %arg9[%get3A_2922, %get3A_2923] {strides = array<i32>} : memref<2x640xi32, #tpu.memory_space<vmem>>, vector<1x16xi32>,
        %get3A_2925 = vector.shape_cast %get3A_2924 : vector<1x16xi32> to vector<16xi32>
        %jit3A_2926 = arith.constant 0 : i32
        %jit3A_2927 = arith.constant 63 : i32
        %max3A_2928 = vector.broadcast %jit3A_2926 : i32 to vector<16xi32>
        %max3A_2929 = arith.maxsi %max3A_2928, %get3A_2925 : vector<16xi32>
        %min3A_2930 = vector.broadcast %jit3A_2927 : i32 to vector<16xi32>
        %min3A_2931 = arith.minsi %min3A_2930, %max3A_2929 : vector<16xi32>
        %mul3A_2932 = arith.constant 4096 : i32
        %mul3A_2933 = vector.broadcast %mul3A_2932 : i32 to vector<16xi32>
        %mul3A_2934 = arith.muli %min3A_2911, %mul3A_2933 : vector<16xi32>
        %mul3A_2935 = arith.constant 64 : i32
        %mul3A_2936 = vector.broadcast %mul3A_2935 : i32 to vector<16xi32>
        %mul3A_2937 = arith.muli %min3A_2921, %mul3A_2936 : vector<16xi32>
        %add3A_2938 = arith.addi %mul3A_2934, %mul3A_2937 : vector<16xi32>
        %add3A_2939 = arith.addi %add3A_2938, %min3A_2931 : vector<16xi32>
        %swap3A_2940 = arith.constant 1 : i32
        %swap3A_2941 = arith.index_cast %rem3A_2183 : i32 to index
        %swap3A_2942 = arith.index_cast %swap3A_2940 : i32 to index
        %swap3A_2943 = arith.constant 0 : index
        %swap3A_2944 = tpu.vector_load %arg10[%swap3A_2941, %swap3A_2942, %swap3A_2943] {strides = array<i32>} : memref<2x8x80xi32, #tpu.memory_space<vmem>>, vector<1x1x16xi32>,
        %swap3A_2945 = vector.shape_cast %swap3A_2944 : vector<1x1x16xi32> to vector<16xi32>
        %swap3A_2946 = vector.shape_cast %add3A_2939 : vector<16xi32> to vector<1x1x16xi32>
        tpu.vector_store %arg10[%swap3A_2941, %swap3A_2942, %swap3A_2943], %swap3A_2946 {strides = array<i32>} : memref<2x8x80xi32, #tpu.memory_space<vmem>>, vector<1x1x16xi32>,
        %get3A_2947 = arith.index_cast %rem3A_2183 : i32 to index
        %get3A_2948 = arith.constant 96 : index
        %get3A_2949 = tpu.vector_load %arg7[%get3A_2947, %get3A_2948] {strides = array<i32>} : memref<2x640xi32, #tpu.memory_space<vmem>>, vector<1x16xi32>,
        %get3A_2950 = vector.shape_cast %get3A_2949 : vector<1x16xi32> to vector<16xi32>
        %jit3A_2951 = arith.constant 0 : i32
        %jit3A_2952 = arith.constant 9 : i32
        %max3A_2953 = vector.broadcast %jit3A_2951 : i32 to vector<16xi32>
        %max3A_2954 = arith.maxsi %max3A_2953, %get3A_2950 : vector<16xi32>
        %min3A_2955 = vector.broadcast %jit3A_2952 : i32 to vector<16xi32>
        %min3A_2956 = arith.minsi %min3A_2955, %max3A_2954 : vector<16xi32>
        %get3A_2957 = arith.index_cast %rem3A_2183 : i32 to index
        %get3A_2958 = arith.constant 96 : index
        %get3A_2959 = tpu.vector_load %arg8[%get3A_2957, %get3A_2958] {strides = array<i32>} : memref<2x640xi32, #tpu.memory_space<vmem>>, vector<1x16xi32>,
        %get3A_2960 = vector.shape_cast %get3A_2959 : vector<1x16xi32> to vector<16xi32>
        %jit3A_2961 = arith.constant 0 : i32
        %jit3A_2962 = arith.constant 63 : i32
        %max3A_2963 = vector.broadcast %jit3A_2961 : i32 to vector<16xi32>
        %max3A_2964 = arith.maxsi %max3A_2963, %get3A_2960 : vector<16xi32>
        %min3A_2965 = vector.broadcast %jit3A_2962 : i32 to vector<16xi32>
        %min3A_2966 = arith.minsi %min3A_2965, %max3A_2964 : vector<16xi32>
        %get3A_2967 = arith.index_cast %rem3A_2183 : i32 to index
        %get3A_2968 = arith.constant 96 : index
        %get3A_2969 = tpu.vector_load %arg9[%get3A_2967, %get3A_2968] {strides = array<i32>} : memref<2x640xi32, #tpu.memory_space<vmem>>, vector<1x16xi32>,
        %get3A_2970 = vector.shape_cast %get3A_2969 : vector<1x16xi32> to vector<16xi32>
        %jit3A_2971 = arith.constant 0 : i32
        %jit3A_2972 = arith.constant 63 : i32
        %max3A_2973 = vector.broadcast %jit3A_2971 : i32 to vector<16xi32>
        %max3A_2974 = arith.maxsi %max3A_2973, %get3A_2970 : vector<16xi32>
        %min3A_2975 = vector.broadcast %jit3A_2972 : i32 to vector<16xi32>
        %min3A_2976 = arith.minsi %min3A_2975, %max3A_2974 : vector<16xi32>
        %mul3A_2977 = arith.constant 4096 : i32
        %mul3A_2978 = vector.broadcast %mul3A_2977 : i32 to vector<16xi32>
        %mul3A_2979 = arith.muli %min3A_2956, %mul3A_2978 : vector<16xi32>
        %mul3A_2980 = arith.constant 64 : i32
        %mul3A_2981 = vector.broadcast %mul3A_2980 : i32 to vector<16xi32>
        %mul3A_2982 = arith.muli %min3A_2966, %mul3A_2981 : vector<16xi32>
        %add3A_2983 = arith.addi %mul3A_2979, %mul3A_2982 : vector<16xi32>
        %add3A_2984 = arith.addi %add3A_2983, %min3A_2976 : vector<16xi32>
        %swap3A_2985 = arith.constant 1 : i32
        %swap3A_2986 = arith.index_cast %rem3A_2183 : i32 to index
        %swap3A_2987 = arith.index_cast %swap3A_2985 : i32 to index
        %swap3A_2988 = arith.constant 16 : index
        %swap3A_2989 = tpu.vector_load %arg10[%swap3A_2986, %swap3A_2987, %swap3A_2988] {strides = array<i32>} : memref<2x8x80xi32, #tpu.memory_space<vmem>>, vector<1x1x16xi32>,
        %swap3A_2990 = vector.shape_cast %swap3A_2989 : vector<1x1x16xi32> to vector<16xi32>
        %swap3A_2991 = vector.shape_cast %add3A_2984 : vector<16xi32> to vector<1x1x16xi32>
        tpu.vector_store %arg10[%swap3A_2986, %swap3A_2987, %swap3A_2988], %swap3A_2991 {strides = array<i32>} : memref<2x8x80xi32, #tpu.memory_space<vmem>>, vector<1x1x16xi32>,
        %get3A_2992 = arith.index_cast %rem3A_2183 : i32 to index
        %get3A_2993 = arith.constant 112 : index
        %get3A_2994 = tpu.vector_load %arg7[%get3A_2992, %get3A_2993] {strides = array<i32>} : memref<2x640xi32, #tpu.memory_space<vmem>>, vector<1x16xi32>,
        %get3A_2995 = vector.shape_cast %get3A_2994 : vector<1x16xi32> to vector<16xi32>
        %jit3A_2996 = arith.constant 0 : i32
        %jit3A_2997 = arith.constant 9 : i32
        %max3A_2998 = vector.broadcast %jit3A_2996 : i32 to vector<16xi32>
        %max3A_2999 = arith.maxsi %max3A_2998, %get3A_2995 : vector<16xi32>
        %min3A_3000 = vector.broadcast %jit3A_2997 : i32 to vector<16xi32>
        %min3A_3001 = arith.minsi %min3A_3000, %max3A_2999 : vector<16xi32>
        %get3A_3002 = arith.index_cast %rem3A_2183 : i32 to index
        %get3A_3003 = arith.constant 112 : index
        %get3A_3004 = tpu.vector_load %arg8[%get3A_3002, %get3A_3003] {strides = array<i32>} : memref<2x640xi32, #tpu.memory_space<vmem>>, vector<1x16xi32>,
        %get3A_3005 = vector.shape_cast %get3A_3004 : vector<1x16xi32> to vector<16xi32>
        %jit3A_3006 = arith.constant 0 : i32
        %jit3A_3007 = arith.constant 63 : i32
        %max3A_3008 = vector.broadcast %jit3A_3006 : i32 to vector<16xi32>
        %max3A_3009 = arith.maxsi %max3A_3008, %get3A_3005 : vector<16xi32>
        %min3A_3010 = vector.broadcast %jit3A_3007 : i32 to vector<16xi32>
        %min3A_3011 = arith.minsi %min3A_3010, %max3A_3009 : vector<16xi32>
        %get3A_3012 = arith.index_cast %rem3A_2183 : i32 to index
        %get3A_3013 = arith.constant 112 : index
        %get3A_3014 = tpu.vector_load %arg9[%get3A_3012, %get3A_3013] {strides = array<i32>} : memref<2x640xi32, #tpu.memory_space<vmem>>, vector<1x16xi32>,
        %get3A_3015 = vector.shape_cast %get3A_3014 : vector<1x16xi32> to vector<16xi32>
        %jit3A_3016 = arith.constant 0 : i32
        %jit3A_3017 = arith.constant 63 : i32
        %max3A_3018 = vector.broadcast %jit3A_3016 : i32 to vector<16xi32>
        %max3A_3019 = arith.maxsi %max3A_3018, %get3A_3015 : vector<16xi32>
        %min3A_3020 = vector.broadcast %jit3A_3017 : i32 to vector<16xi32>
        %min3A_3021 = arith.minsi %min3A_3020, %max3A_3019 : vector<16xi32>
        %mul3A_3022 = arith.constant 4096 : i32
        %mul3A_3023 = vector.broadcast %mul3A_3022 : i32 to vector<16xi32>
        %mul3A_3024 = arith.muli %min3A_3001, %mul3A_3023 : vector<16xi32>
        %mul3A_3025 = arith.constant 64 : i32
        %mul3A_3026 = vector.broadcast %mul3A_3025 : i32 to vector<16xi32>
        %mul3A_3027 = arith.muli %min3A_3011, %mul3A_3026 : vector<16xi32>
        %add3A_3028 = arith.addi %mul3A_3024, %mul3A_3027 : vector<16xi32>
        %add3A_3029 = arith.addi %add3A_3028, %min3A_3021 : vector<16xi32>
        %swap3A_3030 = arith.constant 1 : i32
        %swap3A_3031 = arith.index_cast %rem3A_2183 : i32 to index
        %swap3A_3032 = arith.index_cast %swap3A_3030 : i32 to index
        %swap3A_3033 = arith.constant 32 : index
        %swap3A_3034 = tpu.vector_load %arg10[%swap3A_3031, %swap3A_3032, %swap3A_3033] {strides = array<i32>} : memref<2x8x80xi32, #tpu.memory_space<vmem>>, vector<1x1x16xi32>,
        %swap3A_3035 = vector.shape_cast %swap3A_3034 : vector<1x1x16xi32> to vector<16xi32>
        %swap3A_3036 = vector.shape_cast %add3A_3029 : vector<16xi32> to vector<1x1x16xi32>
        tpu.vector_store %arg10[%swap3A_3031, %swap3A_3032, %swap3A_3033], %swap3A_3036 {strides = array<i32>} : memref<2x8x80xi32, #tpu.memory_space<vmem>>, vector<1x1x16xi32>,
        %get3A_3037 = arith.index_cast %rem3A_2183 : i32 to index
        %get3A_3038 = arith.constant 128 : index
        %get3A_3039 = tpu.vector_load %arg7[%get3A_3037, %get3A_3038] {strides = array<i32>} : memref<2x640xi32, #tpu.memory_space<vmem>>, vector<1x16xi32>,
        %get3A_3040 = vector.shape_cast %get3A_3039 : vector<1x16xi32> to vector<16xi32>
        %jit3A_3041 = arith.constant 0 : i32
        %jit3A_3042 = arith.constant 9 : i32
        %max3A_3043 = vector.broadcast %jit3A_3041 : i32 to vector<16xi32>
        %max3A_3044 = arith.maxsi %max3A_3043, %get3A_3040 : vector<16xi32>
        %min3A_3045 = vector.broadcast %jit3A_3042 : i32 to vector<16xi32>
        %min3A_3046 = arith.minsi %min3A_3045, %max3A_3044 : vector<16xi32>
        %get3A_3047 = arith.index_cast %rem3A_2183 : i32 to index
        %get3A_3048 = arith.constant 128 : index
        %get3A_3049 = tpu.vector_load %arg8[%get3A_3047, %get3A_3048] {strides = array<i32>} : memref<2x640xi32, #tpu.memory_space<vmem>>, vector<1x16xi32>,
        %get3A_3050 = vector.shape_cast %get3A_3049 : vector<1x16xi32> to vector<16xi32>
        %jit3A_3051 = arith.constant 0 : i32
        %jit3A_3052 = arith.constant 63 : i32
        %max3A_3053 = vector.broadcast %jit3A_3051 : i32 to vector<16xi32>
        %max3A_3054 = arith.maxsi %max3A_3053, %get3A_3050 : vector<16xi32>
        %min3A_3055 = vector.broadcast %jit3A_3052 : i32 to vector<16xi32>
        %min3A_3056 = arith.minsi %min3A_3055, %max3A_3054 : vector<16xi32>
        %get3A_3057 = arith.index_cast %rem3A_2183 : i32 to index
        %get3A_3058 = arith.constant 128 : index
        %get3A_3059 = tpu.vector_load %arg9[%get3A_3057, %get3A_3058] {strides = array<i32>} : memref<2x640xi32, #tpu.memory_space<vmem>>, vector<1x16xi32>,
        %get3A_3060 = vector.shape_cast %get3A_3059 : vector<1x16xi32> to vector<16xi32>
        %jit3A_3061 = arith.constant 0 : i32
        %jit3A_3062 = arith.constant 63 : i32
        %max3A_3063 = vector.broadcast %jit3A_3061 : i32 to vector<16xi32>
        %max3A_3064 = arith.maxsi %max3A_3063, %get3A_3060 : vector<16xi32>
        %min3A_3065 = vector.broadcast %jit3A_3062 : i32 to vector<16xi32>
        %min3A_3066 = arith.minsi %min3A_3065, %max3A_3064 : vector<16xi32>
        %mul3A_3067 = arith.constant 4096 : i32
        %mul3A_3068 = vector.broadcast %mul3A_3067 : i32 to vector<16xi32>
        %mul3A_3069 = arith.muli %min3A_3046, %mul3A_3068 : vector<16xi32>
        %mul3A_3070 = arith.constant 64 : i32
        %mul3A_3071 = vector.broadcast %mul3A_3070 : i32 to vector<16xi32>
        %mul3A_3072 = arith.muli %min3A_3056, %mul3A_3071 : vector<16xi32>
        %add3A_3073 = arith.addi %mul3A_3069, %mul3A_3072 : vector<16xi32>
        %add3A_3074 = arith.addi %add3A_3073, %min3A_3066 : vector<16xi32>
        %swap3A_3075 = arith.constant 1 : i32
        %swap3A_3076 = arith.index_cast %rem3A_2183 : i32 to index
        %swap3A_3077 = arith.index_cast %swap3A_3075 : i32 to index
        %swap3A_3078 = arith.constant 48 : index
        %swap3A_3079 = tpu.vector_load %arg10[%swap3A_3076, %swap3A_3077, %swap3A_3078] {strides = array<i32>} : memref<2x8x80xi32, #tpu.memory_space<vmem>>, vector<1x1x16xi32>,
        %swap3A_3080 = vector.shape_cast %swap3A_3079 : vector<1x1x16xi32> to vector<16xi32>
        %swap3A_3081 = vector.shape_cast %add3A_3074 : vector<16xi32> to vector<1x1x16xi32>
        tpu.vector_store %arg10[%swap3A_3076, %swap3A_3077, %swap3A_3078], %swap3A_3081 {strides = array<i32>} : memref<2x8x80xi32, #tpu.memory_space<vmem>>, vector<1x1x16xi32>,
        %get3A_3082 = arith.index_cast %rem3A_2183 : i32 to index
        %get3A_3083 = arith.constant 144 : index
        %get3A_3084 = tpu.vector_load %arg7[%get3A_3082, %get3A_3083] {strides = array<i32>} : memref<2x640xi32, #tpu.memory_space<vmem>>, vector<1x16xi32>,
        %get3A_3085 = vector.shape_cast %get3A_3084 : vector<1x16xi32> to vector<16xi32>
        %jit3A_3086 = arith.constant 0 : i32
        %jit3A_3087 = arith.constant 9 : i32
        %max3A_3088 = vector.broadcast %jit3A_3086 : i32 to vector<16xi32>
        %max3A_3089 = arith.maxsi %max3A_3088, %get3A_3085 : vector<16xi32>
        %min3A_3090 = vector.broadcast %jit3A_3087 : i32 to vector<16xi32>
        %min3A_3091 = arith.minsi %min3A_3090, %max3A_3089 : vector<16xi32>
        %get3A_3092 = arith.index_cast %rem3A_2183 : i32 to index
        %get3A_3093 = arith.constant 144 : index
        %get3A_3094 = tpu.vector_load %arg8[%get3A_3092, %get3A_3093] {strides = array<i32>} : memref<2x640xi32, #tpu.memory_space<vmem>>, vector<1x16xi32>,
        %get3A_3095 = vector.shape_cast %get3A_3094 : vector<1x16xi32> to vector<16xi32>
        %jit3A_3096 = arith.constant 0 : i32
        %jit3A_3097 = arith.constant 63 : i32
        %max3A_3098 = vector.broadcast %jit3A_3096 : i32 to vector<16xi32>
        %max3A_3099 = arith.maxsi %max3A_3098, %get3A_3095 : vector<16xi32>
        %min3A_3100 = vector.broadcast %jit3A_3097 : i32 to vector<16xi32>
        %min3A_3101 = arith.minsi %min3A_3100, %max3A_3099 : vector<16xi32>
        %get3A_3102 = arith.index_cast %rem3A_2183 : i32 to index
        %get3A_3103 = arith.constant 144 : index
        %get3A_3104 = tpu.vector_load %arg9[%get3A_3102, %get3A_3103] {strides = array<i32>} : memref<2x640xi32, #tpu.memory_space<vmem>>, vector<1x16xi32>,
        %get3A_3105 = vector.shape_cast %get3A_3104 : vector<1x16xi32> to vector<16xi32>
        %jit3A_3106 = arith.constant 0 : i32
        %jit3A_3107 = arith.constant 63 : i32
        %max3A_3108 = vector.broadcast %jit3A_3106 : i32 to vector<16xi32>
        %max3A_3109 = arith.maxsi %max3A_3108, %get3A_3105 : vector<16xi32>
        %min3A_3110 = vector.broadcast %jit3A_3107 : i32 to vector<16xi32>
        %min3A_3111 = arith.minsi %min3A_3110, %max3A_3109 : vector<16xi32>
        %mul3A_3112 = arith.constant 4096 : i32
        %mul3A_3113 = vector.broadcast %mul3A_3112 : i32 to vector<16xi32>
        %mul3A_3114 = arith.muli %min3A_3091, %mul3A_3113 : vector<16xi32>
        %mul3A_3115 = arith.constant 64 : i32
        %mul3A_3116 = vector.broadcast %mul3A_3115 : i32 to vector<16xi32>
        %mul3A_3117 = arith.muli %min3A_3101, %mul3A_3116 : vector<16xi32>
        %add3A_3118 = arith.addi %mul3A_3114, %mul3A_3117 : vector<16xi32>
        %add3A_3119 = arith.addi %add3A_3118, %min3A_3111 : vector<16xi32>
        %swap3A_3120 = arith.constant 1 : i32
        %swap3A_3121 = arith.index_cast %rem3A_2183 : i32 to index
        %swap3A_3122 = arith.index_cast %swap3A_3120 : i32 to index
        %swap3A_3123 = arith.constant 64 : index
        %swap3A_3124 = tpu.vector_load %arg10[%swap3A_3121, %swap3A_3122, %swap3A_3123] {strides = array<i32>} : memref<2x8x80xi32, #tpu.memory_space<vmem>>, vector<1x1x16xi32>,
        %swap3A_3125 = vector.shape_cast %swap3A_3124 : vector<1x1x16xi32> to vector<16xi32>
        %swap3A_3126 = vector.shape_cast %add3A_3119 : vector<16xi32> to vector<1x1x16xi32>
        tpu.vector_store %arg10[%swap3A_3121, %swap3A_3122, %swap3A_3123], %swap3A_3126 {strides = array<i32>} : memref<2x8x80xi32, #tpu.memory_space<vmem>>, vector<1x1x16xi32>,
        %get3A_3127 = arith.index_cast %rem3A_2183 : i32 to index
        %get3A_3128 = arith.constant 160 : index
        %get3A_3129 = tpu.vector_load %arg7[%get3A_3127, %get3A_3128] {strides = array<i32>} : memref<2x640xi32, #tpu.memory_space<vmem>>, vector<1x16xi32>,
        %get3A_3130 = vector.shape_cast %get3A_3129 : vector<1x16xi32> to vector<16xi32>
        %jit3A_3131 = arith.constant 0 : i32
        %jit3A_3132 = arith.constant 9 : i32
        %max3A_3133 = vector.broadcast %jit3A_3131 : i32 to vector<16xi32>
        %max3A_3134 = arith.maxsi %max3A_3133, %get3A_3130 : vector<16xi32>
        %min3A_3135 = vector.broadcast %jit3A_3132 : i32 to vector<16xi32>
        %min3A_3136 = arith.minsi %min3A_3135, %max3A_3134 : vector<16xi32>
        %get3A_3137 = arith.index_cast %rem3A_2183 : i32 to index
        %get3A_3138 = arith.constant 160 : index
        %get3A_3139 = tpu.vector_load %arg8[%get3A_3137, %get3A_3138] {strides = array<i32>} : memref<2x640xi32, #tpu.memory_space<vmem>>, vector<1x16xi32>,
        %get3A_3140 = vector.shape_cast %get3A_3139 : vector<1x16xi32> to vector<16xi32>
        %jit3A_3141 = arith.constant 0 : i32
        %jit3A_3142 = arith.constant 63 : i32
        %max3A_3143 = vector.broadcast %jit3A_3141 : i32 to vector<16xi32>
        %max3A_3144 = arith.maxsi %max3A_3143, %get3A_3140 : vector<16xi32>
        %min3A_3145 = vector.broadcast %jit3A_3142 : i32 to vector<16xi32>
        %min3A_3146 = arith.minsi %min3A_3145, %max3A_3144 : vector<16xi32>
        %get3A_3147 = arith.index_cast %rem3A_2183 : i32 to index
        %get3A_3148 = arith.constant 160 : index
        %get3A_3149 = tpu.vector_load %arg9[%get3A_3147, %get3A_3148] {strides = array<i32>} : memref<2x640xi32, #tpu.memory_space<vmem>>, vector<1x16xi32>,
        %get3A_3150 = vector.shape_cast %get3A_3149 : vector<1x16xi32> to vector<16xi32>
        %jit3A_3151 = arith.constant 0 : i32
        %jit3A_3152 = arith.constant 63 : i32
        %max3A_3153 = vector.broadcast %jit3A_3151 : i32 to vector<16xi32>
        %max3A_3154 = arith.maxsi %max3A_3153, %get3A_3150 : vector<16xi32>
        %min3A_3155 = vector.broadcast %jit3A_3152 : i32 to vector<16xi32>
        %min3A_3156 = arith.minsi %min3A_3155, %max3A_3154 : vector<16xi32>
        %mul3A_3157 = arith.constant 4096 : i32
        %mul3A_3158 = vector.broadcast %mul3A_3157 : i32 to vector<16xi32>
        %mul3A_3159 = arith.muli %min3A_3136, %mul3A_3158 : vector<16xi32>
        %mul3A_3160 = arith.constant 64 : i32
        %mul3A_3161 = vector.broadcast %mul3A_3160 : i32 to vector<16xi32>
        %mul3A_3162 = arith.muli %min3A_3146, %mul3A_3161 : vector<16xi32>
        %add3A_3163 = arith.addi %mul3A_3159, %mul3A_3162 : vector<16xi32>
        %add3A_3164 = arith.addi %add3A_3163, %min3A_3156 : vector<16xi32>
        %swap3A_3165 = arith.constant 2 : i32
        %swap3A_3166 = arith.index_cast %rem3A_2183 : i32 to index
        %swap3A_3167 = arith.index_cast %swap3A_3165 : i32 to index
        %swap3A_3168 = arith.constant 0 : index
        %swap3A_3169 = tpu.vector_load %arg10[%swap3A_3166, %swap3A_3167, %swap3A_3168] {strides = array<i32>} : memref<2x8x80xi32, #tpu.memory_space<vmem>>, vector<1x1x16xi32>,
        %swap3A_3170 = vector.shape_cast %swap3A_3169 : vector<1x1x16xi32> to vector<16xi32>
        %swap3A_3171 = vector.shape_cast %add3A_3164 : vector<16xi32> to vector<1x1x16xi32>
        tpu.vector_store %arg10[%swap3A_3166, %swap3A_3167, %swap3A_3168], %swap3A_3171 {strides = array<i32>} : memref<2x8x80xi32, #tpu.memory_space<vmem>>, vector<1x1x16xi32>,
        %get3A_3172 = arith.index_cast %rem3A_2183 : i32 to index
        %get3A_3173 = arith.constant 176 : index
        %get3A_3174 = tpu.vector_load %arg7[%get3A_3172, %get3A_3173] {strides = array<i32>} : memref<2x640xi32, #tpu.memory_space<vmem>>, vector<1x16xi32>,
        %get3A_3175 = vector.shape_cast %get3A_3174 : vector<1x16xi32> to vector<16xi32>
        %jit3A_3176 = arith.constant 0 : i32
        %jit3A_3177 = arith.constant 9 : i32
        %max3A_3178 = vector.broadcast %jit3A_3176 : i32 to vector<16xi32>
        %max3A_3179 = arith.maxsi %max3A_3178, %get3A_3175 : vector<16xi32>
        %min3A_3180 = vector.broadcast %jit3A_3177 : i32 to vector<16xi32>
        %min3A_3181 = arith.minsi %min3A_3180, %max3A_3179 : vector<16xi32>
        %get3A_3182 = arith.index_cast %rem3A_2183 : i32 to index
        %get3A_3183 = arith.constant 176 : index
        %get3A_3184 = tpu.vector_load %arg8[%get3A_3182, %get3A_3183] {strides = array<i32>} : memref<2x640xi32, #tpu.memory_space<vmem>>, vector<1x16xi32>,
        %get3A_3185 = vector.shape_cast %get3A_3184 : vector<1x16xi32> to vector<16xi32>
        %jit3A_3186 = arith.constant 0 : i32
        %jit3A_3187 = arith.constant 63 : i32
        %max3A_3188 = vector.broadcast %jit3A_3186 : i32 to vector<16xi32>
        %max3A_3189 = arith.maxsi %max3A_3188, %get3A_3185 : vector<16xi32>
        %min3A_3190 = vector.broadcast %jit3A_3187 : i32 to vector<16xi32>
        %min3A_3191 = arith.minsi %min3A_3190, %max3A_3189 : vector<16xi32>
        %get3A_3192 = arith.index_cast %rem3A_2183 : i32 to index
        %get3A_3193 = arith.constant 176 : index
        %get3A_3194 = tpu.vector_load %arg9[%get3A_3192, %get3A_3193] {strides = array<i32>} : memref<2x640xi32, #tpu.memory_space<vmem>>, vector<1x16xi32>,
        %get3A_3195 = vector.shape_cast %get3A_3194 : vector<1x16xi32> to vector<16xi32>
        %jit3A_3196 = arith.constant 0 : i32
        %jit3A_3197 = arith.constant 63 : i32
        %max3A_3198 = vector.broadcast %jit3A_3196 : i32 to vector<16xi32>
        %max3A_3199 = arith.maxsi %max3A_3198, %get3A_3195 : vector<16xi32>
        %min3A_3200 = vector.broadcast %jit3A_3197 : i32 to vector<16xi32>
        %min3A_3201 = arith.minsi %min3A_3200, %max3A_3199 : vector<16xi32>
        %mul3A_3202 = arith.constant 4096 : i32
        %mul3A_3203 = vector.broadcast %mul3A_3202 : i32 to vector<16xi32>
        %mul3A_3204 = arith.muli %min3A_3181, %mul3A_3203 : vector<16xi32>
        %mul3A_3205 = arith.constant 64 : i32
        %mul3A_3206 = vector.broadcast %mul3A_3205 : i32 to vector<16xi32>
        %mul3A_3207 = arith.muli %min3A_3191, %mul3A_3206 : vector<16xi32>
        %add3A_3208 = arith.addi %mul3A_3204, %mul3A_3207 : vector<16xi32>
        %add3A_3209 = arith.addi %add3A_3208, %min3A_3201 : vector<16xi32>
        %swap3A_3210 = arith.constant 2 : i32
        %swap3A_3211 = arith.index_cast %rem3A_2183 : i32 to index
        %swap3A_3212 = arith.index_cast %swap3A_3210 : i32 to index
        %swap3A_3213 = arith.constant 16 : index
        %swap3A_3214 = tpu.vector_load %arg10[%swap3A_3211, %swap3A_3212, %swap3A_3213] {strides = array<i32>} : memref<2x8x80xi32, #tpu.memory_space<vmem>>, vector<1x1x16xi32>,
        %swap3A_3215 = vector.shape_cast %swap3A_3214 : vector<1x1x16xi32> to vector<16xi32>
        %swap3A_3216 = vector.shape_cast %add3A_3209 : vector<16xi32> to vector<1x1x16xi32>
        tpu.vector_store %arg10[%swap3A_3211, %swap3A_3212, %swap3A_3213], %swap3A_3216 {strides = array<i32>} : memref<2x8x80xi32, #tpu.memory_space<vmem>>, vector<1x1x16xi32>,
        %get3A_3217 = arith.index_cast %rem3A_2183 : i32 to index
        %get3A_3218 = arith.constant 192 : index
        %get3A_3219 = tpu.vector_load %arg7[%get3A_3217, %get3A_3218] {strides = array<i32>} : memref<2x640xi32, #tpu.memory_space<vmem>>, vector<1x16xi32>,
        %get3A_3220 = vector.shape_cast %get3A_3219 : vector<1x16xi32> to vector<16xi32>
        %jit3A_3221 = arith.constant 0 : i32
        %jit3A_3222 = arith.constant 9 : i32
        %max3A_3223 = vector.broadcast %jit3A_3221 : i32 to vector<16xi32>
        %max3A_3224 = arith.maxsi %max3A_3223, %get3A_3220 : vector<16xi32>
        %min3A_3225 = vector.broadcast %jit3A_3222 : i32 to vector<16xi32>
        %min3A_3226 = arith.minsi %min3A_3225, %max3A_3224 : vector<16xi32>
        %get3A_3227 = arith.index_cast %rem3A_2183 : i32 to index
        %get3A_3228 = arith.constant 192 : index
        %get3A_3229 = tpu.vector_load %arg8[%get3A_3227, %get3A_3228] {strides = array<i32>} : memref<2x640xi32, #tpu.memory_space<vmem>>, vector<1x16xi32>,
        %get3A_3230 = vector.shape_cast %get3A_3229 : vector<1x16xi32> to vector<16xi32>
        %jit3A_3231 = arith.constant 0 : i32
        %jit3A_3232 = arith.constant 63 : i32
        %max3A_3233 = vector.broadcast %jit3A_3231 : i32 to vector<16xi32>
        %max3A_3234 = arith.maxsi %max3A_3233, %get3A_3230 : vector<16xi32>
        %min3A_3235 = vector.broadcast %jit3A_3232 : i32 to vector<16xi32>
        %min3A_3236 = arith.minsi %min3A_3235, %max3A_3234 : vector<16xi32>
        %get3A_3237 = arith.index_cast %rem3A_2183 : i32 to index
        %get3A_3238 = arith.constant 192 : index
        %get3A_3239 = tpu.vector_load %arg9[%get3A_3237, %get3A_3238] {strides = array<i32>} : memref<2x640xi32, #tpu.memory_space<vmem>>, vector<1x16xi32>,
        %get3A_3240 = vector.shape_cast %get3A_3239 : vector<1x16xi32> to vector<16xi32>
        %jit3A_3241 = arith.constant 0 : i32
        %jit3A_3242 = arith.constant 63 : i32
        %max3A_3243 = vector.broadcast %jit3A_3241 : i32 to vector<16xi32>
        %max3A_3244 = arith.maxsi %max3A_3243, %get3A_3240 : vector<16xi32>
        %min3A_3245 = vector.broadcast %jit3A_3242 : i32 to vector<16xi32>
        %min3A_3246 = arith.minsi %min3A_3245, %max3A_3244 : vector<16xi32>
        %mul3A_3247 = arith.constant 4096 : i32
        %mul3A_3248 = vector.broadcast %mul3A_3247 : i32 to vector<16xi32>
        %mul3A_3249 = arith.muli %min3A_3226, %mul3A_3248 : vector<16xi32>
        %mul3A_3250 = arith.constant 64 : i32
        %mul3A_3251 = vector.broadcast %mul3A_3250 : i32 to vector<16xi32>
        %mul3A_3252 = arith.muli %min3A_3236, %mul3A_3251 : vector<16xi32>
        %add3A_3253 = arith.addi %mul3A_3249, %mul3A_3252 : vector<16xi32>
        %add3A_3254 = arith.addi %add3A_3253, %min3A_3246 : vector<16xi32>
        %swap3A_3255 = arith.constant 2 : i32
        %swap3A_3256 = arith.index_cast %rem3A_2183 : i32 to index
        %swap3A_3257 = arith.index_cast %swap3A_3255 : i32 to index
        %swap3A_3258 = arith.constant 32 : index
        %swap3A_3259 = tpu.vector_load %arg10[%swap3A_3256, %swap3A_3257, %swap3A_3258] {strides = array<i32>} : memref<2x8x80xi32, #tpu.memory_space<vmem>>, vector<1x1x16xi32>,
        %swap3A_3260 = vector.shape_cast %swap3A_3259 : vector<1x1x16xi32> to vector<16xi32>
        %swap3A_3261 = vector.shape_cast %add3A_3254 : vector<16xi32> to vector<1x1x16xi32>
        tpu.vector_store %arg10[%swap3A_3256, %swap3A_3257, %swap3A_3258], %swap3A_3261 {strides = array<i32>} : memref<2x8x80xi32, #tpu.memory_space<vmem>>, vector<1x1x16xi32>,
        %get3A_3262 = arith.index_cast %rem3A_2183 : i32 to index
        %get3A_3263 = arith.constant 208 : index
        %get3A_3264 = tpu.vector_load %arg7[%get3A_3262, %get3A_3263] {strides = array<i32>} : memref<2x640xi32, #tpu.memory_space<vmem>>, vector<1x16xi32>,
        %get3A_3265 = vector.shape_cast %get3A_3264 : vector<1x16xi32> to vector<16xi32>
        %jit3A_3266 = arith.constant 0 : i32
        %jit3A_3267 = arith.constant 9 : i32
        %max3A_3268 = vector.broadcast %jit3A_3266 : i32 to vector<16xi32>
        %max3A_3269 = arith.maxsi %max3A_3268, %get3A_3265 : vector<16xi32>
        %min3A_3270 = vector.broadcast %jit3A_3267 : i32 to vector<16xi32>
        %min3A_3271 = arith.minsi %min3A_3270, %max3A_3269 : vector<16xi32>
        %get3A_3272 = arith.index_cast %rem3A_2183 : i32 to index
        %get3A_3273 = arith.constant 208 : index
        %get3A_3274 = tpu.vector_load %arg8[%get3A_3272, %get3A_3273] {strides = array<i32>} : memref<2x640xi32, #tpu.memory_space<vmem>>, vector<1x16xi32>,
        %get3A_3275 = vector.shape_cast %get3A_3274 : vector<1x16xi32> to vector<16xi32>
        %jit3A_3276 = arith.constant 0 : i32
        %jit3A_3277 = arith.constant 63 : i32
        %max3A_3278 = vector.broadcast %jit3A_3276 : i32 to vector<16xi32>
        %max3A_3279 = arith.maxsi %max3A_3278, %get3A_3275 : vector<16xi32>
        %min3A_3280 = vector.broadcast %jit3A_3277 : i32 to vector<16xi32>
        %min3A_3281 = arith.minsi %min3A_3280, %max3A_3279 : vector<16xi32>
        %get3A_3282 = arith.index_cast %rem3A_2183 : i32 to index
        %get3A_3283 = arith.constant 208 : index
        %get3A_3284 = tpu.vector_load %arg9[%get3A_3282, %get3A_3283] {strides = array<i32>} : memref<2x640xi32, #tpu.memory_space<vmem>>, vector<1x16xi32>,
        %get3A_3285 = vector.shape_cast %get3A_3284 : vector<1x16xi32> to vector<16xi32>
        %jit3A_3286 = arith.constant 0 : i32
        %jit3A_3287 = arith.constant 63 : i32
        %max3A_3288 = vector.broadcast %jit3A_3286 : i32 to vector<16xi32>
        %max3A_3289 = arith.maxsi %max3A_3288, %get3A_3285 : vector<16xi32>
        %min3A_3290 = vector.broadcast %jit3A_3287 : i32 to vector<16xi32>
        %min3A_3291 = arith.minsi %min3A_3290, %max3A_3289 : vector<16xi32>
        %mul3A_3292 = arith.constant 4096 : i32
        %mul3A_3293 = vector.broadcast %mul3A_3292 : i32 to vector<16xi32>
        %mul3A_3294 = arith.muli %min3A_3271, %mul3A_3293 : vector<16xi32>
        %mul3A_3295 = arith.constant 64 : i32
        %mul3A_3296 = vector.broadcast %mul3A_3295 : i32 to vector<16xi32>
        %mul3A_3297 = arith.muli %min3A_3281, %mul3A_3296 : vector<16xi32>
        %add3A_3298 = arith.addi %mul3A_3294, %mul3A_3297 : vector<16xi32>
        %add3A_3299 = arith.addi %add3A_3298, %min3A_3291 : vector<16xi32>
        %swap3A_3300 = arith.constant 2 : i32
        %swap3A_3301 = arith.index_cast %rem3A_2183 : i32 to index
        %swap3A_3302 = arith.index_cast %swap3A_3300 : i32 to index
        %swap3A_3303 = arith.constant 48 : index
        %swap3A_3304 = tpu.vector_load %arg10[%swap3A_3301, %swap3A_3302, %swap3A_3303] {strides = array<i32>} : memref<2x8x80xi32, #tpu.memory_space<vmem>>, vector<1x1x16xi32>,
        %swap3A_3305 = vector.shape_cast %swap3A_3304 : vector<1x1x16xi32> to vector<16xi32>
        %swap3A_3306 = vector.shape_cast %add3A_3299 : vector<16xi32> to vector<1x1x16xi32>
        tpu.vector_store %arg10[%swap3A_3301, %swap3A_3302, %swap3A_3303], %swap3A_3306 {strides = array<i32>} : memref<2x8x80xi32, #tpu.memory_space<vmem>>, vector<1x1x16xi32>,
        %get3A_3307 = arith.index_cast %rem3A_2183 : i32 to index
        %get3A_3308 = arith.constant 224 : index
        %get3A_3309 = tpu.vector_load %arg7[%get3A_3307, %get3A_3308] {strides = array<i32>} : memref<2x640xi32, #tpu.memory_space<vmem>>, vector<1x16xi32>,
        %get3A_3310 = vector.shape_cast %get3A_3309 : vector<1x16xi32> to vector<16xi32>
        %jit3A_3311 = arith.constant 0 : i32
        %jit3A_3312 = arith.constant 9 : i32
        %max3A_3313 = vector.broadcast %jit3A_3311 : i32 to vector<16xi32>
        %max3A_3314 = arith.maxsi %max3A_3313, %get3A_3310 : vector<16xi32>
        %min3A_3315 = vector.broadcast %jit3A_3312 : i32 to vector<16xi32>
        %min3A_3316 = arith.minsi %min3A_3315, %max3A_3314 : vector<16xi32>
        %get3A_3317 = arith.index_cast %rem3A_2183 : i32 to index
        %get3A_3318 = arith.constant 224 : index
        %get3A_3319 = tpu.vector_load %arg8[%get3A_3317, %get3A_3318] {strides = array<i32>} : memref<2x640xi32, #tpu.memory_space<vmem>>, vector<1x16xi32>,
        %get3A_3320 = vector.shape_cast %get3A_3319 : vector<1x16xi32> to vector<16xi32>
        %jit3A_3321 = arith.constant 0 : i32
        %jit3A_3322 = arith.constant 63 : i32
        %max3A_3323 = vector.broadcast %jit3A_3321 : i32 to vector<16xi32>
        %max3A_3324 = arith.maxsi %max3A_3323, %get3A_3320 : vector<16xi32>
        %min3A_3325 = vector.broadcast %jit3A_3322 : i32 to vector<16xi32>
        %min3A_3326 = arith.minsi %min3A_3325, %max3A_3324 : vector<16xi32>
        %get3A_3327 = arith.index_cast %rem3A_2183 : i32 to index
        %get3A_3328 = arith.constant 224 : index
        %get3A_3329 = tpu.vector_load %arg9[%get3A_3327, %get3A_3328] {strides = array<i32>} : memref<2x640xi32, #tpu.memory_space<vmem>>, vector<1x16xi32>,
        %get3A_3330 = vector.shape_cast %get3A_3329 : vector<1x16xi32> to vector<16xi32>
        %jit3A_3331 = arith.constant 0 : i32
        %jit3A_3332 = arith.constant 63 : i32
        %max3A_3333 = vector.broadcast %jit3A_3331 : i32 to vector<16xi32>
        %max3A_3334 = arith.maxsi %max3A_3333, %get3A_3330 : vector<16xi32>
        %min3A_3335 = vector.broadcast %jit3A_3332 : i32 to vector<16xi32>
        %min3A_3336 = arith.minsi %min3A_3335, %max3A_3334 : vector<16xi32>
        %mul3A_3337 = arith.constant 4096 : i32
        %mul3A_3338 = vector.broadcast %mul3A_3337 : i32 to vector<16xi32>
        %mul3A_3339 = arith.muli %min3A_3316, %mul3A_3338 : vector<16xi32>
        %mul3A_3340 = arith.constant 64 : i32
        %mul3A_3341 = vector.broadcast %mul3A_3340 : i32 to vector<16xi32>
        %mul3A_3342 = arith.muli %min3A_3326, %mul3A_3341 : vector<16xi32>
        %add3A_3343 = arith.addi %mul3A_3339, %mul3A_3342 : vector<16xi32>
        %add3A_3344 = arith.addi %add3A_3343, %min3A_3336 : vector<16xi32>
        %swap3A_3345 = arith.constant 2 : i32
        %swap3A_3346 = arith.index_cast %rem3A_2183 : i32 to index
        %swap3A_3347 = arith.index_cast %swap3A_3345 : i32 to index
        %swap3A_3348 = arith.constant 64 : index
        %swap3A_3349 = tpu.vector_load %arg10[%swap3A_3346, %swap3A_3347, %swap3A_3348] {strides = array<i32>} : memref<2x8x80xi32, #tpu.memory_space<vmem>>, vector<1x1x16xi32>,
        %swap3A_3350 = vector.shape_cast %swap3A_3349 : vector<1x1x16xi32> to vector<16xi32>
        %swap3A_3351 = vector.shape_cast %add3A_3344 : vector<16xi32> to vector<1x1x16xi32>
        tpu.vector_store %arg10[%swap3A_3346, %swap3A_3347, %swap3A_3348], %swap3A_3351 {strides = array<i32>} : memref<2x8x80xi32, #tpu.memory_space<vmem>>, vector<1x1x16xi32>,
        %get3A_3352 = arith.index_cast %rem3A_2183 : i32 to index
        %get3A_3353 = arith.constant 240 : index
        %get3A_3354 = tpu.vector_load %arg7[%get3A_3352, %get3A_3353] {strides = array<i32>} : memref<2x640xi32, #tpu.memory_space<vmem>>, vector<1x16xi32>,
        %get3A_3355 = vector.shape_cast %get3A_3354 : vector<1x16xi32> to vector<16xi32>
        %jit3A_3356 = arith.constant 0 : i32
        %jit3A_3357 = arith.constant 9 : i32
        %max3A_3358 = vector.broadcast %jit3A_3356 : i32 to vector<16xi32>
        %max3A_3359 = arith.maxsi %max3A_3358, %get3A_3355 : vector<16xi32>
        %min3A_3360 = vector.broadcast %jit3A_3357 : i32 to vector<16xi32>
        %min3A_3361 = arith.minsi %min3A_3360, %max3A_3359 : vector<16xi32>
        %get3A_3362 = arith.index_cast %rem3A_2183 : i32 to index
        %get3A_3363 = arith.constant 240 : index
        %get3A_3364 = tpu.vector_load %arg8[%get3A_3362, %get3A_3363] {strides = array<i32>} : memref<2x640xi32, #tpu.memory_space<vmem>>, vector<1x16xi32>,
        %get3A_3365 = vector.shape_cast %get3A_3364 : vector<1x16xi32> to vector<16xi32>
        %jit3A_3366 = arith.constant 0 : i32
        %jit3A_3367 = arith.constant 63 : i32
        %max3A_3368 = vector.broadcast %jit3A_3366 : i32 to vector<16xi32>
        %max3A_3369 = arith.maxsi %max3A_3368, %get3A_3365 : vector<16xi32>
        %min3A_3370 = vector.broadcast %jit3A_3367 : i32 to vector<16xi32>
        %min3A_3371 = arith.minsi %min3A_3370, %max3A_3369 : vector<16xi32>
        %get3A_3372 = arith.index_cast %rem3A_2183 : i32 to index
        %get3A_3373 = arith.constant 240 : index
        %get3A_3374 = tpu.vector_load %arg9[%get3A_3372, %get3A_3373] {strides = array<i32>} : memref<2x640xi32, #tpu.memory_space<vmem>>, vector<1x16xi32>,
        %get3A_3375 = vector.shape_cast %get3A_3374 : vector<1x16xi32> to vector<16xi32>
        %jit3A_3376 = arith.constant 0 : i32
        %jit3A_3377 = arith.constant 63 : i32
        %max3A_3378 = vector.broadcast %jit3A_3376 : i32 to vector<16xi32>
        %max3A_3379 = arith.maxsi %max3A_3378, %get3A_3375 : vector<16xi32>
        %min3A_3380 = vector.broadcast %jit3A_3377 : i32 to vector<16xi32>
        %min3A_3381 = arith.minsi %min3A_3380, %max3A_3379 : vector<16xi32>
        %mul3A_3382 = arith.constant 4096 : i32
        %mul3A_3383 = vector.broadcast %mul3A_3382 : i32 to vector<16xi32>
        %mul3A_3384 = arith.muli %min3A_3361, %mul3A_3383 : vector<16xi32>
        %mul3A_3385 = arith.constant 64 : i32
        %mul3A_3386 = vector.broadcast %mul3A_3385 : i32 to vector<16xi32>
        %mul3A_3387 = arith.muli %min3A_3371, %mul3A_3386 : vector<16xi32>
        %add3A_3388 = arith.addi %mul3A_3384, %mul3A_3387 : vector<16xi32>
        %add3A_3389 = arith.addi %add3A_3388, %min3A_3381 : vector<16xi32>
        %swap3A_3390 = arith.constant 3 : i32
        %swap3A_3391 = arith.index_cast %rem3A_2183 : i32 to index
        %swap3A_3392 = arith.index_cast %swap3A_3390 : i32 to index
        %swap3A_3393 = arith.constant 0 : index
        %swap3A_3394 = tpu.vector_load %arg10[%swap3A_3391, %swap3A_3392, %swap3A_3393] {strides = array<i32>} : memref<2x8x80xi32, #tpu.memory_space<vmem>>, vector<1x1x16xi32>,
        %swap3A_3395 = vector.shape_cast %swap3A_3394 : vector<1x1x16xi32> to vector<16xi32>
        %swap3A_3396 = vector.shape_cast %add3A_3389 : vector<16xi32> to vector<1x1x16xi32>
        tpu.vector_store %arg10[%swap3A_3391, %swap3A_3392, %swap3A_3393], %swap3A_3396 {strides = array<i32>} : memref<2x8x80xi32, #tpu.memory_space<vmem>>, vector<1x1x16xi32>,
        %get3A_3397 = arith.index_cast %rem3A_2183 : i32 to index
        %get3A_3398 = arith.constant 256 : index
        %get3A_3399 = tpu.vector_load %arg7[%get3A_3397, %get3A_3398] {strides = array<i32>} : memref<2x640xi32, #tpu.memory_space<vmem>>, vector<1x16xi32>,
        %get3A_3400 = vector.shape_cast %get3A_3399 : vector<1x16xi32> to vector<16xi32>
        %jit3A_3401 = arith.constant 0 : i32
        %jit3A_3402 = arith.constant 9 : i32
        %max3A_3403 = vector.broadcast %jit3A_3401 : i32 to vector<16xi32>
        %max3A_3404 = arith.maxsi %max3A_3403, %get3A_3400 : vector<16xi32>
        %min3A_3405 = vector.broadcast %jit3A_3402 : i32 to vector<16xi32>
        %min3A_3406 = arith.minsi %min3A_3405, %max3A_3404 : vector<16xi32>
        %get3A_3407 = arith.index_cast %rem3A_2183 : i32 to index
        %get3A_3408 = arith.constant 256 : index
        %get3A_3409 = tpu.vector_load %arg8[%get3A_3407, %get3A_3408] {strides = array<i32>} : memref<2x640xi32, #tpu.memory_space<vmem>>, vector<1x16xi32>,
        %get3A_3410 = vector.shape_cast %get3A_3409 : vector<1x16xi32> to vector<16xi32>
        %jit3A_3411 = arith.constant 0 : i32
        %jit3A_3412 = arith.constant 63 : i32
        %max3A_3413 = vector.broadcast %jit3A_3411 : i32 to vector<16xi32>
        %max3A_3414 = arith.maxsi %max3A_3413, %get3A_3410 : vector<16xi32>
        %min3A_3415 = vector.broadcast %jit3A_3412 : i32 to vector<16xi32>
        %min3A_3416 = arith.minsi %min3A_3415, %max3A_3414 : vector<16xi32>
        %get3A_3417 = arith.index_cast %rem3A_2183 : i32 to index
        %get3A_3418 = arith.constant 256 : index
        %get3A_3419 = tpu.vector_load %arg9[%get3A_3417, %get3A_3418] {strides = array<i32>} : memref<2x640xi32, #tpu.memory_space<vmem>>, vector<1x16xi32>,
        %get3A_3420 = vector.shape_cast %get3A_3419 : vector<1x16xi32> to vector<16xi32>
        %jit3A_3421 = arith.constant 0 : i32
        %jit3A_3422 = arith.constant 63 : i32
        %max3A_3423 = vector.broadcast %jit3A_3421 : i32 to vector<16xi32>
        %max3A_3424 = arith.maxsi %max3A_3423, %get3A_3420 : vector<16xi32>
        %min3A_3425 = vector.broadcast %jit3A_3422 : i32 to vector<16xi32>
        %min3A_3426 = arith.minsi %min3A_3425, %max3A_3424 : vector<16xi32>
        %mul3A_3427 = arith.constant 4096 : i32
        %mul3A_3428 = vector.broadcast %mul3A_3427 : i32 to vector<16xi32>
        %mul3A_3429 = arith.muli %min3A_3406, %mul3A_3428 : vector<16xi32>
        %mul3A_3430 = arith.constant 64 : i32
        %mul3A_3431 = vector.broadcast %mul3A_3430 : i32 to vector<16xi32>
        %mul3A_3432 = arith.muli %min3A_3416, %mul3A_3431 : vector<16xi32>
        %add3A_3433 = arith.addi %mul3A_3429, %mul3A_3432 : vector<16xi32>
        %add3A_3434 = arith.addi %add3A_3433, %min3A_3426 : vector<16xi32>
        %swap3A_3435 = arith.constant 3 : i32
        %swap3A_3436 = arith.index_cast %rem3A_2183 : i32 to index
        %swap3A_3437 = arith.index_cast %swap3A_3435 : i32 to index
        %swap3A_3438 = arith.constant 16 : index
        %swap3A_3439 = tpu.vector_load %arg10[%swap3A_3436, %swap3A_3437, %swap3A_3438] {strides = array<i32>} : memref<2x8x80xi32, #tpu.memory_space<vmem>>, vector<1x1x16xi32>,
        %swap3A_3440 = vector.shape_cast %swap3A_3439 : vector<1x1x16xi32> to vector<16xi32>
        %swap3A_3441 = vector.shape_cast %add3A_3434 : vector<16xi32> to vector<1x1x16xi32>
        tpu.vector_store %arg10[%swap3A_3436, %swap3A_3437, %swap3A_3438], %swap3A_3441 {strides = array<i32>} : memref<2x8x80xi32, #tpu.memory_space<vmem>>, vector<1x1x16xi32>,
        %get3A_3442 = arith.index_cast %rem3A_2183 : i32 to index
        %get3A_3443 = arith.constant 272 : index
        %get3A_3444 = tpu.vector_load %arg7[%get3A_3442, %get3A_3443] {strides = array<i32>} : memref<2x640xi32, #tpu.memory_space<vmem>>, vector<1x16xi32>,
        %get3A_3445 = vector.shape_cast %get3A_3444 : vector<1x16xi32> to vector<16xi32>
        %jit3A_3446 = arith.constant 0 : i32
        %jit3A_3447 = arith.constant 9 : i32
        %max3A_3448 = vector.broadcast %jit3A_3446 : i32 to vector<16xi32>
        %max3A_3449 = arith.maxsi %max3A_3448, %get3A_3445 : vector<16xi32>
        %min3A_3450 = vector.broadcast %jit3A_3447 : i32 to vector<16xi32>
        %min3A_3451 = arith.minsi %min3A_3450, %max3A_3449 : vector<16xi32>
        %get3A_3452 = arith.index_cast %rem3A_2183 : i32 to index
        %get3A_3453 = arith.constant 272 : index
        %get3A_3454 = tpu.vector_load %arg8[%get3A_3452, %get3A_3453] {strides = array<i32>} : memref<2x640xi32, #tpu.memory_space<vmem>>, vector<1x16xi32>,
        %get3A_3455 = vector.shape_cast %get3A_3454 : vector<1x16xi32> to vector<16xi32>
        %jit3A_3456 = arith.constant 0 : i32
        %jit3A_3457 = arith.constant 63 : i32
        %max3A_3458 = vector.broadcast %jit3A_3456 : i32 to vector<16xi32>
        %max3A_3459 = arith.maxsi %max3A_3458, %get3A_3455 : vector<16xi32>
        %min3A_3460 = vector.broadcast %jit3A_3457 : i32 to vector<16xi32>
        %min3A_3461 = arith.minsi %min3A_3460, %max3A_3459 : vector<16xi32>
        %get3A_3462 = arith.index_cast %rem3A_2183 : i32 to index
        %get3A_3463 = arith.constant 272 : index
        %get3A_3464 = tpu.vector_load %arg9[%get3A_3462, %get3A_3463] {strides = array<i32>} : memref<2x640xi32, #tpu.memory_space<vmem>>, vector<1x16xi32>,
        %get3A_3465 = vector.shape_cast %get3A_3464 : vector<1x16xi32> to vector<16xi32>
        %jit3A_3466 = arith.constant 0 : i32
        %jit3A_3467 = arith.constant 63 : i32
        %max3A_3468 = vector.broadcast %jit3A_3466 : i32 to vector<16xi32>
        %max3A_3469 = arith.maxsi %max3A_3468, %get3A_3465 : vector<16xi32>
        %min3A_3470 = vector.broadcast %jit3A_3467 : i32 to vector<16xi32>
        %min3A_3471 = arith.minsi %min3A_3470, %max3A_3469 : vector<16xi32>
        %mul3A_3472 = arith.constant 4096 : i32
        %mul3A_3473 = vector.broadcast %mul3A_3472 : i32 to vector<16xi32>
        %mul3A_3474 = arith.muli %min3A_3451, %mul3A_3473 : vector<16xi32>
        %mul3A_3475 = arith.constant 64 : i32
        %mul3A_3476 = vector.broadcast %mul3A_3475 : i32 to vector<16xi32>
        %mul3A_3477 = arith.muli %min3A_3461, %mul3A_3476 : vector<16xi32>
        %add3A_3478 = arith.addi %mul3A_3474, %mul3A_3477 : vector<16xi32>
        %add3A_3479 = arith.addi %add3A_3478, %min3A_3471 : vector<16xi32>
        %swap3A_3480 = arith.constant 3 : i32
        %swap3A_3481 = arith.index_cast %rem3A_2183 : i32 to index
        %swap3A_3482 = arith.index_cast %swap3A_3480 : i32 to index
        %swap3A_3483 = arith.constant 32 : index
        %swap3A_3484 = tpu.vector_load %arg10[%swap3A_3481, %swap3A_3482, %swap3A_3483] {strides = array<i32>} : memref<2x8x80xi32, #tpu.memory_space<vmem>>, vector<1x1x16xi32>,
        %swap3A_3485 = vector.shape_cast %swap3A_3484 : vector<1x1x16xi32> to vector<16xi32>
        %swap3A_3486 = vector.shape_cast %add3A_3479 : vector<16xi32> to vector<1x1x16xi32>
        tpu.vector_store %arg10[%swap3A_3481, %swap3A_3482, %swap3A_3483], %swap3A_3486 {strides = array<i32>} : memref<2x8x80xi32, #tpu.memory_space<vmem>>, vector<1x1x16xi32>,
        %get3A_3487 = arith.index_cast %rem3A_2183 : i32 to index
        %get3A_3488 = arith.constant 288 : index
        %get3A_3489 = tpu.vector_load %arg7[%get3A_3487, %get3A_3488] {strides = array<i32>} : memref<2x640xi32, #tpu.memory_space<vmem>>, vector<1x16xi32>,
        %get3A_3490 = vector.shape_cast %get3A_3489 : vector<1x16xi32> to vector<16xi32>
        %jit3A_3491 = arith.constant 0 : i32
        %jit3A_3492 = arith.constant 9 : i32
        %max3A_3493 = vector.broadcast %jit3A_3491 : i32 to vector<16xi32>
        %max3A_3494 = arith.maxsi %max3A_3493, %get3A_3490 : vector<16xi32>
        %min3A_3495 = vector.broadcast %jit3A_3492 : i32 to vector<16xi32>
        %min3A_3496 = arith.minsi %min3A_3495, %max3A_3494 : vector<16xi32>
        %get3A_3497 = arith.index_cast %rem3A_2183 : i32 to index
        %get3A_3498 = arith.constant 288 : index
        %get3A_3499 = tpu.vector_load %arg8[%get3A_3497, %get3A_3498] {strides = array<i32>} : memref<2x640xi32, #tpu.memory_space<vmem>>, vector<1x16xi32>,
        %get3A_3500 = vector.shape_cast %get3A_3499 : vector<1x16xi32> to vector<16xi32>
        %jit3A_3501 = arith.constant 0 : i32
        %jit3A_3502 = arith.constant 63 : i32
        %max3A_3503 = vector.broadcast %jit3A_3501 : i32 to vector<16xi32>
        %max3A_3504 = arith.maxsi %max3A_3503, %get3A_3500 : vector<16xi32>
        %min3A_3505 = vector.broadcast %jit3A_3502 : i32 to vector<16xi32>
        %min3A_3506 = arith.minsi %min3A_3505, %max3A_3504 : vector<16xi32>
        %get3A_3507 = arith.index_cast %rem3A_2183 : i32 to index
        %get3A_3508 = arith.constant 288 : index
        %get3A_3509 = tpu.vector_load %arg9[%get3A_3507, %get3A_3508] {strides = array<i32>} : memref<2x640xi32, #tpu.memory_space<vmem>>, vector<1x16xi32>,
        %get3A_3510 = vector.shape_cast %get3A_3509 : vector<1x16xi32> to vector<16xi32>
        %jit3A_3511 = arith.constant 0 : i32
        %jit3A_3512 = arith.constant 63 : i32
        %max3A_3513 = vector.broadcast %jit3A_3511 : i32 to vector<16xi32>
        %max3A_3514 = arith.maxsi %max3A_3513, %get3A_3510 : vector<16xi32>
        %min3A_3515 = vector.broadcast %jit3A_3512 : i32 to vector<16xi32>
        %min3A_3516 = arith.minsi %min3A_3515, %max3A_3514 : vector<16xi32>
        %mul3A_3517 = arith.constant 4096 : i32
        %mul3A_3518 = vector.broadcast %mul3A_3517 : i32 to vector<16xi32>
        %mul3A_3519 = arith.muli %min3A_3496, %mul3A_3518 : vector<16xi32>
        %mul3A_3520 = arith.constant 64 : i32
        %mul3A_3521 = vector.broadcast %mul3A_3520 : i32 to vector<16xi32>
        %mul3A_3522 = arith.muli %min3A_3506, %mul3A_3521 : vector<16xi32>
        %add3A_3523 = arith.addi %mul3A_3519, %mul3A_3522 : vector<16xi32>
        %add3A_3524 = arith.addi %add3A_3523, %min3A_3516 : vector<16xi32>
        %swap3A_3525 = arith.constant 3 : i32
        %swap3A_3526 = arith.index_cast %rem3A_2183 : i32 to index
        %swap3A_3527 = arith.index_cast %swap3A_3525 : i32 to index
        %swap3A_3528 = arith.constant 48 : index
        %swap3A_3529 = tpu.vector_load %arg10[%swap3A_3526, %swap3A_3527, %swap3A_3528] {strides = array<i32>} : memref<2x8x80xi32, #tpu.memory_space<vmem>>, vector<1x1x16xi32>,
        %swap3A_3530 = vector.shape_cast %swap3A_3529 : vector<1x1x16xi32> to vector<16xi32>
        %swap3A_3531 = vector.shape_cast %add3A_3524 : vector<16xi32> to vector<1x1x16xi32>
        tpu.vector_store %arg10[%swap3A_3526, %swap3A_3527, %swap3A_3528], %swap3A_3531 {strides = array<i32>} : memref<2x8x80xi32, #tpu.memory_space<vmem>>, vector<1x1x16xi32>,
        %get3A_3532 = arith.index_cast %rem3A_2183 : i32 to index
        %get3A_3533 = arith.constant 304 : index
        %get3A_3534 = tpu.vector_load %arg7[%get3A_3532, %get3A_3533] {strides = array<i32>} : memref<2x640xi32, #tpu.memory_space<vmem>>, vector<1x16xi32>,
        %get3A_3535 = vector.shape_cast %get3A_3534 : vector<1x16xi32> to vector<16xi32>
        %jit3A_3536 = arith.constant 0 : i32
        %jit3A_3537 = arith.constant 9 : i32
        %max3A_3538 = vector.broadcast %jit3A_3536 : i32 to vector<16xi32>
        %max3A_3539 = arith.maxsi %max3A_3538, %get3A_3535 : vector<16xi32>
        %min3A_3540 = vector.broadcast %jit3A_3537 : i32 to vector<16xi32>
        %min3A_3541 = arith.minsi %min3A_3540, %max3A_3539 : vector<16xi32>
        %get3A_3542 = arith.index_cast %rem3A_2183 : i32 to index
        %get3A_3543 = arith.constant 304 : index
        %get3A_3544 = tpu.vector_load %arg8[%get3A_3542, %get3A_3543] {strides = array<i32>} : memref<2x640xi32, #tpu.memory_space<vmem>>, vector<1x16xi32>,
        %get3A_3545 = vector.shape_cast %get3A_3544 : vector<1x16xi32> to vector<16xi32>
        %jit3A_3546 = arith.constant 0 : i32
        %jit3A_3547 = arith.constant 63 : i32
        %max3A_3548 = vector.broadcast %jit3A_3546 : i32 to vector<16xi32>
        %max3A_3549 = arith.maxsi %max3A_3548, %get3A_3545 : vector<16xi32>
        %min3A_3550 = vector.broadcast %jit3A_3547 : i32 to vector<16xi32>
        %min3A_3551 = arith.minsi %min3A_3550, %max3A_3549 : vector<16xi32>
        %get3A_3552 = arith.index_cast %rem3A_2183 : i32 to index
        %get3A_3553 = arith.constant 304 : index
        %get3A_3554 = tpu.vector_load %arg9[%get3A_3552, %get3A_3553] {strides = array<i32>} : memref<2x640xi32, #tpu.memory_space<vmem>>, vector<1x16xi32>,
        %get3A_3555 = vector.shape_cast %get3A_3554 : vector<1x16xi32> to vector<16xi32>
        %jit3A_3556 = arith.constant 0 : i32
        %jit3A_3557 = arith.constant 63 : i32
        %max3A_3558 = vector.broadcast %jit3A_3556 : i32 to vector<16xi32>
        %max3A_3559 = arith.maxsi %max3A_3558, %get3A_3555 : vector<16xi32>
        %min3A_3560 = vector.broadcast %jit3A_3557 : i32 to vector<16xi32>
        %min3A_3561 = arith.minsi %min3A_3560, %max3A_3559 : vector<16xi32>
        %mul3A_3562 = arith.constant 4096 : i32
        %mul3A_3563 = vector.broadcast %mul3A_3562 : i32 to vector<16xi32>
        %mul3A_3564 = arith.muli %min3A_3541, %mul3A_3563 : vector<16xi32>
        %mul3A_3565 = arith.constant 64 : i32
        %mul3A_3566 = vector.broadcast %mul3A_3565 : i32 to vector<16xi32>
        %mul3A_3567 = arith.muli %min3A_3551, %mul3A_3566 : vector<16xi32>
        %add3A_3568 = arith.addi %mul3A_3564, %mul3A_3567 : vector<16xi32>
        %add3A_3569 = arith.addi %add3A_3568, %min3A_3561 : vector<16xi32>
        %swap3A_3570 = arith.constant 3 : i32
        %swap3A_3571 = arith.index_cast %rem3A_2183 : i32 to index
        %swap3A_3572 = arith.index_cast %swap3A_3570 : i32 to index
        %swap3A_3573 = arith.constant 64 : index
        %swap3A_3574 = tpu.vector_load %arg10[%swap3A_3571, %swap3A_3572, %swap3A_3573] {strides = array<i32>} : memref<2x8x80xi32, #tpu.memory_space<vmem>>, vector<1x1x16xi32>,
        %swap3A_3575 = vector.shape_cast %swap3A_3574 : vector<1x1x16xi32> to vector<16xi32>
        %swap3A_3576 = vector.shape_cast %add3A_3569 : vector<16xi32> to vector<1x1x16xi32>
        tpu.vector_store %arg10[%swap3A_3571, %swap3A_3572, %swap3A_3573], %swap3A_3576 {strides = array<i32>} : memref<2x8x80xi32, #tpu.memory_space<vmem>>, vector<1x1x16xi32>,
        %get3A_3577 = arith.index_cast %rem3A_2183 : i32 to index
        %get3A_3578 = arith.constant 320 : index
        %get3A_3579 = tpu.vector_load %arg7[%get3A_3577, %get3A_3578] {strides = array<i32>} : memref<2x640xi32, #tpu.memory_space<vmem>>, vector<1x16xi32>,
        %get3A_3580 = vector.shape_cast %get3A_3579 : vector<1x16xi32> to vector<16xi32>
        %jit3A_3581 = arith.constant 0 : i32
        %jit3A_3582 = arith.constant 9 : i32
        %max3A_3583 = vector.broadcast %jit3A_3581 : i32 to vector<16xi32>
        %max3A_3584 = arith.maxsi %max3A_3583, %get3A_3580 : vector<16xi32>
        %min3A_3585 = vector.broadcast %jit3A_3582 : i32 to vector<16xi32>
        %min3A_3586 = arith.minsi %min3A_3585, %max3A_3584 : vector<16xi32>
        %get3A_3587 = arith.index_cast %rem3A_2183 : i32 to index
        %get3A_3588 = arith.constant 320 : index
        %get3A_3589 = tpu.vector_load %arg8[%get3A_3587, %get3A_3588] {strides = array<i32>} : memref<2x640xi32, #tpu.memory_space<vmem>>, vector<1x16xi32>,
        %get3A_3590 = vector.shape_cast %get3A_3589 : vector<1x16xi32> to vector<16xi32>
        %jit3A_3591 = arith.constant 0 : i32
        %jit3A_3592 = arith.constant 63 : i32
        %max3A_3593 = vector.broadcast %jit3A_3591 : i32 to vector<16xi32>
        %max3A_3594 = arith.maxsi %max3A_3593, %get3A_3590 : vector<16xi32>
        %min3A_3595 = vector.broadcast %jit3A_3592 : i32 to vector<16xi32>
        %min3A_3596 = arith.minsi %min3A_3595, %max3A_3594 : vector<16xi32>
        %get3A_3597 = arith.index_cast %rem3A_2183 : i32 to index
        %get3A_3598 = arith.constant 320 : index
        %get3A_3599 = tpu.vector_load %arg9[%get3A_3597, %get3A_3598] {strides = array<i32>} : memref<2x640xi32, #tpu.memory_space<vmem>>, vector<1x16xi32>,
        %get3A_3600 = vector.shape_cast %get3A_3599 : vector<1x16xi32> to vector<16xi32>
        %jit3A_3601 = arith.constant 0 : i32
        %jit3A_3602 = arith.constant 63 : i32
        %max3A_3603 = vector.broadcast %jit3A_3601 : i32 to vector<16xi32>
        %max3A_3604 = arith.maxsi %max3A_3603, %get3A_3600 : vector<16xi32>
        %min3A_3605 = vector.broadcast %jit3A_3602 : i32 to vector<16xi32>
        %min3A_3606 = arith.minsi %min3A_3605, %max3A_3604 : vector<16xi32>
        %mul3A_3607 = arith.constant 4096 : i32
        %mul3A_3608 = vector.broadcast %mul3A_3607 : i32 to vector<16xi32>
        %mul3A_3609 = arith.muli %min3A_3586, %mul3A_3608 : vector<16xi32>
        %mul3A_3610 = arith.constant 64 : i32
        %mul3A_3611 = vector.broadcast %mul3A_3610 : i32 to vector<16xi32>
        %mul3A_3612 = arith.muli %min3A_3596, %mul3A_3611 : vector<16xi32>
        %add3A_3613 = arith.addi %mul3A_3609, %mul3A_3612 : vector<16xi32>
        %add3A_3614 = arith.addi %add3A_3613, %min3A_3606 : vector<16xi32>
        %swap3A_3615 = arith.constant 4 : i32
        %swap3A_3616 = arith.index_cast %rem3A_2183 : i32 to index
        %swap3A_3617 = arith.index_cast %swap3A_3615 : i32 to index
        %swap3A_3618 = arith.constant 0 : index
        %swap3A_3619 = tpu.vector_load %arg10[%swap3A_3616, %swap3A_3617, %swap3A_3618] {strides = array<i32>} : memref<2x8x80xi32, #tpu.memory_space<vmem>>, vector<1x1x16xi32>,
        %swap3A_3620 = vector.shape_cast %swap3A_3619 : vector<1x1x16xi32> to vector<16xi32>
        %swap3A_3621 = vector.shape_cast %add3A_3614 : vector<16xi32> to vector<1x1x16xi32>
        tpu.vector_store %arg10[%swap3A_3616, %swap3A_3617, %swap3A_3618], %swap3A_3621 {strides = array<i32>} : memref<2x8x80xi32, #tpu.memory_space<vmem>>, vector<1x1x16xi32>,
        %get3A_3622 = arith.index_cast %rem3A_2183 : i32 to index
        %get3A_3623 = arith.constant 336 : index
        %get3A_3624 = tpu.vector_load %arg7[%get3A_3622, %get3A_3623] {strides = array<i32>} : memref<2x640xi32, #tpu.memory_space<vmem>>, vector<1x16xi32>,
        %get3A_3625 = vector.shape_cast %get3A_3624 : vector<1x16xi32> to vector<16xi32>
        %jit3A_3626 = arith.constant 0 : i32
        %jit3A_3627 = arith.constant 9 : i32
        %max3A_3628 = vector.broadcast %jit3A_3626 : i32 to vector<16xi32>
        %max3A_3629 = arith.maxsi %max3A_3628, %get3A_3625 : vector<16xi32>
        %min3A_3630 = vector.broadcast %jit3A_3627 : i32 to vector<16xi32>
        %min3A_3631 = arith.minsi %min3A_3630, %max3A_3629 : vector<16xi32>
        %get3A_3632 = arith.index_cast %rem3A_2183 : i32 to index
        %get3A_3633 = arith.constant 336 : index
        %get3A_3634 = tpu.vector_load %arg8[%get3A_3632, %get3A_3633] {strides = array<i32>} : memref<2x640xi32, #tpu.memory_space<vmem>>, vector<1x16xi32>,
        %get3A_3635 = vector.shape_cast %get3A_3634 : vector<1x16xi32> to vector<16xi32>
        %jit3A_3636 = arith.constant 0 : i32
        %jit3A_3637 = arith.constant 63 : i32
        %max3A_3638 = vector.broadcast %jit3A_3636 : i32 to vector<16xi32>
        %max3A_3639 = arith.maxsi %max3A_3638, %get3A_3635 : vector<16xi32>
        %min3A_3640 = vector.broadcast %jit3A_3637 : i32 to vector<16xi32>
        %min3A_3641 = arith.minsi %min3A_3640, %max3A_3639 : vector<16xi32>
        %get3A_3642 = arith.index_cast %rem3A_2183 : i32 to index
        %get3A_3643 = arith.constant 336 : index
        %get3A_3644 = tpu.vector_load %arg9[%get3A_3642, %get3A_3643] {strides = array<i32>} : memref<2x640xi32, #tpu.memory_space<vmem>>, vector<1x16xi32>,
        %get3A_3645 = vector.shape_cast %get3A_3644 : vector<1x16xi32> to vector<16xi32>
        %jit3A_3646 = arith.constant 0 : i32
        %jit3A_3647 = arith.constant 63 : i32
        %max3A_3648 = vector.broadcast %jit3A_3646 : i32 to vector<16xi32>
        %max3A_3649 = arith.maxsi %max3A_3648, %get3A_3645 : vector<16xi32>
        %min3A_3650 = vector.broadcast %jit3A_3647 : i32 to vector<16xi32>
        %min3A_3651 = arith.minsi %min3A_3650, %max3A_3649 : vector<16xi32>
        %mul3A_3652 = arith.constant 4096 : i32
        %mul3A_3653 = vector.broadcast %mul3A_3652 : i32 to vector<16xi32>
        %mul3A_3654 = arith.muli %min3A_3631, %mul3A_3653 : vector<16xi32>
        %mul3A_3655 = arith.constant 64 : i32
        %mul3A_3656 = vector.broadcast %mul3A_3655 : i32 to vector<16xi32>
        %mul3A_3657 = arith.muli %min3A_3641, %mul3A_3656 : vector<16xi32>
        %add3A_3658 = arith.addi %mul3A_3654, %mul3A_3657 : vector<16xi32>
        %add3A_3659 = arith.addi %add3A_3658, %min3A_3651 : vector<16xi32>
        %swap3A_3660 = arith.constant 4 : i32
        %swap3A_3661 = arith.index_cast %rem3A_2183 : i32 to index
        %swap3A_3662 = arith.index_cast %swap3A_3660 : i32 to index
        %swap3A_3663 = arith.constant 16 : index
        %swap3A_3664 = tpu.vector_load %arg10[%swap3A_3661, %swap3A_3662, %swap3A_3663] {strides = array<i32>} : memref<2x8x80xi32, #tpu.memory_space<vmem>>, vector<1x1x16xi32>,
        %swap3A_3665 = vector.shape_cast %swap3A_3664 : vector<1x1x16xi32> to vector<16xi32>
        %swap3A_3666 = vector.shape_cast %add3A_3659 : vector<16xi32> to vector<1x1x16xi32>
        tpu.vector_store %arg10[%swap3A_3661, %swap3A_3662, %swap3A_3663], %swap3A_3666 {strides = array<i32>} : memref<2x8x80xi32, #tpu.memory_space<vmem>>, vector<1x1x16xi32>,
        %get3A_3667 = arith.index_cast %rem3A_2183 : i32 to index
        %get3A_3668 = arith.constant 352 : index
        %get3A_3669 = tpu.vector_load %arg7[%get3A_3667, %get3A_3668] {strides = array<i32>} : memref<2x640xi32, #tpu.memory_space<vmem>>, vector<1x16xi32>,
        %get3A_3670 = vector.shape_cast %get3A_3669 : vector<1x16xi32> to vector<16xi32>
        %jit3A_3671 = arith.constant 0 : i32
        %jit3A_3672 = arith.constant 9 : i32
        %max3A_3673 = vector.broadcast %jit3A_3671 : i32 to vector<16xi32>
        %max3A_3674 = arith.maxsi %max3A_3673, %get3A_3670 : vector<16xi32>
        %min3A_3675 = vector.broadcast %jit3A_3672 : i32 to vector<16xi32>
        %min3A_3676 = arith.minsi %min3A_3675, %max3A_3674 : vector<16xi32>
        %get3A_3677 = arith.index_cast %rem3A_2183 : i32 to index
        %get3A_3678 = arith.constant 352 : index
        %get3A_3679 = tpu.vector_load %arg8[%get3A_3677, %get3A_3678] {strides = array<i32>} : memref<2x640xi32, #tpu.memory_space<vmem>>, vector<1x16xi32>,
        %get3A_3680 = vector.shape_cast %get3A_3679 : vector<1x16xi32> to vector<16xi32>
        %jit3A_3681 = arith.constant 0 : i32
        %jit3A_3682 = arith.constant 63 : i32
        %max3A_3683 = vector.broadcast %jit3A_3681 : i32 to vector<16xi32>
        %max3A_3684 = arith.maxsi %max3A_3683, %get3A_3680 : vector<16xi32>
        %min3A_3685 = vector.broadcast %jit3A_3682 : i32 to vector<16xi32>
        %min3A_3686 = arith.minsi %min3A_3685, %max3A_3684 : vector<16xi32>
        %get3A_3687 = arith.index_cast %rem3A_2183 : i32 to index
        %get3A_3688 = arith.constant 352 : index
        %get3A_3689 = tpu.vector_load %arg9[%get3A_3687, %get3A_3688] {strides = array<i32>} : memref<2x640xi32, #tpu.memory_space<vmem>>, vector<1x16xi32>,
        %get3A_3690 = vector.shape_cast %get3A_3689 : vector<1x16xi32> to vector<16xi32>
        %jit3A_3691 = arith.constant 0 : i32
        %jit3A_3692 = arith.constant 63 : i32
        %max3A_3693 = vector.broadcast %jit3A_3691 : i32 to vector<16xi32>
        %max3A_3694 = arith.maxsi %max3A_3693, %get3A_3690 : vector<16xi32>
        %min3A_3695 = vector.broadcast %jit3A_3692 : i32 to vector<16xi32>
        %min3A_3696 = arith.minsi %min3A_3695, %max3A_3694 : vector<16xi32>
        %mul3A_3697 = arith.constant 4096 : i32
        %mul3A_3698 = vector.broadcast %mul3A_3697 : i32 to vector<16xi32>
        %mul3A_3699 = arith.muli %min3A_3676, %mul3A_3698 : vector<16xi32>
        %mul3A_3700 = arith.constant 64 : i32
        %mul3A_3701 = vector.broadcast %mul3A_3700 : i32 to vector<16xi32>
        %mul3A_3702 = arith.muli %min3A_3686, %mul3A_3701 : vector<16xi32>
        %add3A_3703 = arith.addi %mul3A_3699, %mul3A_3702 : vector<16xi32>
        %add3A_3704 = arith.addi %add3A_3703, %min3A_3696 : vector<16xi32>
        %swap3A_3705 = arith.constant 4 : i32
        %swap3A_3706 = arith.index_cast %rem3A_2183 : i32 to index
        %swap3A_3707 = arith.index_cast %swap3A_3705 : i32 to index
        %swap3A_3708 = arith.constant 32 : index
        %swap3A_3709 = tpu.vector_load %arg10[%swap3A_3706, %swap3A_3707, %swap3A_3708] {strides = array<i32>} : memref<2x8x80xi32, #tpu.memory_space<vmem>>, vector<1x1x16xi32>,
        %swap3A_3710 = vector.shape_cast %swap3A_3709 : vector<1x1x16xi32> to vector<16xi32>
        %swap3A_3711 = vector.shape_cast %add3A_3704 : vector<16xi32> to vector<1x1x16xi32>
        tpu.vector_store %arg10[%swap3A_3706, %swap3A_3707, %swap3A_3708], %swap3A_3711 {strides = array<i32>} : memref<2x8x80xi32, #tpu.memory_space<vmem>>, vector<1x1x16xi32>,
        %get3A_3712 = arith.index_cast %rem3A_2183 : i32 to index
        %get3A_3713 = arith.constant 368 : index
        %get3A_3714 = tpu.vector_load %arg7[%get3A_3712, %get3A_3713] {strides = array<i32>} : memref<2x640xi32, #tpu.memory_space<vmem>>, vector<1x16xi32>,
        %get3A_3715 = vector.shape_cast %get3A_3714 : vector<1x16xi32> to vector<16xi32>
        %jit3A_3716 = arith.constant 0 : i32
        %jit3A_3717 = arith.constant 9 : i32
        %max3A_3718 = vector.broadcast %jit3A_3716 : i32 to vector<16xi32>
        %max3A_3719 = arith.maxsi %max3A_3718, %get3A_3715 : vector<16xi32>
        %min3A_3720 = vector.broadcast %jit3A_3717 : i32 to vector<16xi32>
        %min3A_3721 = arith.minsi %min3A_3720, %max3A_3719 : vector<16xi32>
        %get3A_3722 = arith.index_cast %rem3A_2183 : i32 to index
        %get3A_3723 = arith.constant 368 : index
        %get3A_3724 = tpu.vector_load %arg8[%get3A_3722, %get3A_3723] {strides = array<i32>} : memref<2x640xi32, #tpu.memory_space<vmem>>, vector<1x16xi32>,
        %get3A_3725 = vector.shape_cast %get3A_3724 : vector<1x16xi32> to vector<16xi32>
        %jit3A_3726 = arith.constant 0 : i32
        %jit3A_3727 = arith.constant 63 : i32
        %max3A_3728 = vector.broadcast %jit3A_3726 : i32 to vector<16xi32>
        %max3A_3729 = arith.maxsi %max3A_3728, %get3A_3725 : vector<16xi32>
        %min3A_3730 = vector.broadcast %jit3A_3727 : i32 to vector<16xi32>
        %min3A_3731 = arith.minsi %min3A_3730, %max3A_3729 : vector<16xi32>
        %get3A_3732 = arith.index_cast %rem3A_2183 : i32 to index
        %get3A_3733 = arith.constant 368 : index
        %get3A_3734 = tpu.vector_load %arg9[%get3A_3732, %get3A_3733] {strides = array<i32>} : memref<2x640xi32, #tpu.memory_space<vmem>>, vector<1x16xi32>,
        %get3A_3735 = vector.shape_cast %get3A_3734 : vector<1x16xi32> to vector<16xi32>
        %jit3A_3736 = arith.constant 0 : i32
        %jit3A_3737 = arith.constant 63 : i32
        %max3A_3738 = vector.broadcast %jit3A_3736 : i32 to vector<16xi32>
        %max3A_3739 = arith.maxsi %max3A_3738, %get3A_3735 : vector<16xi32>
        %min3A_3740 = vector.broadcast %jit3A_3737 : i32 to vector<16xi32>
        %min3A_3741 = arith.minsi %min3A_3740, %max3A_3739 : vector<16xi32>
        %mul3A_3742 = arith.constant 4096 : i32
        %mul3A_3743 = vector.broadcast %mul3A_3742 : i32 to vector<16xi32>
        %mul3A_3744 = arith.muli %min3A_3721, %mul3A_3743 : vector<16xi32>
        %mul3A_3745 = arith.constant 64 : i32
        %mul3A_3746 = vector.broadcast %mul3A_3745 : i32 to vector<16xi32>
        %mul3A_3747 = arith.muli %min3A_3731, %mul3A_3746 : vector<16xi32>
        %add3A_3748 = arith.addi %mul3A_3744, %mul3A_3747 : vector<16xi32>
        %add3A_3749 = arith.addi %add3A_3748, %min3A_3741 : vector<16xi32>
        %swap3A_3750 = arith.constant 4 : i32
        %swap3A_3751 = arith.index_cast %rem3A_2183 : i32 to index
        %swap3A_3752 = arith.index_cast %swap3A_3750 : i32 to index
        %swap3A_3753 = arith.constant 48 : index
        %swap3A_3754 = tpu.vector_load %arg10[%swap3A_3751, %swap3A_3752, %swap3A_3753] {strides = array<i32>} : memref<2x8x80xi32, #tpu.memory_space<vmem>>, vector<1x1x16xi32>,
        %swap3A_3755 = vector.shape_cast %swap3A_3754 : vector<1x1x16xi32> to vector<16xi32>
        %swap3A_3756 = vector.shape_cast %add3A_3749 : vector<16xi32> to vector<1x1x16xi32>
        tpu.vector_store %arg10[%swap3A_3751, %swap3A_3752, %swap3A_3753], %swap3A_3756 {strides = array<i32>} : memref<2x8x80xi32, #tpu.memory_space<vmem>>, vector<1x1x16xi32>,
        %get3A_3757 = arith.index_cast %rem3A_2183 : i32 to index
        %get3A_3758 = arith.constant 384 : index
        %get3A_3759 = tpu.vector_load %arg7[%get3A_3757, %get3A_3758] {strides = array<i32>} : memref<2x640xi32, #tpu.memory_space<vmem>>, vector<1x16xi32>,
        %get3A_3760 = vector.shape_cast %get3A_3759 : vector<1x16xi32> to vector<16xi32>
        %jit3A_3761 = arith.constant 0 : i32
        %jit3A_3762 = arith.constant 9 : i32
        %max3A_3763 = vector.broadcast %jit3A_3761 : i32 to vector<16xi32>
        %max3A_3764 = arith.maxsi %max3A_3763, %get3A_3760 : vector<16xi32>
        %min3A_3765 = vector.broadcast %jit3A_3762 : i32 to vector<16xi32>
        %min3A_3766 = arith.minsi %min3A_3765, %max3A_3764 : vector<16xi32>
        %get3A_3767 = arith.index_cast %rem3A_2183 : i32 to index
        %get3A_3768 = arith.constant 384 : index
        %get3A_3769 = tpu.vector_load %arg8[%get3A_3767, %get3A_3768] {strides = array<i32>} : memref<2x640xi32, #tpu.memory_space<vmem>>, vector<1x16xi32>,
        %get3A_3770 = vector.shape_cast %get3A_3769 : vector<1x16xi32> to vector<16xi32>
        %jit3A_3771 = arith.constant 0 : i32
        %jit3A_3772 = arith.constant 63 : i32
        %max3A_3773 = vector.broadcast %jit3A_3771 : i32 to vector<16xi32>
        %max3A_3774 = arith.maxsi %max3A_3773, %get3A_3770 : vector<16xi32>
        %min3A_3775 = vector.broadcast %jit3A_3772 : i32 to vector<16xi32>
        %min3A_3776 = arith.minsi %min3A_3775, %max3A_3774 : vector<16xi32>
        %get3A_3777 = arith.index_cast %rem3A_2183 : i32 to index
        %get3A_3778 = arith.constant 384 : index
        %get3A_3779 = tpu.vector_load %arg9[%get3A_3777, %get3A_3778] {strides = array<i32>} : memref<2x640xi32, #tpu.memory_space<vmem>>, vector<1x16xi32>,
        %get3A_3780 = vector.shape_cast %get3A_3779 : vector<1x16xi32> to vector<16xi32>
        %jit3A_3781 = arith.constant 0 : i32
        %jit3A_3782 = arith.constant 63 : i32
        %max3A_3783 = vector.broadcast %jit3A_3781 : i32 to vector<16xi32>
        %max3A_3784 = arith.maxsi %max3A_3783, %get3A_3780 : vector<16xi32>
        %min3A_3785 = vector.broadcast %jit3A_3782 : i32 to vector<16xi32>
        %min3A_3786 = arith.minsi %min3A_3785, %max3A_3784 : vector<16xi32>
        %mul3A_3787 = arith.constant 4096 : i32
        %mul3A_3788 = vector.broadcast %mul3A_3787 : i32 to vector<16xi32>
        %mul3A_3789 = arith.muli %min3A_3766, %mul3A_3788 : vector<16xi32>
        %mul3A_3790 = arith.constant 64 : i32
        %mul3A_3791 = vector.broadcast %mul3A_3790 : i32 to vector<16xi32>
        %mul3A_3792 = arith.muli %min3A_3776, %mul3A_3791 : vector<16xi32>
        %add3A_3793 = arith.addi %mul3A_3789, %mul3A_3792 : vector<16xi32>
        %add3A_3794 = arith.addi %add3A_3793, %min3A_3786 : vector<16xi32>
        %swap3A_3795 = arith.constant 4 : i32
        %swap3A_3796 = arith.index_cast %rem3A_2183 : i32 to index
        %swap3A_3797 = arith.index_cast %swap3A_3795 : i32 to index
        %swap3A_3798 = arith.constant 64 : index
        %swap3A_3799 = tpu.vector_load %arg10[%swap3A_3796, %swap3A_3797, %swap3A_3798] {strides = array<i32>} : memref<2x8x80xi32, #tpu.memory_space<vmem>>, vector<1x1x16xi32>,
        %swap3A_3800 = vector.shape_cast %swap3A_3799 : vector<1x1x16xi32> to vector<16xi32>
        %swap3A_3801 = vector.shape_cast %add3A_3794 : vector<16xi32> to vector<1x1x16xi32>
        tpu.vector_store %arg10[%swap3A_3796, %swap3A_3797, %swap3A_3798], %swap3A_3801 {strides = array<i32>} : memref<2x8x80xi32, #tpu.memory_space<vmem>>, vector<1x1x16xi32>,
        %get3A_3802 = arith.index_cast %rem3A_2183 : i32 to index
        %get3A_3803 = arith.constant 400 : index
        %get3A_3804 = tpu.vector_load %arg7[%get3A_3802, %get3A_3803] {strides = array<i32>} : memref<2x640xi32, #tpu.memory_space<vmem>>, vector<1x16xi32>,
        %get3A_3805 = vector.shape_cast %get3A_3804 : vector<1x16xi32> to vector<16xi32>
        %jit3A_3806 = arith.constant 0 : i32
        %jit3A_3807 = arith.constant 9 : i32
        %max3A_3808 = vector.broadcast %jit3A_3806 : i32 to vector<16xi32>
        %max3A_3809 = arith.maxsi %max3A_3808, %get3A_3805 : vector<16xi32>
        %min3A_3810 = vector.broadcast %jit3A_3807 : i32 to vector<16xi32>
        %min3A_3811 = arith.minsi %min3A_3810, %max3A_3809 : vector<16xi32>
        %get3A_3812 = arith.index_cast %rem3A_2183 : i32 to index
        %get3A_3813 = arith.constant 400 : index
        %get3A_3814 = tpu.vector_load %arg8[%get3A_3812, %get3A_3813] {strides = array<i32>} : memref<2x640xi32, #tpu.memory_space<vmem>>, vector<1x16xi32>,
        %get3A_3815 = vector.shape_cast %get3A_3814 : vector<1x16xi32> to vector<16xi32>
        %jit3A_3816 = arith.constant 0 : i32
        %jit3A_3817 = arith.constant 63 : i32
        %max3A_3818 = vector.broadcast %jit3A_3816 : i32 to vector<16xi32>
        %max3A_3819 = arith.maxsi %max3A_3818, %get3A_3815 : vector<16xi32>
        %min3A_3820 = vector.broadcast %jit3A_3817 : i32 to vector<16xi32>
        %min3A_3821 = arith.minsi %min3A_3820, %max3A_3819 : vector<16xi32>
        %get3A_3822 = arith.index_cast %rem3A_2183 : i32 to index
        %get3A_3823 = arith.constant 400 : index
        %get3A_3824 = tpu.vector_load %arg9[%get3A_3822, %get3A_3823] {strides = array<i32>} : memref<2x640xi32, #tpu.memory_space<vmem>>, vector<1x16xi32>,
        %get3A_3825 = vector.shape_cast %get3A_3824 : vector<1x16xi32> to vector<16xi32>
        %jit3A_3826 = arith.constant 0 : i32
        %jit3A_3827 = arith.constant 63 : i32
        %max3A_3828 = vector.broadcast %jit3A_3826 : i32 to vector<16xi32>
        %max3A_3829 = arith.maxsi %max3A_3828, %get3A_3825 : vector<16xi32>
        %min3A_3830 = vector.broadcast %jit3A_3827 : i32 to vector<16xi32>
        %min3A_3831 = arith.minsi %min3A_3830, %max3A_3829 : vector<16xi32>
        %mul3A_3832 = arith.constant 4096 : i32
        %mul3A_3833 = vector.broadcast %mul3A_3832 : i32 to vector<16xi32>
        %mul3A_3834 = arith.muli %min3A_3811, %mul3A_3833 : vector<16xi32>
        %mul3A_3835 = arith.constant 64 : i32
        %mul3A_3836 = vector.broadcast %mul3A_3835 : i32 to vector<16xi32>
        %mul3A_3837 = arith.muli %min3A_3821, %mul3A_3836 : vector<16xi32>
        %add3A_3838 = arith.addi %mul3A_3834, %mul3A_3837 : vector<16xi32>
        %add3A_3839 = arith.addi %add3A_3838, %min3A_3831 : vector<16xi32>
        %swap3A_3840 = arith.constant 5 : i32
        %swap3A_3841 = arith.index_cast %rem3A_2183 : i32 to index
        %swap3A_3842 = arith.index_cast %swap3A_3840 : i32 to index
        %swap3A_3843 = arith.constant 0 : index
        %swap3A_3844 = tpu.vector_load %arg10[%swap3A_3841, %swap3A_3842, %swap3A_3843] {strides = array<i32>} : memref<2x8x80xi32, #tpu.memory_space<vmem>>, vector<1x1x16xi32>,
        %swap3A_3845 = vector.shape_cast %swap3A_3844 : vector<1x1x16xi32> to vector<16xi32>
        %swap3A_3846 = vector.shape_cast %add3A_3839 : vector<16xi32> to vector<1x1x16xi32>
        tpu.vector_store %arg10[%swap3A_3841, %swap3A_3842, %swap3A_3843], %swap3A_3846 {strides = array<i32>} : memref<2x8x80xi32, #tpu.memory_space<vmem>>, vector<1x1x16xi32>,
        %get3A_3847 = arith.index_cast %rem3A_2183 : i32 to index
        %get3A_3848 = arith.constant 416 : index
        %get3A_3849 = tpu.vector_load %arg7[%get3A_3847, %get3A_3848] {strides = array<i32>} : memref<2x640xi32, #tpu.memory_space<vmem>>, vector<1x16xi32>,
        %get3A_3850 = vector.shape_cast %get3A_3849 : vector<1x16xi32> to vector<16xi32>
        %jit3A_3851 = arith.constant 0 : i32
        %jit3A_3852 = arith.constant 9 : i32
        %max3A_3853 = vector.broadcast %jit3A_3851 : i32 to vector<16xi32>
        %max3A_3854 = arith.maxsi %max3A_3853, %get3A_3850 : vector<16xi32>
        %min3A_3855 = vector.broadcast %jit3A_3852 : i32 to vector<16xi32>
        %min3A_3856 = arith.minsi %min3A_3855, %max3A_3854 : vector<16xi32>
        %get3A_3857 = arith.index_cast %rem3A_2183 : i32 to index
        %get3A_3858 = arith.constant 416 : index
        %get3A_3859 = tpu.vector_load %arg8[%get3A_3857, %get3A_3858] {strides = array<i32>} : memref<2x640xi32, #tpu.memory_space<vmem>>, vector<1x16xi32>,
        %get3A_3860 = vector.shape_cast %get3A_3859 : vector<1x16xi32> to vector<16xi32>
        %jit3A_3861 = arith.constant 0 : i32
        %jit3A_3862 = arith.constant 63 : i32
        %max3A_3863 = vector.broadcast %jit3A_3861 : i32 to vector<16xi32>
        %max3A_3864 = arith.maxsi %max3A_3863, %get3A_3860 : vector<16xi32>
        %min3A_3865 = vector.broadcast %jit3A_3862 : i32 to vector<16xi32>
        %min3A_3866 = arith.minsi %min3A_3865, %max3A_3864 : vector<16xi32>
        %get3A_3867 = arith.index_cast %rem3A_2183 : i32 to index
        %get3A_3868 = arith.constant 416 : index
        %get3A_3869 = tpu.vector_load %arg9[%get3A_3867, %get3A_3868] {strides = array<i32>} : memref<2x640xi32, #tpu.memory_space<vmem>>, vector<1x16xi32>,
        %get3A_3870 = vector.shape_cast %get3A_3869 : vector<1x16xi32> to vector<16xi32>
        %jit3A_3871 = arith.constant 0 : i32
        %jit3A_3872 = arith.constant 63 : i32
        %max3A_3873 = vector.broadcast %jit3A_3871 : i32 to vector<16xi32>
        %max3A_3874 = arith.maxsi %max3A_3873, %get3A_3870 : vector<16xi32>
        %min3A_3875 = vector.broadcast %jit3A_3872 : i32 to vector<16xi32>
        %min3A_3876 = arith.minsi %min3A_3875, %max3A_3874 : vector<16xi32>
        %mul3A_3877 = arith.constant 4096 : i32
        %mul3A_3878 = vector.broadcast %mul3A_3877 : i32 to vector<16xi32>
        %mul3A_3879 = arith.muli %min3A_3856, %mul3A_3878 : vector<16xi32>
        %mul3A_3880 = arith.constant 64 : i32
        %mul3A_3881 = vector.broadcast %mul3A_3880 : i32 to vector<16xi32>
        %mul3A_3882 = arith.muli %min3A_3866, %mul3A_3881 : vector<16xi32>
        %add3A_3883 = arith.addi %mul3A_3879, %mul3A_3882 : vector<16xi32>
        %add3A_3884 = arith.addi %add3A_3883, %min3A_3876 : vector<16xi32>
        %swap3A_3885 = arith.constant 5 : i32
        %swap3A_3886 = arith.index_cast %rem3A_2183 : i32 to index
        %swap3A_3887 = arith.index_cast %swap3A_3885 : i32 to index
        %swap3A_3888 = arith.constant 16 : index
        %swap3A_3889 = tpu.vector_load %arg10[%swap3A_3886, %swap3A_3887, %swap3A_3888] {strides = array<i32>} : memref<2x8x80xi32, #tpu.memory_space<vmem>>, vector<1x1x16xi32>,
        %swap3A_3890 = vector.shape_cast %swap3A_3889 : vector<1x1x16xi32> to vector<16xi32>
        %swap3A_3891 = vector.shape_cast %add3A_3884 : vector<16xi32> to vector<1x1x16xi32>
        tpu.vector_store %arg10[%swap3A_3886, %swap3A_3887, %swap3A_3888], %swap3A_3891 {strides = array<i32>} : memref<2x8x80xi32, #tpu.memory_space<vmem>>, vector<1x1x16xi32>,
        %get3A_3892 = arith.index_cast %rem3A_2183 : i32 to index
        %get3A_3893 = arith.constant 432 : index
        %get3A_3894 = tpu.vector_load %arg7[%get3A_3892, %get3A_3893] {strides = array<i32>} : memref<2x640xi32, #tpu.memory_space<vmem>>, vector<1x16xi32>,
        %get3A_3895 = vector.shape_cast %get3A_3894 : vector<1x16xi32> to vector<16xi32>
        %jit3A_3896 = arith.constant 0 : i32
        %jit3A_3897 = arith.constant 9 : i32
        %max3A_3898 = vector.broadcast %jit3A_3896 : i32 to vector<16xi32>
        %max3A_3899 = arith.maxsi %max3A_3898, %get3A_3895 : vector<16xi32>
        %min3A_3900 = vector.broadcast %jit3A_3897 : i32 to vector<16xi32>
        %min3A_3901 = arith.minsi %min3A_3900, %max3A_3899 : vector<16xi32>
        %get3A_3902 = arith.index_cast %rem3A_2183 : i32 to index
        %get3A_3903 = arith.constant 432 : index
        %get3A_3904 = tpu.vector_load %arg8[%get3A_3902, %get3A_3903] {strides = array<i32>} : memref<2x640xi32, #tpu.memory_space<vmem>>, vector<1x16xi32>,
        %get3A_3905 = vector.shape_cast %get3A_3904 : vector<1x16xi32> to vector<16xi32>
        %jit3A_3906 = arith.constant 0 : i32
        %jit3A_3907 = arith.constant 63 : i32
        %max3A_3908 = vector.broadcast %jit3A_3906 : i32 to vector<16xi32>
        %max3A_3909 = arith.maxsi %max3A_3908, %get3A_3905 : vector<16xi32>
        %min3A_3910 = vector.broadcast %jit3A_3907 : i32 to vector<16xi32>
        %min3A_3911 = arith.minsi %min3A_3910, %max3A_3909 : vector<16xi32>
        %get3A_3912 = arith.index_cast %rem3A_2183 : i32 to index
        %get3A_3913 = arith.constant 432 : index
        %get3A_3914 = tpu.vector_load %arg9[%get3A_3912, %get3A_3913] {strides = array<i32>} : memref<2x640xi32, #tpu.memory_space<vmem>>, vector<1x16xi32>,
        %get3A_3915 = vector.shape_cast %get3A_3914 : vector<1x16xi32> to vector<16xi32>
        %jit3A_3916 = arith.constant 0 : i32
        %jit3A_3917 = arith.constant 63 : i32
        %max3A_3918 = vector.broadcast %jit3A_3916 : i32 to vector<16xi32>
        %max3A_3919 = arith.maxsi %max3A_3918, %get3A_3915 : vector<16xi32>
        %min3A_3920 = vector.broadcast %jit3A_3917 : i32 to vector<16xi32>
        %min3A_3921 = arith.minsi %min3A_3920, %max3A_3919 : vector<16xi32>
        %mul3A_3922 = arith.constant 4096 : i32
        %mul3A_3923 = vector.broadcast %mul3A_3922 : i32 to vector<16xi32>
        %mul3A_3924 = arith.muli %min3A_3901, %mul3A_3923 : vector<16xi32>
        %mul3A_3925 = arith.constant 64 : i32
        %mul3A_3926 = vector.broadcast %mul3A_3925 : i32 to vector<16xi32>
        %mul3A_3927 = arith.muli %min3A_3911, %mul3A_3926 : vector<16xi32>
        %add3A_3928 = arith.addi %mul3A_3924, %mul3A_3927 : vector<16xi32>
        %add3A_3929 = arith.addi %add3A_3928, %min3A_3921 : vector<16xi32>
        %swap3A_3930 = arith.constant 5 : i32
        %swap3A_3931 = arith.index_cast %rem3A_2183 : i32 to index
        %swap3A_3932 = arith.index_cast %swap3A_3930 : i32 to index
        %swap3A_3933 = arith.constant 32 : index
        %swap3A_3934 = tpu.vector_load %arg10[%swap3A_3931, %swap3A_3932, %swap3A_3933] {strides = array<i32>} : memref<2x8x80xi32, #tpu.memory_space<vmem>>, vector<1x1x16xi32>,
        %swap3A_3935 = vector.shape_cast %swap3A_3934 : vector<1x1x16xi32> to vector<16xi32>
        %swap3A_3936 = vector.shape_cast %add3A_3929 : vector<16xi32> to vector<1x1x16xi32>
        tpu.vector_store %arg10[%swap3A_3931, %swap3A_3932, %swap3A_3933], %swap3A_3936 {strides = array<i32>} : memref<2x8x80xi32, #tpu.memory_space<vmem>>, vector<1x1x16xi32>,
        %get3A_3937 = arith.index_cast %rem3A_2183 : i32 to index
        %get3A_3938 = arith.constant 448 : index
        %get3A_3939 = tpu.vector_load %arg7[%get3A_3937, %get3A_3938] {strides = array<i32>} : memref<2x640xi32, #tpu.memory_space<vmem>>, vector<1x16xi32>,
        %get3A_3940 = vector.shape_cast %get3A_3939 : vector<1x16xi32> to vector<16xi32>
        %jit3A_3941 = arith.constant 0 : i32
        %jit3A_3942 = arith.constant 9 : i32
        %max3A_3943 = vector.broadcast %jit3A_3941 : i32 to vector<16xi32>
        %max3A_3944 = arith.maxsi %max3A_3943, %get3A_3940 : vector<16xi32>
        %min3A_3945 = vector.broadcast %jit3A_3942 : i32 to vector<16xi32>
        %min3A_3946 = arith.minsi %min3A_3945, %max3A_3944 : vector<16xi32>
        %get3A_3947 = arith.index_cast %rem3A_2183 : i32 to index
        %get3A_3948 = arith.constant 448 : index
        %get3A_3949 = tpu.vector_load %arg8[%get3A_3947, %get3A_3948] {strides = array<i32>} : memref<2x640xi32, #tpu.memory_space<vmem>>, vector<1x16xi32>,
        %get3A_3950 = vector.shape_cast %get3A_3949 : vector<1x16xi32> to vector<16xi32>
        %jit3A_3951 = arith.constant 0 : i32
        %jit3A_3952 = arith.constant 63 : i32
        %max3A_3953 = vector.broadcast %jit3A_3951 : i32 to vector<16xi32>
        %max3A_3954 = arith.maxsi %max3A_3953, %get3A_3950 : vector<16xi32>
        %min3A_3955 = vector.broadcast %jit3A_3952 : i32 to vector<16xi32>
        %min3A_3956 = arith.minsi %min3A_3955, %max3A_3954 : vector<16xi32>
        %get3A_3957 = arith.index_cast %rem3A_2183 : i32 to index
        %get3A_3958 = arith.constant 448 : index
        %get3A_3959 = tpu.vector_load %arg9[%get3A_3957, %get3A_3958] {strides = array<i32>} : memref<2x640xi32, #tpu.memory_space<vmem>>, vector<1x16xi32>,
        %get3A_3960 = vector.shape_cast %get3A_3959 : vector<1x16xi32> to vector<16xi32>
        %jit3A_3961 = arith.constant 0 : i32
        %jit3A_3962 = arith.constant 63 : i32
        %max3A_3963 = vector.broadcast %jit3A_3961 : i32 to vector<16xi32>
        %max3A_3964 = arith.maxsi %max3A_3963, %get3A_3960 : vector<16xi32>
        %min3A_3965 = vector.broadcast %jit3A_3962 : i32 to vector<16xi32>
        %min3A_3966 = arith.minsi %min3A_3965, %max3A_3964 : vector<16xi32>
        %mul3A_3967 = arith.constant 4096 : i32
        %mul3A_3968 = vector.broadcast %mul3A_3967 : i32 to vector<16xi32>
        %mul3A_3969 = arith.muli %min3A_3946, %mul3A_3968 : vector<16xi32>
        %mul3A_3970 = arith.constant 64 : i32
        %mul3A_3971 = vector.broadcast %mul3A_3970 : i32 to vector<16xi32>
        %mul3A_3972 = arith.muli %min3A_3956, %mul3A_3971 : vector<16xi32>
        %add3A_3973 = arith.addi %mul3A_3969, %mul3A_3972 : vector<16xi32>
        %add3A_3974 = arith.addi %add3A_3973, %min3A_3966 : vector<16xi32>
        %swap3A_3975 = arith.constant 5 : i32
        %swap3A_3976 = arith.index_cast %rem3A_2183 : i32 to index
        %swap3A_3977 = arith.index_cast %swap3A_3975 : i32 to index
        %swap3A_3978 = arith.constant 48 : index
        %swap3A_3979 = tpu.vector_load %arg10[%swap3A_3976, %swap3A_3977, %swap3A_3978] {strides = array<i32>} : memref<2x8x80xi32, #tpu.memory_space<vmem>>, vector<1x1x16xi32>,
        %swap3A_3980 = vector.shape_cast %swap3A_3979 : vector<1x1x16xi32> to vector<16xi32>
        %swap3A_3981 = vector.shape_cast %add3A_3974 : vector<16xi32> to vector<1x1x16xi32>
        tpu.vector_store %arg10[%swap3A_3976, %swap3A_3977, %swap3A_3978], %swap3A_3981 {strides = array<i32>} : memref<2x8x80xi32, #tpu.memory_space<vmem>>, vector<1x1x16xi32>,
        %get3A_3982 = arith.index_cast %rem3A_2183 : i32 to index
        %get3A_3983 = arith.constant 464 : index
        %get3A_3984 = tpu.vector_load %arg7[%get3A_3982, %get3A_3983] {strides = array<i32>} : memref<2x640xi32, #tpu.memory_space<vmem>>, vector<1x16xi32>,
        %get3A_3985 = vector.shape_cast %get3A_3984 : vector<1x16xi32> to vector<16xi32>
        %jit3A_3986 = arith.constant 0 : i32
        %jit3A_3987 = arith.constant 9 : i32
        %max3A_3988 = vector.broadcast %jit3A_3986 : i32 to vector<16xi32>
        %max3A_3989 = arith.maxsi %max3A_3988, %get3A_3985 : vector<16xi32>
        %min3A_3990 = vector.broadcast %jit3A_3987 : i32 to vector<16xi32>
        %min3A_3991 = arith.minsi %min3A_3990, %max3A_3989 : vector<16xi32>
        %get3A_3992 = arith.index_cast %rem3A_2183 : i32 to index
        %get3A_3993 = arith.constant 464 : index
        %get3A_3994 = tpu.vector_load %arg8[%get3A_3992, %get3A_3993] {strides = array<i32>} : memref<2x640xi32, #tpu.memory_space<vmem>>, vector<1x16xi32>,
        %get3A_3995 = vector.shape_cast %get3A_3994 : vector<1x16xi32> to vector<16xi32>
        %jit3A_3996 = arith.constant 0 : i32
        %jit3A_3997 = arith.constant 63 : i32
        %max3A_3998 = vector.broadcast %jit3A_3996 : i32 to vector<16xi32>
        %max3A_3999 = arith.maxsi %max3A_3998, %get3A_3995 : vector<16xi32>
        %min3A_4000 = vector.broadcast %jit3A_3997 : i32 to vector<16xi32>
        %min3A_4001 = arith.minsi %min3A_4000, %max3A_3999 : vector<16xi32>
        %get3A_4002 = arith.index_cast %rem3A_2183 : i32 to index
        %get3A_4003 = arith.constant 464 : index
        %get3A_4004 = tpu.vector_load %arg9[%get3A_4002, %get3A_4003] {strides = array<i32>} : memref<2x640xi32, #tpu.memory_space<vmem>>, vector<1x16xi32>,
        %get3A_4005 = vector.shape_cast %get3A_4004 : vector<1x16xi32> to vector<16xi32>
        %jit3A_4006 = arith.constant 0 : i32
        %jit3A_4007 = arith.constant 63 : i32
        %max3A_4008 = vector.broadcast %jit3A_4006 : i32 to vector<16xi32>
        %max3A_4009 = arith.maxsi %max3A_4008, %get3A_4005 : vector<16xi32>
        %min3A_4010 = vector.broadcast %jit3A_4007 : i32 to vector<16xi32>
        %min3A_4011 = arith.minsi %min3A_4010, %max3A_4009 : vector<16xi32>
        %mul3A_4012 = arith.constant 4096 : i32
        %mul3A_4013 = vector.broadcast %mul3A_4012 : i32 to vector<16xi32>
        %mul3A_4014 = arith.muli %min3A_3991, %mul3A_4013 : vector<16xi32>
        %mul3A_4015 = arith.constant 64 : i32
        %mul3A_4016 = vector.broadcast %mul3A_4015 : i32 to vector<16xi32>
        %mul3A_4017 = arith.muli %min3A_4001, %mul3A_4016 : vector<16xi32>
        %add3A_4018 = arith.addi %mul3A_4014, %mul3A_4017 : vector<16xi32>
        %add3A_4019 = arith.addi %add3A_4018, %min3A_4011 : vector<16xi32>
        %swap3A_4020 = arith.constant 5 : i32
        %swap3A_4021 = arith.index_cast %rem3A_2183 : i32 to index
        %swap3A_4022 = arith.index_cast %swap3A_4020 : i32 to index
        %swap3A_4023 = arith.constant 64 : index
        %swap3A_4024 = tpu.vector_load %arg10[%swap3A_4021, %swap3A_4022, %swap3A_4023] {strides = array<i32>} : memref<2x8x80xi32, #tpu.memory_space<vmem>>, vector<1x1x16xi32>,
        %swap3A_4025 = vector.shape_cast %swap3A_4024 : vector<1x1x16xi32> to vector<16xi32>
        %swap3A_4026 = vector.shape_cast %add3A_4019 : vector<16xi32> to vector<1x1x16xi32>
        tpu.vector_store %arg10[%swap3A_4021, %swap3A_4022, %swap3A_4023], %swap3A_4026 {strides = array<i32>} : memref<2x8x80xi32, #tpu.memory_space<vmem>>, vector<1x1x16xi32>,
        %get3A_4027 = arith.index_cast %rem3A_2183 : i32 to index
        %get3A_4028 = arith.constant 480 : index
        %get3A_4029 = tpu.vector_load %arg7[%get3A_4027, %get3A_4028] {strides = array<i32>} : memref<2x640xi32, #tpu.memory_space<vmem>>, vector<1x16xi32>,
        %get3A_4030 = vector.shape_cast %get3A_4029 : vector<1x16xi32> to vector<16xi32>
        %jit3A_4031 = arith.constant 0 : i32
        %jit3A_4032 = arith.constant 9 : i32
        %max3A_4033 = vector.broadcast %jit3A_4031 : i32 to vector<16xi32>
        %max3A_4034 = arith.maxsi %max3A_4033, %get3A_4030 : vector<16xi32>
        %min3A_4035 = vector.broadcast %jit3A_4032 : i32 to vector<16xi32>
        %min3A_4036 = arith.minsi %min3A_4035, %max3A_4034 : vector<16xi32>
        %get3A_4037 = arith.index_cast %rem3A_2183 : i32 to index
        %get3A_4038 = arith.constant 480 : index
        %get3A_4039 = tpu.vector_load %arg8[%get3A_4037, %get3A_4038] {strides = array<i32>} : memref<2x640xi32, #tpu.memory_space<vmem>>, vector<1x16xi32>,
        %get3A_4040 = vector.shape_cast %get3A_4039 : vector<1x16xi32> to vector<16xi32>
        %jit3A_4041 = arith.constant 0 : i32
        %jit3A_4042 = arith.constant 63 : i32
        %max3A_4043 = vector.broadcast %jit3A_4041 : i32 to vector<16xi32>
        %max3A_4044 = arith.maxsi %max3A_4043, %get3A_4040 : vector<16xi32>
        %min3A_4045 = vector.broadcast %jit3A_4042 : i32 to vector<16xi32>
        %min3A_4046 = arith.minsi %min3A_4045, %max3A_4044 : vector<16xi32>
        %get3A_4047 = arith.index_cast %rem3A_2183 : i32 to index
        %get3A_4048 = arith.constant 480 : index
        %get3A_4049 = tpu.vector_load %arg9[%get3A_4047, %get3A_4048] {strides = array<i32>} : memref<2x640xi32, #tpu.memory_space<vmem>>, vector<1x16xi32>,
        %get3A_4050 = vector.shape_cast %get3A_4049 : vector<1x16xi32> to vector<16xi32>
        %jit3A_4051 = arith.constant 0 : i32
        %jit3A_4052 = arith.constant 63 : i32
        %max3A_4053 = vector.broadcast %jit3A_4051 : i32 to vector<16xi32>
        %max3A_4054 = arith.maxsi %max3A_4053, %get3A_4050 : vector<16xi32>
        %min3A_4055 = vector.broadcast %jit3A_4052 : i32 to vector<16xi32>
        %min3A_4056 = arith.minsi %min3A_4055, %max3A_4054 : vector<16xi32>
        %mul3A_4057 = arith.constant 4096 : i32
        %mul3A_4058 = vector.broadcast %mul3A_4057 : i32 to vector<16xi32>
        %mul3A_4059 = arith.muli %min3A_4036, %mul3A_4058 : vector<16xi32>
        %mul3A_4060 = arith.constant 64 : i32
        %mul3A_4061 = vector.broadcast %mul3A_4060 : i32 to vector<16xi32>
        %mul3A_4062 = arith.muli %min3A_4046, %mul3A_4061 : vector<16xi32>
        %add3A_4063 = arith.addi %mul3A_4059, %mul3A_4062 : vector<16xi32>
        %add3A_4064 = arith.addi %add3A_4063, %min3A_4056 : vector<16xi32>
        %swap3A_4065 = arith.constant 6 : i32
        %swap3A_4066 = arith.index_cast %rem3A_2183 : i32 to index
        %swap3A_4067 = arith.index_cast %swap3A_4065 : i32 to index
        %swap3A_4068 = arith.constant 0 : index
        %swap3A_4069 = tpu.vector_load %arg10[%swap3A_4066, %swap3A_4067, %swap3A_4068] {strides = array<i32>} : memref<2x8x80xi32, #tpu.memory_space<vmem>>, vector<1x1x16xi32>,
        %swap3A_4070 = vector.shape_cast %swap3A_4069 : vector<1x1x16xi32> to vector<16xi32>
        %swap3A_4071 = vector.shape_cast %add3A_4064 : vector<16xi32> to vector<1x1x16xi32>
        tpu.vector_store %arg10[%swap3A_4066, %swap3A_4067, %swap3A_4068], %swap3A_4071 {strides = array<i32>} : memref<2x8x80xi32, #tpu.memory_space<vmem>>, vector<1x1x16xi32>,
        %get3A_4072 = arith.index_cast %rem3A_2183 : i32 to index
        %get3A_4073 = arith.constant 496 : index
        %get3A_4074 = tpu.vector_load %arg7[%get3A_4072, %get3A_4073] {strides = array<i32>} : memref<2x640xi32, #tpu.memory_space<vmem>>, vector<1x16xi32>,
        %get3A_4075 = vector.shape_cast %get3A_4074 : vector<1x16xi32> to vector<16xi32>
        %jit3A_4076 = arith.constant 0 : i32
        %jit3A_4077 = arith.constant 9 : i32
        %max3A_4078 = vector.broadcast %jit3A_4076 : i32 to vector<16xi32>
        %max3A_4079 = arith.maxsi %max3A_4078, %get3A_4075 : vector<16xi32>
        %min3A_4080 = vector.broadcast %jit3A_4077 : i32 to vector<16xi32>
        %min3A_4081 = arith.minsi %min3A_4080, %max3A_4079 : vector<16xi32>
        %get3A_4082 = arith.index_cast %rem3A_2183 : i32 to index
        %get3A_4083 = arith.constant 496 : index
        %get3A_4084 = tpu.vector_load %arg8[%get3A_4082, %get3A_4083] {strides = array<i32>} : memref<2x640xi32, #tpu.memory_space<vmem>>, vector<1x16xi32>,
        %get3A_4085 = vector.shape_cast %get3A_4084 : vector<1x16xi32> to vector<16xi32>
        %jit3A_4086 = arith.constant 0 : i32
        %jit3A_4087 = arith.constant 63 : i32
        %max3A_4088 = vector.broadcast %jit3A_4086 : i32 to vector<16xi32>
        %max3A_4089 = arith.maxsi %max3A_4088, %get3A_4085 : vector<16xi32>
        %min3A_4090 = vector.broadcast %jit3A_4087 : i32 to vector<16xi32>
        %min3A_4091 = arith.minsi %min3A_4090, %max3A_4089 : vector<16xi32>
        %get3A_4092 = arith.index_cast %rem3A_2183 : i32 to index
        %get3A_4093 = arith.constant 496 : index
        %get3A_4094 = tpu.vector_load %arg9[%get3A_4092, %get3A_4093] {strides = array<i32>} : memref<2x640xi32, #tpu.memory_space<vmem>>, vector<1x16xi32>,
        %get3A_4095 = vector.shape_cast %get3A_4094 : vector<1x16xi32> to vector<16xi32>
        %jit3A_4096 = arith.constant 0 : i32
        %jit3A_4097 = arith.constant 63 : i32
        %max3A_4098 = vector.broadcast %jit3A_4096 : i32 to vector<16xi32>
        %max3A_4099 = arith.maxsi %max3A_4098, %get3A_4095 : vector<16xi32>
        %min3A_4100 = vector.broadcast %jit3A_4097 : i32 to vector<16xi32>
        %min3A_4101 = arith.minsi %min3A_4100, %max3A_4099 : vector<16xi32>
        %mul3A_4102 = arith.constant 4096 : i32
        %mul3A_4103 = vector.broadcast %mul3A_4102 : i32 to vector<16xi32>
        %mul3A_4104 = arith.muli %min3A_4081, %mul3A_4103 : vector<16xi32>
        %mul3A_4105 = arith.constant 64 : i32
        %mul3A_4106 = vector.broadcast %mul3A_4105 : i32 to vector<16xi32>
        %mul3A_4107 = arith.muli %min3A_4091, %mul3A_4106 : vector<16xi32>
        %add3A_4108 = arith.addi %mul3A_4104, %mul3A_4107 : vector<16xi32>
        %add3A_4109 = arith.addi %add3A_4108, %min3A_4101 : vector<16xi32>
        %swap3A_4110 = arith.constant 6 : i32
        %swap3A_4111 = arith.index_cast %rem3A_2183 : i32 to index
        %swap3A_4112 = arith.index_cast %swap3A_4110 : i32 to index
        %swap3A_4113 = arith.constant 16 : index
        %swap3A_4114 = tpu.vector_load %arg10[%swap3A_4111, %swap3A_4112, %swap3A_4113] {strides = array<i32>} : memref<2x8x80xi32, #tpu.memory_space<vmem>>, vector<1x1x16xi32>,
        %swap3A_4115 = vector.shape_cast %swap3A_4114 : vector<1x1x16xi32> to vector<16xi32>
        %swap3A_4116 = vector.shape_cast %add3A_4109 : vector<16xi32> to vector<1x1x16xi32>
        tpu.vector_store %arg10[%swap3A_4111, %swap3A_4112, %swap3A_4113], %swap3A_4116 {strides = array<i32>} : memref<2x8x80xi32, #tpu.memory_space<vmem>>, vector<1x1x16xi32>,
        %get3A_4117 = arith.index_cast %rem3A_2183 : i32 to index
        %get3A_4118 = arith.constant 512 : index
        %get3A_4119 = tpu.vector_load %arg7[%get3A_4117, %get3A_4118] {strides = array<i32>} : memref<2x640xi32, #tpu.memory_space<vmem>>, vector<1x16xi32>,
        %get3A_4120 = vector.shape_cast %get3A_4119 : vector<1x16xi32> to vector<16xi32>
        %jit3A_4121 = arith.constant 0 : i32
        %jit3A_4122 = arith.constant 9 : i32
        %max3A_4123 = vector.broadcast %jit3A_4121 : i32 to vector<16xi32>
        %max3A_4124 = arith.maxsi %max3A_4123, %get3A_4120 : vector<16xi32>
        %min3A_4125 = vector.broadcast %jit3A_4122 : i32 to vector<16xi32>
        %min3A_4126 = arith.minsi %min3A_4125, %max3A_4124 : vector<16xi32>
        %get3A_4127 = arith.index_cast %rem3A_2183 : i32 to index
        %get3A_4128 = arith.constant 512 : index
        %get3A_4129 = tpu.vector_load %arg8[%get3A_4127, %get3A_4128] {strides = array<i32>} : memref<2x640xi32, #tpu.memory_space<vmem>>, vector<1x16xi32>,
        %get3A_4130 = vector.shape_cast %get3A_4129 : vector<1x16xi32> to vector<16xi32>
        %jit3A_4131 = arith.constant 0 : i32
        %jit3A_4132 = arith.constant 63 : i32
        %max3A_4133 = vector.broadcast %jit3A_4131 : i32 to vector<16xi32>
        %max3A_4134 = arith.maxsi %max3A_4133, %get3A_4130 : vector<16xi32>
        %min3A_4135 = vector.broadcast %jit3A_4132 : i32 to vector<16xi32>
        %min3A_4136 = arith.minsi %min3A_4135, %max3A_4134 : vector<16xi32>
        %get3A_4137 = arith.index_cast %rem3A_2183 : i32 to index
        %get3A_4138 = arith.constant 512 : index
        %get3A_4139 = tpu.vector_load %arg9[%get3A_4137, %get3A_4138] {strides = array<i32>} : memref<2x640xi32, #tpu.memory_space<vmem>>, vector<1x16xi32>,
        %get3A_4140 = vector.shape_cast %get3A_4139 : vector<1x16xi32> to vector<16xi32>
        %jit3A_4141 = arith.constant 0 : i32
        %jit3A_4142 = arith.constant 63 : i32
        %max3A_4143 = vector.broadcast %jit3A_4141 : i32 to vector<16xi32>
        %max3A_4144 = arith.maxsi %max3A_4143, %get3A_4140 : vector<16xi32>
        %min3A_4145 = vector.broadcast %jit3A_4142 : i32 to vector<16xi32>
        %min3A_4146 = arith.minsi %min3A_4145, %max3A_4144 : vector<16xi32>
        %mul3A_4147 = arith.constant 4096 : i32
        %mul3A_4148 = vector.broadcast %mul3A_4147 : i32 to vector<16xi32>
        %mul3A_4149 = arith.muli %min3A_4126, %mul3A_4148 : vector<16xi32>
        %mul3A_4150 = arith.constant 64 : i32
        %mul3A_4151 = vector.broadcast %mul3A_4150 : i32 to vector<16xi32>
        %mul3A_4152 = arith.muli %min3A_4136, %mul3A_4151 : vector<16xi32>
        %add3A_4153 = arith.addi %mul3A_4149, %mul3A_4152 : vector<16xi32>
        %add3A_4154 = arith.addi %add3A_4153, %min3A_4146 : vector<16xi32>
        %swap3A_4155 = arith.constant 6 : i32
        %swap3A_4156 = arith.index_cast %rem3A_2183 : i32 to index
        %swap3A_4157 = arith.index_cast %swap3A_4155 : i32 to index
        %swap3A_4158 = arith.constant 32 : index
        %swap3A_4159 = tpu.vector_load %arg10[%swap3A_4156, %swap3A_4157, %swap3A_4158] {strides = array<i32>} : memref<2x8x80xi32, #tpu.memory_space<vmem>>, vector<1x1x16xi32>,
        %swap3A_4160 = vector.shape_cast %swap3A_4159 : vector<1x1x16xi32> to vector<16xi32>
        %swap3A_4161 = vector.shape_cast %add3A_4154 : vector<16xi32> to vector<1x1x16xi32>
        tpu.vector_store %arg10[%swap3A_4156, %swap3A_4157, %swap3A_4158], %swap3A_4161 {strides = array<i32>} : memref<2x8x80xi32, #tpu.memory_space<vmem>>, vector<1x1x16xi32>,
        %get3A_4162 = arith.index_cast %rem3A_2183 : i32 to index
        %get3A_4163 = arith.constant 528 : index
        %get3A_4164 = tpu.vector_load %arg7[%get3A_4162, %get3A_4163] {strides = array<i32>} : memref<2x640xi32, #tpu.memory_space<vmem>>, vector<1x16xi32>,
        %get3A_4165 = vector.shape_cast %get3A_4164 : vector<1x16xi32> to vector<16xi32>
        %jit3A_4166 = arith.constant 0 : i32
        %jit3A_4167 = arith.constant 9 : i32
        %max3A_4168 = vector.broadcast %jit3A_4166 : i32 to vector<16xi32>
        %max3A_4169 = arith.maxsi %max3A_4168, %get3A_4165 : vector<16xi32>
        %min3A_4170 = vector.broadcast %jit3A_4167 : i32 to vector<16xi32>
        %min3A_4171 = arith.minsi %min3A_4170, %max3A_4169 : vector<16xi32>
        %get3A_4172 = arith.index_cast %rem3A_2183 : i32 to index
        %get3A_4173 = arith.constant 528 : index
        %get3A_4174 = tpu.vector_load %arg8[%get3A_4172, %get3A_4173] {strides = array<i32>} : memref<2x640xi32, #tpu.memory_space<vmem>>, vector<1x16xi32>,
        %get3A_4175 = vector.shape_cast %get3A_4174 : vector<1x16xi32> to vector<16xi32>
        %jit3A_4176 = arith.constant 0 : i32
        %jit3A_4177 = arith.constant 63 : i32
        %max3A_4178 = vector.broadcast %jit3A_4176 : i32 to vector<16xi32>
        %max3A_4179 = arith.maxsi %max3A_4178, %get3A_4175 : vector<16xi32>
        %min3A_4180 = vector.broadcast %jit3A_4177 : i32 to vector<16xi32>
        %min3A_4181 = arith.minsi %min3A_4180, %max3A_4179 : vector<16xi32>
        %get3A_4182 = arith.index_cast %rem3A_2183 : i32 to index
        %get3A_4183 = arith.constant 528 : index
        %get3A_4184 = tpu.vector_load %arg9[%get3A_4182, %get3A_4183] {strides = array<i32>} : memref<2x640xi32, #tpu.memory_space<vmem>>, vector<1x16xi32>,
        %get3A_4185 = vector.shape_cast %get3A_4184 : vector<1x16xi32> to vector<16xi32>
        %jit3A_4186 = arith.constant 0 : i32
        %jit3A_4187 = arith.constant 63 : i32
        %max3A_4188 = vector.broadcast %jit3A_4186 : i32 to vector<16xi32>
        %max3A_4189 = arith.maxsi %max3A_4188, %get3A_4185 : vector<16xi32>
        %min3A_4190 = vector.broadcast %jit3A_4187 : i32 to vector<16xi32>
        %min3A_4191 = arith.minsi %min3A_4190, %max3A_4189 : vector<16xi32>
        %mul3A_4192 = arith.constant 4096 : i32
        %mul3A_4193 = vector.broadcast %mul3A_4192 : i32 to vector<16xi32>
        %mul3A_4194 = arith.muli %min3A_4171, %mul3A_4193 : vector<16xi32>
        %mul3A_4195 = arith.constant 64 : i32
        %mul3A_4196 = vector.broadcast %mul3A_4195 : i32 to vector<16xi32>
        %mul3A_4197 = arith.muli %min3A_4181, %mul3A_4196 : vector<16xi32>
        %add3A_4198 = arith.addi %mul3A_4194, %mul3A_4197 : vector<16xi32>
        %add3A_4199 = arith.addi %add3A_4198, %min3A_4191 : vector<16xi32>
        %swap3A_4200 = arith.constant 6 : i32
        %swap3A_4201 = arith.index_cast %rem3A_2183 : i32 to index
        %swap3A_4202 = arith.index_cast %swap3A_4200 : i32 to index
        %swap3A_4203 = arith.constant 48 : index
        %swap3A_4204 = tpu.vector_load %arg10[%swap3A_4201, %swap3A_4202, %swap3A_4203] {strides = array<i32>} : memref<2x8x80xi32, #tpu.memory_space<vmem>>, vector<1x1x16xi32>,
        %swap3A_4205 = vector.shape_cast %swap3A_4204 : vector<1x1x16xi32> to vector<16xi32>
        %swap3A_4206 = vector.shape_cast %add3A_4199 : vector<16xi32> to vector<1x1x16xi32>
        tpu.vector_store %arg10[%swap3A_4201, %swap3A_4202, %swap3A_4203], %swap3A_4206 {strides = array<i32>} : memref<2x8x80xi32, #tpu.memory_space<vmem>>, vector<1x1x16xi32>,
        %get3A_4207 = arith.index_cast %rem3A_2183 : i32 to index
        %get3A_4208 = arith.constant 544 : index
        %get3A_4209 = tpu.vector_load %arg7[%get3A_4207, %get3A_4208] {strides = array<i32>} : memref<2x640xi32, #tpu.memory_space<vmem>>, vector<1x16xi32>,
        %get3A_4210 = vector.shape_cast %get3A_4209 : vector<1x16xi32> to vector<16xi32>
        %jit3A_4211 = arith.constant 0 : i32
        %jit3A_4212 = arith.constant 9 : i32
        %max3A_4213 = vector.broadcast %jit3A_4211 : i32 to vector<16xi32>
        %max3A_4214 = arith.maxsi %max3A_4213, %get3A_4210 : vector<16xi32>
        %min3A_4215 = vector.broadcast %jit3A_4212 : i32 to vector<16xi32>
        %min3A_4216 = arith.minsi %min3A_4215, %max3A_4214 : vector<16xi32>
        %get3A_4217 = arith.index_cast %rem3A_2183 : i32 to index
        %get3A_4218 = arith.constant 544 : index
        %get3A_4219 = tpu.vector_load %arg8[%get3A_4217, %get3A_4218] {strides = array<i32>} : memref<2x640xi32, #tpu.memory_space<vmem>>, vector<1x16xi32>,
        %get3A_4220 = vector.shape_cast %get3A_4219 : vector<1x16xi32> to vector<16xi32>
        %jit3A_4221 = arith.constant 0 : i32
        %jit3A_4222 = arith.constant 63 : i32
        %max3A_4223 = vector.broadcast %jit3A_4221 : i32 to vector<16xi32>
        %max3A_4224 = arith.maxsi %max3A_4223, %get3A_4220 : vector<16xi32>
        %min3A_4225 = vector.broadcast %jit3A_4222 : i32 to vector<16xi32>
        %min3A_4226 = arith.minsi %min3A_4225, %max3A_4224 : vector<16xi32>
        %get3A_4227 = arith.index_cast %rem3A_2183 : i32 to index
        %get3A_4228 = arith.constant 544 : index
        %get3A_4229 = tpu.vector_load %arg9[%get3A_4227, %get3A_4228] {strides = array<i32>} : memref<2x640xi32, #tpu.memory_space<vmem>>, vector<1x16xi32>,
        %get3A_4230 = vector.shape_cast %get3A_4229 : vector<1x16xi32> to vector<16xi32>
        %jit3A_4231 = arith.constant 0 : i32
        %jit3A_4232 = arith.constant 63 : i32
        %max3A_4233 = vector.broadcast %jit3A_4231 : i32 to vector<16xi32>
        %max3A_4234 = arith.maxsi %max3A_4233, %get3A_4230 : vector<16xi32>
        %min3A_4235 = vector.broadcast %jit3A_4232 : i32 to vector<16xi32>
        %min3A_4236 = arith.minsi %min3A_4235, %max3A_4234 : vector<16xi32>
        %mul3A_4237 = arith.constant 4096 : i32
        %mul3A_4238 = vector.broadcast %mul3A_4237 : i32 to vector<16xi32>
        %mul3A_4239 = arith.muli %min3A_4216, %mul3A_4238 : vector<16xi32>
        %mul3A_4240 = arith.constant 64 : i32
        %mul3A_4241 = vector.broadcast %mul3A_4240 : i32 to vector<16xi32>
        %mul3A_4242 = arith.muli %min3A_4226, %mul3A_4241 : vector<16xi32>
        %add3A_4243 = arith.addi %mul3A_4239, %mul3A_4242 : vector<16xi32>
        %add3A_4244 = arith.addi %add3A_4243, %min3A_4236 : vector<16xi32>
        %swap3A_4245 = arith.constant 6 : i32
        %swap3A_4246 = arith.index_cast %rem3A_2183 : i32 to index
        %swap3A_4247 = arith.index_cast %swap3A_4245 : i32 to index
        %swap3A_4248 = arith.constant 64 : index
        %swap3A_4249 = tpu.vector_load %arg10[%swap3A_4246, %swap3A_4247, %swap3A_4248] {strides = array<i32>} : memref<2x8x80xi32, #tpu.memory_space<vmem>>, vector<1x1x16xi32>,
        %swap3A_4250 = vector.shape_cast %swap3A_4249 : vector<1x1x16xi32> to vector<16xi32>
        %swap3A_4251 = vector.shape_cast %add3A_4244 : vector<16xi32> to vector<1x1x16xi32>
        tpu.vector_store %arg10[%swap3A_4246, %swap3A_4247, %swap3A_4248], %swap3A_4251 {strides = array<i32>} : memref<2x8x80xi32, #tpu.memory_space<vmem>>, vector<1x1x16xi32>,
        %get3A_4252 = arith.index_cast %rem3A_2183 : i32 to index
        %get3A_4253 = arith.constant 560 : index
        %get3A_4254 = tpu.vector_load %arg7[%get3A_4252, %get3A_4253] {strides = array<i32>} : memref<2x640xi32, #tpu.memory_space<vmem>>, vector<1x16xi32>,
        %get3A_4255 = vector.shape_cast %get3A_4254 : vector<1x16xi32> to vector<16xi32>
        %jit3A_4256 = arith.constant 0 : i32
        %jit3A_4257 = arith.constant 9 : i32
        %max3A_4258 = vector.broadcast %jit3A_4256 : i32 to vector<16xi32>
        %max3A_4259 = arith.maxsi %max3A_4258, %get3A_4255 : vector<16xi32>
        %min3A_4260 = vector.broadcast %jit3A_4257 : i32 to vector<16xi32>
        %min3A_4261 = arith.minsi %min3A_4260, %max3A_4259 : vector<16xi32>
        %get3A_4262 = arith.index_cast %rem3A_2183 : i32 to index
        %get3A_4263 = arith.constant 560 : index
        %get3A_4264 = tpu.vector_load %arg8[%get3A_4262, %get3A_4263] {strides = array<i32>} : memref<2x640xi32, #tpu.memory_space<vmem>>, vector<1x16xi32>,
        %get3A_4265 = vector.shape_cast %get3A_4264 : vector<1x16xi32> to vector<16xi32>
        %jit3A_4266 = arith.constant 0 : i32
        %jit3A_4267 = arith.constant 63 : i32
        %max3A_4268 = vector.broadcast %jit3A_4266 : i32 to vector<16xi32>
        %max3A_4269 = arith.maxsi %max3A_4268, %get3A_4265 : vector<16xi32>
        %min3A_4270 = vector.broadcast %jit3A_4267 : i32 to vector<16xi32>
        %min3A_4271 = arith.minsi %min3A_4270, %max3A_4269 : vector<16xi32>
        %get3A_4272 = arith.index_cast %rem3A_2183 : i32 to index
        %get3A_4273 = arith.constant 560 : index
        %get3A_4274 = tpu.vector_load %arg9[%get3A_4272, %get3A_4273] {strides = array<i32>} : memref<2x640xi32, #tpu.memory_space<vmem>>, vector<1x16xi32>,
        %get3A_4275 = vector.shape_cast %get3A_4274 : vector<1x16xi32> to vector<16xi32>
        %jit3A_4276 = arith.constant 0 : i32
        %jit3A_4277 = arith.constant 63 : i32
        %max3A_4278 = vector.broadcast %jit3A_4276 : i32 to vector<16xi32>
        %max3A_4279 = arith.maxsi %max3A_4278, %get3A_4275 : vector<16xi32>
        %min3A_4280 = vector.broadcast %jit3A_4277 : i32 to vector<16xi32>
        %min3A_4281 = arith.minsi %min3A_4280, %max3A_4279 : vector<16xi32>
        %mul3A_4282 = arith.constant 4096 : i32
        %mul3A_4283 = vector.broadcast %mul3A_4282 : i32 to vector<16xi32>
        %mul3A_4284 = arith.muli %min3A_4261, %mul3A_4283 : vector<16xi32>
        %mul3A_4285 = arith.constant 64 : i32
        %mul3A_4286 = vector.broadcast %mul3A_4285 : i32 to vector<16xi32>
        %mul3A_4287 = arith.muli %min3A_4271, %mul3A_4286 : vector<16xi32>
        %add3A_4288 = arith.addi %mul3A_4284, %mul3A_4287 : vector<16xi32>
        %add3A_4289 = arith.addi %add3A_4288, %min3A_4281 : vector<16xi32>
        %swap3A_4290 = arith.constant 7 : i32
        %swap3A_4291 = arith.index_cast %rem3A_2183 : i32 to index
        %swap3A_4292 = arith.index_cast %swap3A_4290 : i32 to index
        %swap3A_4293 = arith.constant 0 : index
        %swap3A_4294 = tpu.vector_load %arg10[%swap3A_4291, %swap3A_4292, %swap3A_4293] {strides = array<i32>} : memref<2x8x80xi32, #tpu.memory_space<vmem>>, vector<1x1x16xi32>,
        %swap3A_4295 = vector.shape_cast %swap3A_4294 : vector<1x1x16xi32> to vector<16xi32>
        %swap3A_4296 = vector.shape_cast %add3A_4289 : vector<16xi32> to vector<1x1x16xi32>
        tpu.vector_store %arg10[%swap3A_4291, %swap3A_4292, %swap3A_4293], %swap3A_4296 {strides = array<i32>} : memref<2x8x80xi32, #tpu.memory_space<vmem>>, vector<1x1x16xi32>,
        %get3A_4297 = arith.index_cast %rem3A_2183 : i32 to index
        %get3A_4298 = arith.constant 576 : index
        %get3A_4299 = tpu.vector_load %arg7[%get3A_4297, %get3A_4298] {strides = array<i32>} : memref<2x640xi32, #tpu.memory_space<vmem>>, vector<1x16xi32>,
        %get3A_4300 = vector.shape_cast %get3A_4299 : vector<1x16xi32> to vector<16xi32>
        %jit3A_4301 = arith.constant 0 : i32
        %jit3A_4302 = arith.constant 9 : i32
        %max3A_4303 = vector.broadcast %jit3A_4301 : i32 to vector<16xi32>
        %max3A_4304 = arith.maxsi %max3A_4303, %get3A_4300 : vector<16xi32>
        %min3A_4305 = vector.broadcast %jit3A_4302 : i32 to vector<16xi32>
        %min3A_4306 = arith.minsi %min3A_4305, %max3A_4304 : vector<16xi32>
        %get3A_4307 = arith.index_cast %rem3A_2183 : i32 to index
        %get3A_4308 = arith.constant 576 : index
        %get3A_4309 = tpu.vector_load %arg8[%get3A_4307, %get3A_4308] {strides = array<i32>} : memref<2x640xi32, #tpu.memory_space<vmem>>, vector<1x16xi32>,
        %get3A_4310 = vector.shape_cast %get3A_4309 : vector<1x16xi32> to vector<16xi32>
        %jit3A_4311 = arith.constant 0 : i32
        %jit3A_4312 = arith.constant 63 : i32
        %max3A_4313 = vector.broadcast %jit3A_4311 : i32 to vector<16xi32>
        %max3A_4314 = arith.maxsi %max3A_4313, %get3A_4310 : vector<16xi32>
        %min3A_4315 = vector.broadcast %jit3A_4312 : i32 to vector<16xi32>
        %min3A_4316 = arith.minsi %min3A_4315, %max3A_4314 : vector<16xi32>
        %get3A_4317 = arith.index_cast %rem3A_2183 : i32 to index
        %get3A_4318 = arith.constant 576 : index
        %get3A_4319 = tpu.vector_load %arg9[%get3A_4317, %get3A_4318] {strides = array<i32>} : memref<2x640xi32, #tpu.memory_space<vmem>>, vector<1x16xi32>,
        %get3A_4320 = vector.shape_cast %get3A_4319 : vector<1x16xi32> to vector<16xi32>
        %jit3A_4321 = arith.constant 0 : i32
        %jit3A_4322 = arith.constant 63 : i32
        %max3A_4323 = vector.broadcast %jit3A_4321 : i32 to vector<16xi32>
        %max3A_4324 = arith.maxsi %max3A_4323, %get3A_4320 : vector<16xi32>
        %min3A_4325 = vector.broadcast %jit3A_4322 : i32 to vector<16xi32>
        %min3A_4326 = arith.minsi %min3A_4325, %max3A_4324 : vector<16xi32>
        %mul3A_4327 = arith.constant 4096 : i32
        %mul3A_4328 = vector.broadcast %mul3A_4327 : i32 to vector<16xi32>
        %mul3A_4329 = arith.muli %min3A_4306, %mul3A_4328 : vector<16xi32>
        %mul3A_4330 = arith.constant 64 : i32
        %mul3A_4331 = vector.broadcast %mul3A_4330 : i32 to vector<16xi32>
        %mul3A_4332 = arith.muli %min3A_4316, %mul3A_4331 : vector<16xi32>
        %add3A_4333 = arith.addi %mul3A_4329, %mul3A_4332 : vector<16xi32>
        %add3A_4334 = arith.addi %add3A_4333, %min3A_4326 : vector<16xi32>
        %swap3A_4335 = arith.constant 7 : i32
        %swap3A_4336 = arith.index_cast %rem3A_2183 : i32 to index
        %swap3A_4337 = arith.index_cast %swap3A_4335 : i32 to index
        %swap3A_4338 = arith.constant 16 : index
        %swap3A_4339 = tpu.vector_load %arg10[%swap3A_4336, %swap3A_4337, %swap3A_4338] {strides = array<i32>} : memref<2x8x80xi32, #tpu.memory_space<vmem>>, vector<1x1x16xi32>,
        %swap3A_4340 = vector.shape_cast %swap3A_4339 : vector<1x1x16xi32> to vector<16xi32>
        %swap3A_4341 = vector.shape_cast %add3A_4334 : vector<16xi32> to vector<1x1x16xi32>
        tpu.vector_store %arg10[%swap3A_4336, %swap3A_4337, %swap3A_4338], %swap3A_4341 {strides = array<i32>} : memref<2x8x80xi32, #tpu.memory_space<vmem>>, vector<1x1x16xi32>,
        %get3A_4342 = arith.index_cast %rem3A_2183 : i32 to index
        %get3A_4343 = arith.constant 592 : index
        %get3A_4344 = tpu.vector_load %arg7[%get3A_4342, %get3A_4343] {strides = array<i32>} : memref<2x640xi32, #tpu.memory_space<vmem>>, vector<1x16xi32>,
        %get3A_4345 = vector.shape_cast %get3A_4344 : vector<1x16xi32> to vector<16xi32>
        %jit3A_4346 = arith.constant 0 : i32
        %jit3A_4347 = arith.constant 9 : i32
        %max3A_4348 = vector.broadcast %jit3A_4346 : i32 to vector<16xi32>
        %max3A_4349 = arith.maxsi %max3A_4348, %get3A_4345 : vector<16xi32>
        %min3A_4350 = vector.broadcast %jit3A_4347 : i32 to vector<16xi32>
        %min3A_4351 = arith.minsi %min3A_4350, %max3A_4349 : vector<16xi32>
        %get3A_4352 = arith.index_cast %rem3A_2183 : i32 to index
        %get3A_4353 = arith.constant 592 : index
        %get3A_4354 = tpu.vector_load %arg8[%get3A_4352, %get3A_4353] {strides = array<i32>} : memref<2x640xi32, #tpu.memory_space<vmem>>, vector<1x16xi32>,
        %get3A_4355 = vector.shape_cast %get3A_4354 : vector<1x16xi32> to vector<16xi32>
        %jit3A_4356 = arith.constant 0 : i32
        %jit3A_4357 = arith.constant 63 : i32
        %max3A_4358 = vector.broadcast %jit3A_4356 : i32 to vector<16xi32>
        %max3A_4359 = arith.maxsi %max3A_4358, %get3A_4355 : vector<16xi32>
        %min3A_4360 = vector.broadcast %jit3A_4357 : i32 to vector<16xi32>
        %min3A_4361 = arith.minsi %min3A_4360, %max3A_4359 : vector<16xi32>
        %get3A_4362 = arith.index_cast %rem3A_2183 : i32 to index
        %get3A_4363 = arith.constant 592 : index
        %get3A_4364 = tpu.vector_load %arg9[%get3A_4362, %get3A_4363] {strides = array<i32>} : memref<2x640xi32, #tpu.memory_space<vmem>>, vector<1x16xi32>,
        %get3A_4365 = vector.shape_cast %get3A_4364 : vector<1x16xi32> to vector<16xi32>
        %jit3A_4366 = arith.constant 0 : i32
        %jit3A_4367 = arith.constant 63 : i32
        %max3A_4368 = vector.broadcast %jit3A_4366 : i32 to vector<16xi32>
        %max3A_4369 = arith.maxsi %max3A_4368, %get3A_4365 : vector<16xi32>
        %min3A_4370 = vector.broadcast %jit3A_4367 : i32 to vector<16xi32>
        %min3A_4371 = arith.minsi %min3A_4370, %max3A_4369 : vector<16xi32>
        %mul3A_4372 = arith.constant 4096 : i32
        %mul3A_4373 = vector.broadcast %mul3A_4372 : i32 to vector<16xi32>
        %mul3A_4374 = arith.muli %min3A_4351, %mul3A_4373 : vector<16xi32>
        %mul3A_4375 = arith.constant 64 : i32
        %mul3A_4376 = vector.broadcast %mul3A_4375 : i32 to vector<16xi32>
        %mul3A_4377 = arith.muli %min3A_4361, %mul3A_4376 : vector<16xi32>
        %add3A_4378 = arith.addi %mul3A_4374, %mul3A_4377 : vector<16xi32>
        %add3A_4379 = arith.addi %add3A_4378, %min3A_4371 : vector<16xi32>
        %swap3A_4380 = arith.constant 7 : i32
        %swap3A_4381 = arith.index_cast %rem3A_2183 : i32 to index
        %swap3A_4382 = arith.index_cast %swap3A_4380 : i32 to index
        %swap3A_4383 = arith.constant 32 : index
        %swap3A_4384 = tpu.vector_load %arg10[%swap3A_4381, %swap3A_4382, %swap3A_4383] {strides = array<i32>} : memref<2x8x80xi32, #tpu.memory_space<vmem>>, vector<1x1x16xi32>,
        %swap3A_4385 = vector.shape_cast %swap3A_4384 : vector<1x1x16xi32> to vector<16xi32>
        %swap3A_4386 = vector.shape_cast %add3A_4379 : vector<16xi32> to vector<1x1x16xi32>
        tpu.vector_store %arg10[%swap3A_4381, %swap3A_4382, %swap3A_4383], %swap3A_4386 {strides = array<i32>} : memref<2x8x80xi32, #tpu.memory_space<vmem>>, vector<1x1x16xi32>,
        %get3A_4387 = arith.index_cast %rem3A_2183 : i32 to index
        %get3A_4388 = arith.constant 608 : index
        %get3A_4389 = tpu.vector_load %arg7[%get3A_4387, %get3A_4388] {strides = array<i32>} : memref<2x640xi32, #tpu.memory_space<vmem>>, vector<1x16xi32>,
        %get3A_4390 = vector.shape_cast %get3A_4389 : vector<1x16xi32> to vector<16xi32>
        %jit3A_4391 = arith.constant 0 : i32
        %jit3A_4392 = arith.constant 9 : i32
        %max3A_4393 = vector.broadcast %jit3A_4391 : i32 to vector<16xi32>
        %max3A_4394 = arith.maxsi %max3A_4393, %get3A_4390 : vector<16xi32>
        %min3A_4395 = vector.broadcast %jit3A_4392 : i32 to vector<16xi32>
        %min3A_4396 = arith.minsi %min3A_4395, %max3A_4394 : vector<16xi32>
        %get3A_4397 = arith.index_cast %rem3A_2183 : i32 to index
        %get3A_4398 = arith.constant 608 : index
        %get3A_4399 = tpu.vector_load %arg8[%get3A_4397, %get3A_4398] {strides = array<i32>} : memref<2x640xi32, #tpu.memory_space<vmem>>, vector<1x16xi32>,
        %get3A_4400 = vector.shape_cast %get3A_4399 : vector<1x16xi32> to vector<16xi32>
        %jit3A_4401 = arith.constant 0 : i32
        %jit3A_4402 = arith.constant 63 : i32
        %max3A_4403 = vector.broadcast %jit3A_4401 : i32 to vector<16xi32>
        %max3A_4404 = arith.maxsi %max3A_4403, %get3A_4400 : vector<16xi32>
        %min3A_4405 = vector.broadcast %jit3A_4402 : i32 to vector<16xi32>
        %min3A_4406 = arith.minsi %min3A_4405, %max3A_4404 : vector<16xi32>
        %get3A_4407 = arith.index_cast %rem3A_2183 : i32 to index
        %get3A_4408 = arith.constant 608 : index
        %get3A_4409 = tpu.vector_load %arg9[%get3A_4407, %get3A_4408] {strides = array<i32>} : memref<2x640xi32, #tpu.memory_space<vmem>>, vector<1x16xi32>,
        %get3A_4410 = vector.shape_cast %get3A_4409 : vector<1x16xi32> to vector<16xi32>
        %jit3A_4411 = arith.constant 0 : i32
        %jit3A_4412 = arith.constant 63 : i32
        %max3A_4413 = vector.broadcast %jit3A_4411 : i32 to vector<16xi32>
        %max3A_4414 = arith.maxsi %max3A_4413, %get3A_4410 : vector<16xi32>
        %min3A_4415 = vector.broadcast %jit3A_4412 : i32 to vector<16xi32>
        %min3A_4416 = arith.minsi %min3A_4415, %max3A_4414 : vector<16xi32>
        %mul3A_4417 = arith.constant 4096 : i32
        %mul3A_4418 = vector.broadcast %mul3A_4417 : i32 to vector<16xi32>
        %mul3A_4419 = arith.muli %min3A_4396, %mul3A_4418 : vector<16xi32>
        %mul3A_4420 = arith.constant 64 : i32
        %mul3A_4421 = vector.broadcast %mul3A_4420 : i32 to vector<16xi32>
        %mul3A_4422 = arith.muli %min3A_4406, %mul3A_4421 : vector<16xi32>
        %add3A_4423 = arith.addi %mul3A_4419, %mul3A_4422 : vector<16xi32>
        %add3A_4424 = arith.addi %add3A_4423, %min3A_4416 : vector<16xi32>
        %swap3A_4425 = arith.constant 7 : i32
        %swap3A_4426 = arith.index_cast %rem3A_2183 : i32 to index
        %swap3A_4427 = arith.index_cast %swap3A_4425 : i32 to index
        %swap3A_4428 = arith.constant 48 : index
        %swap3A_4429 = tpu.vector_load %arg10[%swap3A_4426, %swap3A_4427, %swap3A_4428] {strides = array<i32>} : memref<2x8x80xi32, #tpu.memory_space<vmem>>, vector<1x1x16xi32>,
        %swap3A_4430 = vector.shape_cast %swap3A_4429 : vector<1x1x16xi32> to vector<16xi32>
        %swap3A_4431 = vector.shape_cast %add3A_4424 : vector<16xi32> to vector<1x1x16xi32>
        tpu.vector_store %arg10[%swap3A_4426, %swap3A_4427, %swap3A_4428], %swap3A_4431 {strides = array<i32>} : memref<2x8x80xi32, #tpu.memory_space<vmem>>, vector<1x1x16xi32>,
        %get3A_4432 = arith.index_cast %rem3A_2183 : i32 to index
        %get3A_4433 = arith.constant 624 : index
        %get3A_4434 = tpu.vector_load %arg7[%get3A_4432, %get3A_4433] {strides = array<i32>} : memref<2x640xi32, #tpu.memory_space<vmem>>, vector<1x16xi32>,
        %get3A_4435 = vector.shape_cast %get3A_4434 : vector<1x16xi32> to vector<16xi32>
        %jit3A_4436 = arith.constant 0 : i32
        %jit3A_4437 = arith.constant 9 : i32
        %max3A_4438 = vector.broadcast %jit3A_4436 : i32 to vector<16xi32>
        %max3A_4439 = arith.maxsi %max3A_4438, %get3A_4435 : vector<16xi32>
        %min3A_4440 = vector.broadcast %jit3A_4437 : i32 to vector<16xi32>
        %min3A_4441 = arith.minsi %min3A_4440, %max3A_4439 : vector<16xi32>
        %get3A_4442 = arith.index_cast %rem3A_2183 : i32 to index
        %get3A_4443 = arith.constant 624 : index
        %get3A_4444 = tpu.vector_load %arg8[%get3A_4442, %get3A_4443] {strides = array<i32>} : memref<2x640xi32, #tpu.memory_space<vmem>>, vector<1x16xi32>,
        %get3A_4445 = vector.shape_cast %get3A_4444 : vector<1x16xi32> to vector<16xi32>
        %jit3A_4446 = arith.constant 0 : i32
        %jit3A_4447 = arith.constant 63 : i32
        %max3A_4448 = vector.broadcast %jit3A_4446 : i32 to vector<16xi32>
        %max3A_4449 = arith.maxsi %max3A_4448, %get3A_4445 : vector<16xi32>
        %min3A_4450 = vector.broadcast %jit3A_4447 : i32 to vector<16xi32>
        %min3A_4451 = arith.minsi %min3A_4450, %max3A_4449 : vector<16xi32>
        %get3A_4452 = arith.index_cast %rem3A_2183 : i32 to index
        %get3A_4453 = arith.constant 624 : index
        %get3A_4454 = tpu.vector_load %arg9[%get3A_4452, %get3A_4453] {strides = array<i32>} : memref<2x640xi32, #tpu.memory_space<vmem>>, vector<1x16xi32>,
        %get3A_4455 = vector.shape_cast %get3A_4454 : vector<1x16xi32> to vector<16xi32>
        %jit3A_4456 = arith.constant 0 : i32
        %jit3A_4457 = arith.constant 63 : i32
        %max3A_4458 = vector.broadcast %jit3A_4456 : i32 to vector<16xi32>
        %max3A_4459 = arith.maxsi %max3A_4458, %get3A_4455 : vector<16xi32>
        %min3A_4460 = vector.broadcast %jit3A_4457 : i32 to vector<16xi32>
        %min3A_4461 = arith.minsi %min3A_4460, %max3A_4459 : vector<16xi32>
        %mul3A_4462 = arith.constant 4096 : i32
        %mul3A_4463 = vector.broadcast %mul3A_4462 : i32 to vector<16xi32>
        %mul3A_4464 = arith.muli %min3A_4441, %mul3A_4463 : vector<16xi32>
        %mul3A_4465 = arith.constant 64 : i32
        %mul3A_4466 = vector.broadcast %mul3A_4465 : i32 to vector<16xi32>
        %mul3A_4467 = arith.muli %min3A_4451, %mul3A_4466 : vector<16xi32>
        %add3A_4468 = arith.addi %mul3A_4464, %mul3A_4467 : vector<16xi32>
        %add3A_4469 = arith.addi %add3A_4468, %min3A_4461 : vector<16xi32>
        %swap3A_4470 = arith.constant 7 : i32
        %swap3A_4471 = arith.index_cast %rem3A_2183 : i32 to index
        %swap3A_4472 = arith.index_cast %swap3A_4470 : i32 to index
        %swap3A_4473 = arith.constant 64 : index
        %swap3A_4474 = tpu.vector_load %arg10[%swap3A_4471, %swap3A_4472, %swap3A_4473] {strides = array<i32>} : memref<2x8x80xi32, #tpu.memory_space<vmem>>, vector<1x1x16xi32>,
        %swap3A_4475 = vector.shape_cast %swap3A_4474 : vector<1x1x16xi32> to vector<16xi32>
        %swap3A_4476 = vector.shape_cast %add3A_4469 : vector<16xi32> to vector<1x1x16xi32>
        tpu.vector_store %arg10[%swap3A_4471, %swap3A_4472, %swap3A_4473], %swap3A_4476 {strides = array<i32>} : memref<2x8x80xi32, #tpu.memory_space<vmem>>, vector<1x1x16xi32>,
        %add3A_4477 = arith.constant 2 : i32
        %add3A_4478 = arith.addi %scan3A_2178, %add3A_4477 : i32
        %lt3A_4479 = arith.constant 40 : i32
        %lt3A_4480 = arith.cmpi slt, %add3A_4478, %lt3A_4479 : i32
        %convert_element_type3A_4481 = arith.extui %lt3A_4480 : i1 to i32
        %cond3A_4482 = arith.constant 0 : i32
        %cond3A_4483 = arith.cmpi ne, %convert_element_type3A_4481, %cond3A_4482 : i32
        scf.if %cond3A_4483 {
          %add3A_4484 = arith.constant 1280 : i32
          %add3A_4485 = arith.addi %add3A_2186, %add3A_4484 : i32
          %dma_start3A_4486 = arith.constant 0 : i32
          %dma_start3A_4487 = tpu.memref_slice %arg7[%rem3A_2179, %dma_start3A_4486] : memref<2x640xi32, #tpu.memory_space<vmem>> -> memref<1x640xi32, #tpu.memory_space<vmem>>
          %dma_start3A_4488 = tpu.memref_squeeze %dma_start3A_4487 : memref<1x640xi32, #tpu.memory_space<vmem>> -> memref<640xi32, #tpu.memory_space<vmem>>
          %dma_start3A_4489 = tpu.memref_slice %arg2[%add3A_4485] : memref<819200xi32, #tpu.memory_space<hbm>> -> memref<640xi32, #tpu.memory_space<hbm>>
          %dma_start3A_4490 = arith.constant 0 : i32
          %dma_start3A_4491 = tpu.memref_slice %arg7[%rem3A_2179, %dma_start3A_4490] : memref<2x640xi32, #tpu.memory_space<vmem>> -> memref<1x640xi32, #tpu.memory_space<vmem>>
          %dma_start3A_4492 = tpu.memref_squeeze %dma_start3A_4491 : memref<1x640xi32, #tpu.memory_space<vmem>> -> memref<640xi32, #tpu.memory_space<vmem>>
          %dma_start3A_4493 = tpu.memref_slice %arg2[%add3A_4485] : memref<819200xi32, #tpu.memory_space<hbm>> -> memref<640xi32, #tpu.memory_space<hbm>>
          tpu.enqueue_dma source(%dma_start3A_4493 : memref<640xi32, #tpu.memory_space<hbm>>) target(%dma_start3A_4492 : memref<640xi32, #tpu.memory_space<vmem>>) target_semaphore(%arg14 : memref<!tpu.dma_semaphore, #tpu.memory_space<semaphore_mem>>)
          %dma_start3A_4494 = arith.constant 0 : i32
          %dma_start3A_4495 = tpu.memref_slice %arg8[%rem3A_2179, %dma_start3A_4494] : memref<2x640xi32, #tpu.memory_space<vmem>> -> memref<1x640xi32, #tpu.memory_space<vmem>>
          %dma_start3A_4496 = tpu.memref_squeeze %dma_start3A_4495 : memref<1x640xi32, #tpu.memory_space<vmem>> -> memref<640xi32, #tpu.memory_space<vmem>>
          %dma_start3A_4497 = tpu.memref_slice %arg3[%add3A_4485] : memref<819200xi32, #tpu.memory_space<hbm>> -> memref<640xi32, #tpu.memory_space<hbm>>
          %dma_start3A_4498 = arith.constant 0 : i32
          %dma_start3A_4499 = tpu.memref_slice %arg8[%rem3A_2179, %dma_start3A_4498] : memref<2x640xi32, #tpu.memory_space<vmem>> -> memref<1x640xi32, #tpu.memory_space<vmem>>
          %dma_start3A_4500 = tpu.memref_squeeze %dma_start3A_4499 : memref<1x640xi32, #tpu.memory_space<vmem>> -> memref<640xi32, #tpu.memory_space<vmem>>
          %dma_start3A_4501 = tpu.memref_slice %arg3[%add3A_4485] : memref<819200xi32, #tpu.memory_space<hbm>> -> memref<640xi32, #tpu.memory_space<hbm>>
          tpu.enqueue_dma source(%dma_start3A_4501 : memref<640xi32, #tpu.memory_space<hbm>>) target(%dma_start3A_4500 : memref<640xi32, #tpu.memory_space<vmem>>) target_semaphore(%arg14 : memref<!tpu.dma_semaphore, #tpu.memory_space<semaphore_mem>>)
          %dma_start3A_4502 = arith.constant 0 : i32
          %dma_start3A_4503 = tpu.memref_slice %arg9[%rem3A_2179, %dma_start3A_4502] : memref<2x640xi32, #tpu.memory_space<vmem>> -> memref<1x640xi32, #tpu.memory_space<vmem>>
          %dma_start3A_4504 = tpu.memref_squeeze %dma_start3A_4503 : memref<1x640xi32, #tpu.memory_space<vmem>> -> memref<640xi32, #tpu.memory_space<vmem>>
          %dma_start3A_4505 = tpu.memref_slice %arg4[%add3A_4485] : memref<819200xi32, #tpu.memory_space<hbm>> -> memref<640xi32, #tpu.memory_space<hbm>>
          %dma_start3A_4506 = arith.constant 0 : i32
          %dma_start3A_4507 = tpu.memref_slice %arg9[%rem3A_2179, %dma_start3A_4506] : memref<2x640xi32, #tpu.memory_space<vmem>> -> memref<1x640xi32, #tpu.memory_space<vmem>>
          %dma_start3A_4508 = tpu.memref_squeeze %dma_start3A_4507 : memref<1x640xi32, #tpu.memory_space<vmem>> -> memref<640xi32, #tpu.memory_space<vmem>>
          %dma_start3A_4509 = tpu.memref_slice %arg4[%add3A_4485] : memref<819200xi32, #tpu.memory_space<hbm>> -> memref<640xi32, #tpu.memory_space<hbm>>
          tpu.enqueue_dma source(%dma_start3A_4509 : memref<640xi32, #tpu.memory_space<hbm>>) target(%dma_start3A_4508 : memref<640xi32, #tpu.memory_space<vmem>>) target_semaphore(%arg14 : memref<!tpu.dma_semaphore, #tpu.memory_space<semaphore_mem>>)
        } else {
        }
      } else {
      }
      %gt3A = arith.constant 0 : i32
      %gt3A_2191 = arith.cmpi sgt, %scan3A_2178, %gt3A : i32
      %convert_element_type3A_2192 = arith.extui %gt3A_2191 : i1 to i32
      %cond3A_2193 = arith.constant 0 : i32
      %cond3A_2194 = arith.cmpi ne, %convert_element_type3A_2192, %cond3A_2193 : i32
      scf.if %cond3A_2194 {
        %dma_wait3A_2647 = arith.constant 3 : i32
        %dma_wait3A_2648 = arith.constant 3 : i32
        %dma_wait3A_2649 = arith.constant 0 : i32
        %dma_wait3A_2650 = arith.constant 0 : i32
        %dma_wait3A_2651 = tpu.memref_slice %arg11[%dma_wait3A_2647, %dma_wait3A_2649, %dma_wait3A_2650] : memref<8x80x128xf32, #tpu.memory_space<vmem>> -> memref<1x80x128xf32, #tpu.memory_space<vmem>>
        %dma_wait3A_2652 = tpu.memref_squeeze %dma_wait3A_2651 : memref<1x80x128xf32, #tpu.memory_space<vmem>> -> memref<80x128xf32, #tpu.memory_space<vmem>>
        %dma_wait3A_2653 = arith.constant 0 : i32
        %dma_wait3A_2654 = tpu.memref_slice %arg6[%mul3A_2, %dma_wait3A_2653] : memref<819200x128xf32, #tpu.memory_space<hbm>> -> memref<80x128xf32, #tpu.memory_space<hbm>>
        %dma_wait3A_2655 = tpu.memref_slice %arg13[%dma_wait3A_2648] : memref<8x!tpu.dma_semaphore, #tpu.memory_space<semaphore_mem>> -> memref<1x!tpu.dma_semaphore, #tpu.memory_space<semaphore_mem>>
        %dma_wait3A_2656 = tpu.memref_squeeze %dma_wait3A_2655 : memref<1x!tpu.dma_semaphore, #tpu.memory_space<semaphore_mem>> -> memref<!tpu.dma_semaphore, #tpu.memory_space<semaphore_mem>>
        %dma_wait3A_2657 = arith.constant 0 : i32
        %dma_wait3A_2658 = tpu.memref_slice %arg6[%mul3A_2, %dma_wait3A_2657] : memref<819200x128xf32, #tpu.memory_space<hbm>> -> memref<80x128xf32, #tpu.memory_space<hbm>>
        %dma_wait3A_2659 = arith.constant 0 : i32
        %dma_wait3A_2660 = arith.constant 0 : i32
        %dma_wait3A_2661 = tpu.memref_slice %arg11[%dma_wait3A_2647, %dma_wait3A_2659, %dma_wait3A_2660] : memref<8x80x128xf32, #tpu.memory_space<vmem>> -> memref<1x80x128xf32, #tpu.memory_space<vmem>>
        %dma_wait3A_2662 = tpu.memref_squeeze %dma_wait3A_2661 : memref<1x80x128xf32, #tpu.memory_space<vmem>> -> memref<80x128xf32, #tpu.memory_space<vmem>>
        tpu.wait_dma2 semaphore(%dma_wait3A_2656 : memref<!tpu.dma_semaphore, #tpu.memory_space<semaphore_mem>>) src(%dma_wait3A_2662 : memref<80x128xf32, #tpu.memory_space<vmem>>) dst(%dma_wait3A_2658 : memref<80x128xf32, #tpu.memory_space<hbm>>)
      } else {
      }
      %dma_wait3A_2195 = arith.constant 0 : i32
      %dma_wait3A_2196 = arith.constant 0 : i32
      %dma_wait3A_2197 = arith.constant 0 : i32
      %dma_wait3A_2198 = arith.constant 0 : i32
      %dma_wait3A_2199 = tpu.memref_slice %arg11[%dma_wait3A_2195, %dma_wait3A_2197, %dma_wait3A_2198] : memref<8x80x128xf32, #tpu.memory_space<vmem>> -> memref<1x80x128xf32, #tpu.memory_space<vmem>>
      %dma_wait3A_2200 = tpu.memref_squeeze %dma_wait3A_2199 : memref<1x80x128xf32, #tpu.memory_space<vmem>> -> memref<80x128xf32, #tpu.memory_space<vmem>>
      %dma_wait3A_2201 = arith.constant 0 : i32
      %dma_wait3A_2202 = arith.constant 0 : i32
      %dma_wait3A_2203 = tpu.memref_slice %arg5[%dma_wait3A_2201, %dma_wait3A_2202] : memref<40960x128xf32, #tpu.memory_space<hbm>> -> memref<80x128xf32, #tpu.memory_space<hbm>>
      %dma_wait3A_2204 = tpu.memref_slice %arg12[%dma_wait3A_2196] : memref<8x!tpu.dma_semaphore, #tpu.memory_space<semaphore_mem>> -> memref<1x!tpu.dma_semaphore, #tpu.memory_space<semaphore_mem>>
      %dma_wait3A_2205 = tpu.memref_squeeze %dma_wait3A_2204 : memref<1x!tpu.dma_semaphore, #tpu.memory_space<semaphore_mem>> -> memref<!tpu.dma_semaphore, #tpu.memory_space<semaphore_mem>>
      %dma_wait3A_2206 = arith.constant 0 : i32
      %dma_wait3A_2207 = arith.constant 0 : i32
      %dma_wait3A_2208 = tpu.memref_slice %arg11[%dma_wait3A_2195, %dma_wait3A_2206, %dma_wait3A_2207] : memref<8x80x128xf32, #tpu.memory_space<vmem>> -> memref<1x80x128xf32, #tpu.memory_space<vmem>>
      %dma_wait3A_2209 = tpu.memref_squeeze %dma_wait3A_2208 : memref<1x80x128xf32, #tpu.memory_space<vmem>> -> memref<80x128xf32, #tpu.memory_space<vmem>>
      %dma_wait3A_2210 = arith.constant 0 : i32
      %dma_wait3A_2211 = arith.constant 0 : i32
      %dma_wait3A_2212 = tpu.memref_slice %arg5[%dma_wait3A_2210, %dma_wait3A_2211] : memref<40960x128xf32, #tpu.memory_space<hbm>> -> memref<80x128xf32, #tpu.memory_space<hbm>>
      tpu.wait_dma2 semaphore(%dma_wait3A_2205 : memref<!tpu.dma_semaphore, #tpu.memory_space<semaphore_mem>>) src(%dma_wait3A_2212 : memref<80x128xf32, #tpu.memory_space<hbm>>) dst(%dma_wait3A_2209 : memref<80x128xf32, #tpu.memory_space<vmem>>)
      %dma_start3A_2213 = arith.constant 3 : i32
      %dma_start3A_2214 = arith.constant 3 : i32
      %dma_start3A_2215 = arith.constant 3 : i32
      %dma_start3A_2216 = arith.constant 0 : i32
      %dma_start3A_2217 = arith.constant 0 : i32
      %dma_start3A_2218 = tpu.memref_slice %arg11[%dma_start3A_2214, %dma_start3A_2216, %dma_start3A_2217] : memref<8x80x128xf32, #tpu.memory_space<vmem>> -> memref<1x80x128xf32, #tpu.memory_space<vmem>>
      %dma_start3A_2219 = tpu.memref_squeeze %dma_start3A_2218 : memref<1x80x128xf32, #tpu.memory_space<vmem>> -> memref<80x128xf32, #tpu.memory_space<vmem>>
      %dma_start3A_2220 = arith.constant 0 : i32
      %dma_start3A_2221 = tpu.memref_slice %arg10[%rem3A_2179, %dma_start3A_2213, %dma_start3A_2220] : memref<2x8x80xi32, #tpu.memory_space<vmem>> -> memref<1x1x80xi32, #tpu.memory_space<vmem>>
      %dma_start3A_2222 = tpu.memref_squeeze %dma_start3A_2221 : memref<1x1x80xi32, #tpu.memory_space<vmem>> -> memref<80xi32, #tpu.memory_space<vmem>>
      %dma_start3A_2223 = arith.constant 0 : i32
      %dma_start3A_2224 = arith.constant 0 : i32
      %dma_start3A_2225 = tpu.memref_slice %arg5[%dma_start3A_2223, %dma_start3A_2224] : memref<40960x128xf32, #tpu.memory_space<hbm>> -> memref<40960x128xf32, #tpu.memory_space<hbm>>
      %dma_start3A_2226 = tpu.memref_slice %arg12[%dma_start3A_2215] : memref<8x!tpu.dma_semaphore, #tpu.memory_space<semaphore_mem>> -> memref<1x!tpu.dma_semaphore, #tpu.memory_space<semaphore_mem>>
      %dma_start3A_2227 = tpu.memref_squeeze %dma_start3A_2226 : memref<1x!tpu.dma_semaphore, #tpu.memory_space<semaphore_mem>> -> memref<!tpu.dma_semaphore, #tpu.memory_space<semaphore_mem>>
      tpu.enqueue_indirect_dma source(%dma_start3A_2225 : memref<40960x128xf32, #tpu.memory_space<hbm>>) target(%dma_start3A_2219 : memref<80x128xf32, #tpu.memory_space<vmem>>) offsets(%dma_start3A_2222 : memref<80xi32, #tpu.memory_space<vmem>>) semaphore(%dma_start3A_2227 : memref<!tpu.dma_semaphore, #tpu.memory_space<semaphore_mem>>)
      %add3A_2228 = arith.constant 0 : i32
      %add3A_2229 = arith.addi %add3A_2186, %add3A_2228 : i32
      %dma_start3A_2230 = arith.constant 0 : i32
      %dma_start3A_2231 = arith.constant 0 : i32
      %dma_start3A_2232 = arith.constant 0 : i32
      %dma_start3A_2233 = arith.constant 0 : i32
      %dma_start3A_2234 = tpu.memref_slice %arg11[%dma_start3A_2230, %dma_start3A_2232, %dma_start3A_2233] : memref<8x80x128xf32, #tpu.memory_space<vmem>> -> memref<1x80x128xf32, #tpu.memory_space<vmem>>
      %dma_start3A_2235 = tpu.memref_squeeze %dma_start3A_2234 : memref<1x80x128xf32, #tpu.memory_space<vmem>> -> memref<80x128xf32, #tpu.memory_space<vmem>>
      %dma_start3A_2236 = arith.constant 0 : i32
      %dma_start3A_2237 = tpu.memref_slice %arg6[%add3A_2229, %dma_start3A_2236] : memref<819200x128xf32, #tpu.memory_space<hbm>> -> memref<80x128xf32, #tpu.memory_space<hbm>>
      %dma_start3A_2238 = tpu.memref_slice %arg13[%dma_start3A_2231] : memref<8x!tpu.dma_semaphore, #tpu.memory_space<semaphore_mem>> -> memref<1x!tpu.dma_semaphore, #tpu.memory_space<semaphore_mem>>
      %dma_start3A_2239 = tpu.memref_squeeze %dma_start3A_2238 : memref<1x!tpu.dma_semaphore, #tpu.memory_space<semaphore_mem>> -> memref<!tpu.dma_semaphore, #tpu.memory_space<semaphore_mem>>
      %dma_start3A_2240 = arith.constant 0 : i32
      %dma_start3A_2241 = tpu.memref_slice %arg6[%add3A_2229, %dma_start3A_2240] : memref<819200x128xf32, #tpu.memory_space<hbm>> -> memref<80x128xf32, #tpu.memory_space<hbm>>
      %dma_start3A_2242 = arith.constant 0 : i32
      %dma_start3A_2243 = arith.constant 0 : i32
      %dma_start3A_2244 = tpu.memref_slice %arg11[%dma_start3A_2230, %dma_start3A_2242, %dma_start3A_2243] : memref<8x80x128xf32, #tpu.memory_space<vmem>> -> memref<1x80x128xf32, #tpu.memory_space<vmem>>
      %dma_start3A_2245 = tpu.memref_squeeze %dma_start3A_2244 : memref<1x80x128xf32, #tpu.memory_space<vmem>> -> memref<80x128xf32, #tpu.memory_space<vmem>>
      tpu.enqueue_dma source(%dma_start3A_2245 : memref<80x128xf32, #tpu.memory_space<vmem>>) target(%dma_start3A_2241 : memref<80x128xf32, #tpu.memory_space<hbm>>) target_semaphore(%dma_start3A_2239 : memref<!tpu.dma_semaphore, #tpu.memory_space<semaphore_mem>>)
      %gt3A_2246 = arith.constant 0 : i32
      %gt3A_2247 = arith.cmpi sgt, %scan3A_2178, %gt3A_2246 : i32
      %convert_element_type3A_2248 = arith.extui %gt3A_2247 : i1 to i32
      %cond3A_2249 = arith.constant 0 : i32
      %cond3A_2250 = arith.cmpi ne, %convert_element_type3A_2248, %cond3A_2249 : i32
      scf.if %cond3A_2250 {
        %dma_wait3A_2647 = arith.constant 4 : i32
        %dma_wait3A_2648 = arith.constant 4 : i32
        %dma_wait3A_2649 = arith.constant 0 : i32
        %dma_wait3A_2650 = arith.constant 0 : i32
        %dma_wait3A_2651 = tpu.memref_slice %arg11[%dma_wait3A_2647, %dma_wait3A_2649, %dma_wait3A_2650] : memref<8x80x128xf32, #tpu.memory_space<vmem>> -> memref<1x80x128xf32, #tpu.memory_space<vmem>>
        %dma_wait3A_2652 = tpu.memref_squeeze %dma_wait3A_2651 : memref<1x80x128xf32, #tpu.memory_space<vmem>> -> memref<80x128xf32, #tpu.memory_space<vmem>>
        %dma_wait3A_2653 = arith.constant 0 : i32
        %dma_wait3A_2654 = tpu.memref_slice %arg6[%mul3A_2, %dma_wait3A_2653] : memref<819200x128xf32, #tpu.memory_space<hbm>> -> memref<80x128xf32, #tpu.memory_space<hbm>>
        %dma_wait3A_2655 = tpu.memref_slice %arg13[%dma_wait3A_2648] : memref<8x!tpu.dma_semaphore, #tpu.memory_space<semaphore_mem>> -> memref<1x!tpu.dma_semaphore, #tpu.memory_space<semaphore_mem>>
        %dma_wait3A_2656 = tpu.memref_squeeze %dma_wait3A_2655 : memref<1x!tpu.dma_semaphore, #tpu.memory_space<semaphore_mem>> -> memref<!tpu.dma_semaphore, #tpu.memory_space<semaphore_mem>>
        %dma_wait3A_2657 = arith.constant 0 : i32
        %dma_wait3A_2658 = tpu.memref_slice %arg6[%mul3A_2, %dma_wait3A_2657] : memref<819200x128xf32, #tpu.memory_space<hbm>> -> memref<80x128xf32, #tpu.memory_space<hbm>>
        %dma_wait3A_2659 = arith.constant 0 : i32
        %dma_wait3A_2660 = arith.constant 0 : i32
        %dma_wait3A_2661 = tpu.memref_slice %arg11[%dma_wait3A_2647, %dma_wait3A_2659, %dma_wait3A_2660] : memref<8x80x128xf32, #tpu.memory_space<vmem>> -> memref<1x80x128xf32, #tpu.memory_space<vmem>>
        %dma_wait3A_2662 = tpu.memref_squeeze %dma_wait3A_2661 : memref<1x80x128xf32, #tpu.memory_space<vmem>> -> memref<80x128xf32, #tpu.memory_space<vmem>>
        tpu.wait_dma2 semaphore(%dma_wait3A_2656 : memref<!tpu.dma_semaphore, #tpu.memory_space<semaphore_mem>>) src(%dma_wait3A_2662 : memref<80x128xf32, #tpu.memory_space<vmem>>) dst(%dma_wait3A_2658 : memref<80x128xf32, #tpu.memory_space<hbm>>)
      } else {
      }
      %dma_wait3A_2251 = arith.constant 1 : i32
      %dma_wait3A_2252 = arith.constant 1 : i32
      %dma_wait3A_2253 = arith.constant 0 : i32
      %dma_wait3A_2254 = arith.constant 0 : i32
      %dma_wait3A_2255 = tpu.memref_slice %arg11[%dma_wait3A_2251, %dma_wait3A_2253, %dma_wait3A_2254] : memref<8x80x128xf32, #tpu.memory_space<vmem>> -> memref<1x80x128xf32, #tpu.memory_space<vmem>>
      %dma_wait3A_2256 = tpu.memref_squeeze %dma_wait3A_2255 : memref<1x80x128xf32, #tpu.memory_space<vmem>> -> memref<80x128xf32, #tpu.memory_space<vmem>>
      %dma_wait3A_2257 = arith.constant 0 : i32
      %dma_wait3A_2258 = arith.constant 0 : i32
      %dma_wait3A_2259 = tpu.memref_slice %arg5[%dma_wait3A_2257, %dma_wait3A_2258] : memref<40960x128xf32, #tpu.memory_space<hbm>> -> memref<80x128xf32, #tpu.memory_space<hbm>>
      %dma_wait3A_2260 = tpu.memref_slice %arg12[%dma_wait3A_2252] : memref<8x!tpu.dma_semaphore, #tpu.memory_space<semaphore_mem>> -> memref<1x!tpu.dma_semaphore, #tpu.memory_space<semaphore_mem>>
      %dma_wait3A_2261 = tpu.memref_squeeze %dma_wait3A_2260 : memref<1x!tpu.dma_semaphore, #tpu.memory_space<semaphore_mem>> -> memref<!tpu.dma_semaphore, #tpu.memory_space<semaphore_mem>>
      %dma_wait3A_2262 = arith.constant 0 : i32
      %dma_wait3A_2263 = arith.constant 0 : i32
      %dma_wait3A_2264 = tpu.memref_slice %arg11[%dma_wait3A_2251, %dma_wait3A_2262, %dma_wait3A_2263] : memref<8x80x128xf32, #tpu.memory_space<vmem>> -> memref<1x80x128xf32, #tpu.memory_space<vmem>>
      %dma_wait3A_2265 = tpu.memref_squeeze %dma_wait3A_2264 : memref<1x80x128xf32, #tpu.memory_space<vmem>> -> memref<80x128xf32, #tpu.memory_space<vmem>>
      %dma_wait3A_2266 = arith.constant 0 : i32
      %dma_wait3A_2267 = arith.constant 0 : i32
      %dma_wait3A_2268 = tpu.memref_slice %arg5[%dma_wait3A_2266, %dma_wait3A_2267] : memref<40960x128xf32, #tpu.memory_space<hbm>> -> memref<80x128xf32, #tpu.memory_space<hbm>>
      tpu.wait_dma2 semaphore(%dma_wait3A_2261 : memref<!tpu.dma_semaphore, #tpu.memory_space<semaphore_mem>>) src(%dma_wait3A_2268 : memref<80x128xf32, #tpu.memory_space<hbm>>) dst(%dma_wait3A_2265 : memref<80x128xf32, #tpu.memory_space<vmem>>)
      %dma_start3A_2269 = arith.constant 4 : i32
      %dma_start3A_2270 = arith.constant 4 : i32
      %dma_start3A_2271 = arith.constant 4 : i32
      %dma_start3A_2272 = arith.constant 0 : i32
      %dma_start3A_2273 = arith.constant 0 : i32
      %dma_start3A_2274 = tpu.memref_slice %arg11[%dma_start3A_2270, %dma_start3A_2272, %dma_start3A_2273] : memref<8x80x128xf32, #tpu.memory_space<vmem>> -> memref<1x80x128xf32, #tpu.memory_space<vmem>>
      %dma_start3A_2275 = tpu.memref_squeeze %dma_start3A_2274 : memref<1x80x128xf32, #tpu.memory_space<vmem>> -> memref<80x128xf32, #tpu.memory_space<vmem>>
      %dma_start3A_2276 = arith.constant 0 : i32
      %dma_start3A_2277 = tpu.memref_slice %arg10[%rem3A_2179, %dma_start3A_2269, %dma_start3A_2276] : memref<2x8x80xi32, #tpu.memory_space<vmem>> -> memref<1x1x80xi32, #tpu.memory_space<vmem>>
      %dma_start3A_2278 = tpu.memref_squeeze %dma_start3A_2277 : memref<1x1x80xi32, #tpu.memory_space<vmem>> -> memref<80xi32, #tpu.memory_space<vmem>>
      %dma_start3A_2279 = arith.constant 0 : i32
      %dma_start3A_2280 = arith.constant 0 : i32
      %dma_start3A_2281 = tpu.memref_slice %arg5[%dma_start3A_2279, %dma_start3A_2280] : memref<40960x128xf32, #tpu.memory_space<hbm>> -> memref<40960x128xf32, #tpu.memory_space<hbm>>
      %dma_start3A_2282 = tpu.memref_slice %arg12[%dma_start3A_2271] : memref<8x!tpu.dma_semaphore, #tpu.memory_space<semaphore_mem>> -> memref<1x!tpu.dma_semaphore, #tpu.memory_space<semaphore_mem>>
      %dma_start3A_2283 = tpu.memref_squeeze %dma_start3A_2282 : memref<1x!tpu.dma_semaphore, #tpu.memory_space<semaphore_mem>> -> memref<!tpu.dma_semaphore, #tpu.memory_space<semaphore_mem>>
      tpu.enqueue_indirect_dma source(%dma_start3A_2281 : memref<40960x128xf32, #tpu.memory_space<hbm>>) target(%dma_start3A_2275 : memref<80x128xf32, #tpu.memory_space<vmem>>) offsets(%dma_start3A_2278 : memref<80xi32, #tpu.memory_space<vmem>>) semaphore(%dma_start3A_2283 : memref<!tpu.dma_semaphore, #tpu.memory_space<semaphore_mem>>)
      %add3A_2284 = arith.constant 80 : i32
      %add3A_2285 = arith.addi %add3A_2186, %add3A_2284 : i32
      %dma_start3A_2286 = arith.constant 1 : i32
      %dma_start3A_2287 = arith.constant 1 : i32
      %dma_start3A_2288 = arith.constant 0 : i32
      %dma_start3A_2289 = arith.constant 0 : i32
      %dma_start3A_2290 = tpu.memref_slice %arg11[%dma_start3A_2286, %dma_start3A_2288, %dma_start3A_2289] : memref<8x80x128xf32, #tpu.memory_space<vmem>> -> memref<1x80x128xf32, #tpu.memory_space<vmem>>
      %dma_start3A_2291 = tpu.memref_squeeze %dma_start3A_2290 : memref<1x80x128xf32, #tpu.memory_space<vmem>> -> memref<80x128xf32, #tpu.memory_space<vmem>>
      %dma_start3A_2292 = arith.constant 0 : i32
      %dma_start3A_2293 = tpu.memref_slice %arg6[%add3A_2285, %dma_start3A_2292] : memref<819200x128xf32, #tpu.memory_space<hbm>> -> memref<80x128xf32, #tpu.memory_space<hbm>>
      %dma_start3A_2294 = tpu.memref_slice %arg13[%dma_start3A_2287] : memref<8x!tpu.dma_semaphore, #tpu.memory_space<semaphore_mem>> -> memref<1x!tpu.dma_semaphore, #tpu.memory_space<semaphore_mem>>
      %dma_start3A_2295 = tpu.memref_squeeze %dma_start3A_2294 : memref<1x!tpu.dma_semaphore, #tpu.memory_space<semaphore_mem>> -> memref<!tpu.dma_semaphore, #tpu.memory_space<semaphore_mem>>
      %dma_start3A_2296 = arith.constant 0 : i32
      %dma_start3A_2297 = tpu.memref_slice %arg6[%add3A_2285, %dma_start3A_2296] : memref<819200x128xf32, #tpu.memory_space<hbm>> -> memref<80x128xf32, #tpu.memory_space<hbm>>
      %dma_start3A_2298 = arith.constant 0 : i32
      %dma_start3A_2299 = arith.constant 0 : i32
      %dma_start3A_2300 = tpu.memref_slice %arg11[%dma_start3A_2286, %dma_start3A_2298, %dma_start3A_2299] : memref<8x80x128xf32, #tpu.memory_space<vmem>> -> memref<1x80x128xf32, #tpu.memory_space<vmem>>
      %dma_start3A_2301 = tpu.memref_squeeze %dma_start3A_2300 : memref<1x80x128xf32, #tpu.memory_space<vmem>> -> memref<80x128xf32, #tpu.memory_space<vmem>>
      tpu.enqueue_dma source(%dma_start3A_2301 : memref<80x128xf32, #tpu.memory_space<vmem>>) target(%dma_start3A_2297 : memref<80x128xf32, #tpu.memory_space<hbm>>) target_semaphore(%dma_start3A_2295 : memref<!tpu.dma_semaphore, #tpu.memory_space<semaphore_mem>>)
      %gt3A_2302 = arith.constant 0 : i32
      %gt3A_2303 = arith.cmpi sgt, %scan3A_2178, %gt3A_2302 : i32
      %convert_element_type3A_2304 = arith.extui %gt3A_2303 : i1 to i32
      %cond3A_2305 = arith.constant 0 : i32
      %cond3A_2306 = arith.cmpi ne, %convert_element_type3A_2304, %cond3A_2305 : i32
      scf.if %cond3A_2306 {
        %dma_wait3A_2647 = arith.constant 5 : i32
        %dma_wait3A_2648 = arith.constant 5 : i32
        %dma_wait3A_2649 = arith.constant 0 : i32
        %dma_wait3A_2650 = arith.constant 0 : i32
        %dma_wait3A_2651 = tpu.memref_slice %arg11[%dma_wait3A_2647, %dma_wait3A_2649, %dma_wait3A_2650] : memref<8x80x128xf32, #tpu.memory_space<vmem>> -> memref<1x80x128xf32, #tpu.memory_space<vmem>>
        %dma_wait3A_2652 = tpu.memref_squeeze %dma_wait3A_2651 : memref<1x80x128xf32, #tpu.memory_space<vmem>> -> memref<80x128xf32, #tpu.memory_space<vmem>>
        %dma_wait3A_2653 = arith.constant 0 : i32
        %dma_wait3A_2654 = tpu.memref_slice %arg6[%mul3A_2, %dma_wait3A_2653] : memref<819200x128xf32, #tpu.memory_space<hbm>> -> memref<80x128xf32, #tpu.memory_space<hbm>>
        %dma_wait3A_2655 = tpu.memref_slice %arg13[%dma_wait3A_2648] : memref<8x!tpu.dma_semaphore, #tpu.memory_space<semaphore_mem>> -> memref<1x!tpu.dma_semaphore, #tpu.memory_space<semaphore_mem>>
        %dma_wait3A_2656 = tpu.memref_squeeze %dma_wait3A_2655 : memref<1x!tpu.dma_semaphore, #tpu.memory_space<semaphore_mem>> -> memref<!tpu.dma_semaphore, #tpu.memory_space<semaphore_mem>>
        %dma_wait3A_2657 = arith.constant 0 : i32
        %dma_wait3A_2658 = tpu.memref_slice %arg6[%mul3A_2, %dma_wait3A_2657] : memref<819200x128xf32, #tpu.memory_space<hbm>> -> memref<80x128xf32, #tpu.memory_space<hbm>>
        %dma_wait3A_2659 = arith.constant 0 : i32
        %dma_wait3A_2660 = arith.constant 0 : i32
        %dma_wait3A_2661 = tpu.memref_slice %arg11[%dma_wait3A_2647, %dma_wait3A_2659, %dma_wait3A_2660] : memref<8x80x128xf32, #tpu.memory_space<vmem>> -> memref<1x80x128xf32, #tpu.memory_space<vmem>>
        %dma_wait3A_2662 = tpu.memref_squeeze %dma_wait3A_2661 : memref<1x80x128xf32, #tpu.memory_space<vmem>> -> memref<80x128xf32, #tpu.memory_space<vmem>>
        tpu.wait_dma2 semaphore(%dma_wait3A_2656 : memref<!tpu.dma_semaphore, #tpu.memory_space<semaphore_mem>>) src(%dma_wait3A_2662 : memref<80x128xf32, #tpu.memory_space<vmem>>) dst(%dma_wait3A_2658 : memref<80x128xf32, #tpu.memory_space<hbm>>)
      } else {
      }
      %dma_wait3A_2307 = arith.constant 2 : i32
      %dma_wait3A_2308 = arith.constant 2 : i32
      %dma_wait3A_2309 = arith.constant 0 : i32
      %dma_wait3A_2310 = arith.constant 0 : i32
      %dma_wait3A_2311 = tpu.memref_slice %arg11[%dma_wait3A_2307, %dma_wait3A_2309, %dma_wait3A_2310] : memref<8x80x128xf32, #tpu.memory_space<vmem>> -> memref<1x80x128xf32, #tpu.memory_space<vmem>>
      %dma_wait3A_2312 = tpu.memref_squeeze %dma_wait3A_2311 : memref<1x80x128xf32, #tpu.memory_space<vmem>> -> memref<80x128xf32, #tpu.memory_space<vmem>>
      %dma_wait3A_2313 = arith.constant 0 : i32
      %dma_wait3A_2314 = arith.constant 0 : i32
      %dma_wait3A_2315 = tpu.memref_slice %arg5[%dma_wait3A_2313, %dma_wait3A_2314] : memref<40960x128xf32, #tpu.memory_space<hbm>> -> memref<80x128xf32, #tpu.memory_space<hbm>>
      %dma_wait3A_2316 = tpu.memref_slice %arg12[%dma_wait3A_2308] : memref<8x!tpu.dma_semaphore, #tpu.memory_space<semaphore_mem>> -> memref<1x!tpu.dma_semaphore, #tpu.memory_space<semaphore_mem>>
      %dma_wait3A_2317 = tpu.memref_squeeze %dma_wait3A_2316 : memref<1x!tpu.dma_semaphore, #tpu.memory_space<semaphore_mem>> -> memref<!tpu.dma_semaphore, #tpu.memory_space<semaphore_mem>>
      %dma_wait3A_2318 = arith.constant 0 : i32
      %dma_wait3A_2319 = arith.constant 0 : i32
      %dma_wait3A_2320 = tpu.memref_slice %arg11[%dma_wait3A_2307, %dma_wait3A_2318, %dma_wait3A_2319] : memref<8x80x128xf32, #tpu.memory_space<vmem>> -> memref<1x80x128xf32, #tpu.memory_space<vmem>>
      %dma_wait3A_2321 = tpu.memref_squeeze %dma_wait3A_2320 : memref<1x80x128xf32, #tpu.memory_space<vmem>> -> memref<80x128xf32, #tpu.memory_space<vmem>>
      %dma_wait3A_2322 = arith.constant 0 : i32
      %dma_wait3A_2323 = arith.constant 0 : i32
      %dma_wait3A_2324 = tpu.memref_slice %arg5[%dma_wait3A_2322, %dma_wait3A_2323] : memref<40960x128xf32, #tpu.memory_space<hbm>> -> memref<80x128xf32, #tpu.memory_space<hbm>>
      tpu.wait_dma2 semaphore(%dma_wait3A_2317 : memref<!tpu.dma_semaphore, #tpu.memory_space<semaphore_mem>>) src(%dma_wait3A_2324 : memref<80x128xf32, #tpu.memory_space<hbm>>) dst(%dma_wait3A_2321 : memref<80x128xf32, #tpu.memory_space<vmem>>)
      %dma_start3A_2325 = arith.constant 5 : i32
      %dma_start3A_2326 = arith.constant 5 : i32
      %dma_start3A_2327 = arith.constant 5 : i32
      %dma_start3A_2328 = arith.constant 0 : i32
      %dma_start3A_2329 = arith.constant 0 : i32
      %dma_start3A_2330 = tpu.memref_slice %arg11[%dma_start3A_2326, %dma_start3A_2328, %dma_start3A_2329] : memref<8x80x128xf32, #tpu.memory_space<vmem>> -> memref<1x80x128xf32, #tpu.memory_space<vmem>>
      %dma_start3A_2331 = tpu.memref_squeeze %dma_start3A_2330 : memref<1x80x128xf32, #tpu.memory_space<vmem>> -> memref<80x128xf32, #tpu.memory_space<vmem>>
      %dma_start3A_2332 = arith.constant 0 : i32
      %dma_start3A_2333 = tpu.memref_slice %arg10[%rem3A_2179, %dma_start3A_2325, %dma_start3A_2332] : memref<2x8x80xi32, #tpu.memory_space<vmem>> -> memref<1x1x80xi32, #tpu.memory_space<vmem>>
      %dma_start3A_2334 = tpu.memref_squeeze %dma_start3A_2333 : memref<1x1x80xi32, #tpu.memory_space<vmem>> -> memref<80xi32, #tpu.memory_space<vmem>>
      %dma_start3A_2335 = arith.constant 0 : i32
      %dma_start3A_2336 = arith.constant 0 : i32
      %dma_start3A_2337 = tpu.memref_slice %arg5[%dma_start3A_2335, %dma_start3A_2336] : memref<40960x128xf32, #tpu.memory_space<hbm>> -> memref<40960x128xf32, #tpu.memory_space<hbm>>
      %dma_start3A_2338 = tpu.memref_slice %arg12[%dma_start3A_2327] : memref<8x!tpu.dma_semaphore, #tpu.memory_space<semaphore_mem>> -> memref<1x!tpu.dma_semaphore, #tpu.memory_space<semaphore_mem>>
      %dma_start3A_2339 = tpu.memref_squeeze %dma_start3A_2338 : memref<1x!tpu.dma_semaphore, #tpu.memory_space<semaphore_mem>> -> memref<!tpu.dma_semaphore, #tpu.memory_space<semaphore_mem>>
      tpu.enqueue_indirect_dma source(%dma_start3A_2337 : memref<40960x128xf32, #tpu.memory_space<hbm>>) target(%dma_start3A_2331 : memref<80x128xf32, #tpu.memory_space<vmem>>) offsets(%dma_start3A_2334 : memref<80xi32, #tpu.memory_space<vmem>>) semaphore(%dma_start3A_2339 : memref<!tpu.dma_semaphore, #tpu.memory_space<semaphore_mem>>)
      %add3A_2340 = arith.constant 160 : i32
      %add3A_2341 = arith.addi %add3A_2186, %add3A_2340 : i32
      %dma_start3A_2342 = arith.constant 2 : i32
      %dma_start3A_2343 = arith.constant 2 : i32
      %dma_start3A_2344 = arith.constant 0 : i32
      %dma_start3A_2345 = arith.constant 0 : i32
      %dma_start3A_2346 = tpu.memref_slice %arg11[%dma_start3A_2342, %dma_start3A_2344, %dma_start3A_2345] : memref<8x80x128xf32, #tpu.memory_space<vmem>> -> memref<1x80x128xf32, #tpu.memory_space<vmem>>
      %dma_start3A_2347 = tpu.memref_squeeze %dma_start3A_2346 : memref<1x80x128xf32, #tpu.memory_space<vmem>> -> memref<80x128xf32, #tpu.memory_space<vmem>>
      %dma_start3A_2348 = arith.constant 0 : i32
      %dma_start3A_2349 = tpu.memref_slice %arg6[%add3A_2341, %dma_start3A_2348] : memref<819200x128xf32, #tpu.memory_space<hbm>> -> memref<80x128xf32, #tpu.memory_space<hbm>>
      %dma_start3A_2350 = tpu.memref_slice %arg13[%dma_start3A_2343] : memref<8x!tpu.dma_semaphore, #tpu.memory_space<semaphore_mem>> -> memref<1x!tpu.dma_semaphore, #tpu.memory_space<semaphore_mem>>
      %dma_start3A_2351 = tpu.memref_squeeze %dma_start3A_2350 : memref<1x!tpu.dma_semaphore, #tpu.memory_space<semaphore_mem>> -> memref<!tpu.dma_semaphore, #tpu.memory_space<semaphore_mem>>
      %dma_start3A_2352 = arith.constant 0 : i32
      %dma_start3A_2353 = tpu.memref_slice %arg6[%add3A_2341, %dma_start3A_2352] : memref<819200x128xf32, #tpu.memory_space<hbm>> -> memref<80x128xf32, #tpu.memory_space<hbm>>
      %dma_start3A_2354 = arith.constant 0 : i32
      %dma_start3A_2355 = arith.constant 0 : i32
      %dma_start3A_2356 = tpu.memref_slice %arg11[%dma_start3A_2342, %dma_start3A_2354, %dma_start3A_2355] : memref<8x80x128xf32, #tpu.memory_space<vmem>> -> memref<1x80x128xf32, #tpu.memory_space<vmem>>
      %dma_start3A_2357 = tpu.memref_squeeze %dma_start3A_2356 : memref<1x80x128xf32, #tpu.memory_space<vmem>> -> memref<80x128xf32, #tpu.memory_space<vmem>>
      tpu.enqueue_dma source(%dma_start3A_2357 : memref<80x128xf32, #tpu.memory_space<vmem>>) target(%dma_start3A_2353 : memref<80x128xf32, #tpu.memory_space<hbm>>) target_semaphore(%dma_start3A_2351 : memref<!tpu.dma_semaphore, #tpu.memory_space<semaphore_mem>>)
      %gt3A_2358 = arith.constant 0 : i32
      %gt3A_2359 = arith.cmpi sgt, %scan3A_2178, %gt3A_2358 : i32
      %convert_element_type3A_2360 = arith.extui %gt3A_2359 : i1 to i32
      %cond3A_2361 = arith.constant 0 : i32
      %cond3A_2362 = arith.cmpi ne, %convert_element_type3A_2360, %cond3A_2361 : i32
      scf.if %cond3A_2362 {
        %dma_wait3A_2647 = arith.constant 6 : i32
        %dma_wait3A_2648 = arith.constant 6 : i32
        %dma_wait3A_2649 = arith.constant 0 : i32
        %dma_wait3A_2650 = arith.constant 0 : i32
        %dma_wait3A_2651 = tpu.memref_slice %arg11[%dma_wait3A_2647, %dma_wait3A_2649, %dma_wait3A_2650] : memref<8x80x128xf32, #tpu.memory_space<vmem>> -> memref<1x80x128xf32, #tpu.memory_space<vmem>>
        %dma_wait3A_2652 = tpu.memref_squeeze %dma_wait3A_2651 : memref<1x80x128xf32, #tpu.memory_space<vmem>> -> memref<80x128xf32, #tpu.memory_space<vmem>>
        %dma_wait3A_2653 = arith.constant 0 : i32
        %dma_wait3A_2654 = tpu.memref_slice %arg6[%mul3A_2, %dma_wait3A_2653] : memref<819200x128xf32, #tpu.memory_space<hbm>> -> memref<80x128xf32, #tpu.memory_space<hbm>>
        %dma_wait3A_2655 = tpu.memref_slice %arg13[%dma_wait3A_2648] : memref<8x!tpu.dma_semaphore, #tpu.memory_space<semaphore_mem>> -> memref<1x!tpu.dma_semaphore, #tpu.memory_space<semaphore_mem>>
        %dma_wait3A_2656 = tpu.memref_squeeze %dma_wait3A_2655 : memref<1x!tpu.dma_semaphore, #tpu.memory_space<semaphore_mem>> -> memref<!tpu.dma_semaphore, #tpu.memory_space<semaphore_mem>>
        %dma_wait3A_2657 = arith.constant 0 : i32
        %dma_wait3A_2658 = tpu.memref_slice %arg6[%mul3A_2, %dma_wait3A_2657] : memref<819200x128xf32, #tpu.memory_space<hbm>> -> memref<80x128xf32, #tpu.memory_space<hbm>>
        %dma_wait3A_2659 = arith.constant 0 : i32
        %dma_wait3A_2660 = arith.constant 0 : i32
        %dma_wait3A_2661 = tpu.memref_slice %arg11[%dma_wait3A_2647, %dma_wait3A_2659, %dma_wait3A_2660] : memref<8x80x128xf32, #tpu.memory_space<vmem>> -> memref<1x80x128xf32, #tpu.memory_space<vmem>>
        %dma_wait3A_2662 = tpu.memref_squeeze %dma_wait3A_2661 : memref<1x80x128xf32, #tpu.memory_space<vmem>> -> memref<80x128xf32, #tpu.memory_space<vmem>>
        tpu.wait_dma2 semaphore(%dma_wait3A_2656 : memref<!tpu.dma_semaphore, #tpu.memory_space<semaphore_mem>>) src(%dma_wait3A_2662 : memref<80x128xf32, #tpu.memory_space<vmem>>) dst(%dma_wait3A_2658 : memref<80x128xf32, #tpu.memory_space<hbm>>)
      } else {
      }
      %dma_wait3A_2363 = arith.constant 3 : i32
      %dma_wait3A_2364 = arith.constant 3 : i32
      %dma_wait3A_2365 = arith.constant 0 : i32
      %dma_wait3A_2366 = arith.constant 0 : i32
      %dma_wait3A_2367 = tpu.memref_slice %arg11[%dma_wait3A_2363, %dma_wait3A_2365, %dma_wait3A_2366] : memref<8x80x128xf32, #tpu.memory_space<vmem>> -> memref<1x80x128xf32, #tpu.memory_space<vmem>>
      %dma_wait3A_2368 = tpu.memref_squeeze %dma_wait3A_2367 : memref<1x80x128xf32, #tpu.memory_space<vmem>> -> memref<80x128xf32, #tpu.memory_space<vmem>>
      %dma_wait3A_2369 = arith.constant 0 : i32
      %dma_wait3A_2370 = arith.constant 0 : i32
      %dma_wait3A_2371 = tpu.memref_slice %arg5[%dma_wait3A_2369, %dma_wait3A_2370] : memref<40960x128xf32, #tpu.memory_space<hbm>> -> memref<80x128xf32, #tpu.memory_space<hbm>>
      %dma_wait3A_2372 = tpu.memref_slice %arg12[%dma_wait3A_2364] : memref<8x!tpu.dma_semaphore, #tpu.memory_space<semaphore_mem>> -> memref<1x!tpu.dma_semaphore, #tpu.memory_space<semaphore_mem>>
      %dma_wait3A_2373 = tpu.memref_squeeze %dma_wait3A_2372 : memref<1x!tpu.dma_semaphore, #tpu.memory_space<semaphore_mem>> -> memref<!tpu.dma_semaphore, #tpu.memory_space<semaphore_mem>>
      %dma_wait3A_2374 = arith.constant 0 : i32
      %dma_wait3A_2375 = arith.constant 0 : i32
      %dma_wait3A_2376 = tpu.memref_slice %arg11[%dma_wait3A_2363, %dma_wait3A_2374, %dma_wait3A_2375] : memref<8x80x128xf32, #tpu.memory_space<vmem>> -> memref<1x80x128xf32, #tpu.memory_space<vmem>>
      %dma_wait3A_2377 = tpu.memref_squeeze %dma_wait3A_2376 : memref<1x80x128xf32, #tpu.memory_space<vmem>> -> memref<80x128xf32, #tpu.memory_space<vmem>>
      %dma_wait3A_2378 = arith.constant 0 : i32
      %dma_wait3A_2379 = arith.constant 0 : i32
      %dma_wait3A_2380 = tpu.memref_slice %arg5[%dma_wait3A_2378, %dma_wait3A_2379] : memref<40960x128xf32, #tpu.memory_space<hbm>> -> memref<80x128xf32, #tpu.memory_space<hbm>>
      tpu.wait_dma2 semaphore(%dma_wait3A_2373 : memref<!tpu.dma_semaphore, #tpu.memory_space<semaphore_mem>>) src(%dma_wait3A_2380 : memref<80x128xf32, #tpu.memory_space<hbm>>) dst(%dma_wait3A_2377 : memref<80x128xf32, #tpu.memory_space<vmem>>)
      %dma_start3A_2381 = arith.constant 6 : i32
      %dma_start3A_2382 = arith.constant 6 : i32
      %dma_start3A_2383 = arith.constant 6 : i32
      %dma_start3A_2384 = arith.constant 0 : i32
      %dma_start3A_2385 = arith.constant 0 : i32
      %dma_start3A_2386 = tpu.memref_slice %arg11[%dma_start3A_2382, %dma_start3A_2384, %dma_start3A_2385] : memref<8x80x128xf32, #tpu.memory_space<vmem>> -> memref<1x80x128xf32, #tpu.memory_space<vmem>>
      %dma_start3A_2387 = tpu.memref_squeeze %dma_start3A_2386 : memref<1x80x128xf32, #tpu.memory_space<vmem>> -> memref<80x128xf32, #tpu.memory_space<vmem>>
      %dma_start3A_2388 = arith.constant 0 : i32
      %dma_start3A_2389 = tpu.memref_slice %arg10[%rem3A_2179, %dma_start3A_2381, %dma_start3A_2388] : memref<2x8x80xi32, #tpu.memory_space<vmem>> -> memref<1x1x80xi32, #tpu.memory_space<vmem>>
      %dma_start3A_2390 = tpu.memref_squeeze %dma_start3A_2389 : memref<1x1x80xi32, #tpu.memory_space<vmem>> -> memref<80xi32, #tpu.memory_space<vmem>>
      %dma_start3A_2391 = arith.constant 0 : i32
      %dma_start3A_2392 = arith.constant 0 : i32
      %dma_start3A_2393 = tpu.memref_slice %arg5[%dma_start3A_2391, %dma_start3A_2392] : memref<40960x128xf32, #tpu.memory_space<hbm>> -> memref<40960x128xf32, #tpu.memory_space<hbm>>
      %dma_start3A_2394 = tpu.memref_slice %arg12[%dma_start3A_2383] : memref<8x!tpu.dma_semaphore, #tpu.memory_space<semaphore_mem>> -> memref<1x!tpu.dma_semaphore, #tpu.memory_space<semaphore_mem>>
      %dma_start3A_2395 = tpu.memref_squeeze %dma_start3A_2394 : memref<1x!tpu.dma_semaphore, #tpu.memory_space<semaphore_mem>> -> memref<!tpu.dma_semaphore, #tpu.memory_space<semaphore_mem>>
      tpu.enqueue_indirect_dma source(%dma_start3A_2393 : memref<40960x128xf32, #tpu.memory_space<hbm>>) target(%dma_start3A_2387 : memref<80x128xf32, #tpu.memory_space<vmem>>) offsets(%dma_start3A_2390 : memref<80xi32, #tpu.memory_space<vmem>>) semaphore(%dma_start3A_2395 : memref<!tpu.dma_semaphore, #tpu.memory_space<semaphore_mem>>)
      %add3A_2396 = arith.constant 240 : i32
      %add3A_2397 = arith.addi %add3A_2186, %add3A_2396 : i32
      %dma_start3A_2398 = arith.constant 3 : i32
      %dma_start3A_2399 = arith.constant 3 : i32
      %dma_start3A_2400 = arith.constant 0 : i32
      %dma_start3A_2401 = arith.constant 0 : i32
      %dma_start3A_2402 = tpu.memref_slice %arg11[%dma_start3A_2398, %dma_start3A_2400, %dma_start3A_2401] : memref<8x80x128xf32, #tpu.memory_space<vmem>> -> memref<1x80x128xf32, #tpu.memory_space<vmem>>
      %dma_start3A_2403 = tpu.memref_squeeze %dma_start3A_2402 : memref<1x80x128xf32, #tpu.memory_space<vmem>> -> memref<80x128xf32, #tpu.memory_space<vmem>>
      %dma_start3A_2404 = arith.constant 0 : i32
      %dma_start3A_2405 = tpu.memref_slice %arg6[%add3A_2397, %dma_start3A_2404] : memref<819200x128xf32, #tpu.memory_space<hbm>> -> memref<80x128xf32, #tpu.memory_space<hbm>>
      %dma_start3A_2406 = tpu.memref_slice %arg13[%dma_start3A_2399] : memref<8x!tpu.dma_semaphore, #tpu.memory_space<semaphore_mem>> -> memref<1x!tpu.dma_semaphore, #tpu.memory_space<semaphore_mem>>
      %dma_start3A_2407 = tpu.memref_squeeze %dma_start3A_2406 : memref<1x!tpu.dma_semaphore, #tpu.memory_space<semaphore_mem>> -> memref<!tpu.dma_semaphore, #tpu.memory_space<semaphore_mem>>
      %dma_start3A_2408 = arith.constant 0 : i32
      %dma_start3A_2409 = tpu.memref_slice %arg6[%add3A_2397, %dma_start3A_2408] : memref<819200x128xf32, #tpu.memory_space<hbm>> -> memref<80x128xf32, #tpu.memory_space<hbm>>
      %dma_start3A_2410 = arith.constant 0 : i32
      %dma_start3A_2411 = arith.constant 0 : i32
      %dma_start3A_2412 = tpu.memref_slice %arg11[%dma_start3A_2398, %dma_start3A_2410, %dma_start3A_2411] : memref<8x80x128xf32, #tpu.memory_space<vmem>> -> memref<1x80x128xf32, #tpu.memory_space<vmem>>
      %dma_start3A_2413 = tpu.memref_squeeze %dma_start3A_2412 : memref<1x80x128xf32, #tpu.memory_space<vmem>> -> memref<80x128xf32, #tpu.memory_space<vmem>>
      tpu.enqueue_dma source(%dma_start3A_2413 : memref<80x128xf32, #tpu.memory_space<vmem>>) target(%dma_start3A_2409 : memref<80x128xf32, #tpu.memory_space<hbm>>) target_semaphore(%dma_start3A_2407 : memref<!tpu.dma_semaphore, #tpu.memory_space<semaphore_mem>>)
      %gt3A_2414 = arith.constant 0 : i32
      %gt3A_2415 = arith.cmpi sgt, %scan3A_2178, %gt3A_2414 : i32
      %convert_element_type3A_2416 = arith.extui %gt3A_2415 : i1 to i32
      %cond3A_2417 = arith.constant 0 : i32
      %cond3A_2418 = arith.cmpi ne, %convert_element_type3A_2416, %cond3A_2417 : i32
      scf.if %cond3A_2418 {
        %dma_wait3A_2647 = arith.constant 7 : i32
        %dma_wait3A_2648 = arith.constant 7 : i32
        %dma_wait3A_2649 = arith.constant 0 : i32
        %dma_wait3A_2650 = arith.constant 0 : i32
        %dma_wait3A_2651 = tpu.memref_slice %arg11[%dma_wait3A_2647, %dma_wait3A_2649, %dma_wait3A_2650] : memref<8x80x128xf32, #tpu.memory_space<vmem>> -> memref<1x80x128xf32, #tpu.memory_space<vmem>>
        %dma_wait3A_2652 = tpu.memref_squeeze %dma_wait3A_2651 : memref<1x80x128xf32, #tpu.memory_space<vmem>> -> memref<80x128xf32, #tpu.memory_space<vmem>>
        %dma_wait3A_2653 = arith.constant 0 : i32
        %dma_wait3A_2654 = tpu.memref_slice %arg6[%mul3A_2, %dma_wait3A_2653] : memref<819200x128xf32, #tpu.memory_space<hbm>> -> memref<80x128xf32, #tpu.memory_space<hbm>>
        %dma_wait3A_2655 = tpu.memref_slice %arg13[%dma_wait3A_2648] : memref<8x!tpu.dma_semaphore, #tpu.memory_space<semaphore_mem>> -> memref<1x!tpu.dma_semaphore, #tpu.memory_space<semaphore_mem>>
        %dma_wait3A_2656 = tpu.memref_squeeze %dma_wait3A_2655 : memref<1x!tpu.dma_semaphore, #tpu.memory_space<semaphore_mem>> -> memref<!tpu.dma_semaphore, #tpu.memory_space<semaphore_mem>>
        %dma_wait3A_2657 = arith.constant 0 : i32
        %dma_wait3A_2658 = tpu.memref_slice %arg6[%mul3A_2, %dma_wait3A_2657] : memref<819200x128xf32, #tpu.memory_space<hbm>> -> memref<80x128xf32, #tpu.memory_space<hbm>>
        %dma_wait3A_2659 = arith.constant 0 : i32
        %dma_wait3A_2660 = arith.constant 0 : i32
        %dma_wait3A_2661 = tpu.memref_slice %arg11[%dma_wait3A_2647, %dma_wait3A_2659, %dma_wait3A_2660] : memref<8x80x128xf32, #tpu.memory_space<vmem>> -> memref<1x80x128xf32, #tpu.memory_space<vmem>>
        %dma_wait3A_2662 = tpu.memref_squeeze %dma_wait3A_2661 : memref<1x80x128xf32, #tpu.memory_space<vmem>> -> memref<80x128xf32, #tpu.memory_space<vmem>>
        tpu.wait_dma2 semaphore(%dma_wait3A_2656 : memref<!tpu.dma_semaphore, #tpu.memory_space<semaphore_mem>>) src(%dma_wait3A_2662 : memref<80x128xf32, #tpu.memory_space<vmem>>) dst(%dma_wait3A_2658 : memref<80x128xf32, #tpu.memory_space<hbm>>)
      } else {
      }
      %dma_wait3A_2419 = arith.constant 4 : i32
      %dma_wait3A_2420 = arith.constant 4 : i32
      %dma_wait3A_2421 = arith.constant 0 : i32
      %dma_wait3A_2422 = arith.constant 0 : i32
      %dma_wait3A_2423 = tpu.memref_slice %arg11[%dma_wait3A_2419, %dma_wait3A_2421, %dma_wait3A_2422] : memref<8x80x128xf32, #tpu.memory_space<vmem>> -> memref<1x80x128xf32, #tpu.memory_space<vmem>>
      %dma_wait3A_2424 = tpu.memref_squeeze %dma_wait3A_2423 : memref<1x80x128xf32, #tpu.memory_space<vmem>> -> memref<80x128xf32, #tpu.memory_space<vmem>>
      %dma_wait3A_2425 = arith.constant 0 : i32
      %dma_wait3A_2426 = arith.constant 0 : i32
      %dma_wait3A_2427 = tpu.memref_slice %arg5[%dma_wait3A_2425, %dma_wait3A_2426] : memref<40960x128xf32, #tpu.memory_space<hbm>> -> memref<80x128xf32, #tpu.memory_space<hbm>>
      %dma_wait3A_2428 = tpu.memref_slice %arg12[%dma_wait3A_2420] : memref<8x!tpu.dma_semaphore, #tpu.memory_space<semaphore_mem>> -> memref<1x!tpu.dma_semaphore, #tpu.memory_space<semaphore_mem>>
      %dma_wait3A_2429 = tpu.memref_squeeze %dma_wait3A_2428 : memref<1x!tpu.dma_semaphore, #tpu.memory_space<semaphore_mem>> -> memref<!tpu.dma_semaphore, #tpu.memory_space<semaphore_mem>>
      %dma_wait3A_2430 = arith.constant 0 : i32
      %dma_wait3A_2431 = arith.constant 0 : i32
      %dma_wait3A_2432 = tpu.memref_slice %arg11[%dma_wait3A_2419, %dma_wait3A_2430, %dma_wait3A_2431] : memref<8x80x128xf32, #tpu.memory_space<vmem>> -> memref<1x80x128xf32, #tpu.memory_space<vmem>>
      %dma_wait3A_2433 = tpu.memref_squeeze %dma_wait3A_2432 : memref<1x80x128xf32, #tpu.memory_space<vmem>> -> memref<80x128xf32, #tpu.memory_space<vmem>>
      %dma_wait3A_2434 = arith.constant 0 : i32
      %dma_wait3A_2435 = arith.constant 0 : i32
      %dma_wait3A_2436 = tpu.memref_slice %arg5[%dma_wait3A_2434, %dma_wait3A_2435] : memref<40960x128xf32, #tpu.memory_space<hbm>> -> memref<80x128xf32, #tpu.memory_space<hbm>>
      tpu.wait_dma2 semaphore(%dma_wait3A_2429 : memref<!tpu.dma_semaphore, #tpu.memory_space<semaphore_mem>>) src(%dma_wait3A_2436 : memref<80x128xf32, #tpu.memory_space<hbm>>) dst(%dma_wait3A_2433 : memref<80x128xf32, #tpu.memory_space<vmem>>)
      %dma_start3A_2437 = arith.constant 7 : i32
      %dma_start3A_2438 = arith.constant 7 : i32
      %dma_start3A_2439 = arith.constant 7 : i32
      %dma_start3A_2440 = arith.constant 0 : i32
      %dma_start3A_2441 = arith.constant 0 : i32
      %dma_start3A_2442 = tpu.memref_slice %arg11[%dma_start3A_2438, %dma_start3A_2440, %dma_start3A_2441] : memref<8x80x128xf32, #tpu.memory_space<vmem>> -> memref<1x80x128xf32, #tpu.memory_space<vmem>>
      %dma_start3A_2443 = tpu.memref_squeeze %dma_start3A_2442 : memref<1x80x128xf32, #tpu.memory_space<vmem>> -> memref<80x128xf32, #tpu.memory_space<vmem>>
      %dma_start3A_2444 = arith.constant 0 : i32
      %dma_start3A_2445 = tpu.memref_slice %arg10[%rem3A_2179, %dma_start3A_2437, %dma_start3A_2444] : memref<2x8x80xi32, #tpu.memory_space<vmem>> -> memref<1x1x80xi32, #tpu.memory_space<vmem>>
      %dma_start3A_2446 = tpu.memref_squeeze %dma_start3A_2445 : memref<1x1x80xi32, #tpu.memory_space<vmem>> -> memref<80xi32, #tpu.memory_space<vmem>>
      %dma_start3A_2447 = arith.constant 0 : i32
      %dma_start3A_2448 = arith.constant 0 : i32
      %dma_start3A_2449 = tpu.memref_slice %arg5[%dma_start3A_2447, %dma_start3A_2448] : memref<40960x128xf32, #tpu.memory_space<hbm>> -> memref<40960x128xf32, #tpu.memory_space<hbm>>
      %dma_start3A_2450 = tpu.memref_slice %arg12[%dma_start3A_2439] : memref<8x!tpu.dma_semaphore, #tpu.memory_space<semaphore_mem>> -> memref<1x!tpu.dma_semaphore, #tpu.memory_space<semaphore_mem>>
      %dma_start3A_2451 = tpu.memref_squeeze %dma_start3A_2450 : memref<1x!tpu.dma_semaphore, #tpu.memory_space<semaphore_mem>> -> memref<!tpu.dma_semaphore, #tpu.memory_space<semaphore_mem>>
      tpu.enqueue_indirect_dma source(%dma_start3A_2449 : memref<40960x128xf32, #tpu.memory_space<hbm>>) target(%dma_start3A_2443 : memref<80x128xf32, #tpu.memory_space<vmem>>) offsets(%dma_start3A_2446 : memref<80xi32, #tpu.memory_space<vmem>>) semaphore(%dma_start3A_2451 : memref<!tpu.dma_semaphore, #tpu.memory_space<semaphore_mem>>)
      %add3A_2452 = arith.constant 320 : i32
      %add3A_2453 = arith.addi %add3A_2186, %add3A_2452 : i32
      %dma_start3A_2454 = arith.constant 4 : i32
      %dma_start3A_2455 = arith.constant 4 : i32
      %dma_start3A_2456 = arith.constant 0 : i32
      %dma_start3A_2457 = arith.constant 0 : i32
      %dma_start3A_2458 = tpu.memref_slice %arg11[%dma_start3A_2454, %dma_start3A_2456, %dma_start3A_2457] : memref<8x80x128xf32, #tpu.memory_space<vmem>> -> memref<1x80x128xf32, #tpu.memory_space<vmem>>
      %dma_start3A_2459 = tpu.memref_squeeze %dma_start3A_2458 : memref<1x80x128xf32, #tpu.memory_space<vmem>> -> memref<80x128xf32, #tpu.memory_space<vmem>>
      %dma_start3A_2460 = arith.constant 0 : i32
      %dma_start3A_2461 = tpu.memref_slice %arg6[%add3A_2453, %dma_start3A_2460] : memref<819200x128xf32, #tpu.memory_space<hbm>> -> memref<80x128xf32, #tpu.memory_space<hbm>>
      %dma_start3A_2462 = tpu.memref_slice %arg13[%dma_start3A_2455] : memref<8x!tpu.dma_semaphore, #tpu.memory_space<semaphore_mem>> -> memref<1x!tpu.dma_semaphore, #tpu.memory_space<semaphore_mem>>
      %dma_start3A_2463 = tpu.memref_squeeze %dma_start3A_2462 : memref<1x!tpu.dma_semaphore, #tpu.memory_space<semaphore_mem>> -> memref<!tpu.dma_semaphore, #tpu.memory_space<semaphore_mem>>
      %dma_start3A_2464 = arith.constant 0 : i32
      %dma_start3A_2465 = tpu.memref_slice %arg6[%add3A_2453, %dma_start3A_2464] : memref<819200x128xf32, #tpu.memory_space<hbm>> -> memref<80x128xf32, #tpu.memory_space<hbm>>
      %dma_start3A_2466 = arith.constant 0 : i32
      %dma_start3A_2467 = arith.constant 0 : i32
      %dma_start3A_2468 = tpu.memref_slice %arg11[%dma_start3A_2454, %dma_start3A_2466, %dma_start3A_2467] : memref<8x80x128xf32, #tpu.memory_space<vmem>> -> memref<1x80x128xf32, #tpu.memory_space<vmem>>
      %dma_start3A_2469 = tpu.memref_squeeze %dma_start3A_2468 : memref<1x80x128xf32, #tpu.memory_space<vmem>> -> memref<80x128xf32, #tpu.memory_space<vmem>>
      tpu.enqueue_dma source(%dma_start3A_2469 : memref<80x128xf32, #tpu.memory_space<vmem>>) target(%dma_start3A_2465 : memref<80x128xf32, #tpu.memory_space<hbm>>) target_semaphore(%dma_start3A_2463 : memref<!tpu.dma_semaphore, #tpu.memory_space<semaphore_mem>>)
      %dma_wait3A_2470 = arith.constant 0 : i32
      %dma_wait3A_2471 = arith.constant 0 : i32
      %dma_wait3A_2472 = arith.constant 0 : i32
      %dma_wait3A_2473 = arith.constant 0 : i32
      %dma_wait3A_2474 = tpu.memref_slice %arg11[%dma_wait3A_2470, %dma_wait3A_2472, %dma_wait3A_2473] : memref<8x80x128xf32, #tpu.memory_space<vmem>> -> memref<1x80x128xf32, #tpu.memory_space<vmem>>
      %dma_wait3A_2475 = tpu.memref_squeeze %dma_wait3A_2474 : memref<1x80x128xf32, #tpu.memory_space<vmem>> -> memref<80x128xf32, #tpu.memory_space<vmem>>
      %dma_wait3A_2476 = arith.constant 0 : i32
      %dma_wait3A_2477 = tpu.memref_slice %arg6[%mul3A_2, %dma_wait3A_2476] : memref<819200x128xf32, #tpu.memory_space<hbm>> -> memref<80x128xf32, #tpu.memory_space<hbm>>
      %dma_wait3A_2478 = tpu.memref_slice %arg13[%dma_wait3A_2471] : memref<8x!tpu.dma_semaphore, #tpu.memory_space<semaphore_mem>> -> memref<1x!tpu.dma_semaphore, #tpu.memory_space<semaphore_mem>>
      %dma_wait3A_2479 = tpu.memref_squeeze %dma_wait3A_2478 : memref<1x!tpu.dma_semaphore, #tpu.memory_space<semaphore_mem>> -> memref<!tpu.dma_semaphore, #tpu.memory_space<semaphore_mem>>
      %dma_wait3A_2480 = arith.constant 0 : i32
      %dma_wait3A_2481 = tpu.memref_slice %arg6[%mul3A_2, %dma_wait3A_2480] : memref<819200x128xf32, #tpu.memory_space<hbm>> -> memref<80x128xf32, #tpu.memory_space<hbm>>
      %dma_wait3A_2482 = arith.constant 0 : i32
      %dma_wait3A_2483 = arith.constant 0 : i32
      %dma_wait3A_2484 = tpu.memref_slice %arg11[%dma_wait3A_2470, %dma_wait3A_2482, %dma_wait3A_2483] : memref<8x80x128xf32, #tpu.memory_space<vmem>> -> memref<1x80x128xf32, #tpu.memory_space<vmem>>
      %dma_wait3A_2485 = tpu.memref_squeeze %dma_wait3A_2484 : memref<1x80x128xf32, #tpu.memory_space<vmem>> -> memref<80x128xf32, #tpu.memory_space<vmem>>
      tpu.wait_dma2 semaphore(%dma_wait3A_2479 : memref<!tpu.dma_semaphore, #tpu.memory_space<semaphore_mem>>) src(%dma_wait3A_2485 : memref<80x128xf32, #tpu.memory_space<vmem>>) dst(%dma_wait3A_2481 : memref<80x128xf32, #tpu.memory_space<hbm>>)
      %dma_wait3A_2486 = arith.constant 5 : i32
      %dma_wait3A_2487 = arith.constant 5 : i32
      %dma_wait3A_2488 = arith.constant 0 : i32
      %dma_wait3A_2489 = arith.constant 0 : i32
      %dma_wait3A_2490 = tpu.memref_slice %arg11[%dma_wait3A_2486, %dma_wait3A_2488, %dma_wait3A_2489] : memref<8x80x128xf32, #tpu.memory_space<vmem>> -> memref<1x80x128xf32, #tpu.memory_space<vmem>>
      %dma_wait3A_2491 = tpu.memref_squeeze %dma_wait3A_2490 : memref<1x80x128xf32, #tpu.memory_space<vmem>> -> memref<80x128xf32, #tpu.memory_space<vmem>>
      %dma_wait3A_2492 = arith.constant 0 : i32
      %dma_wait3A_2493 = arith.constant 0 : i32
      %dma_wait3A_2494 = tpu.memref_slice %arg5[%dma_wait3A_2492, %dma_wait3A_2493] : memref<40960x128xf32, #tpu.memory_space<hbm>> -> memref<80x128xf32, #tpu.memory_space<hbm>>
      %dma_wait3A_2495 = tpu.memref_slice %arg12[%dma_wait3A_2487] : memref<8x!tpu.dma_semaphore, #tpu.memory_space<semaphore_mem>> -> memref<1x!tpu.dma_semaphore, #tpu.memory_space<semaphore_mem>>
      %dma_wait3A_2496 = tpu.memref_squeeze %dma_wait3A_2495 : memref<1x!tpu.dma_semaphore, #tpu.memory_space<semaphore_mem>> -> memref<!tpu.dma_semaphore, #tpu.memory_space<semaphore_mem>>
      %dma_wait3A_2497 = arith.constant 0 : i32
      %dma_wait3A_2498 = arith.constant 0 : i32
      %dma_wait3A_2499 = tpu.memref_slice %arg11[%dma_wait3A_2486, %dma_wait3A_2497, %dma_wait3A_2498] : memref<8x80x128xf32, #tpu.memory_space<vmem>> -> memref<1x80x128xf32, #tpu.memory_space<vmem>>
      %dma_wait3A_2500 = tpu.memref_squeeze %dma_wait3A_2499 : memref<1x80x128xf32, #tpu.memory_space<vmem>> -> memref<80x128xf32, #tpu.memory_space<vmem>>
      %dma_wait3A_2501 = arith.constant 0 : i32
      %dma_wait3A_2502 = arith.constant 0 : i32
      %dma_wait3A_2503 = tpu.memref_slice %arg5[%dma_wait3A_2501, %dma_wait3A_2502] : memref<40960x128xf32, #tpu.memory_space<hbm>> -> memref<80x128xf32, #tpu.memory_space<hbm>>
      tpu.wait_dma2 semaphore(%dma_wait3A_2496 : memref<!tpu.dma_semaphore, #tpu.memory_space<semaphore_mem>>) src(%dma_wait3A_2503 : memref<80x128xf32, #tpu.memory_space<hbm>>) dst(%dma_wait3A_2500 : memref<80x128xf32, #tpu.memory_space<vmem>>)
      %add3A_2504 = arith.constant 1 : i32
      %add3A_2505 = arith.addi %scan3A_2178, %add3A_2504 : i32
      %lt3A_2506 = arith.constant 40 : i32
      %lt3A_2507 = arith.cmpi slt, %add3A_2505, %lt3A_2506 : i32
      %convert_element_type3A_2508 = arith.extui %lt3A_2507 : i1 to i32
      %cond3A_2509 = arith.constant 0 : i32
      %cond3A_2510 = arith.cmpi ne, %convert_element_type3A_2508, %cond3A_2509 : i32
      scf.if %cond3A_2510 {
        %dma_start3A_2647 = arith.constant 0 : i32
        %dma_start3A_2648 = arith.constant 0 : i32
        %dma_start3A_2649 = arith.constant 0 : i32
        %dma_start3A_2650 = arith.constant 0 : i32
        %dma_start3A_2651 = arith.constant 0 : i32
        %dma_start3A_2652 = tpu.memref_slice %arg11[%dma_start3A_2648, %dma_start3A_2650, %dma_start3A_2651] : memref<8x80x128xf32, #tpu.memory_space<vmem>> -> memref<1x80x128xf32, #tpu.memory_space<vmem>>
        %dma_start3A_2653 = tpu.memref_squeeze %dma_start3A_2652 : memref<1x80x128xf32, #tpu.memory_space<vmem>> -> memref<80x128xf32, #tpu.memory_space<vmem>>
        %dma_start3A_2654 = arith.constant 0 : i32
        %dma_start3A_2655 = tpu.memref_slice %arg10[%rem3A_2183, %dma_start3A_2647, %dma_start3A_2654] : memref<2x8x80xi32, #tpu.memory_space<vmem>> -> memref<1x1x80xi32, #tpu.memory_space<vmem>>
        %dma_start3A_2656 = tpu.memref_squeeze %dma_start3A_2655 : memref<1x1x80xi32, #tpu.memory_space<vmem>> -> memref<80xi32, #tpu.memory_space<vmem>>
        %dma_start3A_2657 = arith.constant 0 : i32
        %dma_start3A_2658 = arith.constant 0 : i32
        %dma_start3A_2659 = tpu.memref_slice %arg5[%dma_start3A_2657, %dma_start3A_2658] : memref<40960x128xf32, #tpu.memory_space<hbm>> -> memref<40960x128xf32, #tpu.memory_space<hbm>>
        %dma_start3A_2660 = tpu.memref_slice %arg12[%dma_start3A_2649] : memref<8x!tpu.dma_semaphore, #tpu.memory_space<semaphore_mem>> -> memref<1x!tpu.dma_semaphore, #tpu.memory_space<semaphore_mem>>
        %dma_start3A_2661 = tpu.memref_squeeze %dma_start3A_2660 : memref<1x!tpu.dma_semaphore, #tpu.memory_space<semaphore_mem>> -> memref<!tpu.dma_semaphore, #tpu.memory_space<semaphore_mem>>
        tpu.enqueue_indirect_dma source(%dma_start3A_2659 : memref<40960x128xf32, #tpu.memory_space<hbm>>) target(%dma_start3A_2653 : memref<80x128xf32, #tpu.memory_space<vmem>>) offsets(%dma_start3A_2656 : memref<80xi32, #tpu.memory_space<vmem>>) semaphore(%dma_start3A_2661 : memref<!tpu.dma_semaphore, #tpu.memory_space<semaphore_mem>>)
      } else {
      }
      %add3A_2511 = arith.constant 400 : i32
      %add3A_2512 = arith.addi %add3A_2186, %add3A_2511 : i32
      %dma_start3A_2513 = arith.constant 5 : i32
      %dma_start3A_2514 = arith.constant 5 : i32
      %dma_start3A_2515 = arith.constant 0 : i32
      %dma_start3A_2516 = arith.constant 0 : i32
      %dma_start3A_2517 = tpu.memref_slice %arg11[%dma_start3A_2513, %dma_start3A_2515, %dma_start3A_2516] : memref<8x80x128xf32, #tpu.memory_space<vmem>> -> memref<1x80x128xf32, #tpu.memory_space<vmem>>
      %dma_start3A_2518 = tpu.memref_squeeze %dma_start3A_2517 : memref<1x80x128xf32, #tpu.memory_space<vmem>> -> memref<80x128xf32, #tpu.memory_space<vmem>>
      %dma_start3A_2519 = arith.constant 0 : i32
      %dma_start3A_2520 = tpu.memref_slice %arg6[%add3A_2512, %dma_start3A_2519] : memref<819200x128xf32, #tpu.memory_space<hbm>> -> memref<80x128xf32, #tpu.memory_space<hbm>>
      %dma_start3A_2521 = tpu.memref_slice %arg13[%dma_start3A_2514] : memref<8x!tpu.dma_semaphore, #tpu.memory_space<semaphore_mem>> -> memref<1x!tpu.dma_semaphore, #tpu.memory_space<semaphore_mem>>
      %dma_start3A_2522 = tpu.memref_squeeze %dma_start3A_2521 : memref<1x!tpu.dma_semaphore, #tpu.memory_space<semaphore_mem>> -> memref<!tpu.dma_semaphore, #tpu.memory_space<semaphore_mem>>
      %dma_start3A_2523 = arith.constant 0 : i32
      %dma_start3A_2524 = tpu.memref_slice %arg6[%add3A_2512, %dma_start3A_2523] : memref<819200x128xf32, #tpu.memory_space<hbm>> -> memref<80x128xf32, #tpu.memory_space<hbm>>
      %dma_start3A_2525 = arith.constant 0 : i32
      %dma_start3A_2526 = arith.constant 0 : i32
      %dma_start3A_2527 = tpu.memref_slice %arg11[%dma_start3A_2513, %dma_start3A_2525, %dma_start3A_2526] : memref<8x80x128xf32, #tpu.memory_space<vmem>> -> memref<1x80x128xf32, #tpu.memory_space<vmem>>
      %dma_start3A_2528 = tpu.memref_squeeze %dma_start3A_2527 : memref<1x80x128xf32, #tpu.memory_space<vmem>> -> memref<80x128xf32, #tpu.memory_space<vmem>>
      tpu.enqueue_dma source(%dma_start3A_2528 : memref<80x128xf32, #tpu.memory_space<vmem>>) target(%dma_start3A_2524 : memref<80x128xf32, #tpu.memory_space<hbm>>) target_semaphore(%dma_start3A_2522 : memref<!tpu.dma_semaphore, #tpu.memory_space<semaphore_mem>>)
      %dma_wait3A_2529 = arith.constant 1 : i32
      %dma_wait3A_2530 = arith.constant 1 : i32
      %dma_wait3A_2531 = arith.constant 0 : i32
      %dma_wait3A_2532 = arith.constant 0 : i32
      %dma_wait3A_2533 = tpu.memref_slice %arg11[%dma_wait3A_2529, %dma_wait3A_2531, %dma_wait3A_2532] : memref<8x80x128xf32, #tpu.memory_space<vmem>> -> memref<1x80x128xf32, #tpu.memory_space<vmem>>
      %dma_wait3A_2534 = tpu.memref_squeeze %dma_wait3A_2533 : memref<1x80x128xf32, #tpu.memory_space<vmem>> -> memref<80x128xf32, #tpu.memory_space<vmem>>
      %dma_wait3A_2535 = arith.constant 0 : i32
      %dma_wait3A_2536 = tpu.memref_slice %arg6[%mul3A_2, %dma_wait3A_2535] : memref<819200x128xf32, #tpu.memory_space<hbm>> -> memref<80x128xf32, #tpu.memory_space<hbm>>
      %dma_wait3A_2537 = tpu.memref_slice %arg13[%dma_wait3A_2530] : memref<8x!tpu.dma_semaphore, #tpu.memory_space<semaphore_mem>> -> memref<1x!tpu.dma_semaphore, #tpu.memory_space<semaphore_mem>>
      %dma_wait3A_2538 = tpu.memref_squeeze %dma_wait3A_2537 : memref<1x!tpu.dma_semaphore, #tpu.memory_space<semaphore_mem>> -> memref<!tpu.dma_semaphore, #tpu.memory_space<semaphore_mem>>
      %dma_wait3A_2539 = arith.constant 0 : i32
      %dma_wait3A_2540 = tpu.memref_slice %arg6[%mul3A_2, %dma_wait3A_2539] : memref<819200x128xf32, #tpu.memory_space<hbm>> -> memref<80x128xf32, #tpu.memory_space<hbm>>
      %dma_wait3A_2541 = arith.constant 0 : i32
      %dma_wait3A_2542 = arith.constant 0 : i32
      %dma_wait3A_2543 = tpu.memref_slice %arg11[%dma_wait3A_2529, %dma_wait3A_2541, %dma_wait3A_2542] : memref<8x80x128xf32, #tpu.memory_space<vmem>> -> memref<1x80x128xf32, #tpu.memory_space<vmem>>
      %dma_wait3A_2544 = tpu.memref_squeeze %dma_wait3A_2543 : memref<1x80x128xf32, #tpu.memory_space<vmem>> -> memref<80x128xf32, #tpu.memory_space<vmem>>
      tpu.wait_dma2 semaphore(%dma_wait3A_2538 : memref<!tpu.dma_semaphore, #tpu.memory_space<semaphore_mem>>) src(%dma_wait3A_2544 : memref<80x128xf32, #tpu.memory_space<vmem>>) dst(%dma_wait3A_2540 : memref<80x128xf32, #tpu.memory_space<hbm>>)
      %dma_wait3A_2545 = arith.constant 6 : i32
      %dma_wait3A_2546 = arith.constant 6 : i32
      %dma_wait3A_2547 = arith.constant 0 : i32
      %dma_wait3A_2548 = arith.constant 0 : i32
      %dma_wait3A_2549 = tpu.memref_slice %arg11[%dma_wait3A_2545, %dma_wait3A_2547, %dma_wait3A_2548] : memref<8x80x128xf32, #tpu.memory_space<vmem>> -> memref<1x80x128xf32, #tpu.memory_space<vmem>>
      %dma_wait3A_2550 = tpu.memref_squeeze %dma_wait3A_2549 : memref<1x80x128xf32, #tpu.memory_space<vmem>> -> memref<80x128xf32, #tpu.memory_space<vmem>>
      %dma_wait3A_2551 = arith.constant 0 : i32
      %dma_wait3A_2552 = arith.constant 0 : i32
      %dma_wait3A_2553 = tpu.memref_slice %arg5[%dma_wait3A_2551, %dma_wait3A_2552] : memref<40960x128xf32, #tpu.memory_space<hbm>> -> memref<80x128xf32, #tpu.memory_space<hbm>>
      %dma_wait3A_2554 = tpu.memref_slice %arg12[%dma_wait3A_2546] : memref<8x!tpu.dma_semaphore, #tpu.memory_space<semaphore_mem>> -> memref<1x!tpu.dma_semaphore, #tpu.memory_space<semaphore_mem>>
      %dma_wait3A_2555 = tpu.memref_squeeze %dma_wait3A_2554 : memref<1x!tpu.dma_semaphore, #tpu.memory_space<semaphore_mem>> -> memref<!tpu.dma_semaphore, #tpu.memory_space<semaphore_mem>>
      %dma_wait3A_2556 = arith.constant 0 : i32
      %dma_wait3A_2557 = arith.constant 0 : i32
      %dma_wait3A_2558 = tpu.memref_slice %arg11[%dma_wait3A_2545, %dma_wait3A_2556, %dma_wait3A_2557] : memref<8x80x128xf32, #tpu.memory_space<vmem>> -> memref<1x80x128xf32, #tpu.memory_space<vmem>>
      %dma_wait3A_2559 = tpu.memref_squeeze %dma_wait3A_2558 : memref<1x80x128xf32, #tpu.memory_space<vmem>> -> memref<80x128xf32, #tpu.memory_space<vmem>>
      %dma_wait3A_2560 = arith.constant 0 : i32
      %dma_wait3A_2561 = arith.constant 0 : i32
      %dma_wait3A_2562 = tpu.memref_slice %arg5[%dma_wait3A_2560, %dma_wait3A_2561] : memref<40960x128xf32, #tpu.memory_space<hbm>> -> memref<80x128xf32, #tpu.memory_space<hbm>>
      tpu.wait_dma2 semaphore(%dma_wait3A_2555 : memref<!tpu.dma_semaphore, #tpu.memory_space<semaphore_mem>>) src(%dma_wait3A_2562 : memref<80x128xf32, #tpu.memory_space<hbm>>) dst(%dma_wait3A_2559 : memref<80x128xf32, #tpu.memory_space<vmem>>)
      %add3A_2563 = arith.constant 1 : i32
      %add3A_2564 = arith.addi %scan3A_2178, %add3A_2563 : i32
      %lt3A_2565 = arith.constant 40 : i32
      %lt3A_2566 = arith.cmpi slt, %add3A_2564, %lt3A_2565 : i32
      %convert_element_type3A_2567 = arith.extui %lt3A_2566 : i1 to i32
      %cond3A_2568 = arith.constant 0 : i32
      %cond3A_2569 = arith.cmpi ne, %convert_element_type3A_2567, %cond3A_2568 : i32
      scf.if %cond3A_2569 {
        %dma_start3A_2647 = arith.constant 1 : i32
        %dma_start3A_2648 = arith.constant 1 : i32
        %dma_start3A_2649 = arith.constant 1 : i32
        %dma_start3A_2650 = arith.constant 0 : i32
        %dma_start3A_2651 = arith.constant 0 : i32
        %dma_start3A_2652 = tpu.memref_slice %arg11[%dma_start3A_2648, %dma_start3A_2650, %dma_start3A_2651] : memref<8x80x128xf32, #tpu.memory_space<vmem>> -> memref<1x80x128xf32, #tpu.memory_space<vmem>>
        %dma_start3A_2653 = tpu.memref_squeeze %dma_start3A_2652 : memref<1x80x128xf32, #tpu.memory_space<vmem>> -> memref<80x128xf32, #tpu.memory_space<vmem>>
        %dma_start3A_2654 = arith.constant 0 : i32
        %dma_start3A_2655 = tpu.memref_slice %arg10[%rem3A_2183, %dma_start3A_2647, %dma_start3A_2654] : memref<2x8x80xi32, #tpu.memory_space<vmem>> -> memref<1x1x80xi32, #tpu.memory_space<vmem>>
        %dma_start3A_2656 = tpu.memref_squeeze %dma_start3A_2655 : memref<1x1x80xi32, #tpu.memory_space<vmem>> -> memref<80xi32, #tpu.memory_space<vmem>>
        %dma_start3A_2657 = arith.constant 0 : i32
        %dma_start3A_2658 = arith.constant 0 : i32
        %dma_start3A_2659 = tpu.memref_slice %arg5[%dma_start3A_2657, %dma_start3A_2658] : memref<40960x128xf32, #tpu.memory_space<hbm>> -> memref<40960x128xf32, #tpu.memory_space<hbm>>
        %dma_start3A_2660 = tpu.memref_slice %arg12[%dma_start3A_2649] : memref<8x!tpu.dma_semaphore, #tpu.memory_space<semaphore_mem>> -> memref<1x!tpu.dma_semaphore, #tpu.memory_space<semaphore_mem>>
        %dma_start3A_2661 = tpu.memref_squeeze %dma_start3A_2660 : memref<1x!tpu.dma_semaphore, #tpu.memory_space<semaphore_mem>> -> memref<!tpu.dma_semaphore, #tpu.memory_space<semaphore_mem>>
        tpu.enqueue_indirect_dma source(%dma_start3A_2659 : memref<40960x128xf32, #tpu.memory_space<hbm>>) target(%dma_start3A_2653 : memref<80x128xf32, #tpu.memory_space<vmem>>) offsets(%dma_start3A_2656 : memref<80xi32, #tpu.memory_space<vmem>>) semaphore(%dma_start3A_2661 : memref<!tpu.dma_semaphore, #tpu.memory_space<semaphore_mem>>)
      } else {
      }
      %add3A_2570 = arith.constant 480 : i32
      %add3A_2571 = arith.addi %add3A_2186, %add3A_2570 : i32
      %dma_start3A_2572 = arith.constant 6 : i32
      %dma_start3A_2573 = arith.constant 6 : i32
      %dma_start3A_2574 = arith.constant 0 : i32
      %dma_start3A_2575 = arith.constant 0 : i32
      %dma_start3A_2576 = tpu.memref_slice %arg11[%dma_start3A_2572, %dma_start3A_2574, %dma_start3A_2575] : memref<8x80x128xf32, #tpu.memory_space<vmem>> -> memref<1x80x128xf32, #tpu.memory_space<vmem>>
      %dma_start3A_2577 = tpu.memref_squeeze %dma_start3A_2576 : memref<1x80x128xf32, #tpu.memory_space<vmem>> -> memref<80x128xf32, #tpu.memory_space<vmem>>
      %dma_start3A_2578 = arith.constant 0 : i32
      %dma_start3A_2579 = tpu.memref_slice %arg6[%add3A_2571, %dma_start3A_2578] : memref<819200x128xf32, #tpu.memory_space<hbm>> -> memref<80x128xf32, #tpu.memory_space<hbm>>
      %dma_start3A_2580 = tpu.memref_slice %arg13[%dma_start3A_2573] : memref<8x!tpu.dma_semaphore, #tpu.memory_space<semaphore_mem>> -> memref<1x!tpu.dma_semaphore, #tpu.memory_space<semaphore_mem>>
      %dma_start3A_2581 = tpu.memref_squeeze %dma_start3A_2580 : memref<1x!tpu.dma_semaphore, #tpu.memory_space<semaphore_mem>> -> memref<!tpu.dma_semaphore, #tpu.memory_space<semaphore_mem>>
      %dma_start3A_2582 = arith.constant 0 : i32
      %dma_start3A_2583 = tpu.memref_slice %arg6[%add3A_2571, %dma_start3A_2582] : memref<819200x128xf32, #tpu.memory_space<hbm>> -> memref<80x128xf32, #tpu.memory_space<hbm>>
      %dma_start3A_2584 = arith.constant 0 : i32
      %dma_start3A_2585 = arith.constant 0 : i32
      %dma_start3A_2586 = tpu.memref_slice %arg11[%dma_start3A_2572, %dma_start3A_2584, %dma_start3A_2585] : memref<8x80x128xf32, #tpu.memory_space<vmem>> -> memref<1x80x128xf32, #tpu.memory_space<vmem>>
      %dma_start3A_2587 = tpu.memref_squeeze %dma_start3A_2586 : memref<1x80x128xf32, #tpu.memory_space<vmem>> -> memref<80x128xf32, #tpu.memory_space<vmem>>
      tpu.enqueue_dma source(%dma_start3A_2587 : memref<80x128xf32, #tpu.memory_space<vmem>>) target(%dma_start3A_2583 : memref<80x128xf32, #tpu.memory_space<hbm>>) target_semaphore(%dma_start3A_2581 : memref<!tpu.dma_semaphore, #tpu.memory_space<semaphore_mem>>)
      %dma_wait3A_2588 = arith.constant 2 : i32
      %dma_wait3A_2589 = arith.constant 2 : i32
      %dma_wait3A_2590 = arith.constant 0 : i32
      %dma_wait3A_2591 = arith.constant 0 : i32
      %dma_wait3A_2592 = tpu.memref_slice %arg11[%dma_wait3A_2588, %dma_wait3A_2590, %dma_wait3A_2591] : memref<8x80x128xf32, #tpu.memory_space<vmem>> -> memref<1x80x128xf32, #tpu.memory_space<vmem>>
      %dma_wait3A_2593 = tpu.memref_squeeze %dma_wait3A_2592 : memref<1x80x128xf32, #tpu.memory_space<vmem>> -> memref<80x128xf32, #tpu.memory_space<vmem>>
      %dma_wait3A_2594 = arith.constant 0 : i32
      %dma_wait3A_2595 = tpu.memref_slice %arg6[%mul3A_2, %dma_wait3A_2594] : memref<819200x128xf32, #tpu.memory_space<hbm>> -> memref<80x128xf32, #tpu.memory_space<hbm>>
      %dma_wait3A_2596 = tpu.memref_slice %arg13[%dma_wait3A_2589] : memref<8x!tpu.dma_semaphore, #tpu.memory_space<semaphore_mem>> -> memref<1x!tpu.dma_semaphore, #tpu.memory_space<semaphore_mem>>
      %dma_wait3A_2597 = tpu.memref_squeeze %dma_wait3A_2596 : memref<1x!tpu.dma_semaphore, #tpu.memory_space<semaphore_mem>> -> memref<!tpu.dma_semaphore, #tpu.memory_space<semaphore_mem>>
      %dma_wait3A_2598 = arith.constant 0 : i32
      %dma_wait3A_2599 = tpu.memref_slice %arg6[%mul3A_2, %dma_wait3A_2598] : memref<819200x128xf32, #tpu.memory_space<hbm>> -> memref<80x128xf32, #tpu.memory_space<hbm>>
      %dma_wait3A_2600 = arith.constant 0 : i32
      %dma_wait3A_2601 = arith.constant 0 : i32
      %dma_wait3A_2602 = tpu.memref_slice %arg11[%dma_wait3A_2588, %dma_wait3A_2600, %dma_wait3A_2601] : memref<8x80x128xf32, #tpu.memory_space<vmem>> -> memref<1x80x128xf32, #tpu.memory_space<vmem>>
      %dma_wait3A_2603 = tpu.memref_squeeze %dma_wait3A_2602 : memref<1x80x128xf32, #tpu.memory_space<vmem>> -> memref<80x128xf32, #tpu.memory_space<vmem>>
      tpu.wait_dma2 semaphore(%dma_wait3A_2597 : memref<!tpu.dma_semaphore, #tpu.memory_space<semaphore_mem>>) src(%dma_wait3A_2603 : memref<80x128xf32, #tpu.memory_space<vmem>>) dst(%dma_wait3A_2599 : memref<80x128xf32, #tpu.memory_space<hbm>>)
      %dma_wait3A_2604 = arith.constant 7 : i32
      %dma_wait3A_2605 = arith.constant 7 : i32
      %dma_wait3A_2606 = arith.constant 0 : i32
      %dma_wait3A_2607 = arith.constant 0 : i32
      %dma_wait3A_2608 = tpu.memref_slice %arg11[%dma_wait3A_2604, %dma_wait3A_2606, %dma_wait3A_2607] : memref<8x80x128xf32, #tpu.memory_space<vmem>> -> memref<1x80x128xf32, #tpu.memory_space<vmem>>
      %dma_wait3A_2609 = tpu.memref_squeeze %dma_wait3A_2608 : memref<1x80x128xf32, #tpu.memory_space<vmem>> -> memref<80x128xf32, #tpu.memory_space<vmem>>
      %dma_wait3A_2610 = arith.constant 0 : i32
      %dma_wait3A_2611 = arith.constant 0 : i32
      %dma_wait3A_2612 = tpu.memref_slice %arg5[%dma_wait3A_2610, %dma_wait3A_2611] : memref<40960x128xf32, #tpu.memory_space<hbm>> -> memref<80x128xf32, #tpu.memory_space<hbm>>
      %dma_wait3A_2613 = tpu.memref_slice %arg12[%dma_wait3A_2605] : memref<8x!tpu.dma_semaphore, #tpu.memory_space<semaphore_mem>> -> memref<1x!tpu.dma_semaphore, #tpu.memory_space<semaphore_mem>>
      %dma_wait3A_2614 = tpu.memref_squeeze %dma_wait3A_2613 : memref<1x!tpu.dma_semaphore, #tpu.memory_space<semaphore_mem>> -> memref<!tpu.dma_semaphore, #tpu.memory_space<semaphore_mem>>
      %dma_wait3A_2615 = arith.constant 0 : i32
      %dma_wait3A_2616 = arith.constant 0 : i32
      %dma_wait3A_2617 = tpu.memref_slice %arg11[%dma_wait3A_2604, %dma_wait3A_2615, %dma_wait3A_2616] : memref<8x80x128xf32, #tpu.memory_space<vmem>> -> memref<1x80x128xf32, #tpu.memory_space<vmem>>
      %dma_wait3A_2618 = tpu.memref_squeeze %dma_wait3A_2617 : memref<1x80x128xf32, #tpu.memory_space<vmem>> -> memref<80x128xf32, #tpu.memory_space<vmem>>
      %dma_wait3A_2619 = arith.constant 0 : i32
      %dma_wait3A_2620 = arith.constant 0 : i32
      %dma_wait3A_2621 = tpu.memref_slice %arg5[%dma_wait3A_2619, %dma_wait3A_2620] : memref<40960x128xf32, #tpu.memory_space<hbm>> -> memref<80x128xf32, #tpu.memory_space<hbm>>
      tpu.wait_dma2 semaphore(%dma_wait3A_2614 : memref<!tpu.dma_semaphore, #tpu.memory_space<semaphore_mem>>) src(%dma_wait3A_2621 : memref<80x128xf32, #tpu.memory_space<hbm>>) dst(%dma_wait3A_2618 : memref<80x128xf32, #tpu.memory_space<vmem>>)
      %add3A_2622 = arith.constant 1 : i32
      %add3A_2623 = arith.addi %scan3A_2178, %add3A_2622 : i32
      %lt3A_2624 = arith.constant 40 : i32
      %lt3A_2625 = arith.cmpi slt, %add3A_2623, %lt3A_2624 : i32
      %convert_element_type3A_2626 = arith.extui %lt3A_2625 : i1 to i32
      %cond3A_2627 = arith.constant 0 : i32
      %cond3A_2628 = arith.cmpi ne, %convert_element_type3A_2626, %cond3A_2627 : i32
      scf.if %cond3A_2628 {
        %dma_start3A_2647 = arith.constant 2 : i32
        %dma_start3A_2648 = arith.constant 2 : i32
        %dma_start3A_2649 = arith.constant 2 : i32
        %dma_start3A_2650 = arith.constant 0 : i32
        %dma_start3A_2651 = arith.constant 0 : i32
        %dma_start3A_2652 = tpu.memref_slice %arg11[%dma_start3A_2648, %dma_start3A_2650, %dma_start3A_2651] : memref<8x80x128xf32, #tpu.memory_space<vmem>> -> memref<1x80x128xf32, #tpu.memory_space<vmem>>
        %dma_start3A_2653 = tpu.memref_squeeze %dma_start3A_2652 : memref<1x80x128xf32, #tpu.memory_space<vmem>> -> memref<80x128xf32, #tpu.memory_space<vmem>>
        %dma_start3A_2654 = arith.constant 0 : i32
        %dma_start3A_2655 = tpu.memref_slice %arg10[%rem3A_2183, %dma_start3A_2647, %dma_start3A_2654] : memref<2x8x80xi32, #tpu.memory_space<vmem>> -> memref<1x1x80xi32, #tpu.memory_space<vmem>>
        %dma_start3A_2656 = tpu.memref_squeeze %dma_start3A_2655 : memref<1x1x80xi32, #tpu.memory_space<vmem>> -> memref<80xi32, #tpu.memory_space<vmem>>
        %dma_start3A_2657 = arith.constant 0 : i32
        %dma_start3A_2658 = arith.constant 0 : i32
        %dma_start3A_2659 = tpu.memref_slice %arg5[%dma_start3A_2657, %dma_start3A_2658] : memref<40960x128xf32, #tpu.memory_space<hbm>> -> memref<40960x128xf32, #tpu.memory_space<hbm>>
        %dma_start3A_2660 = tpu.memref_slice %arg12[%dma_start3A_2649] : memref<8x!tpu.dma_semaphore, #tpu.memory_space<semaphore_mem>> -> memref<1x!tpu.dma_semaphore, #tpu.memory_space<semaphore_mem>>
        %dma_start3A_2661 = tpu.memref_squeeze %dma_start3A_2660 : memref<1x!tpu.dma_semaphore, #tpu.memory_space<semaphore_mem>> -> memref<!tpu.dma_semaphore, #tpu.memory_space<semaphore_mem>>
        tpu.enqueue_indirect_dma source(%dma_start3A_2659 : memref<40960x128xf32, #tpu.memory_space<hbm>>) target(%dma_start3A_2653 : memref<80x128xf32, #tpu.memory_space<vmem>>) offsets(%dma_start3A_2656 : memref<80xi32, #tpu.memory_space<vmem>>) semaphore(%dma_start3A_2661 : memref<!tpu.dma_semaphore, #tpu.memory_space<semaphore_mem>>)
      } else {
      }
      %add3A_2629 = arith.constant 560 : i32
      %add3A_2630 = arith.addi %add3A_2186, %add3A_2629 : i32
      %dma_start3A_2631 = arith.constant 7 : i32
      %dma_start3A_2632 = arith.constant 7 : i32
      %dma_start3A_2633 = arith.constant 0 : i32
      %dma_start3A_2634 = arith.constant 0 : i32
      %dma_start3A_2635 = tpu.memref_slice %arg11[%dma_start3A_2631, %dma_start3A_2633, %dma_start3A_2634] : memref<8x80x128xf32, #tpu.memory_space<vmem>> -> memref<1x80x128xf32, #tpu.memory_space<vmem>>
      %dma_start3A_2636 = tpu.memref_squeeze %dma_start3A_2635 : memref<1x80x128xf32, #tpu.memory_space<vmem>> -> memref<80x128xf32, #tpu.memory_space<vmem>>
      %dma_start3A_2637 = arith.constant 0 : i32
      %dma_start3A_2638 = tpu.memref_slice %arg6[%add3A_2630, %dma_start3A_2637] : memref<819200x128xf32, #tpu.memory_space<hbm>> -> memref<80x128xf32, #tpu.memory_space<hbm>>
      %dma_start3A_2639 = tpu.memref_slice %arg13[%dma_start3A_2632] : memref<8x!tpu.dma_semaphore, #tpu.memory_space<semaphore_mem>> -> memref<1x!tpu.dma_semaphore, #tpu.memory_space<semaphore_mem>>
      %dma_start3A_2640 = tpu.memref_squeeze %dma_start3A_2639 : memref<1x!tpu.dma_semaphore, #tpu.memory_space<semaphore_mem>> -> memref<!tpu.dma_semaphore, #tpu.memory_space<semaphore_mem>>
      %dma_start3A_2641 = arith.constant 0 : i32
      %dma_start3A_2642 = tpu.memref_slice %arg6[%add3A_2630, %dma_start3A_2641] : memref<819200x128xf32, #tpu.memory_space<hbm>> -> memref<80x128xf32, #tpu.memory_space<hbm>>
      %dma_start3A_2643 = arith.constant 0 : i32
      %dma_start3A_2644 = arith.constant 0 : i32
      %dma_start3A_2645 = tpu.memref_slice %arg11[%dma_start3A_2631, %dma_start3A_2643, %dma_start3A_2644] : memref<8x80x128xf32, #tpu.memory_space<vmem>> -> memref<1x80x128xf32, #tpu.memory_space<vmem>>
      %dma_start3A_2646 = tpu.memref_squeeze %dma_start3A_2645 : memref<1x80x128xf32, #tpu.memory_space<vmem>> -> memref<80x128xf32, #tpu.memory_space<vmem>>
      tpu.enqueue_dma source(%dma_start3A_2646 : memref<80x128xf32, #tpu.memory_space<vmem>>) target(%dma_start3A_2642 : memref<80x128xf32, #tpu.memory_space<hbm>>) target_semaphore(%dma_start3A_2640 : memref<!tpu.dma_semaphore, #tpu.memory_space<semaphore_mem>>)
    }
    %scan3A_2097 = arith.constant 40 : i32
    %dma_wait3A_2098 = arith.constant 3 : i32
    %dma_wait3A_2099 = arith.constant 3 : i32
    %dma_wait3A_2100 = arith.constant 0 : i32
    %dma_wait3A_2101 = arith.constant 0 : i32
    %dma_wait3A_2102 = tpu.memref_slice %arg11[%dma_wait3A_2098, %dma_wait3A_2100, %dma_wait3A_2101] : memref<8x80x128xf32, #tpu.memory_space<vmem>> -> memref<1x80x128xf32, #tpu.memory_space<vmem>>
    %dma_wait3A_2103 = tpu.memref_squeeze %dma_wait3A_2102 : memref<1x80x128xf32, #tpu.memory_space<vmem>> -> memref<80x128xf32, #tpu.memory_space<vmem>>
    %dma_wait3A_2104 = arith.constant 0 : i32
    %dma_wait3A_2105 = tpu.memref_slice %arg6[%mul3A_2, %dma_wait3A_2104] : memref<819200x128xf32, #tpu.memory_space<hbm>> -> memref<80x128xf32, #tpu.memory_space<hbm>>
    %dma_wait3A_2106 = tpu.memref_slice %arg13[%dma_wait3A_2099] : memref<8x!tpu.dma_semaphore, #tpu.memory_space<semaphore_mem>> -> memref<1x!tpu.dma_semaphore, #tpu.memory_space<semaphore_mem>>
    %dma_wait3A_2107 = tpu.memref_squeeze %dma_wait3A_2106 : memref<1x!tpu.dma_semaphore, #tpu.memory_space<semaphore_mem>> -> memref<!tpu.dma_semaphore, #tpu.memory_space<semaphore_mem>>
    %dma_wait3A_2108 = arith.constant 0 : i32
    %dma_wait3A_2109 = tpu.memref_slice %arg6[%mul3A_2, %dma_wait3A_2108] : memref<819200x128xf32, #tpu.memory_space<hbm>> -> memref<80x128xf32, #tpu.memory_space<hbm>>
    %dma_wait3A_2110 = arith.constant 0 : i32
    %dma_wait3A_2111 = arith.constant 0 : i32
    %dma_wait3A_2112 = tpu.memref_slice %arg11[%dma_wait3A_2098, %dma_wait3A_2110, %dma_wait3A_2111] : memref<8x80x128xf32, #tpu.memory_space<vmem>> -> memref<1x80x128xf32, #tpu.memory_space<vmem>>
    %dma_wait3A_2113 = tpu.memref_squeeze %dma_wait3A_2112 : memref<1x80x128xf32, #tpu.memory_space<vmem>> -> memref<80x128xf32, #tpu.memory_space<vmem>>
    tpu.wait_dma2 semaphore(%dma_wait3A_2107 : memref<!tpu.dma_semaphore, #tpu.memory_space<semaphore_mem>>) src(%dma_wait3A_2113 : memref<80x128xf32, #tpu.memory_space<vmem>>) dst(%dma_wait3A_2109 : memref<80x128xf32, #tpu.memory_space<hbm>>)
    %dma_wait3A_2114 = arith.constant 4 : i32
    %dma_wait3A_2115 = arith.constant 4 : i32
    %dma_wait3A_2116 = arith.constant 0 : i32
    %dma_wait3A_2117 = arith.constant 0 : i32
    %dma_wait3A_2118 = tpu.memref_slice %arg11[%dma_wait3A_2114, %dma_wait3A_2116, %dma_wait3A_2117] : memref<8x80x128xf32, #tpu.memory_space<vmem>> -> memref<1x80x128xf32, #tpu.memory_space<vmem>>
    %dma_wait3A_2119 = tpu.memref_squeeze %dma_wait3A_2118 : memref<1x80x128xf32, #tpu.memory_space<vmem>> -> memref<80x128xf32, #tpu.memory_space<vmem>>
    %dma_wait3A_2120 = arith.constant 0 : i32
    %dma_wait3A_2121 = tpu.memref_slice %arg6[%mul3A_2, %dma_wait3A_2120] : memref<819200x128xf32, #tpu.memory_space<hbm>> -> memref<80x128xf32, #tpu.memory_space<hbm>>
    %dma_wait3A_2122 = tpu.memref_slice %arg13[%dma_wait3A_2115] : memref<8x!tpu.dma_semaphore, #tpu.memory_space<semaphore_mem>> -> memref<1x!tpu.dma_semaphore, #tpu.memory_space<semaphore_mem>>
    %dma_wait3A_2123 = tpu.memref_squeeze %dma_wait3A_2122 : memref<1x!tpu.dma_semaphore, #tpu.memory_space<semaphore_mem>> -> memref<!tpu.dma_semaphore, #tpu.memory_space<semaphore_mem>>
    %dma_wait3A_2124 = arith.constant 0 : i32
    %dma_wait3A_2125 = tpu.memref_slice %arg6[%mul3A_2, %dma_wait3A_2124] : memref<819200x128xf32, #tpu.memory_space<hbm>> -> memref<80x128xf32, #tpu.memory_space<hbm>>
    %dma_wait3A_2126 = arith.constant 0 : i32
    %dma_wait3A_2127 = arith.constant 0 : i32
    %dma_wait3A_2128 = tpu.memref_slice %arg11[%dma_wait3A_2114, %dma_wait3A_2126, %dma_wait3A_2127] : memref<8x80x128xf32, #tpu.memory_space<vmem>> -> memref<1x80x128xf32, #tpu.memory_space<vmem>>
    %dma_wait3A_2129 = tpu.memref_squeeze %dma_wait3A_2128 : memref<1x80x128xf32, #tpu.memory_space<vmem>> -> memref<80x128xf32, #tpu.memory_space<vmem>>
    tpu.wait_dma2 semaphore(%dma_wait3A_2123 : memref<!tpu.dma_semaphore, #tpu.memory_space<semaphore_mem>>) src(%dma_wait3A_2129 : memref<80x128xf32, #tpu.memory_space<vmem>>) dst(%dma_wait3A_2125 : memref<80x128xf32, #tpu.memory_space<hbm>>)
    %dma_wait3A_2130 = arith.constant 5 : i32
    %dma_wait3A_2131 = arith.constant 5 : i32
    %dma_wait3A_2132 = arith.constant 0 : i32
    %dma_wait3A_2133 = arith.constant 0 : i32
    %dma_wait3A_2134 = tpu.memref_slice %arg11[%dma_wait3A_2130, %dma_wait3A_2132, %dma_wait3A_2133] : memref<8x80x128xf32, #tpu.memory_space<vmem>> -> memref<1x80x128xf32, #tpu.memory_space<vmem>>
    %dma_wait3A_2135 = tpu.memref_squeeze %dma_wait3A_2134 : memref<1x80x128xf32, #tpu.memory_space<vmem>> -> memref<80x128xf32, #tpu.memory_space<vmem>>
    %dma_wait3A_2136 = arith.constant 0 : i32
    %dma_wait3A_2137 = tpu.memref_slice %arg6[%mul3A_2, %dma_wait3A_2136] : memref<819200x128xf32, #tpu.memory_space<hbm>> -> memref<80x128xf32, #tpu.memory_space<hbm>>
    %dma_wait3A_2138 = tpu.memref_slice %arg13[%dma_wait3A_2131] : memref<8x!tpu.dma_semaphore, #tpu.memory_space<semaphore_mem>> -> memref<1x!tpu.dma_semaphore, #tpu.memory_space<semaphore_mem>>
    %dma_wait3A_2139 = tpu.memref_squeeze %dma_wait3A_2138 : memref<1x!tpu.dma_semaphore, #tpu.memory_space<semaphore_mem>> -> memref<!tpu.dma_semaphore, #tpu.memory_space<semaphore_mem>>
    %dma_wait3A_2140 = arith.constant 0 : i32
    %dma_wait3A_2141 = tpu.memref_slice %arg6[%mul3A_2, %dma_wait3A_2140] : memref<819200x128xf32, #tpu.memory_space<hbm>> -> memref<80x128xf32, #tpu.memory_space<hbm>>
    %dma_wait3A_2142 = arith.constant 0 : i32
    %dma_wait3A_2143 = arith.constant 0 : i32
    %dma_wait3A_2144 = tpu.memref_slice %arg11[%dma_wait3A_2130, %dma_wait3A_2142, %dma_wait3A_2143] : memref<8x80x128xf32, #tpu.memory_space<vmem>> -> memref<1x80x128xf32, #tpu.memory_space<vmem>>
    %dma_wait3A_2145 = tpu.memref_squeeze %dma_wait3A_2144 : memref<1x80x128xf32, #tpu.memory_space<vmem>> -> memref<80x128xf32, #tpu.memory_space<vmem>>
    tpu.wait_dma2 semaphore(%dma_wait3A_2139 : memref<!tpu.dma_semaphore, #tpu.memory_space<semaphore_mem>>) src(%dma_wait3A_2145 : memref<80x128xf32, #tpu.memory_space<vmem>>) dst(%dma_wait3A_2141 : memref<80x128xf32, #tpu.memory_space<hbm>>)
    %dma_wait3A_2146 = arith.constant 6 : i32
    %dma_wait3A_2147 = arith.constant 6 : i32
    %dma_wait3A_2148 = arith.constant 0 : i32
    %dma_wait3A_2149 = arith.constant 0 : i32
    %dma_wait3A_2150 = tpu.memref_slice %arg11[%dma_wait3A_2146, %dma_wait3A_2148, %dma_wait3A_2149] : memref<8x80x128xf32, #tpu.memory_space<vmem>> -> memref<1x80x128xf32, #tpu.memory_space<vmem>>
    %dma_wait3A_2151 = tpu.memref_squeeze %dma_wait3A_2150 : memref<1x80x128xf32, #tpu.memory_space<vmem>> -> memref<80x128xf32, #tpu.memory_space<vmem>>
    %dma_wait3A_2152 = arith.constant 0 : i32
    %dma_wait3A_2153 = tpu.memref_slice %arg6[%mul3A_2, %dma_wait3A_2152] : memref<819200x128xf32, #tpu.memory_space<hbm>> -> memref<80x128xf32, #tpu.memory_space<hbm>>
    %dma_wait3A_2154 = tpu.memref_slice %arg13[%dma_wait3A_2147] : memref<8x!tpu.dma_semaphore, #tpu.memory_space<semaphore_mem>> -> memref<1x!tpu.dma_semaphore, #tpu.memory_space<semaphore_mem>>
    %dma_wait3A_2155 = tpu.memref_squeeze %dma_wait3A_2154 : memref<1x!tpu.dma_semaphore, #tpu.memory_space<semaphore_mem>> -> memref<!tpu.dma_semaphore, #tpu.memory_space<semaphore_mem>>
    %dma_wait3A_2156 = arith.constant 0 : i32
    %dma_wait3A_2157 = tpu.memref_slice %arg6[%mul3A_2, %dma_wait3A_2156] : memref<819200x128xf32, #tpu.memory_space<hbm>> -> memref<80x128xf32, #tpu.memory_space<hbm>>
    %dma_wait3A_2158 = arith.constant 0 : i32
    %dma_wait3A_2159 = arith.constant 0 : i32
    %dma_wait3A_2160 = tpu.memref_slice %arg11[%dma_wait3A_2146, %dma_wait3A_2158, %dma_wait3A_2159] : memref<8x80x128xf32, #tpu.memory_space<vmem>> -> memref<1x80x128xf32, #tpu.memory_space<vmem>>
    %dma_wait3A_2161 = tpu.memref_squeeze %dma_wait3A_2160 : memref<1x80x128xf32, #tpu.memory_space<vmem>> -> memref<80x128xf32, #tpu.memory_space<vmem>>
    tpu.wait_dma2 semaphore(%dma_wait3A_2155 : memref<!tpu.dma_semaphore, #tpu.memory_space<semaphore_mem>>) src(%dma_wait3A_2161 : memref<80x128xf32, #tpu.memory_space<vmem>>) dst(%dma_wait3A_2157 : memref<80x128xf32, #tpu.memory_space<hbm>>)
    %dma_wait3A_2162 = arith.constant 7 : i32
    %dma_wait3A_2163 = arith.constant 7 : i32
    %dma_wait3A_2164 = arith.constant 0 : i32
    %dma_wait3A_2165 = arith.constant 0 : i32
    %dma_wait3A_2166 = tpu.memref_slice %arg11[%dma_wait3A_2162, %dma_wait3A_2164, %dma_wait3A_2165] : memref<8x80x128xf32, #tpu.memory_space<vmem>> -> memref<1x80x128xf32, #tpu.memory_space<vmem>>
    %dma_wait3A_2167 = tpu.memref_squeeze %dma_wait3A_2166 : memref<1x80x128xf32, #tpu.memory_space<vmem>> -> memref<80x128xf32, #tpu.memory_space<vmem>>
    %dma_wait3A_2168 = arith.constant 0 : i32
    %dma_wait3A_2169 = tpu.memref_slice %arg6[%mul3A_2, %dma_wait3A_2168] : memref<819200x128xf32, #tpu.memory_space<hbm>> -> memref<80x128xf32, #tpu.memory_space<hbm>>
    %dma_wait3A_2170 = tpu.memref_slice %arg13[%dma_wait3A_2163] : memref<8x!tpu.dma_semaphore, #tpu.memory_space<semaphore_mem>> -> memref<1x!tpu.dma_semaphore, #tpu.memory_space<semaphore_mem>>
    %dma_wait3A_2171 = tpu.memref_squeeze %dma_wait3A_2170 : memref<1x!tpu.dma_semaphore, #tpu.memory_space<semaphore_mem>> -> memref<!tpu.dma_semaphore, #tpu.memory_space<semaphore_mem>>
    %dma_wait3A_2172 = arith.constant 0 : i32
    %dma_wait3A_2173 = tpu.memref_slice %arg6[%mul3A_2, %dma_wait3A_2172] : memref<819200x128xf32, #tpu.memory_space<hbm>> -> memref<80x128xf32, #tpu.memory_space<hbm>>
    %dma_wait3A_2174 = arith.constant 0 : i32
    %dma_wait3A_2175 = arith.constant 0 : i32
    %dma_wait3A_2176 = tpu.memref_slice %arg11[%dma_wait3A_2162, %dma_wait3A_2174, %dma_wait3A_2175] : memref<8x80x128xf32, #tpu.memory_space<vmem>> -> memref<1x80x128xf32, #tpu.memory_space<vmem>>
    %dma_wait3A_2177 = tpu.memref_squeeze %dma_wait3A_2176 : memref<1x80x128xf32, #tpu.memory_space<vmem>> -> memref<80x128xf32, #tpu.memory_space<vmem>>
    tpu.wait_dma2 semaphore(%dma_wait3A_2171 : memref<!tpu.dma_semaphore, #tpu.memory_space<semaphore_mem>>) src(%dma_wait3A_2177 : memref<80x128xf32, #tpu.memory_space<vmem>>) dst(%dma_wait3A_2173 : memref<80x128xf32, #tpu.memory_space<hbm>>)
    return
  }
}

module attributes {stable_mosaic.version = 14 : i64} {
  func.func @body(%arg0: i32, %arg1: memref<10x128xf32, #tpu.memory_space<vmem>>, %arg2: memref<64x128xf32, #tpu.memory_space<vmem>>, %arg3: memref<64x128xf32, #tpu.memory_space<vmem>>, %arg4: memref<64x64x128xf32, #tpu.memory_space<vmem>>) attributes {dimension_semantics = [#tpu.dimension_semantics<arbitrary>], iteration_bounds = array<i64: 10>, scalar_prefetch = 0 : i64, scratch_operands = 0 : i64, tpu.core_type = #tpu.core_type<tc>, window_params = [{pipeline_mode = #tpu.pipeline_mode<synchronous>, transform_indices = @transform_0, window_bounds = array<i64: 10, 128>}, {pipeline_mode = #tpu.pipeline_mode<synchronous>, transform_indices = @transform_1, window_bounds = array<i64: 64, 128>}, {pipeline_mode = #tpu.pipeline_mode<synchronous>, transform_indices = @transform_2, window_bounds = array<i64: 64, 128>}, {transform_indices = @transform_3, window_bounds = array<i64: 64, 64, 128>}]} {
    %get3A = arith.constant 0 : index
    %get3A_0 = arith.constant 0 : index
    %get3A_1 = vector.load %arg2[%get3A, %get3A_0] : memref<64x128xf32, #tpu.memory_space<vmem>>, vector<64x128xf32>
    %get3A_2 = arith.constant 0 : index
    %get3A_3 = arith.constant 0 : index
    %get3A_4 = vector.load %arg3[%get3A_2, %get3A_3] : memref<64x128xf32, #tpu.memory_space<vmem>>, vector<64x128xf32>
    %get3A_5 = arith.index_cast %arg0 : i32 to index
    %get3A_6 = arith.constant 0 : index
    %get3A_7 = vector.load %arg1[%get3A_5, %get3A_6] : memref<10x128xf32, #tpu.memory_space<vmem>>, vector<1x128xf32>
    %broadcast_in_dim3A = vector.shape_cast %get3A_1 : vector<64x128xf32> to vector<64x1x128xf32>
    %broadcast_in_dim3A_8 = vector.shape_cast %get3A_4 : vector<64x128xf32> to vector<1x64x128xf32>
    %add3A = vector.broadcast %broadcast_in_dim3A : vector<64x1x128xf32> to vector<64x64x128xf32>
    %add3A_9 = vector.broadcast %broadcast_in_dim3A_8 : vector<1x64x128xf32> to vector<64x64x128xf32>
    %add3A_10 = arith.addf %add3A, %add3A_9 : vector<64x64x128xf32>
    %squeeze3A = vector.shape_cast %get3A_7 : vector<1x128xf32> to vector<128xf32>
    %broadcast_in_dim3A_11 = vector.shape_cast %squeeze3A : vector<128xf32> to vector<1x1x128xf32>
    %add3A_12 = vector.broadcast %broadcast_in_dim3A_11 : vector<1x1x128xf32> to vector<64x64x128xf32>
    %add3A_13 = arith.addf %add3A_10, %add3A_12 : vector<64x64x128xf32>
    %swap3A = arith.constant 0 : index
    %swap3A_14 = arith.constant 0 : index
    %swap3A_15 = arith.constant 0 : index
    %swap3A_16 = vector.load %arg4[%swap3A, %swap3A_14, %swap3A_15] : memref<64x64x128xf32, #tpu.memory_space<vmem>>, vector<64x64x128xf32>
    tpu.vector_store %arg4[%swap3A, %swap3A_14, %swap3A_15], %add3A_13 {strides = array<i32>} : memref<64x64x128xf32, #tpu.memory_space<vmem>>, vector<64x64x128xf32>,
    return
  }
  func.func @transform_0(%arg0: i32) -> (i32, i32) {
    %c0_i32 = arith.constant 0 : i32
    %c0_i32_0 = arith.constant 0 : i32
    %c0_i32_1 = arith.constant 0 : i32
    return %c0_i32, %c0_i32_0 : i32, i32
  }
  func.func @transform_1(%arg0: i32) -> (i32, i32) {
    %c0_i32 = arith.constant 0 : i32
    %c0_i32_0 = arith.constant 0 : i32
    %c0_i32_1 = arith.constant 0 : i32
    return %c0_i32, %c0_i32_0 : i32, i32
  }
  func.func @transform_2(%arg0: i32) -> (i32, i32) {
    %c0_i32 = arith.constant 0 : i32
    %c0_i32_0 = arith.constant 0 : i32
    %c0_i32_1 = arith.constant 0 : i32
    return %c0_i32, %c0_i32_0 : i32, i32
  }
  func.func @transform_3(%arg0: i32) -> (i32, i32, i32) {
    %c0_i32 = arith.constant 0 : i32
    %c0_i32_0 = arith.constant 0 : i32
    %c0_i32_1 = arith.constant 0 : i32
    return %arg0, %c0_i32, %c0_i32_0 : i32, i32, i32
  }
}

</mosaic_0001>

<sc_bundles>
// kernel: kernel.4.cloned.1.call-start
scs
__scs_entry_jumppad:
0x0: {  	(pc) =	sbr.rel $0x88, $3  }
0x1: {  	(tag) =	ssettag $0x0;
	lr =	simm.s32 $0x1  }
0x2: {  	[smem:$0x3F9B] =	sst lr;
	_ =	strace $0xD0000000  }
0x3: {  	_ = 	snop  }
0x4: {  	_ = 	snop  }
0x5: {  	_ = 	snop  }
0x6: {  	_ = 	snop  }
0x7: {  	_ = 	snop  }
__scs_overlays_trampoline_lowered:
0x8: {  	[smem:$0x3FAA] =	sst s0  }
0x9: {  	[smem:$0x3FAB] =	sst s1  }
0xa: {  	[smem:$0x3FAC] =	sst s2  }
0xb: {  	[smem:$0x3FAD] =	sst s3  }
0xc: {  	[smem:$0x3FAE] =	sst s4  }
0xd: {  	[smem:$0x3FAF] =	sst s5  }
0xe: {  	[smem:$0x3FB0] =	sst s6  }
0xf: {  	[smem:$0x3FB1] =	sst s7  }
0x10: {  	[smem:$0x3FB2] =	sst s8  }
0x11: {  	[smem:$0x3FB3] =	sst s9;
	s0 =	simm.s32 @!p0 $0x0  }
0x12: {  	s1 =	sld [smem:$0x3F99];
	s0 =	simm.s32 @p0 $0x1  }
0x13: {  	[smem:$0x3FB4] =	sst s0;
	s0 =	simm.s32 @!p1 $0x0  }
0x14: {  	s2 =	sld [smem:$0x3F98];
	s0 =	simm.s32 @p1 $0x1  }
0x15: {  	[smem:$0x3FB5] =	sst s0;
	s0 =	simm.s32 @!p2 $0x0  }
0x16: {  	s3 =	sld [smem:$0x3FDB];
	s0 =	simm.s32 @p2 $0x1  }
0x17: {  	s4 =	simm.s32 $0x1BF5;
	[smem:$0x3FB7] =	sst s0  }
0x18: {  	s0 =	sld [smem:$0x3F9A];
	_ =	swait.ge [sflag:s4], $0x0  }
0x19: {  	s7 =	sld [smem:$0x3F9B]  }
0x1a: {  	s8 =	sadd.s32 $0xFFFFE003, lr  }
0x1b: {  	s9 =	sadd.s32 $0xFFFFFEF7, lr;
	s5 =	simm.s32 $0xFFFFFFFF;
	p2 =	slt.u32 s8, $0xFFFFF086  }
0x1c: {  	p1 =	slt.u32 s9, $0xF7A;
	s5 =	simm.s32 @!p2 $0x0  }
0x1d: {  	s5 =	simm.s32 @p1 $0x1;
	p0 =	seq.s32 s7, s2  }
0x1e: {  	s7 =	smul.u32 @!p0 $0xF7A, s2;
	p2 =	seq.s32 @!p0 s5, $0x0  }
0x1f: {  	s9 =	smul.u32 $0xF7A, s1;
	s8 =	simm.s32 @!p0 $0x1BF5;
	p2 =	por !p2, p0  }
0x20: {  	[sflag:s8] =	ssyncset.s32 @!p0 $0xFFFFF086;
	s6 =	sadd.s32 @!p0 s3, s7;
	s7 =	simm.s32 @!p0 $0x108  }
0x21: {  	s3 =	sadd.s32 s3, s9;
	s6 =	sadd.s32 @!p0 $0x88, s6;
	s7 =	simm.s32 @p2 $0x1082  }
0x22: {  	[simem:s7], [sflag:s8] =	dma.local @!p0 [hbm:s6], $0xF7A  }
0x23: {  	s9 =	sor.u32 $0xD0000000, s2;
	s6 =	simm.s32 $0x108;
	_ =	swait.ge @!p0 [sflag:s8], $0x0  }
0x24: {  	s3 =	sadd.s32 $0x88, s3;
	s6 =	simm.s32 @!p1 $0x1082;
	[sflag:s4] =	ssyncset.s32 $0xFFFFF086  }
0x25: {  	[simem:s6], [sflag:s4] =	dma.local [hbm:s3], $0xF7A  }
0x26: {  	[smem:$0x3F9B] =	sst s1;
	(tag) =	ssettag s2;
	_ =	strace s9  }
0x27: {  	s1 =	sld [smem:$0x3FAB]  }
0x28: {  	s2 =	sld [smem:$0x3FAC]  }
0x29: {  	s4 =	sld [smem:$0x3FAE]  }
0x2a: {  	p0 =	seq.s32 s5, $0x0;
	s5 =	sld [smem:$0x3FAF]  }
0x2b: {  	s6 =	sld [smem:$0x3FB0]  }
0x2c: {  	s7 =	sld [smem:$0x3FB1]  }
0x2d: {  	s3 =	simm.s32 $0x108;
	s8 =	sld [smem:$0x3FB2]  }
0x2e: {  	s3 =	simm.s32 @!p0 $0x1082;
	s9 =	sld [smem:$0x3FB3]  }
0x2f: {  	lr =	sadd.s32 s0, s3;
	s0 =	sld [smem:$0x3FAA]  }
0x30: {  	s3 =	sld [smem:$0x3FAD]  }
0x31: {  	[smem:$0x3FB6] =	sst s10  }
0x32: {  	s10 =	sld [smem:$0x3FB4];
	_ =	sdelay $0x3  }
0x33: {  	p0 =	seq.s32 s10, $0x1;
	s10 =	sld [smem:$0x3FB6];
	_ =	sdelay $0x3  }
0x34: {  	[smem:$0x3FB6] =	sst s10  }
0x35: {  	s10 =	sld [smem:$0x3FB5];
	_ =	sdelay $0x3  }
0x36: {  	p1 =	seq.s32 s10, $0x1;
	s10 =	sld [smem:$0x3FB6];
	_ =	sdelay $0x3  }
0x37: {  	[smem:$0x3FB6] =	sst s10  }
0x38: {  	s10 =	sld [smem:$0x3FB7]  }
0x39: {  	_ = 	snop;
	(pc) =	sbr.ind lr, $3  }
0x3a: {  	_ = 	snop  }
0x3b: {  	_ = 	snop  }
0x3c: {  	p2 =	seq.s32 s10, $0x1;
	s10 =	sld [smem:$0x3FB6]  }
0x3d: {  	_ =	shalt  }
0x3e: {  	_ =	shalt  }
0x3f: {  	_ =	shalt  }
0x40: {  	_ =	shalt  }
0x41: {  	_ =	shalt  }
0x42: {  	_ =	shalt  }
0x43: {  	_ =	shalt  }
0x44: {  	_ =	shalt  }
0x45: {  	_ =	shalt  }
0x46: {  	_ =	shalt  }
0x47: {  	_ =	shalt  }
0x48: {  	_ =	shalt  }
0x49: {  	_ =	shalt  }
0x4a: {  	_ =	shalt  }
0x4b: {  	_ =	shalt  }
0x4c: {  	_ =	shalt  }
0x4d: {  	_ =	shalt  }
0x4e: {  	_ =	shalt  }
0x4f: {  	_ =	shalt  }
0x50: {  	_ =	shalt  }
0x51: {  	_ =	shalt  }
0x52: {  	_ =	shalt  }
0x53: {  	_ =	shalt  }
0x54: {  	_ =	shalt  }
0x55: {  	_ =	shalt  }
0x56: {  	_ =	shalt  }
0x57: {  	_ =	shalt  }
0x58: {  	_ =	shalt  }
0x59: {  	_ =	shalt  }
0x5a: {  	_ =	shalt  }
0x5b: {  	_ =	shalt  }
0x5c: {  	_ =	shalt  }
0x5d: {  	_ =	shalt  }
0x5e: {  	_ =	shalt  }
0x5f: {  	_ =	shalt  }
0x60: {  	_ =	shalt  }
0x61: {  	_ =	shalt  }
0x62: {  	_ =	shalt  }
0x63: {  	_ =	shalt  }
0x64: {  	_ =	shalt  }
0x65: {  	_ =	shalt  }
0x66: {  	_ =	shalt  }
0x67: {  	_ =	shalt  }
0x68: {  	_ =	shalt  }
0x69: {  	_ =	shalt  }
0x6a: {  	_ =	shalt  }
0x6b: {  	_ =	shalt  }
0x6c: {  	_ =	shalt  }
0x6d: {  	_ =	shalt  }
0x6e: {  	_ =	shalt  }
0x6f: {  	_ =	shalt  }
0x70: {  	_ =	shalt  }
0x71: {  	_ =	shalt  }
0x72: {  	_ =	shalt  }
0x73: {  	_ =	shalt  }
0x74: {  	_ =	shalt  }
0x75: {  	_ =	shalt  }
0x76: {  	_ =	shalt  }
0x77: {  	_ =	shalt  }
0x78: {  	_ =	shalt  }
0x79: {  	_ =	shalt  }
0x7a: {  	_ =	shalt  }
0x7b: {  	_ =	shalt  }
0x7c: {  	_ =	shalt  }
0x7d: {  	_ =	shalt  }
0x7e: {  	_ =	shalt  }
0x7f: {  	_ =	shalt  }
0x80: {  	_ =	shalt  }
0x81: {  	_ =	shalt  }
0x82: {  	_ =	shalt  }
0x83: {  	_ =	shalt  }
0x84: {  	_ =	shalt  }
0x85: {  	_ =	shalt  }
0x86: {  	_ =	shalt  }
0x87: {  	_ =	shalt  }
.Lfunc_end0:
.L_simem_size_0:
called_computation_lowered:
.L_overlay_start_0:
0x88: {  	s2 =	sld [smem:$0x3FD9]  }
0x89: {  	s3 =	sld [smem:$0x3FFE];
	_ =	sdelay $0x1  }
0x8a: {  	s1 =	srdreg.scid  }
0x8b: {  	s0 =	sand.u32 $0x1, s1  }
0x8c: {  	s17 =	sshll.u32 s0, $0xA;
	s2 =	sadd.s32 s3, s2  }
0x8d: {  	s2 =	sadd.s32 s2, s17  }
0x8e: {  	[smem:$0x3FC2] =	sst s2  }
0x8f: {  	_ = 	snop  }
0x90: {  	s2 =	sld [smem:$0x3FD0];
	(tm) =	ssettm $0x1  }
0x91: {  	s18 =	sld [smem:$0x3FFB];
	_ =	sdelay $0x3  }
0x92: {  	_ =	strace s18  }
0x93: {  	s3 =	sld [smem:$0x3FFC];
	_ =	sdelay $0x3  }
0x94: {  	_ =	strace s3  }
0x95: {  	s3 =	sld [smem:$0x3FFD];
	_ =	sdelay $0x3  }
0x96: {  	_ =	strace s3  }
0x97: {  	_ =	strace $0x8FFFFFFF  }
0x98: {  	s19 =	sld [smem:$0x3FDB];
	_ =	sdelay $0x1  }
0x99: {  	s4 =	simm.s32 $_scs_section_size  }
0x9a: {  	s5 =	simm.s32 $_size__tile_overlayer_lowered;
	s6 =	simm.s32 $_tile_overlayer_lowered  }
0x9b: {  	s22 =	simm.s32 $0x1BFF;
	s21 =	sshll.u32 s6, $0x1;
	s3 =	sadd.s32 s4, s19  }
0x9c: {  	s7 =	simm.s32 $0x0;
	s20 =	sshll.u32 s5, $0x1;
	s5 =	sadd.s32 s21, s3  }
0x9d: {  	[timem:s7], [sflag:s22] =	dma.local [hbm:s5], s20  }
0x9e: {  	_ =	swait.ge [sflag:s22], s20  }
0x9f: {  	s4 =	ssub.s32 $0x0, s20;
	[sflag:s22] =	ssyncset.done $0x0  }
0xa0: {  	[sflag:s22] =	ssyncadd.s32 s4;
	_ =	sdelay $0x1  }
0xa1: {  	s23 =	simm.s32 $0x1B8B  }
0xa2: {  	_ =	swait.ge [sflag:s23], $0x1  }
0xa3: {  	[sflag:s23] =	ssyncset.done $0x0  }
0xa4: {  	s25 =	simm.s32 $0x1B8E;
	s24 =	sld [smem:$0x3FFE];
	[sflag:s23] =	ssyncadd.s32 $0xFFFFFFFF  }
0xa5: {  	s26 =	simm.s32 $execute0_lowered;
	[smem:$0x3FD2] =	sst s25  }
0xa6: {  	s5 =	sshll.u32 s26, $0x1;
	_ =	strace $0x80000046;
	[dreg:$0x1] =	wrdreg $0xFFFFFFFF  }
0xa7: {  	s28 =	simm.s32 $_size_execute0_lowered;
	s3 =	sadd.s32 s3, s5;
	[dreg:$0x0] =	wrdreg $0x0  }
0xa8: {  	s5 =	sshll.u32 s28, $0x1;
	[dreg:$0x2] =	wrdreg s3  }
0xa9: {  	[dreg:$0x3] =	wrdreg s5  }
0xaa: {  	[dreg:$0x4] =	wrdreg $0xC0  }
0xab: {  	_ =	task [dreg:s7], $0x5FFFF  }
0xac: {  	[dreg:$0x1] =	wrdreg $0xFFFFFFFF  }
0xad: {  	[dreg:$0x0] =	wrdreg $0x60  }
0xae: {  	[dreg:$0x2] =	wrdreg s24  }
0xaf: {  	[dreg:$0x3] =	wrdreg s2  }
0xb0: {  	[dreg:$0x4] =	wrdreg $0x9  }
0xb1: {  	_ =	task.clear_ibuf [dreg:s7], $0x5FFFF;
	_ =	strace $0x90000046  }
0xb2: {  	s29 =	simm.s32 $0x9;
	_ =	strace $0x80000048  }
0xb3: {  	_ =	swait.ge [sflag:s29], $0x1  }
0xb4: {  	[sflag:s29] =	ssyncadd.s32 $0xFFFFFFFF  }
0xb5: {  	_ =	strace $0x90000048  }
0xb6: {  	_ =	sfence  }
0xb7: {  	s30 =	sld [smem:$0x0];
	_ =	sdelay $0x2  }
0xb8: {  	s31 =	sshll.u32 s1, $0xD;
	s1 =	sshrl.u32 s1, $0x2  }
0xb9: {  	s3 =	sand.u32 $0x4000, s31;
	s1 =	sadd.s32 s1, s30  }
0xba: {  	s0 =	sor.u32 s3, s0;
	s1 =	sshll.u32 s1, $0x11  }
0xbb: {  	s0 =	sor.u32 s1, s0  }
0xbc: {  	s0 =	sadd.s32 $0x8F2B, s0  }
0xbd: {  	[sflag:s0] =	ssyncadd.remote.s32 $0x1  }
0xbe: {  	_ =	sfence.sel $0xFFFF  }
0xbf: {  	[dreg:$0x0] =	wrdreg $0xFFFFFFFF;
	(pc) =	sbr.abs _section_cstart, $3  }
0xc0: {  	[dreg:$0x1] =	wrdreg $0xFFFFFFFF  }
0xc1: {  	_ =	task.clear_ibuf [dreg:s7], $0x2FFFF;
	_ =	strace $0x9FFFFFFF  }
0xc2: {  	(tm) =	ssettm $0x7FFFFFFF  }
0xc3: {  	_ =	shalt  }
tec
execute0_lowered:
.L_overlay_start_1:
0x0: {  	(tag) =	ssettag $0x1  }
0x1: {  	s0 =	rddreg [dreg:$0x0]  }
0x2: {  	s1 =	rddreg [dreg:$0x1]  }
0x3: {  	s3 =	srdreg.scid;
	s10 =	stileid.u32  }
0x4: {  	s2 =	simm.s32 $0x0;
	s31 =	simm.s32 $0x50;
	s29 =	simm.s32 $0x1  }
0x5: {  	s28 =	simm.s32 $0x4;
	s4 =	sand.u32 $0x1, s3;
	s19 =	sshll.u32 s10, $0x1  }
0x6: {  	s5 =	sadd.s32 $0x1000, s0;
	s3 =	sor.u32 s4, s19;
	s9 =	ssub.s32 $0x2, s4  }
0x7: {  	s7 =	sadd.s32 $0x1A000, s0;
	s6 =	smul.u32 $0x6400, s3;
	s20 =	sshrl.u32 s9, $0x1  }
0x8: {  	s8 =	sadd.s32 $0x33000, s0;
	s3 =	sadd.s32 $0x4C000, s0;
	s0 =	ssub.s32 s9, s20  }
0x9: {  	[smem:$0x7FF] =	sst s2;
	s6 =	sshrl.u32 s6, $0x3;
	s0 =	smax.u32 s0, $0x1  }
0xa: {  	_ =	strace $0x80000047;
	s11 =	sadd.s32 s5, s6;
	[dreg:$0x9] =	wrdreg s0  }
0xb: {  	s30 =	smul.u32 $0xC800, s10;
	s12 =	sadd.s32 s7, s6;
	[dreg:$0x3] =	wrdreg s11  }
0xc: {  	s21 =	sor.u32 $0x50, s6;
	s13 =	sadd.s32 s8, s6;
	[dreg:$0x4] =	wrdreg s12  }
0xd: {  	s16 =	smul.u32 $0x6400, s4;
	s22 =	sadd.s32 s5, s21;
	[dreg:$0x5] =	wrdreg s13  }
0xe: {  	s19 =	smul.u32 $0xC8000, s10;
	s23 =	sadd.s32 s7, s21;
	[dreg:$0x6] =	wrdreg s22  }
0xf: {  	s4 =	smul.u32 $0x64000, s4;
	s24 =	sadd.s32 s8, s21;
	[dreg:$0x7] =	wrdreg s23  }
0x10: {  	s10 =	simm.s32 $0x10700;
	s25 =	sadd.s32 $0x10, s11;
	[dreg:$0x8] =	wrdreg s24  }
0x11: {  	s1 =	sadd.s32 s19, s1;
	s26 =	sadd.s32 $0x20, s11;
	[dreg:$0xa] =	wrdreg s25  }
0x12: {  	s19 =	simm.s32 $0xB;
	s14 =	sadd.s32 $0x30, s11;
	[dreg:$0xb] =	wrdreg s26  }
0x13: {  	s0 =	sadd.s32 s16, s30;
	s15 =	sadd.s32 $0x40, s11;
	[dreg:$0xc] =	wrdreg s14  }
0x14: {  	s17 =	sadd.s32 $0x10, s12;
	s18 =	sadd.s32 $0x20, s12;
	[dreg:$0xd] =	wrdreg s15  }
0x15: {  	s20 =	sadd.s32 $0x30, s12;
	s21 =	sadd.s32 $0x40, s12;
	[dreg:$0xe] =	wrdreg s17  }
0x16: {  	s0 =	sadd.s32 $0x500, s0;
	s30 =	sadd.s32 $0x40, s13;
	[dreg:$0xf] =	wrdreg s18  }
0x17: {  	s11 =	simm.s32 $0x5;
	s12 =	simm.s32 $0x12F00;
	[dreg:$0x10] =	wrdreg s20  }
0x18: {  	[dreg:$0x11] =	wrdreg s21;
	s22 =	sadd.s32 $0x10, s13;
	s20 =	sadd.s32 s4, s1  }
0x19: {  	s0 =	sshrl.u32 s0, $0x3;
	s23 =	sadd.s32 $0x20, s13;
	[dreg:$0x18] =	wrdreg s30  }
0x1a: {  	s26 =	sadd.s32 $0x30, s13;
	s14 =	simm.s32 $0x9;
	[dreg:$0x12] =	wrdreg s22  }
.Ltmp0:
0x1b: {  	s15 =	simm.s32 $0x6;
	[dreg:$0x13] =	wrdreg s23;
	(pc) =	sbr.rel .LBB2_1-.Ltmp0, $4  }
0x1c: {  	s17 =	simm.s32 $0xA;
	s24 =	sadd.s32 s0, s8;
	[dreg:$0x17] =	wrdreg s26  }
0x1d: {  	s18 =	simm.s32 $0x7;
	s25 =	sadd.s32 s0, s7;
	[dreg:$0x14] =	wrdreg s24  }
0x1e: {  	s21 =	simm.s32 $0x8;
	s0 =	sadd.s32 s0, s5;
	[dreg:$0x15] =	wrdreg s25  }
0x1f: {  	s5 =	simm.s32 $0x0;
	[dreg:$0x16] =	wrdreg s0;
	s0 =	simm.s32 $0x8F00  }
.LBB2_6:
0x20: {  	s1 =	simm.s32 $0xC  }
0x21: {  	_ =	swait.ge [sflag:s1], $0x2800  }
0x22: {  	[sflag:s1] =	ssyncset.done $0x0  }
0x23: {  	s24 =	simm.s32 $0xD;
	[sflag:s1] =	ssyncadd.s32 $0xFFFFD800  }
0x24: {  	_ =	swait.ge [sflag:s24], $0x2800  }
0x25: {  	[sflag:s24] =	ssyncset.done $0x0  }
0x26: {  	s25 =	simm.s32 $0xE;
	[sflag:s24] =	ssyncadd.s32 $0xFFFFD800  }
0x27: {  	_ =	swait.ge [sflag:s25], $0x2800  }
0x28: {  	[sflag:s25] =	ssyncset.done $0x0  }
0x29: {  	s26 =	simm.s32 $0xF;
	[sflag:s25] =	ssyncadd.s32 $0xFFFFD800  }
0x2a: {  	_ =	swait.ge [sflag:s26], $0x2800  }
0x2b: {  	[sflag:s26] =	ssyncset.done $0x0  }
0x2c: {  	s4 =	simm.s32 $0x10;
	[sflag:s26] =	ssyncadd.s32 $0xFFFFD800  }
0x2d: {  	_ =	swait.ge [sflag:s4], $0x2800  }
0x2e: {  	s5 =	rddreg [dreg:$0x19]  }
0x2f: {  	s30 =	rddreg [dreg:$0x9];
	s5 =	sadd.s32 $0x1, s5  }
0x30: {  	p0 =	sne.s32 s5, s30  }
.Ltmp1:
0x31: {  	_ = 	snop;
	(pc) =	sbr.rel @!p0 .LBB2_7-.Ltmp1, $3  }
0x32: {  	_ =	sdelay $0x1  }
0x33: {  	[sflag:s4] =	ssyncset.done $0x0  }
0x34: {  	[sflag:s4] =	ssyncadd.s32 $0xFFFFD800  }
.LBB2_1:
0x35: {  	[dreg:$0x19] =	wrdreg s5  }
0x36: {  	s1 =	rddreg [dreg:$0x3]  }
0x37: {  	[tilespmem:s2], [sflag:$0x11] =	stream.linear.gather [hbm4b:s1+s2], $0x80, $0x38;
	[tilespmem:$0x15700] =	vst v63  }
0x38: {  	s22 =	rddreg [dreg:$0xa];
	s4 =	simm.s32 $0x100  }
0x39: {  	[tilespmem:s4], [sflag:$0x11] =	stream.linear.gather [hbm4b:s22+s2], $0x80, $0x38;
	[tilespmem:$0x15700] =	vst v63  }
0x3a: {  	s23 =	rddreg [dreg:$0xb];
	s24 =	simm.s32 $0x200  }
0x3b: {  	[tilespmem:s24], [sflag:$0x11] =	stream.linear.gather [hbm4b:s23+s2], $0x80, $0x38;
	[tilespmem:$0x15700] =	vst v63  }
0x3c: {  	s25 =	rddreg [dreg:$0xc];
	s26 =	simm.s32 $0x300  }
0x3d: {  	[tilespmem:s26], [sflag:$0x11] =	stream.linear.gather [hbm4b:s25+s2], $0x80, $0x38;
	[tilespmem:$0x15700] =	vst v63  }
0x3e: {  	s5 =	rddreg [dreg:$0xd];
	s6 =	simm.s32 $0x400  }
0x3f: {  	[tilespmem:s6], [sflag:$0x11] =	stream.linear.gather [hbm4b:s5+s2], $0x80, $0x38;
	[tilespmem:$0x15700] =	vst v63  }
0x40: {  	s7 =	rddreg [dreg:$0x4];
	s8 =	simm.s32 $0x500  }
0x41: {  	[tilespmem:s8], [sflag:$0x11] =	stream.linear.gather [hbm4b:s7+s2], $0x80, $0x38;
	[tilespmem:$0x15700] =	vst v63  }
0x42: {  	s9 =	rddreg [dreg:$0xe];
	s13 =	simm.s32 $0x600  }
0x43: {  	[tilespmem:s13], [sflag:$0x11] =	stream.linear.gather [hbm4b:s9+s2], $0x80, $0x38;
	[tilespmem:$0x15700] =	vst v63  }
0x44: {  	s16 =	rddreg [dreg:$0xf];
	s22 =	simm.s32 $0x700  }
0x45: {  	[tilespmem:s22], [sflag:$0x11] =	stream.linear.gather [hbm4b:s16+s2], $0x80, $0x38;
	[tilespmem:$0x15700] =	vst v63  }
0x46: {  	s23 =	rddreg [dreg:$0x10];
	s24 =	simm.s32 $0x800  }
0x47: {  	[tilespmem:s24], [sflag:$0x11] =	stream.linear.gather [hbm4b:s23+s2], $0x80, $0x38;
	[tilespmem:$0x15700] =	vst v63  }
0x48: {  	s25 =	rddreg [dreg:$0x11];
	s26 =	simm.s32 $0x900  }
0x49: {  	[tilespmem:s26], [sflag:$0x11] =	stream.linear.gather [hbm4b:s25+s2], $0x80, $0x38;
	[tilespmem:$0x15700] =	vst v63  }
0x4a: {  	s5 =	rddreg [dreg:$0x5];
	s6 =	simm.s32 $0xA00  }
0x4b: {  	[tilespmem:s6], [sflag:$0x11] =	stream.linear.gather [hbm4b:s5+s2], $0x80, $0x38;
	[tilespmem:$0x15700] =	vst v63  }
0x4c: {  	s7 =	rddreg [dreg:$0x12];
	s8 =	simm.s32 $0xB00  }
0x4d: {  	[tilespmem:s8], [sflag:$0x11] =	stream.linear.gather [hbm4b:s7+s2], $0x80, $0x38;
	[tilespmem:$0x15700] =	vst v63  }
0x4e: {  	s9 =	rddreg [dreg:$0x13];
	s13 =	simm.s32 $0xC00  }
0x4f: {  	[tilespmem:s13], [sflag:$0x11] =	stream.linear.gather [hbm4b:s9+s2], $0x80, $0x38;
	[tilespmem:$0x15700] =	vst v63  }
0x50: {  	s16 =	rddreg [dreg:$0x17];
	s22 =	simm.s32 $0xD00  }
0x51: {  	[tilespmem:s22], [sflag:$0x11] =	stream.linear.gather [hbm4b:s16+s2], $0x80, $0x38;
	[tilespmem:$0x15700] =	vst v63  }
0x52: {  	s23 =	rddreg [dreg:$0x18];
	s24 =	simm.s32 $0xE00;
	s25 =	simm.s32 $0x11  }
0x53: {  	[tilespmem:s24], [sflag:$0x11] =	stream.linear.gather [hbm4b:s23+s2], $0x80, $0x38;
	[tilespmem:$0x15700] =	vst v63  }
0x54: {  	_ =	swait.ge [sflag:s25], $0x280  }
0x55: {  	[sflag:s25] =	ssyncset.done $0x0  }
0x56: {  	[sflag:s25] =	ssyncadd.s32 $0xFFFFFD80  }
0x57: {  	_ =	swait.ge [sflag:s25], $0x280  }
0x58: {  	[sflag:s25] =	ssyncset.done $0x0  }
0x59: {  	[sflag:s25] =	ssyncadd.s32 $0xFFFFFD80  }
0x5a: {  	_ =	swait.ge [sflag:s25], $0x280  }
0x5b: {  	[sflag:s25] =	ssyncset.done $0x0  }
0x5c: {  	[sflag:s25] =	ssyncadd.s32 $0xFFFFFD80  }
0x5d: {  	v0 =	vld [tilespmem:$0x0]  }
0x5e: {  	v1 =	vld [tilespmem:$0x500]  }
0x5f: {  	v2 =	vld [tilespmem:$0xA00]  }
0x60: {  	v3 =	vld [tilespmem:$0x10]  }
0x61: {  	v4 =	vld [tilespmem:$0x510]  }
0x62: {  	v5 =	vld [tilespmem:$0xA10]  }
0x63: {  	v6 =	vld [tilespmem:$0x20]  }
0x64: {  	v7 =	vld [tilespmem:$0x520]  }
0x65: {  	v23 =	vld [tilespmem:$0xA20]  }
0x66: {  	v26 =	vld [tilespmem:$0x30]  }
0x67: {  	v9 =	vld [tilespmem:$0x530]  }
0x68: {  	v28 =	vld [tilespmem:$0xA30]  }
0x69: {  	v29 =	vld [tilespmem:$0x40]  }
0x6a: {  	v30 =	vld [tilespmem:$0x540]  }
0x6b: {  	v31 =	vld [tilespmem:$0xA40]  }
0x6c: {  	v33 =	vld [tilespmem:$0x50]  }
0x6d: {  	v10 =	vld [tilespmem:$0x550];
	vm0 =	vgt.s32 v0, $0x0  }
0x6e: {  	v35 =	vld [tilespmem:$0xA50];
	vm5 =	vgt.s32 v1, $0x0;
	vm6 =	vgt.s32 v2, $0x0;
	vm7 =	vgt.s32 v3, $0x0  }
0x6f: {  	v11 =	vld [tilespmem:$0x60];
	vm8 =	vgt.s32 v4, $0x0;
	vm9 =	vgt.s32 v5, $0x0;
	vm10 =	vgt.s32 v6, $0x0  }
0x70: {  	v37 =	vld [tilespmem:$0x560];
	vm11 =	vgt.s32 v7, $0x0;
	vm12 =	vgt.s32 v23, $0x0;
	vm13 =	vgt.s32 v26, $0x0  }
0x71: {  	v39 =	vld [tilespmem:$0xA60];
	vm14 =	vgt.s32 v9, $0x0;
	vm15 =	vgt.s32 v28, $0x0;
	vm4 =	vgt.s32 v29, $0x0  }
0x72: {  	v12 =	vld [tilespmem:$0x570];
	v0 =	vnsel vm0, $0x0, v0;
	v1 =	vnsel vm5, $0x0, v1;
	v2 =	vnsel vm6, $0x0, v2  }
0x73: {  	v43 =	vld [tilespmem:$0x100];
	v3 =	vnsel vm7, $0x0, v3;
	v4 =	vnsel vm8, $0x0, v4;
	v22 =	vnsel vm9, $0x0, v5  }
0x74: {  	v6 =	vnsel vm10, $0x0, v6;
	v27 =	vnsel vm11, $0x0, v7;
	v5 =	vnsel vm12, $0x0, v23  }
0x75: {  	v44 =	vld [tilespmem:$0xB00];
	v32 =	vnsel vm14, $0x0, v9;
	v7 =	vnsel vm4, $0x0, v29;
	vm5 =	vgt.s32 v30, $0x0  }
0x76: {  	v14 =	vld [tilespmem:$0x110];
	vm6 =	vgt.s32 v31, $0x0;
	vm7 =	vgt.s32 v33, $0x0;
	vm8 =	vgt.s32 v10, $0x0  }
0x77: {  	v45 =	vld [tilespmem:$0x610];
	vm9 =	vgt.s32 v35, $0x0;
	vm10 =	vgt.s32 v11, $0x0;
	vm11 =	vgt.s32 v37, $0x0  }
0x78: {  	v48 =	vld [tilespmem:$0x120];
	vm12 =	vgt.s32 v39, $0x0;
	vm14 =	vgt.s32 v12, $0x0;
	vm4 =	vgt.s32 v43, $0x0  }
0x79: {  	v15 =	vld [tilespmem:$0x620];
	v0 =	vmin.u32 v0, $0x9;
	v1 =	vmin.u32 v1, $0x3F;
	v2 =	vmin.u32 v2, $0x3F  }
0x7a: {  	v16 =	vld [tilespmem:$0x630];
	v3 =	vmin.u32 v3, $0x9;
	v4 =	vmin.u32 v4, $0x3F;
	v8 =	vmin.u32 v22, $0x3F  }
0x7b: {  	v17 =	vld [tilespmem:$0x140];
	v6 =	vmin.u32 v6, $0x9;
	v5 =	vmin.u32 v5, $0x3F;
	v34 =	vnsel vm6, $0x0, v31  }
0x7c: {  	v7 =	vmin.u32 v7, $0x9;
	v36 =	vnsel vm7, $0x0, v33;
	v38 =	vnsel vm8, $0x0, v10  }
0x7d: {  	v42 =	vnsel vm10, $0x0, v11;
	v9 =	vnsel vm11, $0x0, v37;
	v12 =	vnsel vm14, $0x0, v12  }
0x7e: {  	v40 =	vld [tilespmem:$0x70];
	v11 =	vnsel vm4, $0x0, v43;
	vm6 =	vgt.s32 v44, $0x0;
	vm7 =	vgt.s32 v14, $0x0  }
0x7f: {  	v56 =	vld [tilespmem:$0x150];
	vm8 =	vgt.s32 v45, $0x0;
	vm10 =	vgt.s32 v48, $0x0;
	vm11 =	vgt.s32 v15, $0x0  }
0x80: {  	v19 =	vld [tilespmem:$0x660];
	vm14 =	vgt.s32 v16, $0x0;
	vm4 =	vgt.s32 v17, $0x0;
	v0 =	vshll.u32 v0, $0xC  }
0x81: {  	v61 =	vld [tilespmem:$0x670];
	v1 =	vshll.u32 v1, $0x6;
	v24 =	vshll.u32 v3, $0xC;
	v25 =	vshll.u32 v4, $0x6  }
0x82: {  	v6 =	vshll.u32 v6, $0xC;
	v4 =	vnsel vm13, $0x0, v26;
	v7 =	vshll.u32 v7, $0xC  }
0x83: {  	v9 =	vmin.u32 v9, $0x3F;
	vm13 =	vgt.s32 v40, $0x0;
	v12 =	vmin.u32 v12, $0x3F  }
0x84: {  	v51 =	vld [tilespmem:$0x130];
	v11 =	vmin.u32 v11, $0x9;
	v50 =	vnsel vm7, $0x0, v14;
	v15 =	vnsel vm11, $0x0, v15  }
0x85: {  	v54 =	vnsel vm14, $0x0, v16;
	v58 =	vnsel vm4, $0x0, v17;
	vm7 =	vgt.s32 v56, $0x0  }
0x86: {  	vm11 =	vgt.s32 v19, $0x0;
	vm14 =	vgt.s32 v61, $0x0;
	v0 =	vor.u32 v0, v1  }
0x87: {  	v41 =	vld [tilespmem:$0xA70];
	v3 =	vor.u32 v24, v25;
	v4 =	vmin.u32 v4, $0x9;
	v10 =	vnsel vm13, $0x0, v40  }
0x88: {  	v13 =	vld [tilespmem:$0x600];
	v9 =	vshll.u32 v9, $0x6;
	v12 =	vshll.u32 v12, $0x6;
	v11 =	vshll.u32 v11, $0xC  }
0x89: {  	v20 =	vld [tilespmem:$0x170];
	v15 =	vmin.u32 v15, $0x3F;
	vm13 =	vgt.s32 v51, $0x0;
	v16 =	vnsel vm7, $0x0, v56  }
0x8a: {  	v62 =	vnsel vm11, $0x0, v19;
	v1 =	vor.u32 v2, v0;
	v0 =	vor.u32 v8, v3  }
0x8b: {  	v53 =	vld [tilespmem:$0x640];
	v2 =	vmin.u32 v27, $0x3F;
	v3 =	vnsel vm15, $0x0, v28;
	v4 =	vshll.u32 v4, $0xC  }
0x8c: {  	v59 =	vld [tilespmem:$0x160];
	v8 =	vnsel vm5, $0x0, v30;
	vm15 =	vgt.s32 v41, $0x0;
	v10 =	vmin.u32 v10, $0x9  }
0x8d: {  	v29 =	vld [tilespmem:$0x720];
	vm5 =	vgt.s32 v13, $0x0;
	v15 =	vshll.u32 v15, $0x6;
	v14 =	vnsel vm13, $0x0, v51  }
0x8e: {  	v16 =	vmin.u32 v16, $0x9;
	vm13 =	vgt.s32 v20, $0x0;
	v2 =	vshll.u32 v2, $0x6  }
0x8f: {  	v47 =	vld [tilespmem:$0xB10];
	v3 =	vmin.u32 v3, $0x3F;
	v8 =	vmin.u32 v8, $0x3F;
	v10 =	vshll.u32 v10, $0xC  }
0x90: {  	v18 =	vld [tilespmem:$0x650];
	v46 =	vnsel vm5, $0x0, v13;
	v13 =	vnsel vm10, $0x0, v48;
	v14 =	vmin.u32 v14, $0x9  }
0x91: {  	v23 =	vld [tilespmem:$0x220];
	vm5 =	vgt.s32 v53, $0x0;
	v16 =	vshll.u32 v16, $0xC;
	vm10 =	vgt.s32 v59, $0x0  }
0x92: {  	v26 =	vnsel vm13, $0x0, v20;
	vm11 =	vgt.s32 v29, $0x0;
	v2 =	vor.u32 v6, v2  }
0x93: {  	v8 =	vshll.u32 v8, $0x6;
	v6 =	vnsel vm9, $0x0, v35;
	v10 =	vor.u32 v10, v12  }
0x94: {  	v22 =	vld [tilespmem:$0x710];
	v12 =	vnsel vm8, $0x0, v45;
	vm9 =	vgt.s32 v47, $0x0;
	v13 =	vmin.u32 v13, $0x9  }
0x95: {  	v14 =	vshll.u32 v14, $0xC;
	vm8 =	vgt.s32 v18, $0x0;
	v17 =	vnsel vm10, $0x0, v59  }
0x96: {  	v21 =	vld [tilespmem:$0x700];
	vm10 =	vgt.s32 v23, $0x0;
	v2 =	vor.u32 v5, v2;
	v5 =	vmin.u32 v32, $0x3F  }
0x97: {  	v24 =	vld [tilespmem:$0x200];
	v7 =	vor.u32 v7, v8;
	v8 =	vmin.u32 v36, $0x9;
	v6 =	vmin.u32 v6, $0x3F  }
0x98: {  	v37 =	vld [tilespmem:$0x750];
	v12 =	vmin.u32 v12, $0x3F;
	v13 =	vshll.u32 v13, $0xC;
	v18 =	vnsel vm8, $0x0, v18  }
0x99: {  	v17 =	vmin.u32 v17, $0x9;
	vm8 =	vgt.s32 v22, $0x0;
	v5 =	vshll.u32 v5, $0x6  }
0x9a: {  	v27 =	vld [tilespmem:$0x210];
	v8 =	vshll.u32 v8, $0xC;
	v12 =	vshll.u32 v12, $0x6;
	v13 =	vor.u32 v13, v15  }
0x9b: {  	v40 =	vld [tilespmem:$0x260];
	v15 =	vnsel vm5, $0x0, v53;
	v18 =	vmin.u32 v18, $0x3F;
	v17 =	vshll.u32 v17, $0xC  }
0x9c: {  	v49 =	vld [tilespmem:$0xB20];
	vm4 =	vgt.s32 v24, $0x0;
	vm5 =	vgt.s32 v21, $0x0;
	v30 =	vnsel vm8, $0x0, v22  }
0x9d: {  	vm8 =	vgt.s32 v37, $0x0;
	v4 =	vor.u32 v4, v5;
	v5 =	vmin.u32 v34, $0x3F  }
0x9e: {  	v15 =	vmin.u32 v15, $0x3F;
	v18 =	vshll.u32 v18, $0x6;
	v19 =	vnsel vm4, $0x0, v24  }
0x9f: {  	v21 =	vnsel vm5, $0x0, v21;
	vm7 =	vgt.s32 v27, $0x0;
	v34 =	vnsel vm10, $0x0, v23  }
0xa0: {  	vm10 =	vgt.s32 v40, $0x0;
	v4 =	vor.u32 v3, v4;
	v3 =	vor.u32 v5, v7  }
0xa1: {  	v35 =	vld [tilespmem:$0x240];
	v5 =	vmin.u32 v38, $0x3F;
	v7 =	vnsel vm12, $0x0, v39;
	vm12 =	vgt.s32 v49, $0x0  }
0xa2: {  	v52 =	vld [tilespmem:$0xB30];
	v15 =	vshll.u32 v15, $0x6;
	v16 =	vor.u32 v16, v18;
	v18 =	vnsel vm14, $0x0, v61  }
0xa3: {  	v32 =	vld [tilespmem:$0x230];
	v19 =	vmin.u32 v19, $0x9;
	v21 =	vmin.u32 v21, $0x3F;
	v20 =	vnsel vm7, $0x0, v27  }
0xa4: {  	v5 =	vshll.u32 v5, $0x6;
	v7 =	vmin.u32 v7, $0x3F;
	v18 =	vmin.u32 v18, $0x3F  }
0xa5: {  	v19 =	vshll.u32 v19, $0xC;
	v21 =	vshll.u32 v21, $0x6;
	v20 =	vmin.u32 v20, $0x9  }
0xa6: {  	v43 =	vld [tilespmem:$0x270];
	vm4 =	vgt.s32 v35, $0x0;
	v5 =	vor.u32 v8, v5;
	v8 =	vnsel vm15, $0x0, v41  }
0xa7: {  	v24 =	vld [tilespmem:$0x730];
	vm15 =	vgt.s32 v52, $0x0;
	v18 =	vshll.u32 v18, $0x6;
	v19 =	vor.u32 v19, v21  }
0xa8: {  	v20 =	vshll.u32 v20, $0xC;
	v21 =	vnsel vm11, $0x0, v29;
	vm13 =	vgt.s32 v32, $0x0  }
0xa9: {  	v55 =	vld [tilespmem:$0xB40];
	v23 =	vnsel vm4, $0x0, v35;
	v5 =	vor.u32 v6, v5;
	v6 =	vmin.u32 v42, $0x9  }
0xaa: {  	v27 =	vld [tilespmem:$0x760];
	v8 =	vmin.u32 v8, $0x3F;
	v21 =	vmin.u32 v21, $0x3F;
	v22 =	vnsel vm13, $0x0, v32  }
0xab: {  	v23 =	vmin.u32 v23, $0x9;
	vm13 =	vgt.s32 v43, $0x0;
	v6 =	vshll.u32 v6, $0xC  }
0xac: {  	v57 =	vld [tilespmem:$0xB50];
	vm14 =	vgt.s32 v24, $0x0;
	v21 =	vshll.u32 v21, $0x6;
	v22 =	vmin.u32 v22, $0x9  }
0xad: {  	v23 =	vshll.u32 v23, $0xC;
	v6 =	vor.u32 v6, v9;
	v9 =	vnsel vm6, $0x0, v44  }
0xae: {  	v29 =	vld [tilespmem:$0x300];
	vm6 =	vgt.s32 v55, $0x0;
	v24 =	vnsel vm14, $0x0, v24;
	v22 =	vshll.u32 v22, $0xC  }
0xaf: {  	v60 =	vld [tilespmem:$0xB60];
	vm11 =	vgt.s32 v27, $0x0;
	v7 =	vor.u32 v7, v6;
	v6 =	vor.u32 v8, v10  }
0xb0: {  	v8 =	vmin.u32 v46, $0x3F;
	v9 =	vmin.u32 v9, $0x3F;
	v10 =	vnsel vm9, $0x0, v47  }
0xb1: {  	vm9 =	vgt.s32 v57, $0x0;
	v24 =	vmin.u32 v24, $0x3F;
	v27 =	vnsel vm11, $0x0, v27  }
0xb2: {  	v56 =	vld [tilespmem:$0x340];
	v8 =	vshll.u32 v8, $0x6;
	v10 =	vmin.u32 v10, $0x3F;
	v24 =	vshll.u32 v24, $0x6  }
0xb3: {  	v27 =	vmin.u32 v27, $0x3F;
	vm4 =	vgt.s32 v29, $0x0;
	v8 =	vor.u32 v11, v8  }
0xb4: {  	v11 =	vnsel vm12, $0x0, v49;
	vm12 =	vgt.s32 v60, $0x0;
	v22 =	vor.u32 v22, v24  }
0xb5: {  	v63 =	vld [tilespmem:$0xB70];
	v24 =	vnsel vm8, $0x0, v37;
	v27 =	vshll.u32 v27, $0x6;
	v8 =	vor.u32 v9, v8  }
0xb6: {  	v25 =	vld [tilespmem:$0xC00];
	v9 =	vmin.u32 v50, $0x9;
	v11 =	vmin.u32 v11, $0x3F;
	v24 =	vmin.u32 v24, $0x3F  }
0xb7: {  	v50 =	vnsel vm4, $0x0, v29;
	vm4 =	vgt.s32 v56, $0x0;
	v9 =	vshll.u32 v9, $0xC  }
0xb8: {  	v28 =	vld [tilespmem:$0xC10];
	v24 =	vshll.u32 v24, $0x6;
	v9 =	vor.u32 v9, v12;
	v12 =	vnsel vm15, $0x0, v52  }
0xb9: {  	v10 =	vor.u32 v10, v9;
	v9 =	vor.u32 v11, v13;
	v11 =	vmin.u32 v54, $0x3F  }
0xba: {  	vm15 =	vgt.s32 v63, $0x0;
	v12 =	vmin.u32 v12, $0x3F;
	v11 =	vshll.u32 v11, $0x6  }
0xbb: {  	v31 =	vld [tilespmem:$0xC20];
	v13 =	vnsel vm6, $0x0, v55;
	vm6 =	vgt.s32 v25, $0x0;
	v11 =	vor.u32 v14, v11  }
0xbc: {  	v33 =	vld [tilespmem:$0xC30];
	v13 =	vmin.u32 v13, $0x3F;
	v11 =	vor.u32 v12, v11;
	v12 =	vmin.u32 v58, $0x9  }
0xbd: {  	v14 =	vnsel vm9, $0x0, v57;
	vm9 =	vgt.s32 v28, $0x0;
	v12 =	vshll.u32 v12, $0xC  }
0xbe: {  	v36 =	vld [tilespmem:$0xC40];
	v14 =	vmin.u32 v14, $0x3F;
	v12 =	vor.u32 v12, v15;
	v15 =	vnsel vm12, $0x0, v60  }
0xbf: {  	v51 =	vld [tilespmem:$0x320];
	v13 =	vor.u32 v13, v12;
	v12 =	vor.u32 v14, v16;
	v14 =	vmin.u32 v62, $0x3F  }
0xc0: {  	v39 =	vld [tilespmem:$0xC50];
	vm12 =	vgt.s32 v31, $0x0;
	v15 =	vmin.u32 v15, $0x3F;
	v14 =	vshll.u32 v14, $0x6  }
0xc1: {  	v45 =	vld [tilespmem:$0x800];
	v16 =	vnsel vm15, $0x0, v63;
	vm15 =	vgt.s32 v33, $0x0;
	v14 =	vor.u32 v17, v14  }
0xc2: {  	v41 =	vld [tilespmem:$0xC60];
	v16 =	vmin.u32 v16, $0x3F;
	v14 =	vor.u32 v15, v14;
	v15 =	vmin.u32 v26, $0x9  }
0xc3: {  	v17 =	vnsel vm6, $0x0, v25;
	v25 =	vld [tilespmem:$0x740];
	vm6 =	vgt.s32 v36, $0x0;
	v15 =	vshll.u32 v15, $0xC  }
0xc4: {  	v17 =	vmin.u32 v17, $0x3F;
	v26 =	vld [tilespmem:$0x250];
	v15 =	vor.u32 v15, v18;
	v18 =	vnsel vm9, $0x0, v28  }
0xc5: {  	v44 =	vld [tilespmem:$0xC70];
	vm9 =	vgt.s32 v39, $0x0;
	v16 =	vor.u32 v16, v15;
	v15 =	vor.u32 v17, v19  }
0xc6: {  	v17 =	vmin.u32 v30, $0x3F;
	v18 =	vmin.u32 v18, $0x3F;
	v19 =	vnsel vm12, $0x0, v31  }
0xc7: {  	v48 =	vld [tilespmem:$0x310];
	vm12 =	vgt.s32 v41, $0x0;
	v17 =	vshll.u32 v17, $0x6;
	v19 =	vmin.u32 v19, $0x3F  }
0xc8: {  	v32 =	vld [tilespmem:$0x330];
	vm5 =	vgt.s32 v25, $0x0;
	v17 =	vor.u32 v20, v17;
	v20 =	vnsel vm15, $0x0, v33  }
0xc9: {  	v35 =	vld [tilespmem:$0x360];
	v38 =	vnsel vm5, $0x0, v25;
	vm7 =	vgt.s32 v26, $0x0;
	v25 =	vnsel vm10, $0x0, v40  }
0xca: {  	v28 =	vld [tilespmem:$0x770];
	vm15 =	vgt.s32 v44, $0x0;
	vm5 =	vgt.s32 v45, $0x0;
	vm10 =	vgt.s32 v51, $0x0  }
0xcb: {  	v59 =	vld [tilespmem:$0x350];
	v17 =	vor.u32 v18, v17;
	v18 =	vmin.u32 v34, $0x9;
	v20 =	vmin.u32 v20, $0x3F  }
0xcc: {  	v47 =	vld [tilespmem:$0xD00];
	v42 =	vnsel vm7, $0x0, v26;
	v25 =	vmin.u32 v25, $0x9;
	v26 =	vnsel vm13, $0x0, v43  }
0xcd: {  	v30 =	vld [tilespmem:$0x810];
	vm7 =	vgt.s32 v48, $0x0;
	v29 =	vnsel vm10, $0x0, v51;
	vm13 =	vgt.s32 v32, $0x0  }
0xce: {  	v31 =	vld [tilespmem:$0x820];
	vm10 =	vgt.s32 v35, $0x0;
	v18 =	vshll.u32 v18, $0xC;
	v25 =	vshll.u32 v25, $0xC  }
0xcf: {  	v53 =	vld [tilespmem:$0x830];
	vm14 =	vgt.s32 v28, $0x0;
	v26 =	vmin.u32 v26, $0x9;
	v29 =	vmin.u32 v29, $0x9  }
0xd0: {  	v58 =	vnsel vm13, $0x0, v32;
	v18 =	vor.u32 v18, v21;
	v21 =	vnsel vm6, $0x0, v36  }
0xd1: {  	v25 =	vor.u32 v25, v27;
	v46 =	vnsel vm14, $0x0, v28;
	v26 =	vshll.u32 v26, $0xC  }
0xd2: {  	v49 =	vld [tilespmem:$0xD10];
	v27 =	vnsel vm5, $0x0, v45;
	vm6 =	vgt.s32 v47, $0x0;
	v28 =	vnsel vm7, $0x0, v48  }
0xd3: {  	v61 =	vld [tilespmem:$0x860];
	vm8 =	vgt.s32 v30, $0x0;
	vm11 =	vgt.s32 v31, $0x0;
	v29 =	vshll.u32 v29, $0xC  }
0xd4: {  	v37 =	vld [tilespmem:$0x900];
	vm14 =	vgt.s32 v53, $0x0;
	vm7 =	vgt.s32 v59, $0x0;
	v19 =	vor.u32 v19, v18  }
0xd5: {  	v33 =	vld [tilespmem:$0x840];
	v18 =	vor.u32 v20, v22;
	v20 =	vmin.u32 v38, $0x3F;
	v21 =	vmin.u32 v21, $0x3F  }
0xd6: {  	v40 =	vld [tilespmem:$0x370];
	v22 =	vnsel vm9, $0x0, v39;
	v27 =	vmin.u32 v27, $0x3F;
	v30 =	vnsel vm8, $0x0, v30  }
0xd7: {  	v52 =	vld [tilespmem:$0xD20];
	vm9 =	vgt.s32 v49, $0x0;
	v28 =	vmin.u32 v28, $0x9;
	v54 =	vnsel vm11, $0x0, v31  }
0xd8: {  	v34 =	vld [tilespmem:$0x850];
	v31 =	vnsel vm4, $0x0, v56;
	v32 =	vnsel vm7, $0x0, v59;
	vm11 =	vgt.s32 v61, $0x0  }
0xd9: {  	v43 =	vld [tilespmem:$0x400];
	v20 =	vshll.u32 v20, $0x6;
	v22 =	vmin.u32 v22, $0x3F;
	v27 =	vshll.u32 v27, $0x6  }
0xda: {  	v51 =	vld [tilespmem:$0x410];
	v30 =	vmin.u32 v30, $0x3F;
	v28 =	vshll.u32 v28, $0xC;
	vm5 =	vgt.s32 v33, $0x0  }
0xdb: {  	v31 =	vmin.u32 v31, $0x9;
	v32 =	vmin.u32 v32, $0x9;
	vm13 =	vgt.s32 v40, $0x0  }
0xdc: {  	v20 =	vor.u32 v23, v20;
	v23 =	vnsel vm12, $0x0, v41;
	v30 =	vshll.u32 v30, $0x6  }
0xdd: {  	vm12 =	vgt.s32 v52, $0x0;
	v33 =	vnsel vm5, $0x0, v33;
	v31 =	vshll.u32 v31, $0xC  }
0xde: {  	v36 =	vld [tilespmem:$0x870];
	vm8 =	vgt.s32 v34, $0x0;
	v32 =	vshll.u32 v32, $0xC;
	vm4 =	vgt.s32 v43, $0x0  }
0xdf: {  	vm5 =	vgt.s32 v37, $0x0;
	vm7 =	vgt.s32 v51, $0x0;
	v20 =	vor.u32 v21, v20  }
0xe0: {  	v55 =	vld [tilespmem:$0xD30];
	v21 =	vmin.u32 v42, $0x9;
	v23 =	vmin.u32 v23, $0x3F;
	v28 =	vor.u32 v28, v30  }
0xe1: {  	v56 =	vld [tilespmem:$0x420];
	v30 =	vnsel vm14, $0x0, v53;
	v33 =	vmin.u32 v33, $0x3F;
	v62 =	vnsel vm8, $0x0, v34  }
0xe2: {  	v39 =	vld [tilespmem:$0x450];
	v42 =	vnsel vm10, $0x0, v35;
	v34 =	vnsel vm13, $0x0, v40;
	v21 =	vshll.u32 v21, $0xC  }
0xe3: {  	v30 =	vmin.u32 v30, $0x3F;
	v33 =	vshll.u32 v33, $0x6;
	vm14 =	vgt.s32 v36, $0x0  }
0xe4: {  	v57 =	vld [tilespmem:$0xD40];
	v48 =	vmin.u32 v34, $0x9;
	v21 =	vor.u32 v21, v24;
	v24 =	vnsel vm15, $0x0, v44  }
0xe5: {  	vm15 =	vgt.s32 v55, $0x0;
	v30 =	vshll.u32 v30, $0x6;
	v31 =	vor.u32 v31, v33  }
0xe6: {  	[tilespmem:$0xF10] =	vst v0;
	v33 =	vnsel vm11, $0x0, v61;
	v36 =	vnsel vm14, $0x0, v36;
	v0 =	vshll.u32 v48, $0xC  }
0xe7: {  	v61 =	vnsel vm7, $0x0, v51;
	vm10 =	vgt.s32 v56, $0x0;
	vm7 =	vgt.s32 v39, $0x0  }
0xe8: {  	v60 =	vld [tilespmem:$0xD50];
	v22 =	vor.u32 v22, v21;
	v21 =	vor.u32 v23, v25;
	v23 =	vmin.u32 v46, $0x3F  }
0xe9: {  	[tilespmem:$0xF80] =	vst v5;
	v53 =	vld [tilespmem:$0x910];
	v24 =	vmin.u32 v24, $0x3F;
	v25 =	vnsel vm6, $0x0, v47;
	vm6 =	vgt.s32 v57, $0x0  }
0xea: {  	[tilespmem:$0xFA0] =	vst v6;
	v33 =	vmin.u32 v33, $0x3F;
	v6 =	vmin.u32 v61, $0x9;
	v5 =	vnsel vm10, $0x0, v56  }
0xeb: {  	[tilespmem:$0x1000] =	vst v9;
	v9 =	vnsel vm7, $0x0, v39;
	v23 =	vshll.u32 v23, $0x6;
	v25 =	vmin.u32 v25, $0x3F  }
0xec: {  	v40 =	vld [tilespmem:$0x950];
	v33 =	vshll.u32 v33, $0x6;
	v6 =	vshll.u32 v6, $0xC;
	v5 =	vmin.u32 v5, $0x9  }
0xed: {  	v9 =	vmin.u32 v9, $0x9;
	v23 =	vor.u32 v26, v23;
	v26 =	vnsel vm9, $0x0, v49  }
0xee: {  	v63 =	vld [tilespmem:$0xD60];
	vm9 =	vgt.s32 v60, $0x0;
	v49 =	vmin.u32 v36, $0x3F;
	vm8 =	vgt.s32 v53, $0x0  }
0xef: {  	v35 =	vld [tilespmem:$0x440];
	v5 =	vshll.u32 v5, $0xC;
	v9 =	vshll.u32 v9, $0xC;
	v23 =	vor.u32 v24, v23  }
0xf0: {  	v24 =	vmin.u32 v50, $0x9;
	v26 =	vmin.u32 v26, $0x3F;
	v50 =	vshll.u32 v49, $0x6  }
0xf1: {  	[tilespmem:$0xF30] =	vst v4;
	v4 =	vnsel vm8, $0x0, v53;
	vm8 =	vgt.s32 v40, $0x0;
	v24 =	vshll.u32 v24, $0xC  }
0xf2: {  	[tilespmem:$0x1030] =	vst v12;
	v41 =	vld [tilespmem:$0xD70];
	v0 =	vor.u32 v0, v50;
	v4 =	vmin.u32 v4, $0x3F;
	v12 =	vnsel vm8, $0x0, v40  }
0xf3: {  	v24 =	vor.u32 v24, v27;
	v27 =	vnsel vm12, $0x0, v52;
	vm12 =	vgt.s32 v63, $0x0  }
0xf4: {  	v34 =	vld [tilespmem:$0xE30];
	v52 =	vnsel vm4, $0x0, v43;
	v4 =	vshll.u32 v4, $0x6;
	vm4 =	vgt.s32 v35, $0x0  }
0xf5: {  	v36 =	vld [tilespmem:$0x940];
	v12 =	vmin.u32 v12, $0x3F;
	v25 =	vor.u32 v25, v24;
	v24 =	vor.u32 v26, v28  }
0xf6: {  	v26 =	vmin.u32 v54, $0x3F;
	v27 =	vmin.u32 v27, $0x3F;
	v28 =	vnsel vm15, $0x0, v55  }
0xf7: {  	[tilespmem:$0xF20] =	vst v2;
	v47 =	vld [tilespmem:$0xE00];
	vm15 =	vgt.s32 v41, $0x0;
	v54 =	vnsel vm5, $0x0, v37;
	v2 =	vmin.u32 v52, $0x9  }
0xf8: {  	v48 =	vld [tilespmem:$0xE70];
	v4 =	vor.u32 v6, v4;
	v12 =	vshll.u32 v12, $0x6;
	v26 =	vshll.u32 v26, $0x6  }
0xf9: {  	[tilespmem:$0xF40] =	vst v3;
	v28 =	vmin.u32 v28, $0x3F;
	v46 =	vnsel vm15, $0x0, v41;
	v3 =	vmin.u32 v54, $0x3F  }
0xfa: {  	v38 =	vld [tilespmem:$0xE40];
	v2 =	vshll.u32 v2, $0xC;
	vm15 =	vgt.s32 v34, $0x0;
	vm5 =	vgt.s32 v36, $0x0  }
0xfb: {  	v43 =	vld [tilespmem:$0x460];
	v9 =	vor.u32 v9, v12;
	v26 =	vor.u32 v29, v26;
	v29 =	vnsel vm6, $0x0, v57  }
0xfc: {  	[tilespmem:$0xF90] =	vst v7;
	vm6 =	vgt.s32 v47, $0x0;
	v3 =	vshll.u32 v3, $0x6;
	v7 =	vnsel vm15, $0x0, v34  }
0xfd: {  	v55 =	vld [tilespmem:$0xE10];
	vm15 =	vgt.s32 v48, $0x0;
	v26 =	vor.u32 v27, v26;
	v27 =	vmin.u32 v58, $0x9  }
0xfe: {  	[tilespmem:$0xF00] =	vst v1;
	v29 =	vmin.u32 v29, $0x3F;
	v57 =	vnsel vm6, $0x0, v47;
	v2 =	vor.u32 v2, v3  }
0xff: {  	[tilespmem:$0xFB0] =	vst v8;
	v7 =	vmin.u32 v7, $0x3F;
	vm6 =	vgt.s32 v38, $0x0;
	v27 =	vshll.u32 v27, $0xC  }
0x100: {  	[tilespmem:$0xFC0] =	vst v10;
	v41 =	vld [tilespmem:$0xE50];
	v59 =	vmin.u32 v57, $0x3F;
	v6 =	vnsel vm6, $0x0, v38;
	vm10 =	vgt.s32 v43, $0x0  }
0x101: {  	[tilespmem:$0x1010] =	vst v11;
	v57 =	vnsel vm15, $0x0, v48;
	v27 =	vor.u32 v27, v30;
	v30 =	vnsel vm9, $0x0, v60  }
0x102: {  	[tilespmem:$0x1020] =	vst v13;
	v58 =	vld [tilespmem:$0x920];
	v2 =	vor.u32 v59, v2;
	vm9 =	vgt.s32 v55, $0x0;
	v6 =	vmin.u32 v6, $0x3F  }
0x103: {  	[tilespmem:$0x1040] =	vst v14;
	v11 =	vnsel vm10, $0x0, v43;
	v28 =	vor.u32 v28, v27;
	v27 =	vor.u32 v29, v31  }
0x104: {  	[tilespmem:$0x1080] =	vst v16;
	v29 =	vmin.u32 v62, $0x3F;
	v30 =	vmin.u32 v30, $0x3F;
	v31 =	vnsel vm12, $0x0, v63  }
0x105: {  	[tilespmem:$0x1090] =	vst v15;
	v60 =	vld [tilespmem:$0xE20];
	v62 =	vnsel vm9, $0x0, v55;
	vm9 =	vgt.s32 v41, $0x0;
	v52 =	vmin.u32 v11, $0x9  }
0x106: {  	[tilespmem:$0x10A0] =	vst v17;
	v29 =	vshll.u32 v29, $0x6;
	v45 =	vmin.u32 v31, $0x3F;
	v31 =	vmin.u32 v46, $0x3F  }
0x107: {  	[tilespmem:$0x10B0] =	vst v19;
	v63 =	vld [tilespmem:$0x430];
	v29 =	vor.u32 v32, v29;
	v0 =	vor.u32 v31, v0;
	vm11 =	vgt.s32 v58, $0x0  }
0x108: {  	[tilespmem:$0x10C0] =	vst v18;
	v29 =	vor.u32 v30, v29;
	v30 =	vmin.u32 v42, $0x9;
	v32 =	vnsel vm11, $0x0, v58  }
0x109: {  	v46 =	vld [tilespmem:$0x470];
	v42 =	vnsel vm4, $0x0, v35;
	[tilespmem:$0x1210] =	vst v0;
	v0 =	vshll.u32 v52, $0xC;
	v30 =	vshll.u32 v30, $0xC  }
0x10a: {  	[tilespmem:$0x1100] =	vst v20;
	vm12 =	vgt.s32 v60, $0x0;
	v10 =	vmin.u32 v32, $0x3F;
	v44 =	vor.u32 v30, v33  }
0x10b: {  	[tilespmem:$0x1110] =	vst v22;
	v30 =	vld [tilespmem:$0x930];
	v33 =	vmin.u32 v62, $0x3F;
	v3 =	vnsel vm12, $0x0, v60;
	v10 =	vshll.u32 v10, $0x6  }
0x10c: {  	[tilespmem:$0x1120] =	vst v21;
	v47 =	vld [tilespmem:$0x970];
	vm13 =	vgt.s32 v63, $0x0;
	v62 =	vmin.u32 v57, $0x3F;
	v1 =	vor.u32 v45, v44  }
0x10d: {  	[tilespmem:$0x1130] =	vst v23;
	v3 =	vmin.u32 v3, $0x3F;
	v5 =	vor.u32 v5, v10;
	v8 =	vnsel vm13, $0x0, v63;
	v44 =	vld [tilespmem:$0x960]  }
0x10e: {  	[tilespmem:$0x1140] =	vst v25;
	v4 =	vor.u32 v33, v4;
	v10 =	vnsel vm5, $0x0, v36;
	v45 =	vld [tilespmem:$0xE60];
	vm13 =	vgt.s32 v46, $0x0  }
0x10f: {  	[tilespmem:$0x1180] =	vst v24;
	v3 =	vor.u32 v3, v5;
	v8 =	vmin.u32 v8, $0x9;
	v10 =	vmin.u32 v10, $0x3F  }
0x110: {  	[tilespmem:$0x1190] =	vst v26;
	v55 =	vnsel vm13, $0x0, v46;
	v8 =	vshll.u32 v8, $0xC;
	vm14 =	vgt.s32 v30, $0x0  }
0x111: {  	[tilespmem:$0x1220] =	vst v2;
	v10 =	vshll.u32 v10, $0x6;
	v58 =	vmin.u32 v55, $0x9;
	v37 =	vnsel vm14, $0x0, v30  }
0x112: {  	[tilespmem:$0x11A0] =	vst v28;
	v60 =	vshll.u32 v58, $0xC;
	vm11 =	vgt.s32 v44, $0x0;
	v5 =	vmin.u32 v37, $0x3F  }
0x113: {  	[tilespmem:$0x11B0] =	vst v27;
	vm12 =	vgt.s32 v45, $0x0;
	vm14 =	vgt.s32 v47, $0x0;
	v5 =	vshll.u32 v5, $0x6  }
0x114: {  	[tilespmem:$0x11C0] =	vst v29;
	v51 =	vnsel vm11, $0x0, v44;
	v56 =	vnsel vm14, $0x0, v47;
	v5 =	vor.u32 v8, v5  }
0x115: {  	[tilespmem:$0x1240] =	vst v3;
	v3 =	vmin.u32 v56, $0x3F;
	v5 =	vor.u32 v7, v5;
	v7 =	vmin.u32 v42, $0x9  }
0x116: {  	[tilespmem:$0x1200] =	vst v1;
	v8 =	vnsel vm9, $0x0, v41;
	v3 =	vshll.u32 v3, $0x6;
	v7 =	vshll.u32 v7, $0xC  }
0x117: {  	[tilespmem:$0x1230] =	vst v4;
	v8 =	vmin.u32 v8, $0x3F;
	v61 =	vor.u32 v60, v3;
	v7 =	vor.u32 v7, v10  }
0x118: {  	v50 =	vor.u32 v8, v9;
	[tilespmem:$0x1280] =	vst v5;
	v49 =	vor.u32 v6, v7;
	v7 =	vmin.u32 v51, $0x3F  }
0x119: {  	v53 =	vnsel vm12, $0x0, v45;
	v63 =	vor.u32 v62, v61;
	[tilespmem:$0x12A0] =	vst v50;
	v54 =	vshll.u32 v7, $0x6  }
0x11a: {  	v59 =	vmin.u32 v53, $0x3F;
	[tilespmem:$0x12C0] =	vst v63;
	v0 =	vor.u32 v0, v54  }
0x11b: {  	[tilespmem:$0x1290] =	vst v49;
	v0 =	vor.u32 v59, v0  }
0x11c: {  	s6 =	simm.s32 $0x80;
	s26 =	rddreg [dreg:$0x6];
	[tilespmem:$0x12B0] =	vst v0  }
0x11d: {  	[tilespmem:s6], [sflag:$0x11] =	stream.linear.gather [hbm4b:s26+s2], $0x80, $0x38;
	[tilespmem:$0x15700] =	vst v63  }
0x11e: {  	s8 =	simm.s32 $0x180;
	s7 =	sadd.s32 $0x10, s26  }
0x11f: {  	[tilespmem:s8], [sflag:$0x11] =	stream.linear.gather [hbm4b:s7+s2], $0x80, $0x38;
	[tilespmem:$0x15700] =	vst v63  }
0x120: {  	s13 =	simm.s32 $0x280;
	s9 =	sadd.s32 $0x20, s26  }
0x121: {  	[tilespmem:s13], [sflag:$0x11] =	stream.linear.gather [hbm4b:s9+s2], $0x80, $0x38;
	[tilespmem:$0x15700] =	vst v63  }
0x122: {  	s22 =	simm.s32 $0x380;
	s16 =	sadd.s32 $0x30, s26  }
0x123: {  	[tilespmem:s22], [sflag:$0x11] =	stream.linear.gather [hbm4b:s16+s2], $0x80, $0x38;
	[tilespmem:$0x15700] =	vst v63  }
0x124: {  	s24 =	simm.s32 $0x480;
	s23 =	sadd.s32 $0x40, s26  }
0x125: {  	[tilespmem:s24], [sflag:$0x11] =	stream.linear.gather [hbm4b:s23+s2], $0x80, $0x38;
	[tilespmem:$0x15700] =	vst v63  }
0x126: {  	s25 =	rddreg [dreg:$0x7];
	s26 =	simm.s32 $0x580  }
0x127: {  	[tilespmem:s26], [sflag:$0x11] =	stream.linear.gather [hbm4b:s25+s2], $0x80, $0x38;
	[tilespmem:$0x15700] =	vst v63  }
0x128: {  	s4 =	sadd.s32 $0x10, s25;
	s6 =	simm.s32 $0x680  }
0x129: {  	[tilespmem:s6], [sflag:$0x11] =	stream.linear.gather [hbm4b:s4+s2], $0x80, $0x38;
	[tilespmem:$0x15700] =	vst v63  }
0x12a: {  	s7 =	sadd.s32 $0x20, s25;
	s8 =	simm.s32 $0x780  }
0x12b: {  	[tilespmem:s8], [sflag:$0x11] =	stream.linear.gather [hbm4b:s7+s2], $0x80, $0x38;
	[tilespmem:$0x15700] =	vst v63  }
0x12c: {  	s9 =	sadd.s32 $0x30, s25;
	s13 =	simm.s32 $0x880  }
0x12d: {  	[tilespmem:s13], [sflag:$0x11] =	stream.linear.gather [hbm4b:s9+s2], $0x80, $0x38;
	[tilespmem:$0x15700] =	vst v63  }
0x12e: {  	s16 =	sadd.s32 $0x40, s25;
	s22 =	simm.s32 $0x980  }
0x12f: {  	[tilespmem:s22], [sflag:$0x11] =	stream.linear.gather [hbm4b:s16+s2], $0x80, $0x38;
	[tilespmem:$0x15700] =	vst v63  }
0x130: {  	s23 =	rddreg [dreg:$0x8];
	s24 =	simm.s32 $0xA80  }
0x131: {  	[tilespmem:s24], [sflag:$0x11] =	stream.linear.gather [hbm4b:s23+s2], $0x80, $0x38;
	[tilespmem:$0x15700] =	vst v63  }
0x132: {  	s25 =	sadd.s32 $0x10, s23;
	s26 =	simm.s32 $0xB80  }
0x133: {  	[tilespmem:s26], [sflag:$0x11] =	stream.linear.gather [hbm4b:s25+s2], $0x80, $0x38;
	[tilespmem:$0x15700] =	vst v63  }
0x134: {  	s4 =	sadd.s32 $0x20, s23;
	s6 =	simm.s32 $0xC80  }
0x135: {  	[tilespmem:s6], [sflag:$0x11] =	stream.linear.gather [hbm4b:s4+s2], $0x80, $0x38;
	[tilespmem:$0x15700] =	vst v63  }
0x136: {  	s30 =	simm.s32 $0x0;
	s7 =	sadd.s32 $0x30, s23;
	s8 =	simm.s32 $0xD80  }
0x137: {  	[tilespmem:s8], [sflag:$0x11] =	stream.linear.gather [hbm4b:s7+s2], $0x80, $0x38;
	[tilespmem:$0x15700] =	vst v63  }
0x138: {  	s5 =	simm.s32 $0x0;
	s9 =	sadd.s32 $0x40, s23;
	s13 =	simm.s32 $0xE80  }
0x139: {  	[tilespmem:s13], [sflag:$0x11] =	stream.linear.gather [hbm4b:s9+s2], $0x80, $0x38;
	[tilespmem:$0x15700] =	vst v63  }
0x13a: {  	s16 =	simm.s32 $0xF00;
	s22 =	simm.s32 $0x1700;
	s23 =	simm.s32 $0xF80  }
0x13b: {  	[tilespmem:s22], [sflag:$0x1] =	stream.indirect.gather [hbm4b:s3+s31], $0x80, s16, s31, $0xb8;
	[tilespmem:$0x15700] =	vst v63  }
.Ltmp2:
0x13c: {  	s24 =	simm.s32 $0x3F00;
	s6 =	rddreg [dreg:$0x16];
	(pc) =	sbr.rel .LBB2_2-.Ltmp2, $4  }
0x13d: {  	[tilespmem:s24], [sflag:$0x2] =	stream.indirect.gather [hbm4b:s3+s31], $0x80, s23, s31, $0xb8;
	[tilespmem:$0x15700] =	vst v63  }
0x13e: {  	s25 =	simm.s32 $0x1000;
	s26 =	simm.s32 $0x6700;
	s22 =	rddreg [dreg:$0x14]  }
0x13f: {  	[tilespmem:s26], [sflag:$0x3] =	stream.indirect.gather [hbm4b:s3+s31], $0x80, s25, s31, $0xb8;
	[tilespmem:$0x15700] =	vst v63  }
0x140: {  	s23 =	simm.s32 $0x0;
	s24 =	simm.s32 $0x0;
	s26 =	rddreg [dreg:$0x15]  }
.LBB2_4:
0x141: {  	s1 =	simm.s32 $0xC  }
0x142: {  	_ =	swait.ge [sflag:s1], $0x2800  }
0x143: {  	[sflag:s1] =	ssyncset.done $0x0  }
0x144: {  	p1 =	por $0x0, $0x0;
	[sflag:s1] =	ssyncadd.s32 $0xFFFFD800  }
.LBB2_5:
0x145: {  	_ =	swait.ge [sflag:s29], $0x2800  }
0x146: {  	s9 =	sand.u32 $0x400, s5;
	[sflag:s29] =	ssyncset.done $0x0  }
0x147: {  	s4 =	sor.u32 $0x1080, s9;
	[sflag:s29] =	ssyncadd.s32 $0xFFFFD800  }
0x148: {  	[tilespmem:s0], [sflag:$0x4] =	stream.indirect.gather [hbm4b:s3+s31], $0x80, s4, s31, $0xb8;
	[tilespmem:$0x15700] =	vst v63  }
0x149: {  	s8 =	sadd.s32 s23, s20;
	s1 =	simm.s32 $0x1700;
	s4 =	simm.s32 @p1 $0x2  }
0x14a: {  	[hbm4b:s8+s2] =	stream.linear.scatter [tilespmem:s1], [sflag:$0x9], $0x2800, $0x38;
	[tilespmem:$0x15700] =	vst v63  }
0x14b: {  	_ =	swait.ge @p1 [sflag:s4], $0x2800  }
0x14c: {  	s13 =	simm.s32 @p1 $0x50;
	[sflag:s4] =	ssyncset.done @p1 $0x0  }
0x14d: {  	s16 =	simm.s32 @p1 $0xB700;
	[sflag:s4] =	ssyncadd.s32 @p1 $0xFFFFD800;
	s4 =	sadd.s32 @p1 $0x1100, s9  }
0x14e: {  	[tilespmem:s16], [sflag:$0x5] =	stream.indirect.gather @p1 [hbm4b:s3+s13], $0x80, s4, s13, $0xb8;
	[tilespmem:$0x15700] =	vst v63  }
0x14f: {  	s4 =	sadd.s32 @p1 s23, s20  }
0x150: {  	s25 =	simm.s32 @p1 $0x3F00;
	s1 =	simm.s32 @p1 $0x0;
	s16 =	sadd.s32 @p1 $0x500, s4  }
0x151: {  	[hbm4b:s16+s1] =	stream.linear.scatter @p1 [tilespmem:s25], [sflag:$0xA], $0x2800, $0x38;
	[tilespmem:$0x15700] =	vst v63  }
0x152: {  	s16 =	simm.s32 @p1 $0x3  }
0x153: {  	_ =	swait.ge @p1 [sflag:s16], $0x2800  }
0x154: {  	[sflag:s16] =	ssyncset.done @p1 $0x0  }
0x155: {  	s25 =	simm.s32 @p1 $0xDF00;
	[sflag:s16] =	ssyncadd.s32 @p1 $0xFFFFD800;
	s16 =	sadd.s32 @p1 $0x1180, s9  }
0x156: {  	[tilespmem:s25], [sflag:$0x6] =	stream.indirect.gather @p1 [hbm4b:s3+s13], $0x80, s16, s13, $0xb8;
	[tilespmem:$0x15700] =	vst v63  }
0x157: {  	s4 =	sadd.s32 @p1 $0xA00, s4;
	s13 =	simm.s32 @p1 $0x6700  }
0x158: {  	[hbm4b:s4+s1] =	stream.linear.scatter @p1 [tilespmem:s13], [sflag:$0xB], $0x2800, $0x38;
	[tilespmem:$0x15700] =	vst v63  }
0x159: {  	s1 =	simm.s32 @!p1 $0xD  }
0x15a: {  	_ =	swait.ge @!p1 [sflag:s1], $0x2800  }
0x15b: {  	[sflag:s1] =	ssyncset.done @!p1 $0x0  }
0x15c: {  	[sflag:s1] =	ssyncadd.s32 @!p1 $0xFFFFD800;
	s1 =	simm.s32 @!p1 $0x2  }
0x15d: {  	_ =	swait.ge @!p1 [sflag:s1], $0x2800  }
0x15e: {  	s4 =	simm.s32 @!p1 $0x50;
	[sflag:s1] =	ssyncset.done @!p1 $0x0  }
0x15f: {  	s13 =	simm.s32 @!p1 $0xB700;
	[sflag:s1] =	ssyncadd.s32 @!p1 $0xFFFFD800;
	s1 =	sadd.s32 @!p1 $0x1100, s9  }
0x160: {  	[tilespmem:s13], [sflag:$0x5] =	stream.indirect.gather @!p1 [hbm4b:s3+s4], $0x80, s1, s4, $0xb8;
	[tilespmem:$0x15700] =	vst v63  }
0x161: {  	s1 =	sadd.s32 @!p1 s23, s20  }
0x162: {  	s16 =	simm.s32 @!p1 $0x0;
	s25 =	simm.s32 @!p1 $0x3F00;
	s13 =	sadd.s32 @!p1 $0x500, s1  }
0x163: {  	[hbm4b:s13+s16] =	stream.linear.scatter @!p1 [tilespmem:s25], [sflag:$0xA], $0x2800, $0x38;
	[tilespmem:$0x15700] =	vst v63  }
0x164: {  	s13 =	simm.s32 @!p1 $0xE  }
0x165: {  	_ =	swait.ge @!p1 [sflag:s13], $0x2800  }
0x166: {  	[sflag:s13] =	ssyncset.done @!p1 $0x0  }
0x167: {  	[sflag:s13] =	ssyncadd.s32 @!p1 $0xFFFFD800;
	s13 =	simm.s32 @!p1 $0x3  }
0x168: {  	_ =	swait.ge @!p1 [sflag:s13], $0x2800  }
0x169: {  	[sflag:s13] =	ssyncset.done @!p1 $0x0  }
0x16a: {  	s25 =	simm.s32 @!p1 $0xDF00;
	[sflag:s13] =	ssyncadd.s32 @!p1 $0xFFFFD800;
	s13 =	sadd.s32 @!p1 $0x1180, s9  }
0x16b: {  	[tilespmem:s25], [sflag:$0x6] =	stream.indirect.gather @!p1 [hbm4b:s3+s4], $0x80, s13, s4, $0xb8;
	[tilespmem:$0x15700] =	vst v63  }
0x16c: {  	s1 =	sadd.s32 @!p1 $0xA00, s1;
	s4 =	simm.s32 @!p1 $0x6700  }
0x16d: {  	[hbm4b:s1+s16] =	stream.linear.scatter @!p1 [tilespmem:s4], [sflag:$0xB], $0x2800, $0x38;
	[tilespmem:$0x15700] =	vst v63  }
0x16e: {  	s1 =	simm.s32 @!p1 $0xF  }
0x16f: {  	_ =	swait.ge @!p1 [sflag:s1], $0x2800  }
0x170: {  	[sflag:s1] =	ssyncset.done @!p1 $0x0  }
0x171: {  	[sflag:s1] =	ssyncadd.s32 @!p1 $0xFFFFD800  }
0x172: {  	_ =	swait.ge [sflag:s28], $0x2800  }
0x173: {  	[sflag:s28] =	ssyncset.done $0x0  }
0x174: {  	s25 =	sadd.s32 $0x1200, s9;
	[sflag:s28] =	ssyncadd.s32 $0xFFFFD800  }
0x175: {  	[tilespmem:s10], [sflag:$0x7] =	stream.indirect.gather [hbm4b:s3+s31], $0x80, s25, s31, $0xb8;
	[tilespmem:$0x15700] =	vst v63  }
0x176: {  	s4 =	sadd.s32 $0xF00, s8;
	s1 =	simm.s32 @!p1 $0x10  }
0x177: {  	[hbm4b:s4+s2] =	stream.linear.scatter [tilespmem:s0], [sflag:$0xC], $0x2800, $0x38;
	[tilespmem:$0x15700] =	vst v63  }
0x178: {  	_ =	swait.ge @!p1 [sflag:s1], $0x2800  }
0x179: {  	[sflag:s1] =	ssyncset.done @!p1 $0x0  }
0x17a: {  	[sflag:s1] =	ssyncadd.s32 @!p1 $0xFFFFD800  }
0x17b: {  	_ =	swait.ge [sflag:s11], $0x2800  }
0x17c: {  	[sflag:s11] =	ssyncset.done $0x0  }
0x17d: {  	s13 =	sadd.s32 $0x1280, s9;
	[sflag:s11] =	ssyncadd.s32 $0xFFFFD800  }
0x17e: {  	[tilespmem:s12], [sflag:$0x8] =	stream.indirect.gather [hbm4b:s3+s31], $0x80, s13, s31, $0xb8;
	[tilespmem:$0x15700] =	vst v63  }
0x17f: {  	s16 =	sadd.s32 $0x1400, s8;
	s25 =	simm.s32 $0xB700  }
0x180: {  	[hbm4b:s16+s2] =	stream.linear.scatter [tilespmem:s25], [sflag:$0xD], $0x2800, $0x38;
	[tilespmem:$0x15700] =	vst v63  }
0x181: {  	_ =	swait.ge [sflag:s14], $0x2800  }
0x182: {  	[sflag:s14] =	ssyncset.done $0x0  }
0x183: {  	[sflag:s14] =	ssyncadd.s32 $0xFFFFD800  }
0x184: {  	_ =	swait.ge [sflag:s15], $0x2800  }
0x185: {  	s9 =	simm.s32 @!p0 $0x1700;
	[sflag:s15] =	ssyncset.done $0x0  }
0x186: {  	s4 =	simm.s32 @!p0 $0x50;
	s1 =	sadd.s32 @!p0 $0xF00, s7;
	[sflag:s15] =	ssyncadd.s32 $0xFFFFD800  }
0x187: {  	[tilespmem:s9], [sflag:$0x1] =	stream.indirect.gather @!p0 [hbm4b:s3+s4], $0x80, s1, s4, $0xb8;
	[tilespmem:$0x15700] =	vst v63  }
0x188: {  	s13 =	simm.s32 $0xDF00;
	s9 =	sadd.s32 $0x1900, s8  }
0x189: {  	[hbm4b:s9+s2] =	stream.linear.scatter [tilespmem:s13], [sflag:$0xE], $0x2800, $0x38;
	[tilespmem:$0x15700] =	vst v63  }
0x18a: {  	_ =	swait.ge [sflag:s17], $0x2800  }
0x18b: {  	[sflag:s17] =	ssyncset.done $0x0  }
0x18c: {  	[sflag:s17] =	ssyncadd.s32 $0xFFFFD800  }
0x18d: {  	_ =	swait.ge [sflag:s18], $0x2800  }
0x18e: {  	[sflag:s18] =	ssyncset.done $0x0  }
0x18f: {  	s1 =	sadd.s32 @!p0 $0xF80, s7;
	s9 =	simm.s32 @!p0 $0x3F00;
	[sflag:s18] =	ssyncadd.s32 $0xFFFFD800  }
0x190: {  	[tilespmem:s9], [sflag:$0x2] =	stream.indirect.gather @!p0 [hbm4b:s3+s4], $0x80, s1, s4, $0xb8;
	[tilespmem:$0x15700] =	vst v63  }
0x191: {  	s16 =	sadd.s32 $0x1E00, s8  }
0x192: {  	[hbm4b:s16+s2] =	stream.linear.scatter [tilespmem:s10], [sflag:$0xF], $0x2800, $0x38;
	[tilespmem:$0x15700] =	vst v63  }
0x193: {  	_ =	swait.ge [sflag:s19], $0x2800  }
0x194: {  	[sflag:s19] =	ssyncset.done $0x0  }
0x195: {  	[sflag:s19] =	ssyncadd.s32 $0xFFFFD800  }
0x196: {  	_ =	swait.ge [sflag:s21], $0x2800  }
0x197: {  	s23 =	sadd.s32 $0x2800, s23;
	[sflag:s21] =	ssyncset.done $0x0  }
0x198: {  	s1 =	sor.u32 @!p0 $0x1000, s7;
	s7 =	simm.s32 @!p0 $0x6700;
	[sflag:s21] =	ssyncadd.s32 $0xFFFFD800  }
0x199: {  	[tilespmem:s7], [sflag:$0x3] =	stream.indirect.gather @!p0 [hbm4b:s3+s4], $0x80, s1, s4, $0xb8;
	[tilespmem:$0x15700] =	vst v63  }
0x19a: {  	p0 =	sne.s32 s23, $0x64000  }
.Ltmp3:
0x19b: {  	_ = 	snop;
	(pc) =	sbr.rel @!p0 .LBB2_6-.Ltmp3, $4  }
0x19c: {  	s24 =	sadd.s32 $0x80, s24  }
0x19d: {  	s22 =	sadd.s32 $0x50, s22;
	s26 =	sadd.s32 $0x50, s26;
	s6 =	sadd.s32 $0x50, s6  }
0x19e: {  	s5 =	sadd.s32 $0x400, s5;
	s30 =	sadd.s32 $0x1, s30;
	s25 =	sadd.s32 $0x2300, s8  }
0x19f: {  	[hbm4b:s25+s2] =	stream.linear.scatter [tilespmem:s12], [sflag:$0x10], $0x2800, $0x38;
	[tilespmem:$0x15700] =	vst v63  }
.LBB2_2:
0x1a0: {  	p0 =	seq.s32 s23, $0x61800  }
0x1a1: {  	s7 =	simm.s32 @!p0 $0x11  }
0x1a2: {  	_ =	swait.ge @!p0 [sflag:s7], $0x280  }
0x1a3: {  	[sflag:s7] =	ssyncset.done @!p0 $0x0  }
0x1a4: {  	[sflag:s7] =	ssyncadd.s32 @!p0 $0xFFFFFD80  }
0x1a5: {  	_ =	swait.ge @!p0 [sflag:s7], $0x280  }
0x1a6: {  	[sflag:s7] =	ssyncset.done @!p0 $0x0  }
0x1a7: {  	[sflag:s7] =	ssyncadd.s32 @!p0 $0xFFFFFD80  }
0x1a8: {  	_ =	swait.ge @!p0 [sflag:s7], $0x280  }
0x1a9: {  	s8 =	sxor.u32 @!p0 $0xFFFFFFFF, s24;
	[sflag:s7] =	ssyncset.done @!p0 $0x0  }
0x1aa: {  	s8 =	sand.u32 @!p0 $0x80, s8;
	[sflag:s7] =	ssyncadd.s32 @!p0 $0xFFFFFD80  }
0x1ab: {  	v0 =	vld @!p0 [tilespmem:s8+$0x0]  }
0x1ac: {  	v1 =	vld @!p0 [tilespmem:s8+$0x500];
	_ =	sdelay $0x1  }
0x1ad: {  	v2 =	vld @!p0 [tilespmem:s8+$0xA00];
	_ =	sdelay $0x2  }
0x1ae: {  	vm0 =	vgt.s32 @!p0 v0, $0x0;
	vm1 =	vgt.s32 @!p0 v1, $0x0  }
0x1af: {  	v0 =	vnsel @!p0 vm0, $0x0, v0;
	v1 =	vnsel @!p0 vm1, $0x0, v1  }
0x1b0: {  	vm0 =	vgt.s32 @!p0 v2, $0x0;
	v0 =	vmin.u32 @!p0 v0, $0x9;
	v1 =	vmin.u32 @!p0 v1, $0x3F  }
0x1b1: {  	s25 =	sxor.u32 $0xFFFFFFFF, s30;
	v2 =	vnsel @!p0 vm0, $0x0, v2;
	v0 =	vshll.u32 @!p0 v0, $0xC;
	v1 =	vshll.u32 @!p0 v1, $0x6  }
0x1b2: {  	s7 =	sand.u32 $0x1, s25;
	v2 =	vmin.u32 @!p0 v2, $0x3F;
	v0 =	vor.u32 @!p0 v0, v1  }
0x1b3: {  	s7 =	sshll.u32 @!p0 s7, $0xA;
	v0 =	vor.u32 @!p0 v2, v0  }
0x1b4: {  	[tilespmem:s7+$0xF00] =	vst @!p0 v0  }
0x1b5: {  	v0 =	vld @!p0 [tilespmem:s8+$0x10]  }
0x1b6: {  	v1 =	vld @!p0 [tilespmem:s8+$0x510];
	_ =	sdelay $0x1  }
0x1b7: {  	v2 =	vld @!p0 [tilespmem:s8+$0xA10];
	_ =	sdelay $0x2  }
0x1b8: {  	vm0 =	vgt.s32 @!p0 v0, $0x0;
	vm1 =	vgt.s32 @!p0 v1, $0x0  }
0x1b9: {  	v0 =	vnsel @!p0 vm0, $0x0, v0;
	v1 =	vnsel @!p0 vm1, $0x0, v1  }
0x1ba: {  	vm0 =	vgt.s32 @!p0 v2, $0x0;
	v0 =	vmin.u32 @!p0 v0, $0x9;
	v1 =	vmin.u32 @!p0 v1, $0x3F  }
0x1bb: {  	v2 =	vnsel @!p0 vm0, $0x0, v2;
	v0 =	vshll.u32 @!p0 v0, $0xC;
	v1 =	vshll.u32 @!p0 v1, $0x6  }
0x1bc: {  	v2 =	vmin.u32 @!p0 v2, $0x3F;
	v0 =	vor.u32 @!p0 v0, v1  }
0x1bd: {  	v0 =	vor.u32 @!p0 v2, v0  }
0x1be: {  	[tilespmem:s7+$0xF10] =	vst @!p0 v0  }
0x1bf: {  	v0 =	vld @!p0 [tilespmem:s8+$0x20]  }
0x1c0: {  	v1 =	vld @!p0 [tilespmem:s8+$0x520];
	_ =	sdelay $0x1  }
0x1c1: {  	v2 =	vld @!p0 [tilespmem:s8+$0xA20];
	_ =	sdelay $0x2  }
0x1c2: {  	vm0 =	vgt.s32 @!p0 v0, $0x0;
	vm1 =	vgt.s32 @!p0 v1, $0x0  }
0x1c3: {  	v0 =	vnsel @!p0 vm0, $0x0, v0;
	v1 =	vnsel @!p0 vm1, $0x0, v1  }
0x1c4: {  	vm0 =	vgt.s32 @!p0 v2, $0x0;
	v0 =	vmin.u32 @!p0 v0, $0x9;
	v1 =	vmin.u32 @!p0 v1, $0x3F  }
0x1c5: {  	v2 =	vnsel @!p0 vm0, $0x0, v2;
	v0 =	vshll.u32 @!p0 v0, $0xC;
	v1 =	vshll.u32 @!p0 v1, $0x6  }
0x1c6: {  	v2 =	vmin.u32 @!p0 v2, $0x3F;
	v0 =	vor.u32 @!p0 v0, v1  }
0x1c7: {  	v0 =	vor.u32 @!p0 v2, v0  }
0x1c8: {  	[tilespmem:s7+$0xF20] =	vst @!p0 v0  }
0x1c9: {  	v0 =	vld @!p0 [tilespmem:s8+$0x30]  }
0x1ca: {  	v1 =	vld @!p0 [tilespmem:s8+$0x530];
	_ =	sdelay $0x1  }
0x1cb: {  	v2 =	vld @!p0 [tilespmem:s8+$0xA30];
	_ =	sdelay $0x2  }
0x1cc: {  	vm0 =	vgt.s32 @!p0 v0, $0x0;
	vm1 =	vgt.s32 @!p0 v1, $0x0  }
0x1cd: {  	v0 =	vnsel @!p0 vm0, $0x0, v0;
	v1 =	vnsel @!p0 vm1, $0x0, v1  }
0x1ce: {  	vm0 =	vgt.s32 @!p0 v2, $0x0;
	v0 =	vmin.u32 @!p0 v0, $0x9;
	v1 =	vmin.u32 @!p0 v1, $0x3F  }
0x1cf: {  	v2 =	vnsel @!p0 vm0, $0x0, v2;
	v0 =	vshll.u32 @!p0 v0, $0xC;
	v1 =	vshll.u32 @!p0 v1, $0x6  }
0x1d0: {  	v2 =	vmin.u32 @!p0 v2, $0x3F;
	v0 =	vor.u32 @!p0 v0, v1  }
0x1d1: {  	v0 =	vor.u32 @!p0 v2, v0  }
0x1d2: {  	[tilespmem:s7+$0xF30] =	vst @!p0 v0  }
0x1d3: {  	v0 =	vld @!p0 [tilespmem:s8+$0x40]  }
0x1d4: {  	v1 =	vld @!p0 [tilespmem:s8+$0x540];
	_ =	sdelay $0x1  }
0x1d5: {  	v2 =	vld @!p0 [tilespmem:s8+$0xA40];
	_ =	sdelay $0x2  }
0x1d6: {  	vm0 =	vgt.s32 @!p0 v0, $0x0;
	vm1 =	vgt.s32 @!p0 v1, $0x0  }
0x1d7: {  	v0 =	vnsel @!p0 vm0, $0x0, v0;
	v1 =	vnsel @!p0 vm1, $0x0, v1  }
0x1d8: {  	vm0 =	vgt.s32 @!p0 v2, $0x0;
	v0 =	vmin.u32 @!p0 v0, $0x9;
	v1 =	vmin.u32 @!p0 v1, $0x3F  }
0x1d9: {  	v2 =	vnsel @!p0 vm0, $0x0, v2;
	v0 =	vshll.u32 @!p0 v0, $0xC;
	v1 =	vshll.u32 @!p0 v1, $0x6  }
0x1da: {  	v2 =	vmin.u32 @!p0 v2, $0x3F;
	v0 =	vor.u32 @!p0 v0, v1  }
0x1db: {  	v0 =	vor.u32 @!p0 v2, v0  }
0x1dc: {  	[tilespmem:s7+$0xF40] =	vst @!p0 v0  }
0x1dd: {  	v0 =	vld @!p0 [tilespmem:s8+$0x50]  }
0x1de: {  	v1 =	vld @!p0 [tilespmem:s8+$0x550];
	_ =	sdelay $0x1  }
0x1df: {  	v2 =	vld @!p0 [tilespmem:s8+$0xA50];
	_ =	sdelay $0x2  }
0x1e0: {  	vm0 =	vgt.s32 @!p0 v0, $0x0;
	vm1 =	vgt.s32 @!p0 v1, $0x0  }
0x1e1: {  	v0 =	vnsel @!p0 vm0, $0x0, v0;
	v1 =	vnsel @!p0 vm1, $0x0, v1  }
0x1e2: {  	vm0 =	vgt.s32 @!p0 v2, $0x0;
	v0 =	vmin.u32 @!p0 v0, $0x9;
	v1 =	vmin.u32 @!p0 v1, $0x3F  }
0x1e3: {  	v2 =	vnsel @!p0 vm0, $0x0, v2;
	v0 =	vshll.u32 @!p0 v0, $0xC;
	v1 =	vshll.u32 @!p0 v1, $0x6  }
0x1e4: {  	v2 =	vmin.u32 @!p0 v2, $0x3F;
	v0 =	vor.u32 @!p0 v0, v1  }
0x1e5: {  	v0 =	vor.u32 @!p0 v2, v0  }
0x1e6: {  	[tilespmem:s7+$0xF80] =	vst @!p0 v0  }
0x1e7: {  	v0 =	vld @!p0 [tilespmem:s8+$0x60]  }
0x1e8: {  	v1 =	vld @!p0 [tilespmem:s8+$0x560];
	_ =	sdelay $0x1  }
0x1e9: {  	v2 =	vld @!p0 [tilespmem:s8+$0xA60];
	_ =	sdelay $0x2  }
0x1ea: {  	vm0 =	vgt.s32 @!p0 v0, $0x0;
	vm1 =	vgt.s32 @!p0 v1, $0x0  }
0x1eb: {  	v0 =	vnsel @!p0 vm0, $0x0, v0;
	v1 =	vnsel @!p0 vm1, $0x0, v1  }
0x1ec: {  	vm0 =	vgt.s32 @!p0 v2, $0x0;
	v0 =	vmin.u32 @!p0 v0, $0x9;
	v1 =	vmin.u32 @!p0 v1, $0x3F  }
0x1ed: {  	v2 =	vnsel @!p0 vm0, $0x0, v2;
	v0 =	vshll.u32 @!p0 v0, $0xC;
	v1 =	vshll.u32 @!p0 v1, $0x6  }
0x1ee: {  	v2 =	vmin.u32 @!p0 v2, $0x3F;
	v0 =	vor.u32 @!p0 v0, v1  }
0x1ef: {  	v0 =	vor.u32 @!p0 v2, v0  }
0x1f0: {  	[tilespmem:s7+$0xF90] =	vst @!p0 v0  }
0x1f1: {  	v0 =	vld @!p0 [tilespmem:s8+$0x70]  }
0x1f2: {  	v1 =	vld @!p0 [tilespmem:s8+$0x570];
	_ =	sdelay $0x1  }
0x1f3: {  	v2 =	vld @!p0 [tilespmem:s8+$0xA70];
	_ =	sdelay $0x2  }
0x1f4: {  	vm0 =	vgt.s32 @!p0 v0, $0x0;
	vm1 =	vgt.s32 @!p0 v1, $0x0  }
0x1f5: {  	v0 =	vnsel @!p0 vm0, $0x0, v0;
	v1 =	vnsel @!p0 vm1, $0x0, v1  }
0x1f6: {  	vm0 =	vgt.s32 @!p0 v2, $0x0;
	v0 =	vmin.u32 @!p0 v0, $0x9;
	v1 =	vmin.u32 @!p0 v1, $0x3F  }
0x1f7: {  	v2 =	vnsel @!p0 vm0, $0x0, v2;
	v0 =	vshll.u32 @!p0 v0, $0xC;
	v1 =	vshll.u32 @!p0 v1, $0x6  }
0x1f8: {  	v2 =	vmin.u32 @!p0 v2, $0x3F;
	v0 =	vor.u32 @!p0 v0, v1  }
0x1f9: {  	v0 =	vor.u32 @!p0 v2, v0  }
0x1fa: {  	[tilespmem:s7+$0xFA0] =	vst @!p0 v0  }
0x1fb: {  	v0 =	vld @!p0 [tilespmem:s8+$0x100]  }
0x1fc: {  	v1 =	vld @!p0 [tilespmem:s8+$0x600];
	_ =	sdelay $0x1  }
0x1fd: {  	v2 =	vld @!p0 [tilespmem:s8+$0xB00];
	_ =	sdelay $0x2  }
0x1fe: {  	vm0 =	vgt.s32 @!p0 v0, $0x0;
	vm1 =	vgt.s32 @!p0 v1, $0x0  }
0x1ff: {  	v0 =	vnsel @!p0 vm0, $0x0, v0;
	v1 =	vnsel @!p0 vm1, $0x0, v1  }
0x200: {  	vm0 =	vgt.s32 @!p0 v2, $0x0;
	v0 =	vmin.u32 @!p0 v0, $0x9;
	v1 =	vmin.u32 @!p0 v1, $0x3F  }
0x201: {  	v2 =	vnsel @!p0 vm0, $0x0, v2;
	v0 =	vshll.u32 @!p0 v0, $0xC;
	v1 =	vshll.u32 @!p0 v1, $0x6  }
0x202: {  	v2 =	vmin.u32 @!p0 v2, $0x3F;
	v0 =	vor.u32 @!p0 v0, v1  }
0x203: {  	v0 =	vor.u32 @!p0 v2, v0  }
0x204: {  	[tilespmem:s7+$0xFB0] =	vst @!p0 v0  }
0x205: {  	v0 =	vld @!p0 [tilespmem:s8+$0x110]  }
0x206: {  	v1 =	vld @!p0 [tilespmem:s8+$0x610];
	_ =	sdelay $0x1  }
0x207: {  	v2 =	vld @!p0 [tilespmem:s8+$0xB10];
	_ =	sdelay $0x2  }
0x208: {  	vm0 =	vgt.s32 @!p0 v0, $0x0;
	vm1 =	vgt.s32 @!p0 v1, $0x0  }
0x209: {  	v0 =	vnsel @!p0 vm0, $0x0, v0;
	v1 =	vnsel @!p0 vm1, $0x0, v1  }
0x20a: {  	vm0 =	vgt.s32 @!p0 v2, $0x0;
	v0 =	vmin.u32 @!p0 v0, $0x9;
	v1 =	vmin.u32 @!p0 v1, $0x3F  }
0x20b: {  	v2 =	vnsel @!p0 vm0, $0x0, v2;
	v0 =	vshll.u32 @!p0 v0, $0xC;
	v1 =	vshll.u32 @!p0 v1, $0x6  }
0x20c: {  	v2 =	vmin.u32 @!p0 v2, $0x3F;
	v0 =	vor.u32 @!p0 v0, v1  }
0x20d: {  	v0 =	vor.u32 @!p0 v2, v0  }
0x20e: {  	[tilespmem:s7+$0xFC0] =	vst @!p0 v0  }
0x20f: {  	v0 =	vld @!p0 [tilespmem:s8+$0x120]  }
0x210: {  	v1 =	vld @!p0 [tilespmem:s8+$0x620];
	_ =	sdelay $0x1  }
0x211: {  	v2 =	vld @!p0 [tilespmem:s8+$0xB20];
	_ =	sdelay $0x2  }
0x212: {  	vm0 =	vgt.s32 @!p0 v0, $0x0;
	vm1 =	vgt.s32 @!p0 v1, $0x0  }
0x213: {  	v0 =	vnsel @!p0 vm0, $0x0, v0;
	v1 =	vnsel @!p0 vm1, $0x0, v1  }
0x214: {  	vm0 =	vgt.s32 @!p0 v2, $0x0;
	v0 =	vmin.u32 @!p0 v0, $0x9;
	v1 =	vmin.u32 @!p0 v1, $0x3F  }
0x215: {  	v2 =	vnsel @!p0 vm0, $0x0, v2;
	v0 =	vshll.u32 @!p0 v0, $0xC;
	v1 =	vshll.u32 @!p0 v1, $0x6  }
0x216: {  	v2 =	vmin.u32 @!p0 v2, $0x3F;
	v0 =	vor.u32 @!p0 v0, v1  }
0x217: {  	v0 =	vor.u32 @!p0 v2, v0  }
0x218: {  	[tilespmem:s7+$0x1000] =	vst @!p0 v0  }
0x219: {  	v0 =	vld @!p0 [tilespmem:s8+$0x130]  }
0x21a: {  	v1 =	vld @!p0 [tilespmem:s8+$0x630];
	_ =	sdelay $0x1  }
0x21b: {  	v2 =	vld @!p0 [tilespmem:s8+$0xB30];
	_ =	sdelay $0x2  }
0x21c: {  	vm0 =	vgt.s32 @!p0 v0, $0x0;
	vm1 =	vgt.s32 @!p0 v1, $0x0  }
0x21d: {  	v0 =	vnsel @!p0 vm0, $0x0, v0;
	v1 =	vnsel @!p0 vm1, $0x0, v1  }
0x21e: {  	vm0 =	vgt.s32 @!p0 v2, $0x0;
	v0 =	vmin.u32 @!p0 v0, $0x9;
	v1 =	vmin.u32 @!p0 v1, $0x3F  }
0x21f: {  	v2 =	vnsel @!p0 vm0, $0x0, v2;
	v0 =	vshll.u32 @!p0 v0, $0xC;
	v1 =	vshll.u32 @!p0 v1, $0x6  }
0x220: {  	v2 =	vmin.u32 @!p0 v2, $0x3F;
	v0 =	vor.u32 @!p0 v0, v1  }
0x221: {  	v0 =	vor.u32 @!p0 v2, v0  }
0x222: {  	[tilespmem:s7+$0x1010] =	vst @!p0 v0  }
0x223: {  	v0 =	vld @!p0 [tilespmem:s8+$0x140]  }
0x224: {  	v1 =	vld @!p0 [tilespmem:s8+$0x640];
	_ =	sdelay $0x1  }
0x225: {  	v2 =	vld @!p0 [tilespmem:s8+$0xB40];
	_ =	sdelay $0x2  }
0x226: {  	vm0 =	vgt.s32 @!p0 v0, $0x0;
	vm1 =	vgt.s32 @!p0 v1, $0x0  }
0x227: {  	v0 =	vnsel @!p0 vm0, $0x0, v0;
	v1 =	vnsel @!p0 vm1, $0x0, v1  }
0x228: {  	vm0 =	vgt.s32 @!p0 v2, $0x0;
	v0 =	vmin.u32 @!p0 v0, $0x9;
	v1 =	vmin.u32 @!p0 v1, $0x3F  }
0x229: {  	v2 =	vnsel @!p0 vm0, $0x0, v2;
	v0 =	vshll.u32 @!p0 v0, $0xC;
	v1 =	vshll.u32 @!p0 v1, $0x6  }
0x22a: {  	v2 =	vmin.u32 @!p0 v2, $0x3F;
	v0 =	vor.u32 @!p0 v0, v1  }
0x22b: {  	v0 =	vor.u32 @!p0 v2, v0  }
0x22c: {  	[tilespmem:s7+$0x1020] =	vst @!p0 v0  }
0x22d: {  	v0 =	vld @!p0 [tilespmem:s8+$0x150]  }
0x22e: {  	v1 =	vld @!p0 [tilespmem:s8+$0x650];
	_ =	sdelay $0x1  }
0x22f: {  	v2 =	vld @!p0 [tilespmem:s8+$0xB50];
	_ =	sdelay $0x2  }
0x230: {  	vm0 =	vgt.s32 @!p0 v0, $0x0;
	vm1 =	vgt.s32 @!p0 v1, $0x0  }
0x231: {  	v0 =	vnsel @!p0 vm0, $0x0, v0;
	v1 =	vnsel @!p0 vm1, $0x0, v1  }
0x232: {  	vm0 =	vgt.s32 @!p0 v2, $0x0;
	v0 =	vmin.u32 @!p0 v0, $0x9;
	v1 =	vmin.u32 @!p0 v1, $0x3F  }
0x233: {  	v2 =	vnsel @!p0 vm0, $0x0, v2;
	v0 =	vshll.u32 @!p0 v0, $0xC;
	v1 =	vshll.u32 @!p0 v1, $0x6  }
0x234: {  	v2 =	vmin.u32 @!p0 v2, $0x3F;
	v0 =	vor.u32 @!p0 v0, v1  }
0x235: {  	v0 =	vor.u32 @!p0 v2, v0  }
0x236: {  	[tilespmem:s7+$0x1030] =	vst @!p0 v0  }
0x237: {  	v0 =	vld @!p0 [tilespmem:s8+$0x160]  }
0x238: {  	v1 =	vld @!p0 [tilespmem:s8+$0x660];
	_ =	sdelay $0x1  }
0x239: {  	v2 =	vld @!p0 [tilespmem:s8+$0xB60];
	_ =	sdelay $0x2  }
0x23a: {  	vm0 =	vgt.s32 @!p0 v0, $0x0;
	vm1 =	vgt.s32 @!p0 v1, $0x0  }
0x23b: {  	v0 =	vnsel @!p0 vm0, $0x0, v0;
	v1 =	vnsel @!p0 vm1, $0x0, v1  }
0x23c: {  	vm0 =	vgt.s32 @!p0 v2, $0x0;
	v0 =	vmin.u32 @!p0 v0, $0x9;
	v1 =	vmin.u32 @!p0 v1, $0x3F  }
0x23d: {  	v2 =	vnsel @!p0 vm0, $0x0, v2;
	v0 =	vshll.u32 @!p0 v0, $0xC;
	v1 =	vshll.u32 @!p0 v1, $0x6  }
0x23e: {  	v2 =	vmin.u32 @!p0 v2, $0x3F;
	v0 =	vor.u32 @!p0 v0, v1  }
0x23f: {  	v0 =	vor.u32 @!p0 v2, v0  }
0x240: {  	[tilespmem:s7+$0x1040] =	vst @!p0 v0  }
0x241: {  	v0 =	vld @!p0 [tilespmem:s8+$0x170]  }
0x242: {  	v1 =	vld @!p0 [tilespmem:s8+$0x670];
	_ =	sdelay $0x1  }
0x243: {  	v2 =	vld @!p0 [tilespmem:s8+$0xB70];
	_ =	sdelay $0x2  }
0x244: {  	vm0 =	vgt.s32 @!p0 v0, $0x0;
	vm1 =	vgt.s32 @!p0 v1, $0x0  }
0x245: {  	v0 =	vnsel @!p0 vm0, $0x0, v0;
	v1 =	vnsel @!p0 vm1, $0x0, v1  }
0x246: {  	vm0 =	vgt.s32 @!p0 v2, $0x0;
	v0 =	vmin.u32 @!p0 v0, $0x9;
	v1 =	vmin.u32 @!p0 v1, $0x3F  }
0x247: {  	v2 =	vnsel @!p0 vm0, $0x0, v2;
	v0 =	vshll.u32 @!p0 v0, $0xC;
	v1 =	vshll.u32 @!p0 v1, $0x6  }
0x248: {  	v2 =	vmin.u32 @!p0 v2, $0x3F;
	v0 =	vor.u32 @!p0 v0, v1  }
0x249: {  	v0 =	vor.u32 @!p0 v2, v0  }
0x24a: {  	[tilespmem:s7+$0x1080] =	vst @!p0 v0  }
0x24b: {  	v0 =	vld @!p0 [tilespmem:s8+$0x200]  }
0x24c: {  	v1 =	vld @!p0 [tilespmem:s8+$0x700];
	_ =	sdelay $0x1  }
0x24d: {  	v2 =	vld @!p0 [tilespmem:s8+$0xC00];
	_ =	sdelay $0x2  }
0x24e: {  	vm0 =	vgt.s32 @!p0 v0, $0x0;
	vm1 =	vgt.s32 @!p0 v1, $0x0  }
0x24f: {  	v0 =	vnsel @!p0 vm0, $0x0, v0;
	v1 =	vnsel @!p0 vm1, $0x0, v1  }
0x250: {  	vm0 =	vgt.s32 @!p0 v2, $0x0;
	v0 =	vmin.u32 @!p0 v0, $0x9;
	v1 =	vmin.u32 @!p0 v1, $0x3F  }
0x251: {  	v2 =	vnsel @!p0 vm0, $0x0, v2;
	v0 =	vshll.u32 @!p0 v0, $0xC;
	v1 =	vshll.u32 @!p0 v1, $0x6  }
0x252: {  	v2 =	vmin.u32 @!p0 v2, $0x3F;
	v0 =	vor.u32 @!p0 v0, v1  }
0x253: {  	v0 =	vor.u32 @!p0 v2, v0  }
0x254: {  	[tilespmem:s7+$0x1090] =	vst @!p0 v0  }
0x255: {  	v0 =	vld @!p0 [tilespmem:s8+$0x210]  }
0x256: {  	v1 =	vld @!p0 [tilespmem:s8+$0x710];
	_ =	sdelay $0x1  }
0x257: {  	v2 =	vld @!p0 [tilespmem:s8+$0xC10];
	_ =	sdelay $0x2  }
0x258: {  	vm0 =	vgt.s32 @!p0 v0, $0x0;
	vm1 =	vgt.s32 @!p0 v1, $0x0  }
0x259: {  	v0 =	vnsel @!p0 vm0, $0x0, v0;
	v1 =	vnsel @!p0 vm1, $0x0, v1  }
0x25a: {  	vm0 =	vgt.s32 @!p0 v2, $0x0;
	v0 =	vmin.u32 @!p0 v0, $0x9;
	v1 =	vmin.u32 @!p0 v1, $0x3F  }
0x25b: {  	v2 =	vnsel @!p0 vm0, $0x0, v2;
	v0 =	vshll.u32 @!p0 v0, $0xC;
	v1 =	vshll.u32 @!p0 v1, $0x6  }
0x25c: {  	v2 =	vmin.u32 @!p0 v2, $0x3F;
	v0 =	vor.u32 @!p0 v0, v1  }
0x25d: {  	v0 =	vor.u32 @!p0 v2, v0  }
0x25e: {  	[tilespmem:s7+$0x10A0] =	vst @!p0 v0  }
0x25f: {  	v0 =	vld @!p0 [tilespmem:s8+$0x220]  }
0x260: {  	v1 =	vld @!p0 [tilespmem:s8+$0x720];
	_ =	sdelay $0x1  }
0x261: {  	v2 =	vld @!p0 [tilespmem:s8+$0xC20];
	_ =	sdelay $0x2  }
0x262: {  	vm0 =	vgt.s32 @!p0 v0, $0x0;
	vm1 =	vgt.s32 @!p0 v1, $0x0  }
0x263: {  	v0 =	vnsel @!p0 vm0, $0x0, v0;
	v1 =	vnsel @!p0 vm1, $0x0, v1  }
0x264: {  	vm0 =	vgt.s32 @!p0 v2, $0x0;
	v0 =	vmin.u32 @!p0 v0, $0x9;
	v1 =	vmin.u32 @!p0 v1, $0x3F  }
0x265: {  	v2 =	vnsel @!p0 vm0, $0x0, v2;
	v0 =	vshll.u32 @!p0 v0, $0xC;
	v1 =	vshll.u32 @!p0 v1, $0x6  }
0x266: {  	v2 =	vmin.u32 @!p0 v2, $0x3F;
	v0 =	vor.u32 @!p0 v0, v1  }
0x267: {  	v0 =	vor.u32 @!p0 v2, v0  }
0x268: {  	[tilespmem:s7+$0x10B0] =	vst @!p0 v0  }
0x269: {  	v0 =	vld @!p0 [tilespmem:s8+$0x230]  }
0x26a: {  	v1 =	vld @!p0 [tilespmem:s8+$0x730];
	_ =	sdelay $0x1  }
0x26b: {  	v2 =	vld @!p0 [tilespmem:s8+$0xC30];
	_ =	sdelay $0x2  }
0x26c: {  	vm0 =	vgt.s32 @!p0 v0, $0x0;
	vm1 =	vgt.s32 @!p0 v1, $0x0  }
0x26d: {  	v0 =	vnsel @!p0 vm0, $0x0, v0;
	v1 =	vnsel @!p0 vm1, $0x0, v1  }
0x26e: {  	vm0 =	vgt.s32 @!p0 v2, $0x0;
	v0 =	vmin.u32 @!p0 v0, $0x9;
	v1 =	vmin.u32 @!p0 v1, $0x3F  }
0x26f: {  	v2 =	vnsel @!p0 vm0, $0x0, v2;
	v0 =	vshll.u32 @!p0 v0, $0xC;
	v1 =	vshll.u32 @!p0 v1, $0x6  }
0x270: {  	v2 =	vmin.u32 @!p0 v2, $0x3F;
	v0 =	vor.u32 @!p0 v0, v1  }
0x271: {  	v0 =	vor.u32 @!p0 v2, v0  }
0x272: {  	[tilespmem:s7+$0x10C0] =	vst @!p0 v0  }
0x273: {  	v0 =	vld @!p0 [tilespmem:s8+$0x240]  }
0x274: {  	v1 =	vld @!p0 [tilespmem:s8+$0x740];
	_ =	sdelay $0x1  }
0x275: {  	v2 =	vld @!p0 [tilespmem:s8+$0xC40];
	_ =	sdelay $0x2  }
0x276: {  	vm0 =	vgt.s32 @!p0 v0, $0x0;
	vm1 =	vgt.s32 @!p0 v1, $0x0  }
0x277: {  	v0 =	vnsel @!p0 vm0, $0x0, v0;
	v1 =	vnsel @!p0 vm1, $0x0, v1  }
0x278: {  	vm0 =	vgt.s32 @!p0 v2, $0x0;
	v0 =	vmin.u32 @!p0 v0, $0x9;
	v1 =	vmin.u32 @!p0 v1, $0x3F  }
0x279: {  	v2 =	vnsel @!p0 vm0, $0x0, v2;
	v0 =	vshll.u32 @!p0 v0, $0xC;
	v1 =	vshll.u32 @!p0 v1, $0x6  }
0x27a: {  	v2 =	vmin.u32 @!p0 v2, $0x3F;
	v0 =	vor.u32 @!p0 v0, v1  }
0x27b: {  	v0 =	vor.u32 @!p0 v2, v0  }
0x27c: {  	[tilespmem:s7+$0x1100] =	vst @!p0 v0  }
0x27d: {  	v0 =	vld @!p0 [tilespmem:s8+$0x250]  }
0x27e: {  	v1 =	vld @!p0 [tilespmem:s8+$0x750];
	_ =	sdelay $0x1  }
0x27f: {  	v2 =	vld @!p0 [tilespmem:s8+$0xC50];
	_ =	sdelay $0x2  }
0x280: {  	vm0 =	vgt.s32 @!p0 v0, $0x0;
	vm1 =	vgt.s32 @!p0 v1, $0x0  }
0x281: {  	v0 =	vnsel @!p0 vm0, $0x0, v0;
	v1 =	vnsel @!p0 vm1, $0x0, v1  }
0x282: {  	vm0 =	vgt.s32 @!p0 v2, $0x0;
	v0 =	vmin.u32 @!p0 v0, $0x9;
	v1 =	vmin.u32 @!p0 v1, $0x3F  }
0x283: {  	v2 =	vnsel @!p0 vm0, $0x0, v2;
	v0 =	vshll.u32 @!p0 v0, $0xC;
	v1 =	vshll.u32 @!p0 v1, $0x6  }
0x284: {  	v2 =	vmin.u32 @!p0 v2, $0x3F;
	v0 =	vor.u32 @!p0 v0, v1  }
0x285: {  	v0 =	vor.u32 @!p0 v2, v0  }
0x286: {  	[tilespmem:s7+$0x1110] =	vst @!p0 v0  }
0x287: {  	v0 =	vld @!p0 [tilespmem:s8+$0x260]  }
0x288: {  	v1 =	vld @!p0 [tilespmem:s8+$0x760];
	_ =	sdelay $0x1  }
0x289: {  	v2 =	vld @!p0 [tilespmem:s8+$0xC60];
	_ =	sdelay $0x2  }
0x28a: {  	vm0 =	vgt.s32 @!p0 v0, $0x0;
	vm1 =	vgt.s32 @!p0 v1, $0x0  }
0x28b: {  	v0 =	vnsel @!p0 vm0, $0x0, v0;
	v1 =	vnsel @!p0 vm1, $0x0, v1  }
0x28c: {  	vm0 =	vgt.s32 @!p0 v2, $0x0;
	v0 =	vmin.u32 @!p0 v0, $0x9;
	v1 =	vmin.u32 @!p0 v1, $0x3F  }
0x28d: {  	v2 =	vnsel @!p0 vm0, $0x0, v2;
	v0 =	vshll.u32 @!p0 v0, $0xC;
	v1 =	vshll.u32 @!p0 v1, $0x6  }
0x28e: {  	v2 =	vmin.u32 @!p0 v2, $0x3F;
	v0 =	vor.u32 @!p0 v0, v1  }
0x28f: {  	v0 =	vor.u32 @!p0 v2, v0  }
0x290: {  	[tilespmem:s7+$0x1120] =	vst @!p0 v0  }
0x291: {  	v0 =	vld @!p0 [tilespmem:s8+$0x270]  }
0x292: {  	v1 =	vld @!p0 [tilespmem:s8+$0x770];
	_ =	sdelay $0x1  }
0x293: {  	v2 =	vld @!p0 [tilespmem:s8+$0xC70];
	_ =	sdelay $0x2  }
0x294: {  	vm0 =	vgt.s32 @!p0 v0, $0x0;
	vm1 =	vgt.s32 @!p0 v1, $0x0  }
0x295: {  	v0 =	vnsel @!p0 vm0, $0x0, v0;
	v1 =	vnsel @!p0 vm1, $0x0, v1  }
0x296: {  	vm0 =	vgt.s32 @!p0 v2, $0x0;
	v0 =	vmin.u32 @!p0 v0, $0x9;
	v1 =	vmin.u32 @!p0 v1, $0x3F  }
0x297: {  	v2 =	vnsel @!p0 vm0, $0x0, v2;
	v0 =	vshll.u32 @!p0 v0, $0xC;
	v1 =	vshll.u32 @!p0 v1, $0x6  }
0x298: {  	v2 =	vmin.u32 @!p0 v2, $0x3F;
	v0 =	vor.u32 @!p0 v0, v1  }
0x299: {  	v0 =	vor.u32 @!p0 v2, v0  }
0x29a: {  	[tilespmem:s7+$0x1130] =	vst @!p0 v0  }
0x29b: {  	v0 =	vld @!p0 [tilespmem:s8+$0x300]  }
0x29c: {  	v1 =	vld @!p0 [tilespmem:s8+$0x800];
	_ =	sdelay $0x1  }
0x29d: {  	v2 =	vld @!p0 [tilespmem:s8+$0xD00];
	_ =	sdelay $0x2  }
0x29e: {  	vm0 =	vgt.s32 @!p0 v0, $0x0;
	vm1 =	vgt.s32 @!p0 v1, $0x0  }
0x29f: {  	v0 =	vnsel @!p0 vm0, $0x0, v0;
	v1 =	vnsel @!p0 vm1, $0x0, v1  }
0x2a0: {  	vm0 =	vgt.s32 @!p0 v2, $0x0;
	v0 =	vmin.u32 @!p0 v0, $0x9;
	v1 =	vmin.u32 @!p0 v1, $0x3F  }
0x2a1: {  	v2 =	vnsel @!p0 vm0, $0x0, v2;
	v0 =	vshll.u32 @!p0 v0, $0xC;
	v1 =	vshll.u32 @!p0 v1, $0x6  }
0x2a2: {  	v2 =	vmin.u32 @!p0 v2, $0x3F;
	v0 =	vor.u32 @!p0 v0, v1  }
0x2a3: {  	v0 =	vor.u32 @!p0 v2, v0  }
0x2a4: {  	[tilespmem:s7+$0x1140] =	vst @!p0 v0  }
0x2a5: {  	v0 =	vld @!p0 [tilespmem:s8+$0x310]  }
0x2a6: {  	v1 =	vld @!p0 [tilespmem:s8+$0x810];
	_ =	sdelay $0x1  }
0x2a7: {  	v2 =	vld @!p0 [tilespmem:s8+$0xD10];
	_ =	sdelay $0x2  }
0x2a8: {  	vm0 =	vgt.s32 @!p0 v0, $0x0;
	vm1 =	vgt.s32 @!p0 v1, $0x0  }
0x2a9: {  	v0 =	vnsel @!p0 vm0, $0x0, v0;
	v1 =	vnsel @!p0 vm1, $0x0, v1  }
0x2aa: {  	vm0 =	vgt.s32 @!p0 v2, $0x0;
	v0 =	vmin.u32 @!p0 v0, $0x9;
	v1 =	vmin.u32 @!p0 v1, $0x3F  }
0x2ab: {  	v2 =	vnsel @!p0 vm0, $0x0, v2;
	v0 =	vshll.u32 @!p0 v0, $0xC;
	v1 =	vshll.u32 @!p0 v1, $0x6  }
0x2ac: {  	v2 =	vmin.u32 @!p0 v2, $0x3F;
	v0 =	vor.u32 @!p0 v0, v1  }
0x2ad: {  	v0 =	vor.u32 @!p0 v2, v0  }
0x2ae: {  	[tilespmem:s7+$0x1180] =	vst @!p0 v0  }
0x2af: {  	v0 =	vld @!p0 [tilespmem:s8+$0x320]  }
0x2b0: {  	v1 =	vld @!p0 [tilespmem:s8+$0x820];
	_ =	sdelay $0x1  }
0x2b1: {  	v2 =	vld @!p0 [tilespmem:s8+$0xD20];
	_ =	sdelay $0x2  }
0x2b2: {  	vm0 =	vgt.s32 @!p0 v0, $0x0;
	vm1 =	vgt.s32 @!p0 v1, $0x0  }
0x2b3: {  	v0 =	vnsel @!p0 vm0, $0x0, v0;
	v1 =	vnsel @!p0 vm1, $0x0, v1  }
0x2b4: {  	vm0 =	vgt.s32 @!p0 v2, $0x0;
	v0 =	vmin.u32 @!p0 v0, $0x9;
	v1 =	vmin.u32 @!p0 v1, $0x3F  }
0x2b5: {  	v2 =	vnsel @!p0 vm0, $0x0, v2;
	v0 =	vshll.u32 @!p0 v0, $0xC;
	v1 =	vshll.u32 @!p0 v1, $0x6  }
0x2b6: {  	v2 =	vmin.u32 @!p0 v2, $0x3F;
	v0 =	vor.u32 @!p0 v0, v1  }
0x2b7: {  	v0 =	vor.u32 @!p0 v2, v0  }
0x2b8: {  	[tilespmem:s7+$0x1190] =	vst @!p0 v0  }
0x2b9: {  	v0 =	vld @!p0 [tilespmem:s8+$0x330]  }
0x2ba: {  	v1 =	vld @!p0 [tilespmem:s8+$0x830];
	_ =	sdelay $0x1  }
0x2bb: {  	v2 =	vld @!p0 [tilespmem:s8+$0xD30];
	_ =	sdelay $0x2  }
0x2bc: {  	vm0 =	vgt.s32 @!p0 v0, $0x0;
	vm1 =	vgt.s32 @!p0 v1, $0x0  }
0x2bd: {  	v0 =	vnsel @!p0 vm0, $0x0, v0;
	v1 =	vnsel @!p0 vm1, $0x0, v1  }
0x2be: {  	vm0 =	vgt.s32 @!p0 v2, $0x0;
	v0 =	vmin.u32 @!p0 v0, $0x9;
	v1 =	vmin.u32 @!p0 v1, $0x3F  }
0x2bf: {  	v2 =	vnsel @!p0 vm0, $0x0, v2;
	v0 =	vshll.u32 @!p0 v0, $0xC;
	v1 =	vshll.u32 @!p0 v1, $0x6  }
0x2c0: {  	v2 =	vmin.u32 @!p0 v2, $0x3F;
	v0 =	vor.u32 @!p0 v0, v1  }
0x2c1: {  	v0 =	vor.u32 @!p0 v2, v0  }
0x2c2: {  	[tilespmem:s7+$0x11A0] =	vst @!p0 v0  }
0x2c3: {  	v0 =	vld @!p0 [tilespmem:s8+$0x340]  }
0x2c4: {  	v1 =	vld @!p0 [tilespmem:s8+$0x840];
	_ =	sdelay $0x1  }
0x2c5: {  	v2 =	vld @!p0 [tilespmem:s8+$0xD40];
	_ =	sdelay $0x2  }
0x2c6: {  	vm0 =	vgt.s32 @!p0 v0, $0x0;
	vm1 =	vgt.s32 @!p0 v1, $0x0  }
0x2c7: {  	v0 =	vnsel @!p0 vm0, $0x0, v0;
	v1 =	vnsel @!p0 vm1, $0x0, v1  }
0x2c8: {  	vm0 =	vgt.s32 @!p0 v2, $0x0;
	v0 =	vmin.u32 @!p0 v0, $0x9;
	v1 =	vmin.u32 @!p0 v1, $0x3F  }
0x2c9: {  	v2 =	vnsel @!p0 vm0, $0x0, v2;
	v0 =	vshll.u32 @!p0 v0, $0xC;
	v1 =	vshll.u32 @!p0 v1, $0x6  }
0x2ca: {  	v2 =	vmin.u32 @!p0 v2, $0x3F;
	v0 =	vor.u32 @!p0 v0, v1  }
0x2cb: {  	v0 =	vor.u32 @!p0 v2, v0  }
0x2cc: {  	[tilespmem:s7+$0x11B0] =	vst @!p0 v0  }
0x2cd: {  	v0 =	vld @!p0 [tilespmem:s8+$0x350]  }
0x2ce: {  	v1 =	vld @!p0 [tilespmem:s8+$0x850];
	_ =	sdelay $0x1  }
0x2cf: {  	v2 =	vld @!p0 [tilespmem:s8+$0xD50];
	_ =	sdelay $0x2  }
0x2d0: {  	vm0 =	vgt.s32 @!p0 v0, $0x0;
	vm1 =	vgt.s32 @!p0 v1, $0x0  }
0x2d1: {  	v0 =	vnsel @!p0 vm0, $0x0, v0;
	v1 =	vnsel @!p0 vm1, $0x0, v1  }
0x2d2: {  	vm0 =	vgt.s32 @!p0 v2, $0x0;
	v0 =	vmin.u32 @!p0 v0, $0x9;
	v1 =	vmin.u32 @!p0 v1, $0x3F  }
0x2d3: {  	v2 =	vnsel @!p0 vm0, $0x0, v2;
	v0 =	vshll.u32 @!p0 v0, $0xC;
	v1 =	vshll.u32 @!p0 v1, $0x6  }
0x2d4: {  	v2 =	vmin.u32 @!p0 v2, $0x3F;
	v0 =	vor.u32 @!p0 v0, v1  }
0x2d5: {  	v0 =	vor.u32 @!p0 v2, v0  }
0x2d6: {  	[tilespmem:s7+$0x11C0] =	vst @!p0 v0  }
0x2d7: {  	v0 =	vld @!p0 [tilespmem:s8+$0x360]  }
0x2d8: {  	v1 =	vld @!p0 [tilespmem:s8+$0x860];
	_ =	sdelay $0x1  }
0x2d9: {  	v2 =	vld @!p0 [tilespmem:s8+$0xD60];
	_ =	sdelay $0x2  }
0x2da: {  	vm0 =	vgt.s32 @!p0 v0, $0x0;
	vm1 =	vgt.s32 @!p0 v1, $0x0  }
0x2db: {  	v0 =	vnsel @!p0 vm0, $0x0, v0;
	v1 =	vnsel @!p0 vm1, $0x0, v1  }
0x2dc: {  	vm0 =	vgt.s32 @!p0 v2, $0x0;
	v0 =	vmin.u32 @!p0 v0, $0x9;
	v1 =	vmin.u32 @!p0 v1, $0x3F  }
0x2dd: {  	v2 =	vnsel @!p0 vm0, $0x0, v2;
	v0 =	vshll.u32 @!p0 v0, $0xC;
	v1 =	vshll.u32 @!p0 v1, $0x6  }
0x2de: {  	v2 =	vmin.u32 @!p0 v2, $0x3F;
	v0 =	vor.u32 @!p0 v0, v1  }
0x2df: {  	v0 =	vor.u32 @!p0 v2, v0  }
0x2e0: {  	[tilespmem:s7+$0x1200] =	vst @!p0 v0  }
0x2e1: {  	v0 =	vld @!p0 [tilespmem:s8+$0x370]  }
0x2e2: {  	v1 =	vld @!p0 [tilespmem:s8+$0x870];
	_ =	sdelay $0x1  }
0x2e3: {  	v2 =	vld @!p0 [tilespmem:s8+$0xD70];
	_ =	sdelay $0x2  }
0x2e4: {  	vm0 =	vgt.s32 @!p0 v0, $0x0;
	vm1 =	vgt.s32 @!p0 v1, $0x0  }
0x2e5: {  	v0 =	vnsel @!p0 vm0, $0x0, v0;
	v1 =	vnsel @!p0 vm1, $0x0, v1  }
0x2e6: {  	vm0 =	vgt.s32 @!p0 v2, $0x0;
	v0 =	vmin.u32 @!p0 v0, $0x9;
	v1 =	vmin.u32 @!p0 v1, $0x3F  }
0x2e7: {  	v2 =	vnsel @!p0 vm0, $0x0, v2;
	v0 =	vshll.u32 @!p0 v0, $0xC;
	v1 =	vshll.u32 @!p0 v1, $0x6  }
0x2e8: {  	v2 =	vmin.u32 @!p0 v2, $0x3F;
	v0 =	vor.u32 @!p0 v0, v1  }
0x2e9: {  	v0 =	vor.u32 @!p0 v2, v0  }
0x2ea: {  	[tilespmem:s7+$0x1210] =	vst @!p0 v0  }
0x2eb: {  	v0 =	vld @!p0 [tilespmem:s8+$0x400]  }
0x2ec: {  	v1 =	vld @!p0 [tilespmem:s8+$0x900];
	_ =	sdelay $0x1  }
0x2ed: {  	v2 =	vld @!p0 [tilespmem:s8+$0xE00];
	_ =	sdelay $0x2  }
0x2ee: {  	vm0 =	vgt.s32 @!p0 v0, $0x0;
	vm1 =	vgt.s32 @!p0 v1, $0x0  }
0x2ef: {  	v0 =	vnsel @!p0 vm0, $0x0, v0;
	v1 =	vnsel @!p0 vm1, $0x0, v1  }
0x2f0: {  	vm0 =	vgt.s32 @!p0 v2, $0x0;
	v0 =	vmin.u32 @!p0 v0, $0x9;
	v1 =	vmin.u32 @!p0 v1, $0x3F  }
0x2f1: {  	v2 =	vnsel @!p0 vm0, $0x0, v2;
	v0 =	vshll.u32 @!p0 v0, $0xC;
	v1 =	vshll.u32 @!p0 v1, $0x6  }
0x2f2: {  	v2 =	vmin.u32 @!p0 v2, $0x3F;
	v0 =	vor.u32 @!p0 v0, v1  }
0x2f3: {  	v0 =	vor.u32 @!p0 v2, v0  }
0x2f4: {  	[tilespmem:s7+$0x1220] =	vst @!p0 v0  }
0x2f5: {  	v0 =	vld @!p0 [tilespmem:s8+$0x410]  }
0x2f6: {  	v1 =	vld @!p0 [tilespmem:s8+$0x910];
	_ =	sdelay $0x1  }
0x2f7: {  	v2 =	vld @!p0 [tilespmem:s8+$0xE10];
	_ =	sdelay $0x2  }
0x2f8: {  	vm0 =	vgt.s32 @!p0 v0, $0x0;
	vm1 =	vgt.s32 @!p0 v1, $0x0  }
0x2f9: {  	v0 =	vnsel @!p0 vm0, $0x0, v0;
	v1 =	vnsel @!p0 vm1, $0x0, v1  }
0x2fa: {  	vm0 =	vgt.s32 @!p0 v2, $0x0;
	v0 =	vmin.u32 @!p0 v0, $0x9;
	v1 =	vmin.u32 @!p0 v1, $0x3F  }
0x2fb: {  	v2 =	vnsel @!p0 vm0, $0x0, v2;
	v0 =	vshll.u32 @!p0 v0, $0xC;
	v1 =	vshll.u32 @!p0 v1, $0x6  }
0x2fc: {  	v2 =	vmin.u32 @!p0 v2, $0x3F;
	v0 =	vor.u32 @!p0 v0, v1  }
0x2fd: {  	v0 =	vor.u32 @!p0 v2, v0  }
0x2fe: {  	[tilespmem:s7+$0x1230] =	vst @!p0 v0  }
0x2ff: {  	v0 =	vld @!p0 [tilespmem:s8+$0x420]  }
0x300: {  	v1 =	vld @!p0 [tilespmem:s8+$0x920];
	_ =	sdelay $0x1  }
0x301: {  	v2 =	vld @!p0 [tilespmem:s8+$0xE20];
	_ =	sdelay $0x2  }
0x302: {  	vm0 =	vgt.s32 @!p0 v0, $0x0;
	vm1 =	vgt.s32 @!p0 v1, $0x0  }
0x303: {  	v0 =	vnsel @!p0 vm0, $0x0, v0;
	v1 =	vnsel @!p0 vm1, $0x0, v1  }
0x304: {  	vm0 =	vgt.s32 @!p0 v2, $0x0;
	v0 =	vmin.u32 @!p0 v0, $0x9;
	v1 =	vmin.u32 @!p0 v1, $0x3F  }
0x305: {  	v2 =	vnsel @!p0 vm0, $0x0, v2;
	v0 =	vshll.u32 @!p0 v0, $0xC;
	v1 =	vshll.u32 @!p0 v1, $0x6  }
0x306: {  	v2 =	vmin.u32 @!p0 v2, $0x3F;
	v0 =	vor.u32 @!p0 v0, v1  }
0x307: {  	v0 =	vor.u32 @!p0 v2, v0  }
0x308: {  	[tilespmem:s7+$0x1240] =	vst @!p0 v0  }
0x309: {  	v0 =	vld @!p0 [tilespmem:s8+$0x430]  }
0x30a: {  	v1 =	vld @!p0 [tilespmem:s8+$0x930];
	_ =	sdelay $0x1  }
0x30b: {  	v2 =	vld @!p0 [tilespmem:s8+$0xE30];
	_ =	sdelay $0x2  }
0x30c: {  	vm0 =	vgt.s32 @!p0 v0, $0x0;
	vm1 =	vgt.s32 @!p0 v1, $0x0  }
0x30d: {  	v0 =	vnsel @!p0 vm0, $0x0, v0;
	v1 =	vnsel @!p0 vm1, $0x0, v1  }
0x30e: {  	vm0 =	vgt.s32 @!p0 v2, $0x0;
	v0 =	vmin.u32 @!p0 v0, $0x9;
	v1 =	vmin.u32 @!p0 v1, $0x3F  }
0x30f: {  	v2 =	vnsel @!p0 vm0, $0x0, v2;
	v0 =	vshll.u32 @!p0 v0, $0xC;
	v1 =	vshll.u32 @!p0 v1, $0x6  }
0x310: {  	v2 =	vmin.u32 @!p0 v2, $0x3F;
	v0 =	vor.u32 @!p0 v0, v1  }
0x311: {  	v0 =	vor.u32 @!p0 v2, v0  }
0x312: {  	[tilespmem:s7+$0x1280] =	vst @!p0 v0  }
0x313: {  	v0 =	vld @!p0 [tilespmem:s8+$0x440]  }
0x314: {  	v1 =	vld @!p0 [tilespmem:s8+$0x940];
	_ =	sdelay $0x1  }
0x315: {  	v2 =	vld @!p0 [tilespmem:s8+$0xE40];
	_ =	sdelay $0x2  }
0x316: {  	vm0 =	vgt.s32 @!p0 v0, $0x0;
	vm1 =	vgt.s32 @!p0 v1, $0x0  }
0x317: {  	v0 =	vnsel @!p0 vm0, $0x0, v0;
	v1 =	vnsel @!p0 vm1, $0x0, v1  }
0x318: {  	vm0 =	vgt.s32 @!p0 v2, $0x0;
	v0 =	vmin.u32 @!p0 v0, $0x9;
	v1 =	vmin.u32 @!p0 v1, $0x3F  }
0x319: {  	v2 =	vnsel @!p0 vm0, $0x0, v2;
	v0 =	vshll.u32 @!p0 v0, $0xC;
	v1 =	vshll.u32 @!p0 v1, $0x6  }
0x31a: {  	v2 =	vmin.u32 @!p0 v2, $0x3F;
	v0 =	vor.u32 @!p0 v0, v1  }
0x31b: {  	v0 =	vor.u32 @!p0 v2, v0  }
0x31c: {  	[tilespmem:s7+$0x1290] =	vst @!p0 v0  }
0x31d: {  	v0 =	vld @!p0 [tilespmem:s8+$0x450]  }
0x31e: {  	v1 =	vld @!p0 [tilespmem:s8+$0x950];
	_ =	sdelay $0x1  }
0x31f: {  	v2 =	vld @!p0 [tilespmem:s8+$0xE50];
	_ =	sdelay $0x2  }
0x320: {  	vm0 =	vgt.s32 @!p0 v0, $0x0;
	vm1 =	vgt.s32 @!p0 v1, $0x0  }
0x321: {  	v0 =	vnsel @!p0 vm0, $0x0, v0;
	v1 =	vnsel @!p0 vm1, $0x0, v1  }
0x322: {  	vm0 =	vgt.s32 @!p0 v2, $0x0;
	v0 =	vmin.u32 @!p0 v0, $0x9;
	v1 =	vmin.u32 @!p0 v1, $0x3F  }
0x323: {  	v2 =	vnsel @!p0 vm0, $0x0, v2;
	v0 =	vshll.u32 @!p0 v0, $0xC;
	v1 =	vshll.u32 @!p0 v1, $0x6  }
0x324: {  	v2 =	vmin.u32 @!p0 v2, $0x3F;
	v0 =	vor.u32 @!p0 v0, v1  }
0x325: {  	v0 =	vor.u32 @!p0 v2, v0  }
0x326: {  	[tilespmem:s7+$0x12A0] =	vst @!p0 v0  }
0x327: {  	v0 =	vld @!p0 [tilespmem:s8+$0x460]  }
0x328: {  	v1 =	vld @!p0 [tilespmem:s8+$0x960];
	_ =	sdelay $0x1  }
0x329: {  	v2 =	vld @!p0 [tilespmem:s8+$0xE60];
	_ =	sdelay $0x2  }
0x32a: {  	vm0 =	vgt.s32 @!p0 v0, $0x0;
	vm1 =	vgt.s32 @!p0 v1, $0x0  }
0x32b: {  	v0 =	vnsel @!p0 vm0, $0x0, v0;
	v1 =	vnsel @!p0 vm1, $0x0, v1  }
0x32c: {  	vm0 =	vgt.s32 @!p0 v2, $0x0;
	v0 =	vmin.u32 @!p0 v0, $0x9;
	v1 =	vmin.u32 @!p0 v1, $0x3F  }
0x32d: {  	v2 =	vnsel @!p0 vm0, $0x0, v2;
	v0 =	vshll.u32 @!p0 v0, $0xC;
	v1 =	vshll.u32 @!p0 v1, $0x6  }
0x32e: {  	v2 =	vmin.u32 @!p0 v2, $0x3F;
	v0 =	vor.u32 @!p0 v0, v1  }
0x32f: {  	v0 =	vor.u32 @!p0 v2, v0  }
0x330: {  	[tilespmem:s7+$0x12B0] =	vst @!p0 v0  }
0x331: {  	v0 =	vld @!p0 [tilespmem:s8+$0x470]  }
0x332: {  	v1 =	vld @!p0 [tilespmem:s8+$0x970];
	_ =	sdelay $0x1  }
0x333: {  	v2 =	vld @!p0 [tilespmem:s8+$0xE70];
	_ =	sdelay $0x2  }
0x334: {  	vm0 =	vgt.s32 @!p0 v0, $0x0;
	vm1 =	vgt.s32 @!p0 v1, $0x0  }
0x335: {  	v0 =	vnsel @!p0 vm0, $0x0, v0;
	v1 =	vnsel @!p0 vm1, $0x0, v1  }
0x336: {  	vm0 =	vgt.s32 @!p0 v2, $0x0;
	v0 =	vmin.u32 @!p0 v0, $0x9;
	v1 =	vmin.u32 @!p0 v1, $0x3F  }
0x337: {  	v2 =	vnsel @!p0 vm0, $0x0, v2;
	v0 =	vshll.u32 @!p0 v0, $0xC;
	v1 =	vshll.u32 @!p0 v1, $0x6  }
0x338: {  	p1 =	sgt.u32 @!p0 s30, $0x25;
	v2 =	vmin.u32 @!p0 v2, $0x3F;
	v0 =	vor.u32 @!p0 v0, v1  }
0x339: {  	p1 =	por p0, p1;
	v0 =	vor.u32 @!p0 v2, v0  }
0x33a: {  	s9 =	simm.s32 @!p1 $0x0;
	s8 =	sand.u32 @!p1 $0x80, s24;
	[tilespmem:s7+$0x12C0] =	vst @!p0 v0  }
0x33b: {  	[tilespmem:s8], [sflag:$0x11] =	stream.linear.gather @!p1 [hbm4b:s6+s9], $0x80, $0x38;
	[tilespmem:$0x15700] =	vst v63  }
0x33c: {  	s4 =	sadd.s32 @!p1 $0x10, s6;
	s13 =	sor.u32 @!p1 $0x100, s8  }
0x33d: {  	[tilespmem:s13], [sflag:$0x11] =	stream.linear.gather @!p1 [hbm4b:s4+s9], $0x80, $0x38;
	[tilespmem:$0x15700] =	vst v63  }
0x33e: {  	s4 =	sadd.s32 @!p1 $0x20, s6;
	s13 =	sor.u32 @!p1 $0x200, s8  }
0x33f: {  	[tilespmem:s13], [sflag:$0x11] =	stream.linear.gather @!p1 [hbm4b:s4+s9], $0x80, $0x38;
	[tilespmem:$0x15700] =	vst v63  }
0x340: {  	s4 =	sadd.s32 @!p1 $0x30, s6;
	s13 =	sor.u32 @!p1 $0x300, s8  }
0x341: {  	[tilespmem:s13], [sflag:$0x11] =	stream.linear.gather @!p1 [hbm4b:s4+s9], $0x80, $0x38;
	[tilespmem:$0x15700] =	vst v63  }
0x342: {  	s4 =	sadd.s32 @!p1 $0x40, s6;
	s13 =	sor.u32 @!p1 $0x400, s8  }
0x343: {  	[tilespmem:s13], [sflag:$0x11] =	stream.linear.gather @!p1 [hbm4b:s4+s9], $0x80, $0x38;
	[tilespmem:$0x15700] =	vst v63  }
0x344: {  	s4 =	sor.u32 @!p1 $0x500, s8  }
0x345: {  	[tilespmem:s4], [sflag:$0x11] =	stream.linear.gather @!p1 [hbm4b:s26+s9], $0x80, $0x38;
	[tilespmem:$0x15700] =	vst v63  }
0x346: {  	s13 =	sor.u32 @!p1 $0x600, s8;
	s4 =	sadd.s32 @!p1 $0x10, s26  }
0x347: {  	[tilespmem:s13], [sflag:$0x11] =	stream.linear.gather @!p1 [hbm4b:s4+s9], $0x80, $0x38;
	[tilespmem:$0x15700] =	vst v63  }
0x348: {  	s4 =	sadd.s32 @!p1 $0x20, s26;
	s13 =	sor.u32 @!p1 $0x700, s8  }
0x349: {  	[tilespmem:s13], [sflag:$0x11] =	stream.linear.gather @!p1 [hbm4b:s4+s9], $0x80, $0x38;
	[tilespmem:$0x15700] =	vst v63  }
0x34a: {  	s4 =	sadd.s32 @!p1 $0x30, s26;
	s13 =	sor.u32 @!p1 $0x800, s8  }
0x34b: {  	[tilespmem:s13], [sflag:$0x11] =	stream.linear.gather @!p1 [hbm4b:s4+s9], $0x80, $0x38;
	[tilespmem:$0x15700] =	vst v63  }
0x34c: {  	s4 =	sadd.s32 @!p1 $0x40, s26;
	s13 =	sor.u32 @!p1 $0x900, s8  }
0x34d: {  	[tilespmem:s13], [sflag:$0x11] =	stream.linear.gather @!p1 [hbm4b:s4+s9], $0x80, $0x38;
	[tilespmem:$0x15700] =	vst v63  }
0x34e: {  	s4 =	sor.u32 @!p1 $0xA00, s8  }
0x34f: {  	[tilespmem:s4], [sflag:$0x11] =	stream.linear.gather @!p1 [hbm4b:s22+s9], $0x80, $0x38;
	[tilespmem:$0x15700] =	vst v63  }
0x350: {  	p2 =	seq.s32 @!p1 s23, $0x0;
	s13 =	sor.u32 @!p1 $0xB00, s8;
	s4 =	sadd.s32 @!p1 $0x10, s22  }
0x351: {  	[tilespmem:s13], [sflag:$0x11] =	stream.linear.gather @!p1 [hbm4b:s4+s9], $0x80, $0x38;
	[tilespmem:$0x15700] =	vst v63  }
0x352: {  	p2 =	por p1, !p2;
	s4 =	sadd.s32 @!p1 $0x20, s22;
	s13 =	sor.u32 @!p1 $0xC00, s8  }
0x353: {  	[tilespmem:s13], [sflag:$0x11] =	stream.linear.gather @!p1 [hbm4b:s4+s9], $0x80, $0x38;
	[tilespmem:$0x15700] =	vst v63  }
.Ltmp4:
0x354: {  	_ = 	snop;
	(pc) =	sbr.rel @p2 .LBB2_4-.Ltmp4, $4  }
0x355: {  	s4 =	sadd.s32 @!p1 $0x30, s22;
	s13 =	sor.u32 @!p1 $0xD00, s8  }
0x356: {  	[tilespmem:s13], [sflag:$0x11] =	stream.linear.gather @!p1 [hbm4b:s4+s9], $0x80, $0x38;
	[tilespmem:$0x15700] =	vst v63  }
0x357: {  	s8 =	sor.u32 @!p1 $0xE00, s8;
	s4 =	sadd.s32 @!p1 $0x40, s22  }
0x358: {  	[tilespmem:s8], [sflag:$0x11] =	stream.linear.gather @!p1 [hbm4b:s4+s9], $0x80, $0x38;
	[tilespmem:$0x15700] =	vst v63  }
.Ltmp5:
0x359: {  	(pc) =	sbr.rel .LBB2_5-.Ltmp5, $2  }
0x35a: {  	_ =	sdelay $0x2  }
0x35b: {  	p1 =	por @!p1 $0x1, $0x1  }
.LBB2_7:
0x35c: {  	_ =	sfence.sel $0x180000  }
0x35d: {  	[bflag:$0x0] =	sbarrier.arrive $0xFFFF  }
0x35e: {  	_ =	strace $0x90000047  }
0x35f: {  	s0 =	stileid.u32;
	[bflag:$0x2] =	sbarrier.arrive $0xFFFF  }
0x360: {  	p0 =	sne.s32 s0, $0x0;
	s0 =	rddreg [dreg:$0x2]  }
0x361: {  	s0 =	sadd.s32 @!p0 $0x100000, s0  }
0x362: {  	[sflag:s0] =	ssyncadd.tile.s32 @!p0 $0x1;
	_ =	shalt  }
.Lfunc_end2:
_tile_overlayer_lowered:
.L_overlay_start_2:
0x363: {  	(tag) =	ssettag $0x2  }
0x364: {  	s0 =	rddreg [dreg:$0x0];
	s2 =	stileid.u32  }
0x365: {  	s1 =	rddreg [dreg:$0x1];
	p0 =	sne.s32 s2, $0x0  }
0x366: {  	s3 =	rddreg [dreg:$0x2];
	[bflag:$0x3] =	sbarrier.arrive $0xFFFF;
	s2 =	simm.s32 @!p0 $0x1C12  }
0x367: {  	[timem:s3], [sflag:s2] =	dma.local @!p0 [hbm:s0], s1  }
0x368: {  	s0 =	simm.s32 @!p0 $0x12  }
0x369: {  	_ =	swait.ge @!p0 [sflag:s0], s1  }
0x36a: {  	s1 =	ssub.s32 @!p0 $0x0, s1;
	[sflag:s0] =	ssyncset.done @!p0 $0x0  }
0x36b: {  	[sflag:s0] =	ssyncadd.s32 @!p0 s1  }
0x36c: {  	[bflag:$0x3] =	sbarrier.arrive $0xFFFF  }
0x36d: {  	_ =	shalt  }

</sc_bundles>
